<compile_context>
chip_gen: v7x
topology: tpu7x:2x2x1
jax: 0.10.2.dev20260603
libtpu: 0.0.44.dev20260713+nightly
codegen_flags: <defaults>
</compile_context>

<pallas_src>
import functools

import numpy as np
import jax
import jax.numpy as jnp
from jax import lax
from jax.experimental import pallas as pl
from jax.experimental.pallas import tpu as pltpu
from jax.experimental.pallas import tpu_sc as plsc

_B = 64
_H, _W = 190, 300
_N = _H * _W
_HP, _WP = _H + 2, _W + 4
_FLAT = _HP * _WP
_NPIX_I = _H * _WP
_L = 32
_LP = _L + 1
_ACC_ROW = 1104
_ACC_FLAT = 4 * _ACC_ROW
_BINS = np.linspace(-3.0, 3.0, 31).astype(np.float32)
_DELTAS = (_WP, _WP + 1, 1, _WP - 1)


def _digitize_tree(xv):
    b = _BINS.tolist()
    step = jnp.float32(np.float32(0.2))
    zf = jnp.float32(0.0)

    c = xv >= b[15]
    bf = jnp.where(c, jnp.float32(16.0), zf)
    for sub, inc in ((8.0, 8.0), (12.0, 4.0), (14.0, 2.0)):
        t = (bf - jnp.float32(sub)) * step
        c = xv >= t
        bf = bf + jnp.where(c, jnp.float32(inc), zf)
    t = (bf - jnp.float32(15.0)) * step
    for kfix in (2, 6, 24, 28):
        t = jnp.where(bf == jnp.float32(kfix), jnp.float32(b[kfix]), t)
    c = xv >= t
    bf = bf + jnp.where(c, jnp.float32(1.0), zf)
    return bf.astype(jnp.int32)


_CHUNK = 38


def _stage1_digitize(x_ref, q_ref, s_ref):
    ssum = jnp.float32(0.0)
    ssq = jnp.float32(0.0)
    smax = jnp.float32(-jnp.inf)
    smin = jnp.float32(jnp.inf)
    for c in range(_H // _CHUNK):
        xv = x_ref[0, c * _CHUNK:(c + 1) * _CHUNK, :]
        q = _digitize_tree(xv)
        q_ref[0, c * _CHUNK:(c + 1) * _CHUNK, :] = jnp.concatenate(
            [q, jnp.full((_CHUNK, _WP - _W), _L, jnp.int32)], axis=1)
        ssum = ssum + jnp.sum(xv)
        ssq = ssq + jnp.sum(xv * xv)
        smax = jnp.maximum(smax, jnp.max(xv))
        smin = jnp.minimum(smin, jnp.min(xv))
    q_ref[0, _H:_HP, :] = jnp.full((2, _WP), _L, jnp.int32)
    n = jnp.float32(_N)
    m = ssum / n
    sd = jnp.sqrt(jnp.maximum(ssq / n - m * m, 0.0))
    mx = (smax - m) / sd
    mn = (m - smin) / sd
    z = jnp.float32(0.0)
    s_ref[...] = jnp.stack([m, sd, mx, mn, z, z, z, z]).reshape(1, 1, 8)


@functools.cache
def _make_stage2(nb):
    mesh = plsc.VectorSubcoreMesh(
        core_axis_name="c", subcore_axis_name="s", num_cores=2, num_subcores=16)
    return pl.kernel(
        functools.partial(_stage2_scatter, nb),
        out_type=[
            jax.ShapeDtypeStruct((nb, _ACC_FLAT), jnp.float32),
            jax.ShapeDtypeStruct((nb, 48), jnp.float32),
        ],
        mesh=mesh,
        scratch_types=[
            pltpu.VMEM((_FLAT,), jnp.int32),
            pltpu.VMEM((_ACC_FLAT,), jnp.float32),
            pltpu.VMEM((_ACC_FLAT,), jnp.float32),
            pltpu.VMEM((48,), jnp.float32),
        ],
        compiler_params=pltpu.CompilerParams(needs_layout_passes=False),
    )


def _stage2_scatter(nb, qp_hbm, sym_hbm, hist_hbm, qbuf, acc, sym, hacc):
    wid = lax.axis_index("s") * 2 + lax.axis_index("c")
    ones = jnp.ones((16,), jnp.float32)
    zeros = jnp.zeros((16,), jnp.float32)
    lanes = jnp.arange(16, dtype=jnp.int32)
    for t in range(nb // 32):
        img = wid * (nb // 32) + t
        pltpu.sync_copy(qp_hbm.at[img], qbuf)

        @plsc.parallel_loop(0, _ACC_FLAT, step=16)
        def _zero(i):
            acc[pl.ds(i, 16)] = zeros

        @plsc.parallel_loop(0, _NPIX_I, step=16, unroll=8)
        def _scan(base):
            qi = qbuf[pl.ds(base, 16)]
            qi33 = qi * _LP
            for k, d in enumerate(_DELTAS):
                qj = qbuf[pl.ds(base + d, 16)]
                plsc.addupdate_scatter(acc, [qi33 + qj + k * _ACC_ROW], ones)

        for k in range(4):
            koff = k * _ACC_ROW

            @plsc.parallel_loop(0, _ACC_ROW, step=16, unroll=2)
            def _symm(c):
                cc = lanes + c
                ti = cc // _LP
                tj = cc - ti * _LP
                tidx = jnp.minimum(tj * _LP + ti, _LP * _LP - 1) + koff
                sym[pl.ds(c + koff, 16)] = (
                    acc[pl.ds(c + koff, 16)] + plsc.load_gather(acc, [tidx]))

        for c3 in range(3):
            v33 = (lanes + c3 * 16) * _LP
            h = jnp.zeros((16,), jnp.float32)
            for col in range(_LP):
                h = h + plsc.load_gather(acc, [v33 + col])
            hacc[pl.ds(c3 * 16, 16)] = h

        pltpu.sync_copy(sym, sym_hbm.at[img])
        pltpu.sync_copy(hacc, hist_hbm.at[img])


def _stage3_props(g_ref, h_ref, p_ref, hn_ref):
    idx = lax.broadcasted_iota(jnp.int32, (1, _ACC_ROW), 1)
    fi = (idx // _LP).astype(jnp.float32)
    fj = (idx % _LP).astype(jnp.float32)
    valid = (idx < _LP * _LP) & (idx // _LP < _L) & (idx % _LP < _L)

    g = jnp.where(valid, g_ref[...], 0.0)
    s = jnp.sum(g, axis=1, keepdims=True)
    g = g / jnp.where(s > 0, s, 1.0)
    sums = jnp.sum(g, axis=1, keepdims=True)
    P = g / jnp.where(sums == 0, 1.0, sums)

    d2 = (fi - fj) ** 2
    contrast = jnp.sum(P * d2, axis=1, keepdims=True)
    homog = jnp.sum(P / (1.0 + d2), axis=1, keepdims=True)
    energy = jnp.sqrt(jnp.sum(P * P, axis=1, keepdims=True))
    mu_i = jnp.sum(fi * P, axis=1, keepdims=True)
    mu_j = jnp.sum(fj * P, axis=1, keepdims=True)
    std_i = jnp.sqrt(jnp.sum(P * (fi - mu_i) ** 2, axis=1, keepdims=True))
    std_j = jnp.sqrt(jnp.sum(P * (fj - mu_j) ** 2, axis=1, keepdims=True))
    cov = jnp.sum(P * (fi - mu_i) * (fj - mu_j), axis=1, keepdims=True)
    den = std_i * std_j
    corr = jnp.where((std_i < 1e-15) | (std_j < 1e-15), 1.0,
                     cov / jnp.where(den == 0, 1.0, den))
    entropy = -jnp.sum(g * jnp.log2(g + 1e-8), axis=1, keepdims=True)
    z = jnp.zeros_like(contrast)
    p_ref[...] = jnp.concatenate(
        [contrast, homog, energy, corr, entropy, z, z, z], axis=1)

    hc = h_ref[...]
    hidx = lax.broadcasted_iota(jnp.int32, (1, 48), 1)
    hc = jnp.where(hidx < _L, hc, 0.0)
    allsame = jnp.max(hc, axis=1, keepdims=True) >= jnp.float32(_N)
    hn_ref[...] = jnp.where(allsame, 0.0, hc / jnp.float32(_N))[:, :_L]


def _half_pipeline(x3, h, nb):
    q, stats = pl.pallas_call(
        _stage1_digitize,
        grid=(nb,),
        in_specs=[pl.BlockSpec((1, _H, _W), lambda i: (i + h * nb, 0, 0))],
        out_specs=[
            pl.BlockSpec((1, _HP, _WP), lambda i: (i, 0, 0)),
            pl.BlockSpec((1, 1, 8), lambda i: (i, 0, 0)),
        ],
        out_shape=[
            jax.ShapeDtypeStruct((nb, _HP, _WP), jnp.int32),
            jax.ShapeDtypeStruct((nb, 1, 8), jnp.float32),
        ],
    )(x3)
    stats = stats.reshape(nb, 8)
    qp = q.reshape(nb, _FLAT)

    sym, hist = _make_stage2(nb)(qp)

    props, hn = pl.pallas_call(
        _stage3_props,
        in_specs=[
            pl.BlockSpec((nb * 4, _ACC_ROW), lambda: (0, 0)),
            pl.BlockSpec((nb, 48), lambda: (0, 0)),
        ],
        out_specs=[
            pl.BlockSpec((nb * 4, 8), lambda: (0, 0)),
            pl.BlockSpec((nb, _L), lambda: (0, 0)),
        ],
        out_shape=[
            jax.ShapeDtypeStruct((nb * 4, 8), jnp.float32),
            jax.ShapeDtypeStruct((nb, _L), jnp.float32),
        ],
    )(sym.reshape(nb * 4, _ACC_ROW), hist)

    pr = props.reshape(nb, 4, 8)
    return jnp.concatenate(
        [stats[:, :4], hn,
         pr[:, :, 0], pr[:, :, 1], pr[:, :, 2], pr[:, :, 3], pr[:, :, 4]],
        axis=1)


def kernel(x):
    x3 = jnp.swapaxes(x.reshape(_B, _W, _H), 1, 2)
    nb = _B // 2
    out0 = _half_pipeline(x3, 0, nb)
    out1 = _half_pipeline(x3, 1, nb)
    return jnp.concatenate([out0, out1], axis=0)

# --- scband reference (transcript-rebuilt; emitter-appended) ---
"""Pipeline reference for scband-backbone-62912680952660 (READ-ONLY COPY).

The authoritative reference and input builder live on the scoring server;
editing this copy changes nothing except your own understanding.
"""

import jax, jax.numpy as jnp
import numpy as np

MEAN = 0.0
STD = 1.0
BINS = np.linspace(-3.0, 3.0, 31).astype(np.float32)  # stand-in for np.load(bins_path)
LEVELS = len(set(BINS.tolist())) + 1  # 32
DIST = [1]
THETA = np.array([0.0, 0.25, 0.5, 0.75]) * np.pi
KH, KW = 300, 190  # space_mode='global' kernel
OFFSETS = [(int(np.round(np.sin(a) * d)), int(np.round(np.cos(a) * d))) for d in DIST for a in THETA]


def _glcm_single(q, dr, dc):
    H, W = KH, KW
    r0, r1 = max(0, -dr), H - max(0, dr)
    c0, c1 = max(0, -dc), W - max(0, dc)
    i = q[r0:r1, c0:c1]
    j = q[r0 + dr:r1 + dr, c0 + dc:c1 + dc]
    lin = (i * LEVELS + j).ravel()
    g = jnp.zeros((LEVELS * LEVELS,), jnp.float32).at[lin].add(1.0).reshape(LEVELS, LEVELS)
    g = g + g.T  # symmetric=True
    s = g.sum()
    return jnp.where(s > 0, g / s, g)  # normed=True


def _glcm(q):
    mats = [_glcm_single(q, dr, dc) for (dr, dc) in OFFSETS]
    return jnp.stack(mats, axis=-1).reshape(LEVELS, LEVELS, len(DIST), len(THETA))


def _props(g):
    L = LEVELS
    I = jnp.arange(L, dtype=jnp.float32).reshape(L, 1, 1, 1)
    J = jnp.arange(L, dtype=jnp.float32).reshape(1, L, 1, 1)
    sums = g.sum(axis=(0, 1), keepdims=True)
    sums = jnp.where(sums == 0, 1.0, sums)
    P = g / sums
    d2 = (I - J) ** 2
    contrast = (P * d2).sum(axis=(0, 1))
    homogeneity = (P / (1.0 + d2)).sum(axis=(0, 1))
    energy = jnp.sqrt((P ** 2).sum(axis=(0, 1)))
    mu_i = (I * P).sum(axis=(0, 1))
    mu_j = (J * P).sum(axis=(0, 1))
    std_i = jnp.sqrt((P * (I - mu_i) ** 2).sum(axis=(0, 1)))
    std_j = jnp.sqrt((P * (J - mu_j) ** 2).sum(axis=(0, 1)))
    cov = (P * (I - mu_i) * (J - mu_j)).sum(axis=(0, 1))
    den = std_i * std_j
    corr = jnp.where((std_i < 1e-15) | (std_j < 1e-15), 1.0, cov / jnp.where(den == 0, 1.0, den))
    props = jnp.stack([contrast, homogeneity, energy, corr], axis=0).reshape(-1)
    entropy = (-(g * jnp.log2(g + 1e-8)).sum(axis=(0, 1))).reshape(-1)
    return jnp.concatenate([props, entropy], axis=0)


def _quant_hist_glcm(img):
    imgn = (img - MEAN) / STD
    q = jnp.digitize(imgn, jnp.asarray(BINS))
    flat = q.ravel()
    counts = jnp.zeros((LEVELS,), jnp.float32).at[flat].add(1.0)
    hist = counts / flat.shape[0]  # density=True with unit-width integer bins
    hist = jnp.where(flat.max() != flat.min(), hist, jnp.zeros_like(hist))
    return jnp.concatenate([hist, _props(_glcm(q))], axis=0)


def _forward(x):
    B = x.shape[0]
    xw = x.reshape(B, 1, 1, KH, KW)  # global mode unfold -> single window per image
    mean = xw.mean(axis=(-2, -1))
    std = xw.std(axis=(-2, -1))
    mx = (xw.max(axis=(-2, -1)) - mean) / std
    mn = (mean - xw.min(axis=(-2, -1))) / std
    stat = jnp.concatenate([mean, std, mx, mn], axis=1)  # (B, 4, 1)
    windows = xw.reshape(-1, KH, KW)
    feats = jax.vmap(_quant_hist_glcm)(windows)  # (B, 52)
    wd = feats.reshape(B, 1, -1).transpose(0, 2, 1)  # (B, 52, 1)
    out = jnp.concatenate([stat, wd], axis=1)
    return out.mean(axis=-1)  # (B, 56)


def setup_inputs(seed: int = 0):
    key = jax.random.key(seed)
    x = jax.random.normal(key, (64, 1, KH, KW), dtype=jnp.float32)
    return {"x": x}


def reference(x):
    return _forward(x)

if __name__ == "__main__":
    import jax
    _d = setup_inputs()
    print(jax.jit(kernel)(*tuple(_d.values())))

</pallas_src>

<mosaic_0001>
#map = affine_map<(d0, d1) -> (0, 0)>
module attributes {stable_mosaic.version = 14 : i64} {
  func.func @_stage2_scatter(%arg0: i32, %arg1: i32, %arg2: memref<32x58368xi32, #tpu.memory_space<hbm>>, %arg3: memref<32x4416xf32, #tpu.memory_space<hbm>>, %arg4: memref<32x48xf32, #tpu.memory_space<hbm>>, %arg5: memref<58368xi32, #tpu.memory_space<vmem>>, %arg6: memref<4416xf32, #tpu.memory_space<vmem>>, %arg7: memref<4416xf32, #tpu.memory_space<vmem>>, %arg8: memref<48xf32, #tpu.memory_space<vmem>>) attributes {dimension_semantics = [#tpu.dimension_semantics<core_parallel>, #tpu.dimension_semantics<subcore_parallel>], iteration_bounds = array<i64: 2, 16>, scalar_prefetch = 0 : i64, scratch_operands = 4 : i64, tpu.core_type = #tpu.core_type<sc_vector_subcore>, window_params = [{transform_indices = #map}, {transform_indices = #map}, {transform_indices = #map}]} {
    %mul3A = arith.constant 2 : i32
    %mul3A_0 = arith.muli %arg1, %mul3A : i32
    %add3A = arith.addi %mul3A_0, %arg0 : i32
    %broadcast_in_dim3A = arith.constant 1.000000e+00 : f32
    %broadcast_in_dim3A_1 = vector.broadcast %broadcast_in_dim3A : f32 to vector<16xf32>
    %broadcast_in_dim3A_2 = arith.constant 0.000000e+00 : f32
    %broadcast_in_dim3A_3 = vector.broadcast %broadcast_in_dim3A_2 : f32 to vector<16xf32>
    %iota3A = tpu.iota {dimensions = array<i32: 0>} : vector<16xi32>
    %mul3A_4 = arith.constant 1 : i32
    %mul3A_5 = arith.muli %add3A, %mul3A_4 : i32
    %add3A_6 = arith.constant 0 : i32
    %add3A_7 = arith.addi %mul3A_5, %add3A_6 : i32
    "tpu.region"() ({
      %run_scoped3A = tpu.sem_alloc : memref<!tpu.dma_semaphore, #tpu.memory_space<semaphore_mem>>
      %dma_start3A = arith.constant 0 : i32
      %dma_start3A_548 = tpu.memref_slice %arg2[%add3A_7, %dma_start3A] : memref<32x58368xi32, #tpu.memory_space<hbm>> -> memref<1x58368xi32, #tpu.memory_space<hbm>>
      %dma_start3A_549 = tpu.memref_squeeze %dma_start3A_548 : memref<1x58368xi32, #tpu.memory_space<hbm>> -> memref<58368xi32, #tpu.memory_space<hbm>>
      %dma_start3A_550 = arith.constant 0 : i32
      %dma_start3A_551 = tpu.memref_slice %arg2[%add3A_7, %dma_start3A_550] : memref<32x58368xi32, #tpu.memory_space<hbm>> -> memref<1x58368xi32, #tpu.memory_space<hbm>>
      %dma_start3A_552 = tpu.memref_squeeze %dma_start3A_551 : memref<1x58368xi32, #tpu.memory_space<hbm>> -> memref<58368xi32, #tpu.memory_space<hbm>>
      tpu.enqueue_dma source(%dma_start3A_552 : memref<58368xi32, #tpu.memory_space<hbm>>) target(%arg5 : memref<58368xi32, #tpu.memory_space<vmem>>) target_semaphore(%run_scoped3A : memref<!tpu.dma_semaphore, #tpu.memory_space<semaphore_mem>>)
      %dma_wait3A = arith.constant 0 : i32
      %dma_wait3A_553 = tpu.memref_slice %arg2[%add3A_7, %dma_wait3A] : memref<32x58368xi32, #tpu.memory_space<hbm>> -> memref<1x58368xi32, #tpu.memory_space<hbm>>
      %dma_wait3A_554 = tpu.memref_squeeze %dma_wait3A_553 : memref<1x58368xi32, #tpu.memory_space<hbm>> -> memref<58368xi32, #tpu.memory_space<hbm>>
      %dma_wait3A_555 = arith.constant 0 : i32
      %dma_wait3A_556 = tpu.memref_slice %arg2[%add3A_7, %dma_wait3A_555] : memref<32x58368xi32, #tpu.memory_space<hbm>> -> memref<1x58368xi32, #tpu.memory_space<hbm>>
      %dma_wait3A_557 = tpu.memref_squeeze %dma_wait3A_556 : memref<1x58368xi32, #tpu.memory_space<hbm>> -> memref<58368xi32, #tpu.memory_space<hbm>>
      tpu.wait_dma2 semaphore(%run_scoped3A : memref<!tpu.dma_semaphore, #tpu.memory_space<semaphore_mem>>) src(%dma_wait3A_557 : memref<58368xi32, #tpu.memory_space<hbm>>) dst(%arg5 : memref<58368xi32, #tpu.memory_space<vmem>>)
      tpu.yield
    }) : () -> ()
    %parallel_loop3A = arith.constant 0 : i32
    %parallel_loop3A_8 = arith.constant 4416 : i32
    %parallel_loop3A_9 = arith.constant 16 : i32
    scf.for %parallel_loop3A_548 = %parallel_loop3A to %parallel_loop3A_8 step %parallel_loop3A_9  : i32 {
      %parallel_loop3A_549 = arith.index_cast %parallel_loop3A_548 : i32 to index
      %parallel_loop3A_550 = tpu.vector_load %arg6[%parallel_loop3A_549] {strides = array<i32>} : memref<4416xf32, #tpu.memory_space<vmem>>, vector<16xf32>,
      tpu.vector_store %arg6[%parallel_loop3A_549], %broadcast_in_dim3A_3 {strides = array<i32>} : memref<4416xf32, #tpu.memory_space<vmem>>, vector<16xf32>,
    } {sc.loop_unroll_factor = 1 : i64, sc.parallel_access}
    %parallel_loop3A_10 = arith.constant 0 : i32
    %parallel_loop3A_11 = arith.constant 57760 : i32
    %parallel_loop3A_12 = arith.constant 16 : i32
    scf.for %parallel_loop3A_548 = %parallel_loop3A_10 to %parallel_loop3A_11 step %parallel_loop3A_12  : i32 {
      %parallel_loop3A_549 = arith.index_cast %parallel_loop3A_548 : i32 to index
      %parallel_loop3A_550 = tpu.vector_load %arg5[%parallel_loop3A_549] {strides = array<i32>} : memref<58368xi32, #tpu.memory_space<vmem>>, vector<16xi32>,
      %parallel_loop3A_551 = arith.constant 33 : i32
      %parallel_loop3A_552 = vector.broadcast %parallel_loop3A_551 : i32 to vector<16xi32>
      %parallel_loop3A_553 = arith.muli %parallel_loop3A_550, %parallel_loop3A_552 : vector<16xi32>
      %parallel_loop3A_554 = arith.constant 304 : i32
      %parallel_loop3A_555 = arith.addi %parallel_loop3A_548, %parallel_loop3A_554 : i32
      %parallel_loop3A_556 = arith.index_cast %parallel_loop3A_555 : i32 to index
      %parallel_loop3A_557 = tpu.vector_load %arg5[%parallel_loop3A_556] {strides = array<i32>} : memref<58368xi32, #tpu.memory_space<vmem>>, vector<16xi32>,
      %parallel_loop3A_558 = arith.addi %parallel_loop3A_553, %parallel_loop3A_557 : vector<16xi32>
      %parallel_loop3A_559 = arith.constant 0 : i32
      %parallel_loop3A_560 = vector.broadcast %parallel_loop3A_559 : i32 to vector<16xi32>
      %parallel_loop3A_561 = arith.addi %parallel_loop3A_558, %parallel_loop3A_560 : vector<16xi32>
      tpu.vector_store_idx %arg6[%parallel_loop3A_561], %broadcast_in_dim3A_1 {add = true} : memref<4416xf32, #tpu.memory_space<vmem>>[vector<16xi32>], vector<16xf32>,
      %parallel_loop3A_562 = arith.constant 305 : i32
      %parallel_loop3A_563 = arith.addi %parallel_loop3A_548, %parallel_loop3A_562 : i32
      %parallel_loop3A_564 = arith.index_cast %parallel_loop3A_563 : i32 to index
      %parallel_loop3A_565 = tpu.vector_load %arg5[%parallel_loop3A_564] {strides = array<i32>} : memref<58368xi32, #tpu.memory_space<vmem>>, vector<16xi32>,
      %parallel_loop3A_566 = arith.addi %parallel_loop3A_553, %parallel_loop3A_565 : vector<16xi32>
      %parallel_loop3A_567 = arith.constant 1104 : i32
      %parallel_loop3A_568 = vector.broadcast %parallel_loop3A_567 : i32 to vector<16xi32>
      %parallel_loop3A_569 = arith.addi %parallel_loop3A_566, %parallel_loop3A_568 : vector<16xi32>
      tpu.vector_store_idx %arg6[%parallel_loop3A_569], %broadcast_in_dim3A_1 {add = true} : memref<4416xf32, #tpu.memory_space<vmem>>[vector<16xi32>], vector<16xf32>,
      %parallel_loop3A_570 = arith.constant 1 : i32
      %parallel_loop3A_571 = arith.addi %parallel_loop3A_548, %parallel_loop3A_570 : i32
      %parallel_loop3A_572 = arith.index_cast %parallel_loop3A_571 : i32 to index
      %parallel_loop3A_573 = tpu.vector_load %arg5[%parallel_loop3A_572] {strides = array<i32>} : memref<58368xi32, #tpu.memory_space<vmem>>, vector<16xi32>,
      %parallel_loop3A_574 = arith.addi %parallel_loop3A_553, %parallel_loop3A_573 : vector<16xi32>
      %parallel_loop3A_575 = arith.constant 2208 : i32
      %parallel_loop3A_576 = vector.broadcast %parallel_loop3A_575 : i32 to vector<16xi32>
      %parallel_loop3A_577 = arith.addi %parallel_loop3A_574, %parallel_loop3A_576 : vector<16xi32>
      tpu.vector_store_idx %arg6[%parallel_loop3A_577], %broadcast_in_dim3A_1 {add = true} : memref<4416xf32, #tpu.memory_space<vmem>>[vector<16xi32>], vector<16xf32>,
      %parallel_loop3A_578 = arith.constant 303 : i32
      %parallel_loop3A_579 = arith.addi %parallel_loop3A_548, %parallel_loop3A_578 : i32
      %parallel_loop3A_580 = arith.index_cast %parallel_loop3A_579 : i32 to index
      %parallel_loop3A_581 = tpu.vector_load %arg5[%parallel_loop3A_580] {strides = array<i32>} : memref<58368xi32, #tpu.memory_space<vmem>>, vector<16xi32>,
      %parallel_loop3A_582 = arith.addi %parallel_loop3A_553, %parallel_loop3A_581 : vector<16xi32>
      %parallel_loop3A_583 = arith.constant 3312 : i32
      %parallel_loop3A_584 = vector.broadcast %parallel_loop3A_583 : i32 to vector<16xi32>
      %parallel_loop3A_585 = arith.addi %parallel_loop3A_582, %parallel_loop3A_584 : vector<16xi32>
      tpu.vector_store_idx %arg6[%parallel_loop3A_585], %broadcast_in_dim3A_1 {add = true} : memref<4416xf32, #tpu.memory_space<vmem>>[vector<16xi32>], vector<16xf32>,
    } {sc.loop_unroll_factor = 8 : i64, sc.parallel_access}
    %parallel_loop3A_13 = arith.constant 0 : i32
    %parallel_loop3A_14 = arith.constant 1104 : i32
    %parallel_loop3A_15 = arith.constant 16 : i32
    scf.for %parallel_loop3A_548 = %parallel_loop3A_13 to %parallel_loop3A_14 step %parallel_loop3A_15  : i32 {
      %parallel_loop3A_549 = vector.broadcast %parallel_loop3A_548 : i32 to vector<16xi32>
      %parallel_loop3A_550 = arith.addi %iota3A, %parallel_loop3A_549 : vector<16xi32>
      %parallel_loop3A_551 = arith.constant 33 : i32
      %parallel_loop3A_552 = vector.broadcast %parallel_loop3A_551 : i32 to vector<16xi32>
      %parallel_loop3A_553 = arith.divsi %parallel_loop3A_550, %parallel_loop3A_552 : vector<16xi32>
      %parallel_loop3A_554 = arith.constant 0 : i32
      %parallel_loop3A_555 = vector.broadcast %parallel_loop3A_554 : i32 to vector<16xi32>
      %parallel_loop3A_556 = arith.cmpi sgt, %parallel_loop3A_550, %parallel_loop3A_555 : vector<16xi32>
      %parallel_loop3A_557 = arith.extui %parallel_loop3A_556 : vector<16xi1> to vector<16xi32>
      %parallel_loop3A_558 = arith.constant 0 : i32
      %parallel_loop3A_559 = vector.broadcast %parallel_loop3A_558 : i32 to vector<16xi32>
      %parallel_loop3A_560 = arith.cmpi slt, %parallel_loop3A_550, %parallel_loop3A_559 : vector<16xi32>
      %parallel_loop3A_561 = arith.extui %parallel_loop3A_560 : vector<16xi1> to vector<16xi32>
      %parallel_loop3A_562 = arith.subi %parallel_loop3A_557, %parallel_loop3A_561 : vector<16xi32>
      %parallel_loop3A_563 = arith.constant 0 : i32
      %parallel_loop3A_564 = arith.cmpi sgt, %parallel_loop3A_551, %parallel_loop3A_563 : i32
      %parallel_loop3A_565 = arith.extui %parallel_loop3A_564 : i1 to i32
      %parallel_loop3A_566 = arith.constant 0 : i32
      %parallel_loop3A_567 = arith.cmpi slt, %parallel_loop3A_551, %parallel_loop3A_566 : i32
      %parallel_loop3A_568 = arith.extui %parallel_loop3A_567 : i1 to i32
      %parallel_loop3A_569 = arith.subi %parallel_loop3A_565, %parallel_loop3A_568 : i32
      %parallel_loop3A_570 = vector.broadcast %parallel_loop3A_569 : i32 to vector<16xi32>
      %parallel_loop3A_571 = arith.cmpi ne, %parallel_loop3A_562, %parallel_loop3A_570 : vector<16xi32>
      %parallel_loop3A_572 = vector.broadcast %parallel_loop3A_551 : i32 to vector<16xi32>
      %parallel_loop3A_573 = arith.remsi %parallel_loop3A_550, %parallel_loop3A_572 : vector<16xi32>
      %parallel_loop3A_574 = arith.constant 0 : i32
      %parallel_loop3A_575 = vector.broadcast %parallel_loop3A_574 : i32 to vector<16xi32>
      %parallel_loop3A_576 = arith.cmpi ne, %parallel_loop3A_573, %parallel_loop3A_575 : vector<16xi32>
      %parallel_loop3A_577 = arith.andi %parallel_loop3A_571, %parallel_loop3A_576 : vector<16xi1>
      %parallel_loop3A_578 = arith.constant 1 : i32
      %parallel_loop3A_579 = vector.broadcast %parallel_loop3A_578 : i32 to vector<16xi32>
      %parallel_loop3A_580 = arith.subi %parallel_loop3A_553, %parallel_loop3A_579 : vector<16xi32>
      %parallel_loop3A_581 = arith.select %parallel_loop3A_577, %parallel_loop3A_580, %parallel_loop3A_553 : vector<16xi1>, vector<16xi32>
      %parallel_loop3A_582 = arith.constant 33 : i32
      %parallel_loop3A_583 = vector.broadcast %parallel_loop3A_582 : i32 to vector<16xi32>
      %parallel_loop3A_584 = arith.muli %parallel_loop3A_581, %parallel_loop3A_583 : vector<16xi32>
      %parallel_loop3A_585 = arith.subi %parallel_loop3A_550, %parallel_loop3A_584 : vector<16xi32>
      %parallel_loop3A_586 = arith.constant 33 : i32
      %parallel_loop3A_587 = vector.broadcast %parallel_loop3A_586 : i32 to vector<16xi32>
      %parallel_loop3A_588 = arith.muli %parallel_loop3A_585, %parallel_loop3A_587 : vector<16xi32>
      %parallel_loop3A_589 = arith.addi %parallel_loop3A_588, %parallel_loop3A_581 : vector<16xi32>
      %parallel_loop3A_590 = arith.constant 1088 : i32
      %parallel_loop3A_591 = vector.broadcast %parallel_loop3A_590 : i32 to vector<16xi32>
      %parallel_loop3A_592 = arith.minsi %parallel_loop3A_589, %parallel_loop3A_591 : vector<16xi32>
      %parallel_loop3A_593 = arith.constant 0 : i32
      %parallel_loop3A_594 = vector.broadcast %parallel_loop3A_593 : i32 to vector<16xi32>
      %parallel_loop3A_595 = arith.addi %parallel_loop3A_592, %parallel_loop3A_594 : vector<16xi32>
      %parallel_loop3A_596 = arith.constant 0 : i32
      %parallel_loop3A_597 = arith.addi %parallel_loop3A_548, %parallel_loop3A_596 : i32
      %parallel_loop3A_598 = arith.index_cast %parallel_loop3A_597 : i32 to index
      %parallel_loop3A_599 = tpu.vector_load %arg6[%parallel_loop3A_598] {strides = array<i32>} : memref<4416xf32, #tpu.memory_space<vmem>>, vector<16xf32>,
      %parallel_loop3A_600 = tpu.vector_load_idx %arg6[%parallel_loop3A_595] : memref<4416xf32, #tpu.memory_space<vmem>>[vector<16xi32>], vector<16xf32>,
      %parallel_loop3A_601 = arith.addf %parallel_loop3A_599, %parallel_loop3A_600 : vector<16xf32>
      %parallel_loop3A_602 = arith.constant 0 : i32
      %parallel_loop3A_603 = arith.addi %parallel_loop3A_548, %parallel_loop3A_602 : i32
      %parallel_loop3A_604 = arith.index_cast %parallel_loop3A_603 : i32 to index
      %parallel_loop3A_605 = tpu.vector_load %arg7[%parallel_loop3A_604] {strides = array<i32>} : memref<4416xf32, #tpu.memory_space<vmem>>, vector<16xf32>,
      tpu.vector_store %arg7[%parallel_loop3A_604], %parallel_loop3A_601 {strides = array<i32>} : memref<4416xf32, #tpu.memory_space<vmem>>, vector<16xf32>,
    } {sc.loop_unroll_factor = 2 : i64, sc.parallel_access}
    %parallel_loop3A_16 = arith.constant 0 : i32
    %parallel_loop3A_17 = arith.constant 1104 : i32
    %parallel_loop3A_18 = arith.constant 16 : i32
    scf.for %parallel_loop3A_548 = %parallel_loop3A_16 to %parallel_loop3A_17 step %parallel_loop3A_18  : i32 {
      %parallel_loop3A_549 = vector.broadcast %parallel_loop3A_548 : i32 to vector<16xi32>
      %parallel_loop3A_550 = arith.addi %iota3A, %parallel_loop3A_549 : vector<16xi32>
      %parallel_loop3A_551 = arith.constant 33 : i32
      %parallel_loop3A_552 = vector.broadcast %parallel_loop3A_551 : i32 to vector<16xi32>
      %parallel_loop3A_553 = arith.divsi %parallel_loop3A_550, %parallel_loop3A_552 : vector<16xi32>
      %parallel_loop3A_554 = arith.constant 0 : i32
      %parallel_loop3A_555 = vector.broadcast %parallel_loop3A_554 : i32 to vector<16xi32>
      %parallel_loop3A_556 = arith.cmpi sgt, %parallel_loop3A_550, %parallel_loop3A_555 : vector<16xi32>
      %parallel_loop3A_557 = arith.extui %parallel_loop3A_556 : vector<16xi1> to vector<16xi32>
      %parallel_loop3A_558 = arith.constant 0 : i32
      %parallel_loop3A_559 = vector.broadcast %parallel_loop3A_558 : i32 to vector<16xi32>
      %parallel_loop3A_560 = arith.cmpi slt, %parallel_loop3A_550, %parallel_loop3A_559 : vector<16xi32>
      %parallel_loop3A_561 = arith.extui %parallel_loop3A_560 : vector<16xi1> to vector<16xi32>
      %parallel_loop3A_562 = arith.subi %parallel_loop3A_557, %parallel_loop3A_561 : vector<16xi32>
      %parallel_loop3A_563 = arith.constant 0 : i32
      %parallel_loop3A_564 = arith.cmpi sgt, %parallel_loop3A_551, %parallel_loop3A_563 : i32
      %parallel_loop3A_565 = arith.extui %parallel_loop3A_564 : i1 to i32
      %parallel_loop3A_566 = arith.constant 0 : i32
      %parallel_loop3A_567 = arith.cmpi slt, %parallel_loop3A_551, %parallel_loop3A_566 : i32
      %parallel_loop3A_568 = arith.extui %parallel_loop3A_567 : i1 to i32
      %parallel_loop3A_569 = arith.subi %parallel_loop3A_565, %parallel_loop3A_568 : i32
      %parallel_loop3A_570 = vector.broadcast %parallel_loop3A_569 : i32 to vector<16xi32>
      %parallel_loop3A_571 = arith.cmpi ne, %parallel_loop3A_562, %parallel_loop3A_570 : vector<16xi32>
      %parallel_loop3A_572 = vector.broadcast %parallel_loop3A_551 : i32 to vector<16xi32>
      %parallel_loop3A_573 = arith.remsi %parallel_loop3A_550, %parallel_loop3A_572 : vector<16xi32>
      %parallel_loop3A_574 = arith.constant 0 : i32
      %parallel_loop3A_575 = vector.broadcast %parallel_loop3A_574 : i32 to vector<16xi32>
      %parallel_loop3A_576 = arith.cmpi ne, %parallel_loop3A_573, %parallel_loop3A_575 : vector<16xi32>
      %parallel_loop3A_577 = arith.andi %parallel_loop3A_571, %parallel_loop3A_576 : vector<16xi1>
      %parallel_loop3A_578 = arith.constant 1 : i32
      %parallel_loop3A_579 = vector.broadcast %parallel_loop3A_578 : i32 to vector<16xi32>
      %parallel_loop3A_580 = arith.subi %parallel_loop3A_553, %parallel_loop3A_579 : vector<16xi32>
      %parallel_loop3A_581 = arith.select %parallel_loop3A_577, %parallel_loop3A_580, %parallel_loop3A_553 : vector<16xi1>, vector<16xi32>
      %parallel_loop3A_582 = arith.constant 33 : i32
      %parallel_loop3A_583 = vector.broadcast %parallel_loop3A_582 : i32 to vector<16xi32>
      %parallel_loop3A_584 = arith.muli %parallel_loop3A_581, %parallel_loop3A_583 : vector<16xi32>
      %parallel_loop3A_585 = arith.subi %parallel_loop3A_550, %parallel_loop3A_584 : vector<16xi32>
      %parallel_loop3A_586 = arith.constant 33 : i32
      %parallel_loop3A_587 = vector.broadcast %parallel_loop3A_586 : i32 to vector<16xi32>
      %parallel_loop3A_588 = arith.muli %parallel_loop3A_585, %parallel_loop3A_587 : vector<16xi32>
      %parallel_loop3A_589 = arith.addi %parallel_loop3A_588, %parallel_loop3A_581 : vector<16xi32>
      %parallel_loop3A_590 = arith.constant 1088 : i32
      %parallel_loop3A_591 = vector.broadcast %parallel_loop3A_590 : i32 to vector<16xi32>
      %parallel_loop3A_592 = arith.minsi %parallel_loop3A_589, %parallel_loop3A_591 : vector<16xi32>
      %parallel_loop3A_593 = arith.constant 1104 : i32
      %parallel_loop3A_594 = vector.broadcast %parallel_loop3A_593 : i32 to vector<16xi32>
      %parallel_loop3A_595 = arith.addi %parallel_loop3A_592, %parallel_loop3A_594 : vector<16xi32>
      %parallel_loop3A_596 = arith.constant 1104 : i32
      %parallel_loop3A_597 = arith.addi %parallel_loop3A_548, %parallel_loop3A_596 : i32
      %parallel_loop3A_598 = arith.index_cast %parallel_loop3A_597 : i32 to index
      %parallel_loop3A_599 = tpu.vector_load %arg6[%parallel_loop3A_598] {strides = array<i32>} : memref<4416xf32, #tpu.memory_space<vmem>>, vector<16xf32>,
      %parallel_loop3A_600 = tpu.vector_load_idx %arg6[%parallel_loop3A_595] : memref<4416xf32, #tpu.memory_space<vmem>>[vector<16xi32>], vector<16xf32>,
      %parallel_loop3A_601 = arith.addf %parallel_loop3A_599, %parallel_loop3A_600 : vector<16xf32>
      %parallel_loop3A_602 = arith.constant 1104 : i32
      %parallel_loop3A_603 = arith.addi %parallel_loop3A_548, %parallel_loop3A_602 : i32
      %parallel_loop3A_604 = arith.index_cast %parallel_loop3A_603 : i32 to index
      %parallel_loop3A_605 = tpu.vector_load %arg7[%parallel_loop3A_604] {strides = array<i32>} : memref<4416xf32, #tpu.memory_space<vmem>>, vector<16xf32>,
      tpu.vector_store %arg7[%parallel_loop3A_604], %parallel_loop3A_601 {strides = array<i32>} : memref<4416xf32, #tpu.memory_space<vmem>>, vector<16xf32>,
    } {sc.loop_unroll_factor = 2 : i64, sc.parallel_access}
    %parallel_loop3A_19 = arith.constant 0 : i32
    %parallel_loop3A_20 = arith.constant 1104 : i32
    %parallel_loop3A_21 = arith.constant 16 : i32
    scf.for %parallel_loop3A_548 = %parallel_loop3A_19 to %parallel_loop3A_20 step %parallel_loop3A_21  : i32 {
      %parallel_loop3A_549 = vector.broadcast %parallel_loop3A_548 : i32 to vector<16xi32>
      %parallel_loop3A_550 = arith.addi %iota3A, %parallel_loop3A_549 : vector<16xi32>
      %parallel_loop3A_551 = arith.constant 33 : i32
      %parallel_loop3A_552 = vector.broadcast %parallel_loop3A_551 : i32 to vector<16xi32>
      %parallel_loop3A_553 = arith.divsi %parallel_loop3A_550, %parallel_loop3A_552 : vector<16xi32>
      %parallel_loop3A_554 = arith.constant 0 : i32
      %parallel_loop3A_555 = vector.broadcast %parallel_loop3A_554 : i32 to vector<16xi32>
      %parallel_loop3A_556 = arith.cmpi sgt, %parallel_loop3A_550, %parallel_loop3A_555 : vector<16xi32>
      %parallel_loop3A_557 = arith.extui %parallel_loop3A_556 : vector<16xi1> to vector<16xi32>
      %parallel_loop3A_558 = arith.constant 0 : i32
      %parallel_loop3A_559 = vector.broadcast %parallel_loop3A_558 : i32 to vector<16xi32>
      %parallel_loop3A_560 = arith.cmpi slt, %parallel_loop3A_550, %parallel_loop3A_559 : vector<16xi32>
      %parallel_loop3A_561 = arith.extui %parallel_loop3A_560 : vector<16xi1> to vector<16xi32>
      %parallel_loop3A_562 = arith.subi %parallel_loop3A_557, %parallel_loop3A_561 : vector<16xi32>
      %parallel_loop3A_563 = arith.constant 0 : i32
      %parallel_loop3A_564 = arith.cmpi sgt, %parallel_loop3A_551, %parallel_loop3A_563 : i32
      %parallel_loop3A_565 = arith.extui %parallel_loop3A_564 : i1 to i32
      %parallel_loop3A_566 = arith.constant 0 : i32
      %parallel_loop3A_567 = arith.cmpi slt, %parallel_loop3A_551, %parallel_loop3A_566 : i32
      %parallel_loop3A_568 = arith.extui %parallel_loop3A_567 : i1 to i32
      %parallel_loop3A_569 = arith.subi %parallel_loop3A_565, %parallel_loop3A_568 : i32
      %parallel_loop3A_570 = vector.broadcast %parallel_loop3A_569 : i32 to vector<16xi32>
      %parallel_loop3A_571 = arith.cmpi ne, %parallel_loop3A_562, %parallel_loop3A_570 : vector<16xi32>
      %parallel_loop3A_572 = vector.broadcast %parallel_loop3A_551 : i32 to vector<16xi32>
      %parallel_loop3A_573 = arith.remsi %parallel_loop3A_550, %parallel_loop3A_572 : vector<16xi32>
      %parallel_loop3A_574 = arith.constant 0 : i32
      %parallel_loop3A_575 = vector.broadcast %parallel_loop3A_574 : i32 to vector<16xi32>
      %parallel_loop3A_576 = arith.cmpi ne, %parallel_loop3A_573, %parallel_loop3A_575 : vector<16xi32>
      %parallel_loop3A_577 = arith.andi %parallel_loop3A_571, %parallel_loop3A_576 : vector<16xi1>
      %parallel_loop3A_578 = arith.constant 1 : i32
      %parallel_loop3A_579 = vector.broadcast %parallel_loop3A_578 : i32 to vector<16xi32>
      %parallel_loop3A_580 = arith.subi %parallel_loop3A_553, %parallel_loop3A_579 : vector<16xi32>
      %parallel_loop3A_581 = arith.select %parallel_loop3A_577, %parallel_loop3A_580, %parallel_loop3A_553 : vector<16xi1>, vector<16xi32>
      %parallel_loop3A_582 = arith.constant 33 : i32
      %parallel_loop3A_583 = vector.broadcast %parallel_loop3A_582 : i32 to vector<16xi32>
      %parallel_loop3A_584 = arith.muli %parallel_loop3A_581, %parallel_loop3A_583 : vector<16xi32>
      %parallel_loop3A_585 = arith.subi %parallel_loop3A_550, %parallel_loop3A_584 : vector<16xi32>
      %parallel_loop3A_586 = arith.constant 33 : i32
      %parallel_loop3A_587 = vector.broadcast %parallel_loop3A_586 : i32 to vector<16xi32>
      %parallel_loop3A_588 = arith.muli %parallel_loop3A_585, %parallel_loop3A_587 : vector<16xi32>
      %parallel_loop3A_589 = arith.addi %parallel_loop3A_588, %parallel_loop3A_581 : vector<16xi32>
      %parallel_loop3A_590 = arith.constant 1088 : i32
      %parallel_loop3A_591 = vector.broadcast %parallel_loop3A_590 : i32 to vector<16xi32>
      %parallel_loop3A_592 = arith.minsi %parallel_loop3A_589, %parallel_loop3A_591 : vector<16xi32>
      %parallel_loop3A_593 = arith.constant 2208 : i32
      %parallel_loop3A_594 = vector.broadcast %parallel_loop3A_593 : i32 to vector<16xi32>
      %parallel_loop3A_595 = arith.addi %parallel_loop3A_592, %parallel_loop3A_594 : vector<16xi32>
      %parallel_loop3A_596 = arith.constant 2208 : i32
      %parallel_loop3A_597 = arith.addi %parallel_loop3A_548, %parallel_loop3A_596 : i32
      %parallel_loop3A_598 = arith.index_cast %parallel_loop3A_597 : i32 to index
      %parallel_loop3A_599 = tpu.vector_load %arg6[%parallel_loop3A_598] {strides = array<i32>} : memref<4416xf32, #tpu.memory_space<vmem>>, vector<16xf32>,
      %parallel_loop3A_600 = tpu.vector_load_idx %arg6[%parallel_loop3A_595] : memref<4416xf32, #tpu.memory_space<vmem>>[vector<16xi32>], vector<16xf32>,
      %parallel_loop3A_601 = arith.addf %parallel_loop3A_599, %parallel_loop3A_600 : vector<16xf32>
      %parallel_loop3A_602 = arith.constant 2208 : i32
      %parallel_loop3A_603 = arith.addi %parallel_loop3A_548, %parallel_loop3A_602 : i32
      %parallel_loop3A_604 = arith.index_cast %parallel_loop3A_603 : i32 to index
      %parallel_loop3A_605 = tpu.vector_load %arg7[%parallel_loop3A_604] {strides = array<i32>} : memref<4416xf32, #tpu.memory_space<vmem>>, vector<16xf32>,
      tpu.vector_store %arg7[%parallel_loop3A_604], %parallel_loop3A_601 {strides = array<i32>} : memref<4416xf32, #tpu.memory_space<vmem>>, vector<16xf32>,
    } {sc.loop_unroll_factor = 2 : i64, sc.parallel_access}
    %parallel_loop3A_22 = arith.constant 0 : i32
    %parallel_loop3A_23 = arith.constant 1104 : i32
    %parallel_loop3A_24 = arith.constant 16 : i32
    scf.for %parallel_loop3A_548 = %parallel_loop3A_22 to %parallel_loop3A_23 step %parallel_loop3A_24  : i32 {
      %parallel_loop3A_549 = vector.broadcast %parallel_loop3A_548 : i32 to vector<16xi32>
      %parallel_loop3A_550 = arith.addi %iota3A, %parallel_loop3A_549 : vector<16xi32>
      %parallel_loop3A_551 = arith.constant 33 : i32
      %parallel_loop3A_552 = vector.broadcast %parallel_loop3A_551 : i32 to vector<16xi32>
      %parallel_loop3A_553 = arith.divsi %parallel_loop3A_550, %parallel_loop3A_552 : vector<16xi32>
      %parallel_loop3A_554 = arith.constant 0 : i32
      %parallel_loop3A_555 = vector.broadcast %parallel_loop3A_554 : i32 to vector<16xi32>
      %parallel_loop3A_556 = arith.cmpi sgt, %parallel_loop3A_550, %parallel_loop3A_555 : vector<16xi32>
      %parallel_loop3A_557 = arith.extui %parallel_loop3A_556 : vector<16xi1> to vector<16xi32>
      %parallel_loop3A_558 = arith.constant 0 : i32
      %parallel_loop3A_559 = vector.broadcast %parallel_loop3A_558 : i32 to vector<16xi32>
      %parallel_loop3A_560 = arith.cmpi slt, %parallel_loop3A_550, %parallel_loop3A_559 : vector<16xi32>
      %parallel_loop3A_561 = arith.extui %parallel_loop3A_560 : vector<16xi1> to vector<16xi32>
      %parallel_loop3A_562 = arith.subi %parallel_loop3A_557, %parallel_loop3A_561 : vector<16xi32>
      %parallel_loop3A_563 = arith.constant 0 : i32
      %parallel_loop3A_564 = arith.cmpi sgt, %parallel_loop3A_551, %parallel_loop3A_563 : i32
      %parallel_loop3A_565 = arith.extui %parallel_loop3A_564 : i1 to i32
      %parallel_loop3A_566 = arith.constant 0 : i32
      %parallel_loop3A_567 = arith.cmpi slt, %parallel_loop3A_551, %parallel_loop3A_566 : i32
      %parallel_loop3A_568 = arith.extui %parallel_loop3A_567 : i1 to i32
      %parallel_loop3A_569 = arith.subi %parallel_loop3A_565, %parallel_loop3A_568 : i32
      %parallel_loop3A_570 = vector.broadcast %parallel_loop3A_569 : i32 to vector<16xi32>
      %parallel_loop3A_571 = arith.cmpi ne, %parallel_loop3A_562, %parallel_loop3A_570 : vector<16xi32>
      %parallel_loop3A_572 = vector.broadcast %parallel_loop3A_551 : i32 to vector<16xi32>
      %parallel_loop3A_573 = arith.remsi %parallel_loop3A_550, %parallel_loop3A_572 : vector<16xi32>
      %parallel_loop3A_574 = arith.constant 0 : i32
      %parallel_loop3A_575 = vector.broadcast %parallel_loop3A_574 : i32 to vector<16xi32>
      %parallel_loop3A_576 = arith.cmpi ne, %parallel_loop3A_573, %parallel_loop3A_575 : vector<16xi32>
      %parallel_loop3A_577 = arith.andi %parallel_loop3A_571, %parallel_loop3A_576 : vector<16xi1>
      %parallel_loop3A_578 = arith.constant 1 : i32
      %parallel_loop3A_579 = vector.broadcast %parallel_loop3A_578 : i32 to vector<16xi32>
      %parallel_loop3A_580 = arith.subi %parallel_loop3A_553, %parallel_loop3A_579 : vector<16xi32>
      %parallel_loop3A_581 = arith.select %parallel_loop3A_577, %parallel_loop3A_580, %parallel_loop3A_553 : vector<16xi1>, vector<16xi32>
      %parallel_loop3A_582 = arith.constant 33 : i32
      %parallel_loop3A_583 = vector.broadcast %parallel_loop3A_582 : i32 to vector<16xi32>
      %parallel_loop3A_584 = arith.muli %parallel_loop3A_581, %parallel_loop3A_583 : vector<16xi32>
      %parallel_loop3A_585 = arith.subi %parallel_loop3A_550, %parallel_loop3A_584 : vector<16xi32>
      %parallel_loop3A_586 = arith.constant 33 : i32
      %parallel_loop3A_587 = vector.broadcast %parallel_loop3A_586 : i32 to vector<16xi32>
      %parallel_loop3A_588 = arith.muli %parallel_loop3A_585, %parallel_loop3A_587 : vector<16xi32>
      %parallel_loop3A_589 = arith.addi %parallel_loop3A_588, %parallel_loop3A_581 : vector<16xi32>
      %parallel_loop3A_590 = arith.constant 1088 : i32
      %parallel_loop3A_591 = vector.broadcast %parallel_loop3A_590 : i32 to vector<16xi32>
      %parallel_loop3A_592 = arith.minsi %parallel_loop3A_589, %parallel_loop3A_591 : vector<16xi32>
      %parallel_loop3A_593 = arith.constant 3312 : i32
      %parallel_loop3A_594 = vector.broadcast %parallel_loop3A_593 : i32 to vector<16xi32>
      %parallel_loop3A_595 = arith.addi %parallel_loop3A_592, %parallel_loop3A_594 : vector<16xi32>
      %parallel_loop3A_596 = arith.constant 3312 : i32
      %parallel_loop3A_597 = arith.addi %parallel_loop3A_548, %parallel_loop3A_596 : i32
      %parallel_loop3A_598 = arith.index_cast %parallel_loop3A_597 : i32 to index
      %parallel_loop3A_599 = tpu.vector_load %arg6[%parallel_loop3A_598] {strides = array<i32>} : memref<4416xf32, #tpu.memory_space<vmem>>, vector<16xf32>,
      %parallel_loop3A_600 = tpu.vector_load_idx %arg6[%parallel_loop3A_595] : memref<4416xf32, #tpu.memory_space<vmem>>[vector<16xi32>], vector<16xf32>,
      %parallel_loop3A_601 = arith.addf %parallel_loop3A_599, %parallel_loop3A_600 : vector<16xf32>
      %parallel_loop3A_602 = arith.constant 3312 : i32
      %parallel_loop3A_603 = arith.addi %parallel_loop3A_548, %parallel_loop3A_602 : i32
      %parallel_loop3A_604 = arith.index_cast %parallel_loop3A_603 : i32 to index
      %parallel_loop3A_605 = tpu.vector_load %arg7[%parallel_loop3A_604] {strides = array<i32>} : memref<4416xf32, #tpu.memory_space<vmem>>, vector<16xf32>,
      tpu.vector_store %arg7[%parallel_loop3A_604], %parallel_loop3A_601 {strides = array<i32>} : memref<4416xf32, #tpu.memory_space<vmem>>, vector<16xf32>,
    } {sc.loop_unroll_factor = 2 : i64, sc.parallel_access}
    %add3A_25 = arith.constant 0 : i32
    %add3A_26 = vector.broadcast %add3A_25 : i32 to vector<16xi32>
    %add3A_27 = arith.addi %iota3A, %add3A_26 : vector<16xi32>
    %mul3A_28 = arith.constant 33 : i32
    %mul3A_29 = vector.broadcast %mul3A_28 : i32 to vector<16xi32>
    %mul3A_30 = arith.muli %add3A_27, %mul3A_29 : vector<16xi32>
    %broadcast_in_dim3A_31 = arith.constant 0.000000e+00 : f32
    %broadcast_in_dim3A_32 = vector.broadcast %broadcast_in_dim3A_31 : f32 to vector<16xf32>
    %add3A_33 = arith.constant 0 : i32
    %add3A_34 = vector.broadcast %add3A_33 : i32 to vector<16xi32>
    %add3A_35 = arith.addi %mul3A_30, %add3A_34 : vector<16xi32>
    %gather3A = tpu.vector_load_idx %arg6[%add3A_35] : memref<4416xf32, #tpu.memory_space<vmem>>[vector<16xi32>], vector<16xf32>,
    %add3A_36 = arith.addf %broadcast_in_dim3A_32, %gather3A : vector<16xf32>
    %add3A_37 = arith.constant 1 : i32
    %add3A_38 = vector.broadcast %add3A_37 : i32 to vector<16xi32>
    %add3A_39 = arith.addi %mul3A_30, %add3A_38 : vector<16xi32>
    %gather3A_40 = tpu.vector_load_idx %arg6[%add3A_39] : memref<4416xf32, #tpu.memory_space<vmem>>[vector<16xi32>], vector<16xf32>,
    %add3A_41 = arith.addf %add3A_36, %gather3A_40 : vector<16xf32>
    %add3A_42 = arith.constant 2 : i32
    %add3A_43 = vector.broadcast %add3A_42 : i32 to vector<16xi32>
    %add3A_44 = arith.addi %mul3A_30, %add3A_43 : vector<16xi32>
    %gather3A_45 = tpu.vector_load_idx %arg6[%add3A_44] : memref<4416xf32, #tpu.memory_space<vmem>>[vector<16xi32>], vector<16xf32>,
    %add3A_46 = arith.addf %add3A_41, %gather3A_45 : vector<16xf32>
    %add3A_47 = arith.constant 3 : i32
    %add3A_48 = vector.broadcast %add3A_47 : i32 to vector<16xi32>
    %add3A_49 = arith.addi %mul3A_30, %add3A_48 : vector<16xi32>
    %gather3A_50 = tpu.vector_load_idx %arg6[%add3A_49] : memref<4416xf32, #tpu.memory_space<vmem>>[vector<16xi32>], vector<16xf32>,
    %add3A_51 = arith.addf %add3A_46, %gather3A_50 : vector<16xf32>
    %add3A_52 = arith.constant 4 : i32
    %add3A_53 = vector.broadcast %add3A_52 : i32 to vector<16xi32>
    %add3A_54 = arith.addi %mul3A_30, %add3A_53 : vector<16xi32>
    %gather3A_55 = tpu.vector_load_idx %arg6[%add3A_54] : memref<4416xf32, #tpu.memory_space<vmem>>[vector<16xi32>], vector<16xf32>,
    %add3A_56 = arith.addf %add3A_51, %gather3A_55 : vector<16xf32>
    %add3A_57 = arith.constant 5 : i32
    %add3A_58 = vector.broadcast %add3A_57 : i32 to vector<16xi32>
    %add3A_59 = arith.addi %mul3A_30, %add3A_58 : vector<16xi32>
    %gather3A_60 = tpu.vector_load_idx %arg6[%add3A_59] : memref<4416xf32, #tpu.memory_space<vmem>>[vector<16xi32>], vector<16xf32>,
    %add3A_61 = arith.addf %add3A_56, %gather3A_60 : vector<16xf32>
    %add3A_62 = arith.constant 6 : i32
    %add3A_63 = vector.broadcast %add3A_62 : i32 to vector<16xi32>
    %add3A_64 = arith.addi %mul3A_30, %add3A_63 : vector<16xi32>
    %gather3A_65 = tpu.vector_load_idx %arg6[%add3A_64] : memref<4416xf32, #tpu.memory_space<vmem>>[vector<16xi32>], vector<16xf32>,
    %add3A_66 = arith.addf %add3A_61, %gather3A_65 : vector<16xf32>
    %add3A_67 = arith.constant 7 : i32
    %add3A_68 = vector.broadcast %add3A_67 : i32 to vector<16xi32>
    %add3A_69 = arith.addi %mul3A_30, %add3A_68 : vector<16xi32>
    %gather3A_70 = tpu.vector_load_idx %arg6[%add3A_69] : memref<4416xf32, #tpu.memory_space<vmem>>[vector<16xi32>], vector<16xf32>,
    %add3A_71 = arith.addf %add3A_66, %gather3A_70 : vector<16xf32>
    %add3A_72 = arith.constant 8 : i32
    %add3A_73 = vector.broadcast %add3A_72 : i32 to vector<16xi32>
    %add3A_74 = arith.addi %mul3A_30, %add3A_73 : vector<16xi32>
    %gather3A_75 = tpu.vector_load_idx %arg6[%add3A_74] : memref<4416xf32, #tpu.memory_space<vmem>>[vector<16xi32>], vector<16xf32>,
    %add3A_76 = arith.addf %add3A_71, %gather3A_75 : vector<16xf32>
    %add3A_77 = arith.constant 9 : i32
    %add3A_78 = vector.broadcast %add3A_77 : i32 to vector<16xi32>
    %add3A_79 = arith.addi %mul3A_30, %add3A_78 : vector<16xi32>
    %gather3A_80 = tpu.vector_load_idx %arg6[%add3A_79] : memref<4416xf32, #tpu.memory_space<vmem>>[vector<16xi32>], vector<16xf32>,
    %add3A_81 = arith.addf %add3A_76, %gather3A_80 : vector<16xf32>
    %add3A_82 = arith.constant 10 : i32
    %add3A_83 = vector.broadcast %add3A_82 : i32 to vector<16xi32>
    %add3A_84 = arith.addi %mul3A_30, %add3A_83 : vector<16xi32>
    %gather3A_85 = tpu.vector_load_idx %arg6[%add3A_84] : memref<4416xf32, #tpu.memory_space<vmem>>[vector<16xi32>], vector<16xf32>,
    %add3A_86 = arith.addf %add3A_81, %gather3A_85 : vector<16xf32>
    %add3A_87 = arith.constant 11 : i32
    %add3A_88 = vector.broadcast %add3A_87 : i32 to vector<16xi32>
    %add3A_89 = arith.addi %mul3A_30, %add3A_88 : vector<16xi32>
    %gather3A_90 = tpu.vector_load_idx %arg6[%add3A_89] : memref<4416xf32, #tpu.memory_space<vmem>>[vector<16xi32>], vector<16xf32>,
    %add3A_91 = arith.addf %add3A_86, %gather3A_90 : vector<16xf32>
    %add3A_92 = arith.constant 12 : i32
    %add3A_93 = vector.broadcast %add3A_92 : i32 to vector<16xi32>
    %add3A_94 = arith.addi %mul3A_30, %add3A_93 : vector<16xi32>
    %gather3A_95 = tpu.vector_load_idx %arg6[%add3A_94] : memref<4416xf32, #tpu.memory_space<vmem>>[vector<16xi32>], vector<16xf32>,
    %add3A_96 = arith.addf %add3A_91, %gather3A_95 : vector<16xf32>
    %add3A_97 = arith.constant 13 : i32
    %add3A_98 = vector.broadcast %add3A_97 : i32 to vector<16xi32>
    %add3A_99 = arith.addi %mul3A_30, %add3A_98 : vector<16xi32>
    %gather3A_100 = tpu.vector_load_idx %arg6[%add3A_99] : memref<4416xf32, #tpu.memory_space<vmem>>[vector<16xi32>], vector<16xf32>,
    %add3A_101 = arith.addf %add3A_96, %gather3A_100 : vector<16xf32>
    %add3A_102 = arith.constant 14 : i32
    %add3A_103 = vector.broadcast %add3A_102 : i32 to vector<16xi32>
    %add3A_104 = arith.addi %mul3A_30, %add3A_103 : vector<16xi32>
    %gather3A_105 = tpu.vector_load_idx %arg6[%add3A_104] : memref<4416xf32, #tpu.memory_space<vmem>>[vector<16xi32>], vector<16xf32>,
    %add3A_106 = arith.addf %add3A_101, %gather3A_105 : vector<16xf32>
    %add3A_107 = arith.constant 15 : i32
    %add3A_108 = vector.broadcast %add3A_107 : i32 to vector<16xi32>
    %add3A_109 = arith.addi %mul3A_30, %add3A_108 : vector<16xi32>
    %gather3A_110 = tpu.vector_load_idx %arg6[%add3A_109] : memref<4416xf32, #tpu.memory_space<vmem>>[vector<16xi32>], vector<16xf32>,
    %add3A_111 = arith.addf %add3A_106, %gather3A_110 : vector<16xf32>
    %add3A_112 = arith.constant 16 : i32
    %add3A_113 = vector.broadcast %add3A_112 : i32 to vector<16xi32>
    %add3A_114 = arith.addi %mul3A_30, %add3A_113 : vector<16xi32>
    %gather3A_115 = tpu.vector_load_idx %arg6[%add3A_114] : memref<4416xf32, #tpu.memory_space<vmem>>[vector<16xi32>], vector<16xf32>,
    %add3A_116 = arith.addf %add3A_111, %gather3A_115 : vector<16xf32>
    %add3A_117 = arith.constant 17 : i32
    %add3A_118 = vector.broadcast %add3A_117 : i32 to vector<16xi32>
    %add3A_119 = arith.addi %mul3A_30, %add3A_118 : vector<16xi32>
    %gather3A_120 = tpu.vector_load_idx %arg6[%add3A_119] : memref<4416xf32, #tpu.memory_space<vmem>>[vector<16xi32>], vector<16xf32>,
    %add3A_121 = arith.addf %add3A_116, %gather3A_120 : vector<16xf32>
    %add3A_122 = arith.constant 18 : i32
    %add3A_123 = vector.broadcast %add3A_122 : i32 to vector<16xi32>
    %add3A_124 = arith.addi %mul3A_30, %add3A_123 : vector<16xi32>
    %gather3A_125 = tpu.vector_load_idx %arg6[%add3A_124] : memref<4416xf32, #tpu.memory_space<vmem>>[vector<16xi32>], vector<16xf32>,
    %add3A_126 = arith.addf %add3A_121, %gather3A_125 : vector<16xf32>
    %add3A_127 = arith.constant 19 : i32
    %add3A_128 = vector.broadcast %add3A_127 : i32 to vector<16xi32>
    %add3A_129 = arith.addi %mul3A_30, %add3A_128 : vector<16xi32>
    %gather3A_130 = tpu.vector_load_idx %arg6[%add3A_129] : memref<4416xf32, #tpu.memory_space<vmem>>[vector<16xi32>], vector<16xf32>,
    %add3A_131 = arith.addf %add3A_126, %gather3A_130 : vector<16xf32>
    %add3A_132 = arith.constant 20 : i32
    %add3A_133 = vector.broadcast %add3A_132 : i32 to vector<16xi32>
    %add3A_134 = arith.addi %mul3A_30, %add3A_133 : vector<16xi32>
    %gather3A_135 = tpu.vector_load_idx %arg6[%add3A_134] : memref<4416xf32, #tpu.memory_space<vmem>>[vector<16xi32>], vector<16xf32>,
    %add3A_136 = arith.addf %add3A_131, %gather3A_135 : vector<16xf32>
    %add3A_137 = arith.constant 21 : i32
    %add3A_138 = vector.broadcast %add3A_137 : i32 to vector<16xi32>
    %add3A_139 = arith.addi %mul3A_30, %add3A_138 : vector<16xi32>
    %gather3A_140 = tpu.vector_load_idx %arg6[%add3A_139] : memref<4416xf32, #tpu.memory_space<vmem>>[vector<16xi32>], vector<16xf32>,
    %add3A_141 = arith.addf %add3A_136, %gather3A_140 : vector<16xf32>
    %add3A_142 = arith.constant 22 : i32
    %add3A_143 = vector.broadcast %add3A_142 : i32 to vector<16xi32>
    %add3A_144 = arith.addi %mul3A_30, %add3A_143 : vector<16xi32>
    %gather3A_145 = tpu.vector_load_idx %arg6[%add3A_144] : memref<4416xf32, #tpu.memory_space<vmem>>[vector<16xi32>], vector<16xf32>,
    %add3A_146 = arith.addf %add3A_141, %gather3A_145 : vector<16xf32>
    %add3A_147 = arith.constant 23 : i32
    %add3A_148 = vector.broadcast %add3A_147 : i32 to vector<16xi32>
    %add3A_149 = arith.addi %mul3A_30, %add3A_148 : vector<16xi32>
    %gather3A_150 = tpu.vector_load_idx %arg6[%add3A_149] : memref<4416xf32, #tpu.memory_space<vmem>>[vector<16xi32>], vector<16xf32>,
    %add3A_151 = arith.addf %add3A_146, %gather3A_150 : vector<16xf32>
    %add3A_152 = arith.constant 24 : i32
    %add3A_153 = vector.broadcast %add3A_152 : i32 to vector<16xi32>
    %add3A_154 = arith.addi %mul3A_30, %add3A_153 : vector<16xi32>
    %gather3A_155 = tpu.vector_load_idx %arg6[%add3A_154] : memref<4416xf32, #tpu.memory_space<vmem>>[vector<16xi32>], vector<16xf32>,
    %add3A_156 = arith.addf %add3A_151, %gather3A_155 : vector<16xf32>
    %add3A_157 = arith.constant 25 : i32
    %add3A_158 = vector.broadcast %add3A_157 : i32 to vector<16xi32>
    %add3A_159 = arith.addi %mul3A_30, %add3A_158 : vector<16xi32>
    %gather3A_160 = tpu.vector_load_idx %arg6[%add3A_159] : memref<4416xf32, #tpu.memory_space<vmem>>[vector<16xi32>], vector<16xf32>,
    %add3A_161 = arith.addf %add3A_156, %gather3A_160 : vector<16xf32>
    %add3A_162 = arith.constant 26 : i32
    %add3A_163 = vector.broadcast %add3A_162 : i32 to vector<16xi32>
    %add3A_164 = arith.addi %mul3A_30, %add3A_163 : vector<16xi32>
    %gather3A_165 = tpu.vector_load_idx %arg6[%add3A_164] : memref<4416xf32, #tpu.memory_space<vmem>>[vector<16xi32>], vector<16xf32>,
    %add3A_166 = arith.addf %add3A_161, %gather3A_165 : vector<16xf32>
    %add3A_167 = arith.constant 27 : i32
    %add3A_168 = vector.broadcast %add3A_167 : i32 to vector<16xi32>
    %add3A_169 = arith.addi %mul3A_30, %add3A_168 : vector<16xi32>
    %gather3A_170 = tpu.vector_load_idx %arg6[%add3A_169] : memref<4416xf32, #tpu.memory_space<vmem>>[vector<16xi32>], vector<16xf32>,
    %add3A_171 = arith.addf %add3A_166, %gather3A_170 : vector<16xf32>
    %add3A_172 = arith.constant 28 : i32
    %add3A_173 = vector.broadcast %add3A_172 : i32 to vector<16xi32>
    %add3A_174 = arith.addi %mul3A_30, %add3A_173 : vector<16xi32>
    %gather3A_175 = tpu.vector_load_idx %arg6[%add3A_174] : memref<4416xf32, #tpu.memory_space<vmem>>[vector<16xi32>], vector<16xf32>,
    %add3A_176 = arith.addf %add3A_171, %gather3A_175 : vector<16xf32>
    %add3A_177 = arith.constant 29 : i32
    %add3A_178 = vector.broadcast %add3A_177 : i32 to vector<16xi32>
    %add3A_179 = arith.addi %mul3A_30, %add3A_178 : vector<16xi32>
    %gather3A_180 = tpu.vector_load_idx %arg6[%add3A_179] : memref<4416xf32, #tpu.memory_space<vmem>>[vector<16xi32>], vector<16xf32>,
    %add3A_181 = arith.addf %add3A_176, %gather3A_180 : vector<16xf32>
    %add3A_182 = arith.constant 30 : i32
    %add3A_183 = vector.broadcast %add3A_182 : i32 to vector<16xi32>
    %add3A_184 = arith.addi %mul3A_30, %add3A_183 : vector<16xi32>
    %gather3A_185 = tpu.vector_load_idx %arg6[%add3A_184] : memref<4416xf32, #tpu.memory_space<vmem>>[vector<16xi32>], vector<16xf32>,
    %add3A_186 = arith.addf %add3A_181, %gather3A_185 : vector<16xf32>
    %add3A_187 = arith.constant 31 : i32
    %add3A_188 = vector.broadcast %add3A_187 : i32 to vector<16xi32>
    %add3A_189 = arith.addi %mul3A_30, %add3A_188 : vector<16xi32>
    %gather3A_190 = tpu.vector_load_idx %arg6[%add3A_189] : memref<4416xf32, #tpu.memory_space<vmem>>[vector<16xi32>], vector<16xf32>,
    %add3A_191 = arith.addf %add3A_186, %gather3A_190 : vector<16xf32>
    %add3A_192 = arith.constant 32 : i32
    %add3A_193 = vector.broadcast %add3A_192 : i32 to vector<16xi32>
    %add3A_194 = arith.addi %mul3A_30, %add3A_193 : vector<16xi32>
    %gather3A_195 = tpu.vector_load_idx %arg6[%add3A_194] : memref<4416xf32, #tpu.memory_space<vmem>>[vector<16xi32>], vector<16xf32>,
    %add3A_196 = arith.addf %add3A_191, %gather3A_195 : vector<16xf32>
    %swap3A = arith.constant 0 : index
    %swap3A_197 = tpu.vector_load %arg8[%swap3A] {strides = array<i32>} : memref<48xf32, #tpu.memory_space<vmem>>, vector<16xf32>,
    tpu.vector_store %arg8[%swap3A], %add3A_196 {strides = array<i32>} : memref<48xf32, #tpu.memory_space<vmem>>, vector<16xf32>,
    %add3A_198 = arith.constant 16 : i32
    %add3A_199 = vector.broadcast %add3A_198 : i32 to vector<16xi32>
    %add3A_200 = arith.addi %iota3A, %add3A_199 : vector<16xi32>
    %mul3A_201 = arith.constant 33 : i32
    %mul3A_202 = vector.broadcast %mul3A_201 : i32 to vector<16xi32>
    %mul3A_203 = arith.muli %add3A_200, %mul3A_202 : vector<16xi32>
    %broadcast_in_dim3A_204 = arith.constant 0.000000e+00 : f32
    %broadcast_in_dim3A_205 = vector.broadcast %broadcast_in_dim3A_204 : f32 to vector<16xf32>
    %add3A_206 = arith.constant 0 : i32
    %add3A_207 = vector.broadcast %add3A_206 : i32 to vector<16xi32>
    %add3A_208 = arith.addi %mul3A_203, %add3A_207 : vector<16xi32>
    %gather3A_209 = tpu.vector_load_idx %arg6[%add3A_208] : memref<4416xf32, #tpu.memory_space<vmem>>[vector<16xi32>], vector<16xf32>,
    %add3A_210 = arith.addf %broadcast_in_dim3A_205, %gather3A_209 : vector<16xf32>
    %add3A_211 = arith.constant 1 : i32
    %add3A_212 = vector.broadcast %add3A_211 : i32 to vector<16xi32>
    %add3A_213 = arith.addi %mul3A_203, %add3A_212 : vector<16xi32>
    %gather3A_214 = tpu.vector_load_idx %arg6[%add3A_213] : memref<4416xf32, #tpu.memory_space<vmem>>[vector<16xi32>], vector<16xf32>,
    %add3A_215 = arith.addf %add3A_210, %gather3A_214 : vector<16xf32>
    %add3A_216 = arith.constant 2 : i32
    %add3A_217 = vector.broadcast %add3A_216 : i32 to vector<16xi32>
    %add3A_218 = arith.addi %mul3A_203, %add3A_217 : vector<16xi32>
    %gather3A_219 = tpu.vector_load_idx %arg6[%add3A_218] : memref<4416xf32, #tpu.memory_space<vmem>>[vector<16xi32>], vector<16xf32>,
    %add3A_220 = arith.addf %add3A_215, %gather3A_219 : vector<16xf32>
    %add3A_221 = arith.constant 3 : i32
    %add3A_222 = vector.broadcast %add3A_221 : i32 to vector<16xi32>
    %add3A_223 = arith.addi %mul3A_203, %add3A_222 : vector<16xi32>
    %gather3A_224 = tpu.vector_load_idx %arg6[%add3A_223] : memref<4416xf32, #tpu.memory_space<vmem>>[vector<16xi32>], vector<16xf32>,
    %add3A_225 = arith.addf %add3A_220, %gather3A_224 : vector<16xf32>
    %add3A_226 = arith.constant 4 : i32
    %add3A_227 = vector.broadcast %add3A_226 : i32 to vector<16xi32>
    %add3A_228 = arith.addi %mul3A_203, %add3A_227 : vector<16xi32>
    %gather3A_229 = tpu.vector_load_idx %arg6[%add3A_228] : memref<4416xf32, #tpu.memory_space<vmem>>[vector<16xi32>], vector<16xf32>,
    %add3A_230 = arith.addf %add3A_225, %gather3A_229 : vector<16xf32>
    %add3A_231 = arith.constant 5 : i32
    %add3A_232 = vector.broadcast %add3A_231 : i32 to vector<16xi32>
    %add3A_233 = arith.addi %mul3A_203, %add3A_232 : vector<16xi32>
    %gather3A_234 = tpu.vector_load_idx %arg6[%add3A_233] : memref<4416xf32, #tpu.memory_space<vmem>>[vector<16xi32>], vector<16xf32>,
    %add3A_235 = arith.addf %add3A_230, %gather3A_234 : vector<16xf32>
    %add3A_236 = arith.constant 6 : i32
    %add3A_237 = vector.broadcast %add3A_236 : i32 to vector<16xi32>
    %add3A_238 = arith.addi %mul3A_203, %add3A_237 : vector<16xi32>
    %gather3A_239 = tpu.vector_load_idx %arg6[%add3A_238] : memref<4416xf32, #tpu.memory_space<vmem>>[vector<16xi32>], vector<16xf32>,
    %add3A_240 = arith.addf %add3A_235, %gather3A_239 : vector<16xf32>
    %add3A_241 = arith.constant 7 : i32
    %add3A_242 = vector.broadcast %add3A_241 : i32 to vector<16xi32>
    %add3A_243 = arith.addi %mul3A_203, %add3A_242 : vector<16xi32>
    %gather3A_244 = tpu.vector_load_idx %arg6[%add3A_243] : memref<4416xf32, #tpu.memory_space<vmem>>[vector<16xi32>], vector<16xf32>,
    %add3A_245 = arith.addf %add3A_240, %gather3A_244 : vector<16xf32>
    %add3A_246 = arith.constant 8 : i32
    %add3A_247 = vector.broadcast %add3A_246 : i32 to vector<16xi32>
    %add3A_248 = arith.addi %mul3A_203, %add3A_247 : vector<16xi32>
    %gather3A_249 = tpu.vector_load_idx %arg6[%add3A_248] : memref<4416xf32, #tpu.memory_space<vmem>>[vector<16xi32>], vector<16xf32>,
    %add3A_250 = arith.addf %add3A_245, %gather3A_249 : vector<16xf32>
    %add3A_251 = arith.constant 9 : i32
    %add3A_252 = vector.broadcast %add3A_251 : i32 to vector<16xi32>
    %add3A_253 = arith.addi %mul3A_203, %add3A_252 : vector<16xi32>
    %gather3A_254 = tpu.vector_load_idx %arg6[%add3A_253] : memref<4416xf32, #tpu.memory_space<vmem>>[vector<16xi32>], vector<16xf32>,
    %add3A_255 = arith.addf %add3A_250, %gather3A_254 : vector<16xf32>
    %add3A_256 = arith.constant 10 : i32
    %add3A_257 = vector.broadcast %add3A_256 : i32 to vector<16xi32>
    %add3A_258 = arith.addi %mul3A_203, %add3A_257 : vector<16xi32>
    %gather3A_259 = tpu.vector_load_idx %arg6[%add3A_258] : memref<4416xf32, #tpu.memory_space<vmem>>[vector<16xi32>], vector<16xf32>,
    %add3A_260 = arith.addf %add3A_255, %gather3A_259 : vector<16xf32>
    %add3A_261 = arith.constant 11 : i32
    %add3A_262 = vector.broadcast %add3A_261 : i32 to vector<16xi32>
    %add3A_263 = arith.addi %mul3A_203, %add3A_262 : vector<16xi32>
    %gather3A_264 = tpu.vector_load_idx %arg6[%add3A_263] : memref<4416xf32, #tpu.memory_space<vmem>>[vector<16xi32>], vector<16xf32>,
    %add3A_265 = arith.addf %add3A_260, %gather3A_264 : vector<16xf32>
    %add3A_266 = arith.constant 12 : i32
    %add3A_267 = vector.broadcast %add3A_266 : i32 to vector<16xi32>
    %add3A_268 = arith.addi %mul3A_203, %add3A_267 : vector<16xi32>
    %gather3A_269 = tpu.vector_load_idx %arg6[%add3A_268] : memref<4416xf32, #tpu.memory_space<vmem>>[vector<16xi32>], vector<16xf32>,
    %add3A_270 = arith.addf %add3A_265, %gather3A_269 : vector<16xf32>
    %add3A_271 = arith.constant 13 : i32
    %add3A_272 = vector.broadcast %add3A_271 : i32 to vector<16xi32>
    %add3A_273 = arith.addi %mul3A_203, %add3A_272 : vector<16xi32>
    %gather3A_274 = tpu.vector_load_idx %arg6[%add3A_273] : memref<4416xf32, #tpu.memory_space<vmem>>[vector<16xi32>], vector<16xf32>,
    %add3A_275 = arith.addf %add3A_270, %gather3A_274 : vector<16xf32>
    %add3A_276 = arith.constant 14 : i32
    %add3A_277 = vector.broadcast %add3A_276 : i32 to vector<16xi32>
    %add3A_278 = arith.addi %mul3A_203, %add3A_277 : vector<16xi32>
    %gather3A_279 = tpu.vector_load_idx %arg6[%add3A_278] : memref<4416xf32, #tpu.memory_space<vmem>>[vector<16xi32>], vector<16xf32>,
    %add3A_280 = arith.addf %add3A_275, %gather3A_279 : vector<16xf32>
    %add3A_281 = arith.constant 15 : i32
    %add3A_282 = vector.broadcast %add3A_281 : i32 to vector<16xi32>
    %add3A_283 = arith.addi %mul3A_203, %add3A_282 : vector<16xi32>
    %gather3A_284 = tpu.vector_load_idx %arg6[%add3A_283] : memref<4416xf32, #tpu.memory_space<vmem>>[vector<16xi32>], vector<16xf32>,
    %add3A_285 = arith.addf %add3A_280, %gather3A_284 : vector<16xf32>
    %add3A_286 = arith.constant 16 : i32
    %add3A_287 = vector.broadcast %add3A_286 : i32 to vector<16xi32>
    %add3A_288 = arith.addi %mul3A_203, %add3A_287 : vector<16xi32>
    %gather3A_289 = tpu.vector_load_idx %arg6[%add3A_288] : memref<4416xf32, #tpu.memory_space<vmem>>[vector<16xi32>], vector<16xf32>,
    %add3A_290 = arith.addf %add3A_285, %gather3A_289 : vector<16xf32>
    %add3A_291 = arith.constant 17 : i32
    %add3A_292 = vector.broadcast %add3A_291 : i32 to vector<16xi32>
    %add3A_293 = arith.addi %mul3A_203, %add3A_292 : vector<16xi32>
    %gather3A_294 = tpu.vector_load_idx %arg6[%add3A_293] : memref<4416xf32, #tpu.memory_space<vmem>>[vector<16xi32>], vector<16xf32>,
    %add3A_295 = arith.addf %add3A_290, %gather3A_294 : vector<16xf32>
    %add3A_296 = arith.constant 18 : i32
    %add3A_297 = vector.broadcast %add3A_296 : i32 to vector<16xi32>
    %add3A_298 = arith.addi %mul3A_203, %add3A_297 : vector<16xi32>
    %gather3A_299 = tpu.vector_load_idx %arg6[%add3A_298] : memref<4416xf32, #tpu.memory_space<vmem>>[vector<16xi32>], vector<16xf32>,
    %add3A_300 = arith.addf %add3A_295, %gather3A_299 : vector<16xf32>
    %add3A_301 = arith.constant 19 : i32
    %add3A_302 = vector.broadcast %add3A_301 : i32 to vector<16xi32>
    %add3A_303 = arith.addi %mul3A_203, %add3A_302 : vector<16xi32>
    %gather3A_304 = tpu.vector_load_idx %arg6[%add3A_303] : memref<4416xf32, #tpu.memory_space<vmem>>[vector<16xi32>], vector<16xf32>,
    %add3A_305 = arith.addf %add3A_300, %gather3A_304 : vector<16xf32>
    %add3A_306 = arith.constant 20 : i32
    %add3A_307 = vector.broadcast %add3A_306 : i32 to vector<16xi32>
    %add3A_308 = arith.addi %mul3A_203, %add3A_307 : vector<16xi32>
    %gather3A_309 = tpu.vector_load_idx %arg6[%add3A_308] : memref<4416xf32, #tpu.memory_space<vmem>>[vector<16xi32>], vector<16xf32>,
    %add3A_310 = arith.addf %add3A_305, %gather3A_309 : vector<16xf32>
    %add3A_311 = arith.constant 21 : i32
    %add3A_312 = vector.broadcast %add3A_311 : i32 to vector<16xi32>
    %add3A_313 = arith.addi %mul3A_203, %add3A_312 : vector<16xi32>
    %gather3A_314 = tpu.vector_load_idx %arg6[%add3A_313] : memref<4416xf32, #tpu.memory_space<vmem>>[vector<16xi32>], vector<16xf32>,
    %add3A_315 = arith.addf %add3A_310, %gather3A_314 : vector<16xf32>
    %add3A_316 = arith.constant 22 : i32
    %add3A_317 = vector.broadcast %add3A_316 : i32 to vector<16xi32>
    %add3A_318 = arith.addi %mul3A_203, %add3A_317 : vector<16xi32>
    %gather3A_319 = tpu.vector_load_idx %arg6[%add3A_318] : memref<4416xf32, #tpu.memory_space<vmem>>[vector<16xi32>], vector<16xf32>,
    %add3A_320 = arith.addf %add3A_315, %gather3A_319 : vector<16xf32>
    %add3A_321 = arith.constant 23 : i32
    %add3A_322 = vector.broadcast %add3A_321 : i32 to vector<16xi32>
    %add3A_323 = arith.addi %mul3A_203, %add3A_322 : vector<16xi32>
    %gather3A_324 = tpu.vector_load_idx %arg6[%add3A_323] : memref<4416xf32, #tpu.memory_space<vmem>>[vector<16xi32>], vector<16xf32>,
    %add3A_325 = arith.addf %add3A_320, %gather3A_324 : vector<16xf32>
    %add3A_326 = arith.constant 24 : i32
    %add3A_327 = vector.broadcast %add3A_326 : i32 to vector<16xi32>
    %add3A_328 = arith.addi %mul3A_203, %add3A_327 : vector<16xi32>
    %gather3A_329 = tpu.vector_load_idx %arg6[%add3A_328] : memref<4416xf32, #tpu.memory_space<vmem>>[vector<16xi32>], vector<16xf32>,
    %add3A_330 = arith.addf %add3A_325, %gather3A_329 : vector<16xf32>
    %add3A_331 = arith.constant 25 : i32
    %add3A_332 = vector.broadcast %add3A_331 : i32 to vector<16xi32>
    %add3A_333 = arith.addi %mul3A_203, %add3A_332 : vector<16xi32>
    %gather3A_334 = tpu.vector_load_idx %arg6[%add3A_333] : memref<4416xf32, #tpu.memory_space<vmem>>[vector<16xi32>], vector<16xf32>,
    %add3A_335 = arith.addf %add3A_330, %gather3A_334 : vector<16xf32>
    %add3A_336 = arith.constant 26 : i32
    %add3A_337 = vector.broadcast %add3A_336 : i32 to vector<16xi32>
    %add3A_338 = arith.addi %mul3A_203, %add3A_337 : vector<16xi32>
    %gather3A_339 = tpu.vector_load_idx %arg6[%add3A_338] : memref<4416xf32, #tpu.memory_space<vmem>>[vector<16xi32>], vector<16xf32>,
    %add3A_340 = arith.addf %add3A_335, %gather3A_339 : vector<16xf32>
    %add3A_341 = arith.constant 27 : i32
    %add3A_342 = vector.broadcast %add3A_341 : i32 to vector<16xi32>
    %add3A_343 = arith.addi %mul3A_203, %add3A_342 : vector<16xi32>
    %gather3A_344 = tpu.vector_load_idx %arg6[%add3A_343] : memref<4416xf32, #tpu.memory_space<vmem>>[vector<16xi32>], vector<16xf32>,
    %add3A_345 = arith.addf %add3A_340, %gather3A_344 : vector<16xf32>
    %add3A_346 = arith.constant 28 : i32
    %add3A_347 = vector.broadcast %add3A_346 : i32 to vector<16xi32>
    %add3A_348 = arith.addi %mul3A_203, %add3A_347 : vector<16xi32>
    %gather3A_349 = tpu.vector_load_idx %arg6[%add3A_348] : memref<4416xf32, #tpu.memory_space<vmem>>[vector<16xi32>], vector<16xf32>,
    %add3A_350 = arith.addf %add3A_345, %gather3A_349 : vector<16xf32>
    %add3A_351 = arith.constant 29 : i32
    %add3A_352 = vector.broadcast %add3A_351 : i32 to vector<16xi32>
    %add3A_353 = arith.addi %mul3A_203, %add3A_352 : vector<16xi32>
    %gather3A_354 = tpu.vector_load_idx %arg6[%add3A_353] : memref<4416xf32, #tpu.memory_space<vmem>>[vector<16xi32>], vector<16xf32>,
    %add3A_355 = arith.addf %add3A_350, %gather3A_354 : vector<16xf32>
    %add3A_356 = arith.constant 30 : i32
    %add3A_357 = vector.broadcast %add3A_356 : i32 to vector<16xi32>
    %add3A_358 = arith.addi %mul3A_203, %add3A_357 : vector<16xi32>
    %gather3A_359 = tpu.vector_load_idx %arg6[%add3A_358] : memref<4416xf32, #tpu.memory_space<vmem>>[vector<16xi32>], vector<16xf32>,
    %add3A_360 = arith.addf %add3A_355, %gather3A_359 : vector<16xf32>
    %add3A_361 = arith.constant 31 : i32
    %add3A_362 = vector.broadcast %add3A_361 : i32 to vector<16xi32>
    %add3A_363 = arith.addi %mul3A_203, %add3A_362 : vector<16xi32>
    %gather3A_364 = tpu.vector_load_idx %arg6[%add3A_363] : memref<4416xf32, #tpu.memory_space<vmem>>[vector<16xi32>], vector<16xf32>,
    %add3A_365 = arith.addf %add3A_360, %gather3A_364 : vector<16xf32>
    %add3A_366 = arith.constant 32 : i32
    %add3A_367 = vector.broadcast %add3A_366 : i32 to vector<16xi32>
    %add3A_368 = arith.addi %mul3A_203, %add3A_367 : vector<16xi32>
    %gather3A_369 = tpu.vector_load_idx %arg6[%add3A_368] : memref<4416xf32, #tpu.memory_space<vmem>>[vector<16xi32>], vector<16xf32>,
    %add3A_370 = arith.addf %add3A_365, %gather3A_369 : vector<16xf32>
    %swap3A_371 = arith.constant 16 : index
    %swap3A_372 = tpu.vector_load %arg8[%swap3A_371] {strides = array<i32>} : memref<48xf32, #tpu.memory_space<vmem>>, vector<16xf32>,
    tpu.vector_store %arg8[%swap3A_371], %add3A_370 {strides = array<i32>} : memref<48xf32, #tpu.memory_space<vmem>>, vector<16xf32>,
    %add3A_373 = arith.constant 32 : i32
    %add3A_374 = vector.broadcast %add3A_373 : i32 to vector<16xi32>
    %add3A_375 = arith.addi %iota3A, %add3A_374 : vector<16xi32>
    %mul3A_376 = arith.constant 33 : i32
    %mul3A_377 = vector.broadcast %mul3A_376 : i32 to vector<16xi32>
    %mul3A_378 = arith.muli %add3A_375, %mul3A_377 : vector<16xi32>
    %broadcast_in_dim3A_379 = arith.constant 0.000000e+00 : f32
    %broadcast_in_dim3A_380 = vector.broadcast %broadcast_in_dim3A_379 : f32 to vector<16xf32>
    %add3A_381 = arith.constant 0 : i32
    %add3A_382 = vector.broadcast %add3A_381 : i32 to vector<16xi32>
    %add3A_383 = arith.addi %mul3A_378, %add3A_382 : vector<16xi32>
    %gather3A_384 = tpu.vector_load_idx %arg6[%add3A_383] : memref<4416xf32, #tpu.memory_space<vmem>>[vector<16xi32>], vector<16xf32>,
    %add3A_385 = arith.addf %broadcast_in_dim3A_380, %gather3A_384 : vector<16xf32>
    %add3A_386 = arith.constant 1 : i32
    %add3A_387 = vector.broadcast %add3A_386 : i32 to vector<16xi32>
    %add3A_388 = arith.addi %mul3A_378, %add3A_387 : vector<16xi32>
    %gather3A_389 = tpu.vector_load_idx %arg6[%add3A_388] : memref<4416xf32, #tpu.memory_space<vmem>>[vector<16xi32>], vector<16xf32>,
    %add3A_390 = arith.addf %add3A_385, %gather3A_389 : vector<16xf32>
    %add3A_391 = arith.constant 2 : i32
    %add3A_392 = vector.broadcast %add3A_391 : i32 to vector<16xi32>
    %add3A_393 = arith.addi %mul3A_378, %add3A_392 : vector<16xi32>
    %gather3A_394 = tpu.vector_load_idx %arg6[%add3A_393] : memref<4416xf32, #tpu.memory_space<vmem>>[vector<16xi32>], vector<16xf32>,
    %add3A_395 = arith.addf %add3A_390, %gather3A_394 : vector<16xf32>
    %add3A_396 = arith.constant 3 : i32
    %add3A_397 = vector.broadcast %add3A_396 : i32 to vector<16xi32>
    %add3A_398 = arith.addi %mul3A_378, %add3A_397 : vector<16xi32>
    %gather3A_399 = tpu.vector_load_idx %arg6[%add3A_398] : memref<4416xf32, #tpu.memory_space<vmem>>[vector<16xi32>], vector<16xf32>,
    %add3A_400 = arith.addf %add3A_395, %gather3A_399 : vector<16xf32>
    %add3A_401 = arith.constant 4 : i32
    %add3A_402 = vector.broadcast %add3A_401 : i32 to vector<16xi32>
    %add3A_403 = arith.addi %mul3A_378, %add3A_402 : vector<16xi32>
    %gather3A_404 = tpu.vector_load_idx %arg6[%add3A_403] : memref<4416xf32, #tpu.memory_space<vmem>>[vector<16xi32>], vector<16xf32>,
    %add3A_405 = arith.addf %add3A_400, %gather3A_404 : vector<16xf32>
    %add3A_406 = arith.constant 5 : i32
    %add3A_407 = vector.broadcast %add3A_406 : i32 to vector<16xi32>
    %add3A_408 = arith.addi %mul3A_378, %add3A_407 : vector<16xi32>
    %gather3A_409 = tpu.vector_load_idx %arg6[%add3A_408] : memref<4416xf32, #tpu.memory_space<vmem>>[vector<16xi32>], vector<16xf32>,
    %add3A_410 = arith.addf %add3A_405, %gather3A_409 : vector<16xf32>
    %add3A_411 = arith.constant 6 : i32
    %add3A_412 = vector.broadcast %add3A_411 : i32 to vector<16xi32>
    %add3A_413 = arith.addi %mul3A_378, %add3A_412 : vector<16xi32>
    %gather3A_414 = tpu.vector_load_idx %arg6[%add3A_413] : memref<4416xf32, #tpu.memory_space<vmem>>[vector<16xi32>], vector<16xf32>,
    %add3A_415 = arith.addf %add3A_410, %gather3A_414 : vector<16xf32>
    %add3A_416 = arith.constant 7 : i32
    %add3A_417 = vector.broadcast %add3A_416 : i32 to vector<16xi32>
    %add3A_418 = arith.addi %mul3A_378, %add3A_417 : vector<16xi32>
    %gather3A_419 = tpu.vector_load_idx %arg6[%add3A_418] : memref<4416xf32, #tpu.memory_space<vmem>>[vector<16xi32>], vector<16xf32>,
    %add3A_420 = arith.addf %add3A_415, %gather3A_419 : vector<16xf32>
    %add3A_421 = arith.constant 8 : i32
    %add3A_422 = vector.broadcast %add3A_421 : i32 to vector<16xi32>
    %add3A_423 = arith.addi %mul3A_378, %add3A_422 : vector<16xi32>
    %gather3A_424 = tpu.vector_load_idx %arg6[%add3A_423] : memref<4416xf32, #tpu.memory_space<vmem>>[vector<16xi32>], vector<16xf32>,
    %add3A_425 = arith.addf %add3A_420, %gather3A_424 : vector<16xf32>
    %add3A_426 = arith.constant 9 : i32
    %add3A_427 = vector.broadcast %add3A_426 : i32 to vector<16xi32>
    %add3A_428 = arith.addi %mul3A_378, %add3A_427 : vector<16xi32>
    %gather3A_429 = tpu.vector_load_idx %arg6[%add3A_428] : memref<4416xf32, #tpu.memory_space<vmem>>[vector<16xi32>], vector<16xf32>,
    %add3A_430 = arith.addf %add3A_425, %gather3A_429 : vector<16xf32>
    %add3A_431 = arith.constant 10 : i32
    %add3A_432 = vector.broadcast %add3A_431 : i32 to vector<16xi32>
    %add3A_433 = arith.addi %mul3A_378, %add3A_432 : vector<16xi32>
    %gather3A_434 = tpu.vector_load_idx %arg6[%add3A_433] : memref<4416xf32, #tpu.memory_space<vmem>>[vector<16xi32>], vector<16xf32>,
    %add3A_435 = arith.addf %add3A_430, %gather3A_434 : vector<16xf32>
    %add3A_436 = arith.constant 11 : i32
    %add3A_437 = vector.broadcast %add3A_436 : i32 to vector<16xi32>
    %add3A_438 = arith.addi %mul3A_378, %add3A_437 : vector<16xi32>
    %gather3A_439 = tpu.vector_load_idx %arg6[%add3A_438] : memref<4416xf32, #tpu.memory_space<vmem>>[vector<16xi32>], vector<16xf32>,
    %add3A_440 = arith.addf %add3A_435, %gather3A_439 : vector<16xf32>
    %add3A_441 = arith.constant 12 : i32
    %add3A_442 = vector.broadcast %add3A_441 : i32 to vector<16xi32>
    %add3A_443 = arith.addi %mul3A_378, %add3A_442 : vector<16xi32>
    %gather3A_444 = tpu.vector_load_idx %arg6[%add3A_443] : memref<4416xf32, #tpu.memory_space<vmem>>[vector<16xi32>], vector<16xf32>,
    %add3A_445 = arith.addf %add3A_440, %gather3A_444 : vector<16xf32>
    %add3A_446 = arith.constant 13 : i32
    %add3A_447 = vector.broadcast %add3A_446 : i32 to vector<16xi32>
    %add3A_448 = arith.addi %mul3A_378, %add3A_447 : vector<16xi32>
    %gather3A_449 = tpu.vector_load_idx %arg6[%add3A_448] : memref<4416xf32, #tpu.memory_space<vmem>>[vector<16xi32>], vector<16xf32>,
    %add3A_450 = arith.addf %add3A_445, %gather3A_449 : vector<16xf32>
    %add3A_451 = arith.constant 14 : i32
    %add3A_452 = vector.broadcast %add3A_451 : i32 to vector<16xi32>
    %add3A_453 = arith.addi %mul3A_378, %add3A_452 : vector<16xi32>
    %gather3A_454 = tpu.vector_load_idx %arg6[%add3A_453] : memref<4416xf32, #tpu.memory_space<vmem>>[vector<16xi32>], vector<16xf32>,
    %add3A_455 = arith.addf %add3A_450, %gather3A_454 : vector<16xf32>
    %add3A_456 = arith.constant 15 : i32
    %add3A_457 = vector.broadcast %add3A_456 : i32 to vector<16xi32>
    %add3A_458 = arith.addi %mul3A_378, %add3A_457 : vector<16xi32>
    %gather3A_459 = tpu.vector_load_idx %arg6[%add3A_458] : memref<4416xf32, #tpu.memory_space<vmem>>[vector<16xi32>], vector<16xf32>,
    %add3A_460 = arith.addf %add3A_455, %gather3A_459 : vector<16xf32>
    %add3A_461 = arith.constant 16 : i32
    %add3A_462 = vector.broadcast %add3A_461 : i32 to vector<16xi32>
    %add3A_463 = arith.addi %mul3A_378, %add3A_462 : vector<16xi32>
    %gather3A_464 = tpu.vector_load_idx %arg6[%add3A_463] : memref<4416xf32, #tpu.memory_space<vmem>>[vector<16xi32>], vector<16xf32>,
    %add3A_465 = arith.addf %add3A_460, %gather3A_464 : vector<16xf32>
    %add3A_466 = arith.constant 17 : i32
    %add3A_467 = vector.broadcast %add3A_466 : i32 to vector<16xi32>
    %add3A_468 = arith.addi %mul3A_378, %add3A_467 : vector<16xi32>
    %gather3A_469 = tpu.vector_load_idx %arg6[%add3A_468] : memref<4416xf32, #tpu.memory_space<vmem>>[vector<16xi32>], vector<16xf32>,
    %add3A_470 = arith.addf %add3A_465, %gather3A_469 : vector<16xf32>
    %add3A_471 = arith.constant 18 : i32
    %add3A_472 = vector.broadcast %add3A_471 : i32 to vector<16xi32>
    %add3A_473 = arith.addi %mul3A_378, %add3A_472 : vector<16xi32>
    %gather3A_474 = tpu.vector_load_idx %arg6[%add3A_473] : memref<4416xf32, #tpu.memory_space<vmem>>[vector<16xi32>], vector<16xf32>,
    %add3A_475 = arith.addf %add3A_470, %gather3A_474 : vector<16xf32>
    %add3A_476 = arith.constant 19 : i32
    %add3A_477 = vector.broadcast %add3A_476 : i32 to vector<16xi32>
    %add3A_478 = arith.addi %mul3A_378, %add3A_477 : vector<16xi32>
    %gather3A_479 = tpu.vector_load_idx %arg6[%add3A_478] : memref<4416xf32, #tpu.memory_space<vmem>>[vector<16xi32>], vector<16xf32>,
    %add3A_480 = arith.addf %add3A_475, %gather3A_479 : vector<16xf32>
    %add3A_481 = arith.constant 20 : i32
    %add3A_482 = vector.broadcast %add3A_481 : i32 to vector<16xi32>
    %add3A_483 = arith.addi %mul3A_378, %add3A_482 : vector<16xi32>
    %gather3A_484 = tpu.vector_load_idx %arg6[%add3A_483] : memref<4416xf32, #tpu.memory_space<vmem>>[vector<16xi32>], vector<16xf32>,
    %add3A_485 = arith.addf %add3A_480, %gather3A_484 : vector<16xf32>
    %add3A_486 = arith.constant 21 : i32
    %add3A_487 = vector.broadcast %add3A_486 : i32 to vector<16xi32>
    %add3A_488 = arith.addi %mul3A_378, %add3A_487 : vector<16xi32>
    %gather3A_489 = tpu.vector_load_idx %arg6[%add3A_488] : memref<4416xf32, #tpu.memory_space<vmem>>[vector<16xi32>], vector<16xf32>,
    %add3A_490 = arith.addf %add3A_485, %gather3A_489 : vector<16xf32>
    %add3A_491 = arith.constant 22 : i32
    %add3A_492 = vector.broadcast %add3A_491 : i32 to vector<16xi32>
    %add3A_493 = arith.addi %mul3A_378, %add3A_492 : vector<16xi32>
    %gather3A_494 = tpu.vector_load_idx %arg6[%add3A_493] : memref<4416xf32, #tpu.memory_space<vmem>>[vector<16xi32>], vector<16xf32>,
    %add3A_495 = arith.addf %add3A_490, %gather3A_494 : vector<16xf32>
    %add3A_496 = arith.constant 23 : i32
    %add3A_497 = vector.broadcast %add3A_496 : i32 to vector<16xi32>
    %add3A_498 = arith.addi %mul3A_378, %add3A_497 : vector<16xi32>
    %gather3A_499 = tpu.vector_load_idx %arg6[%add3A_498] : memref<4416xf32, #tpu.memory_space<vmem>>[vector<16xi32>], vector<16xf32>,
    %add3A_500 = arith.addf %add3A_495, %gather3A_499 : vector<16xf32>
    %add3A_501 = arith.constant 24 : i32
    %add3A_502 = vector.broadcast %add3A_501 : i32 to vector<16xi32>
    %add3A_503 = arith.addi %mul3A_378, %add3A_502 : vector<16xi32>
    %gather3A_504 = tpu.vector_load_idx %arg6[%add3A_503] : memref<4416xf32, #tpu.memory_space<vmem>>[vector<16xi32>], vector<16xf32>,
    %add3A_505 = arith.addf %add3A_500, %gather3A_504 : vector<16xf32>
    %add3A_506 = arith.constant 25 : i32
    %add3A_507 = vector.broadcast %add3A_506 : i32 to vector<16xi32>
    %add3A_508 = arith.addi %mul3A_378, %add3A_507 : vector<16xi32>
    %gather3A_509 = tpu.vector_load_idx %arg6[%add3A_508] : memref<4416xf32, #tpu.memory_space<vmem>>[vector<16xi32>], vector<16xf32>,
    %add3A_510 = arith.addf %add3A_505, %gather3A_509 : vector<16xf32>
    %add3A_511 = arith.constant 26 : i32
    %add3A_512 = vector.broadcast %add3A_511 : i32 to vector<16xi32>
    %add3A_513 = arith.addi %mul3A_378, %add3A_512 : vector<16xi32>
    %gather3A_514 = tpu.vector_load_idx %arg6[%add3A_513] : memref<4416xf32, #tpu.memory_space<vmem>>[vector<16xi32>], vector<16xf32>,
    %add3A_515 = arith.addf %add3A_510, %gather3A_514 : vector<16xf32>
    %add3A_516 = arith.constant 27 : i32
    %add3A_517 = vector.broadcast %add3A_516 : i32 to vector<16xi32>
    %add3A_518 = arith.addi %mul3A_378, %add3A_517 : vector<16xi32>
    %gather3A_519 = tpu.vector_load_idx %arg6[%add3A_518] : memref<4416xf32, #tpu.memory_space<vmem>>[vector<16xi32>], vector<16xf32>,
    %add3A_520 = arith.addf %add3A_515, %gather3A_519 : vector<16xf32>
    %add3A_521 = arith.constant 28 : i32
    %add3A_522 = vector.broadcast %add3A_521 : i32 to vector<16xi32>
    %add3A_523 = arith.addi %mul3A_378, %add3A_522 : vector<16xi32>
    %gather3A_524 = tpu.vector_load_idx %arg6[%add3A_523] : memref<4416xf32, #tpu.memory_space<vmem>>[vector<16xi32>], vector<16xf32>,
    %add3A_525 = arith.addf %add3A_520, %gather3A_524 : vector<16xf32>
    %add3A_526 = arith.constant 29 : i32
    %add3A_527 = vector.broadcast %add3A_526 : i32 to vector<16xi32>
    %add3A_528 = arith.addi %mul3A_378, %add3A_527 : vector<16xi32>
    %gather3A_529 = tpu.vector_load_idx %arg6[%add3A_528] : memref<4416xf32, #tpu.memory_space<vmem>>[vector<16xi32>], vector<16xf32>,
    %add3A_530 = arith.addf %add3A_525, %gather3A_529 : vector<16xf32>
    %add3A_531 = arith.constant 30 : i32
    %add3A_532 = vector.broadcast %add3A_531 : i32 to vector<16xi32>
    %add3A_533 = arith.addi %mul3A_378, %add3A_532 : vector<16xi32>
    %gather3A_534 = tpu.vector_load_idx %arg6[%add3A_533] : memref<4416xf32, #tpu.memory_space<vmem>>[vector<16xi32>], vector<16xf32>,
    %add3A_535 = arith.addf %add3A_530, %gather3A_534 : vector<16xf32>
    %add3A_536 = arith.constant 31 : i32
    %add3A_537 = vector.broadcast %add3A_536 : i32 to vector<16xi32>
    %add3A_538 = arith.addi %mul3A_378, %add3A_537 : vector<16xi32>
    %gather3A_539 = tpu.vector_load_idx %arg6[%add3A_538] : memref<4416xf32, #tpu.memory_space<vmem>>[vector<16xi32>], vector<16xf32>,
    %add3A_540 = arith.addf %add3A_535, %gather3A_539 : vector<16xf32>
    %add3A_541 = arith.constant 32 : i32
    %add3A_542 = vector.broadcast %add3A_541 : i32 to vector<16xi32>
    %add3A_543 = arith.addi %mul3A_378, %add3A_542 : vector<16xi32>
    %gather3A_544 = tpu.vector_load_idx %arg6[%add3A_543] : memref<4416xf32, #tpu.memory_space<vmem>>[vector<16xi32>], vector<16xf32>,
    %add3A_545 = arith.addf %add3A_540, %gather3A_544 : vector<16xf32>
    %swap3A_546 = arith.constant 32 : index
    %swap3A_547 = tpu.vector_load %arg8[%swap3A_546] {strides = array<i32>} : memref<48xf32, #tpu.memory_space<vmem>>, vector<16xf32>,
    tpu.vector_store %arg8[%swap3A_546], %add3A_545 {strides = array<i32>} : memref<48xf32, #tpu.memory_space<vmem>>, vector<16xf32>,
    "tpu.region"() ({
      %run_scoped3A = tpu.sem_alloc : memref<!tpu.dma_semaphore, #tpu.memory_space<semaphore_mem>>
      %dma_start3A = arith.constant 0 : i32
      %dma_start3A_548 = tpu.memref_slice %arg3[%add3A_7, %dma_start3A] : memref<32x4416xf32, #tpu.memory_space<hbm>> -> memref<1x4416xf32, #tpu.memory_space<hbm>>
      %dma_start3A_549 = tpu.memref_squeeze %dma_start3A_548 : memref<1x4416xf32, #tpu.memory_space<hbm>> -> memref<4416xf32, #tpu.memory_space<hbm>>
      %dma_start3A_550 = arith.constant 0 : i32
      %dma_start3A_551 = tpu.memref_slice %arg3[%add3A_7, %dma_start3A_550] : memref<32x4416xf32, #tpu.memory_space<hbm>> -> memref<1x4416xf32, #tpu.memory_space<hbm>>
      %dma_start3A_552 = tpu.memref_squeeze %dma_start3A_551 : memref<1x4416xf32, #tpu.memory_space<hbm>> -> memref<4416xf32, #tpu.memory_space<hbm>>
      tpu.enqueue_dma source(%arg7 : memref<4416xf32, #tpu.memory_space<vmem>>) target(%dma_start3A_552 : memref<4416xf32, #tpu.memory_space<hbm>>) target_semaphore(%run_scoped3A : memref<!tpu.dma_semaphore, #tpu.memory_space<semaphore_mem>>)
      %dma_wait3A = arith.constant 0 : i32
      %dma_wait3A_553 = tpu.memref_slice %arg3[%add3A_7, %dma_wait3A] : memref<32x4416xf32, #tpu.memory_space<hbm>> -> memref<1x4416xf32, #tpu.memory_space<hbm>>
      %dma_wait3A_554 = tpu.memref_squeeze %dma_wait3A_553 : memref<1x4416xf32, #tpu.memory_space<hbm>> -> memref<4416xf32, #tpu.memory_space<hbm>>
      %dma_wait3A_555 = arith.constant 0 : i32
      %dma_wait3A_556 = tpu.memref_slice %arg3[%add3A_7, %dma_wait3A_555] : memref<32x4416xf32, #tpu.memory_space<hbm>> -> memref<1x4416xf32, #tpu.memory_space<hbm>>
      %dma_wait3A_557 = tpu.memref_squeeze %dma_wait3A_556 : memref<1x4416xf32, #tpu.memory_space<hbm>> -> memref<4416xf32, #tpu.memory_space<hbm>>
      tpu.wait_dma2 semaphore(%run_scoped3A : memref<!tpu.dma_semaphore, #tpu.memory_space<semaphore_mem>>) src(%arg7 : memref<4416xf32, #tpu.memory_space<vmem>>) dst(%dma_wait3A_557 : memref<4416xf32, #tpu.memory_space<hbm>>)
      tpu.yield
    }) : () -> ()
    "tpu.region"() ({
      %run_scoped3A = tpu.sem_alloc : memref<!tpu.dma_semaphore, #tpu.memory_space<semaphore_mem>>
      %dma_start3A = arith.constant 0 : i32
      %dma_start3A_548 = tpu.memref_slice %arg4[%add3A_7, %dma_start3A] : memref<32x48xf32, #tpu.memory_space<hbm>> -> memref<1x48xf32, #tpu.memory_space<hbm>>
      %dma_start3A_549 = tpu.memref_squeeze %dma_start3A_548 : memref<1x48xf32, #tpu.memory_space<hbm>> -> memref<48xf32, #tpu.memory_space<hbm>>
      %dma_start3A_550 = arith.constant 0 : i32
      %dma_start3A_551 = tpu.memref_slice %arg4[%add3A_7, %dma_start3A_550] : memref<32x48xf32, #tpu.memory_space<hbm>> -> memref<1x48xf32, #tpu.memory_space<hbm>>
      %dma_start3A_552 = tpu.memref_squeeze %dma_start3A_551 : memref<1x48xf32, #tpu.memory_space<hbm>> -> memref<48xf32, #tpu.memory_space<hbm>>
      tpu.enqueue_dma source(%arg8 : memref<48xf32, #tpu.memory_space<vmem>>) target(%dma_start3A_552 : memref<48xf32, #tpu.memory_space<hbm>>) target_semaphore(%run_scoped3A : memref<!tpu.dma_semaphore, #tpu.memory_space<semaphore_mem>>)
      %dma_wait3A = arith.constant 0 : i32
      %dma_wait3A_553 = tpu.memref_slice %arg4[%add3A_7, %dma_wait3A] : memref<32x48xf32, #tpu.memory_space<hbm>> -> memref<1x48xf32, #tpu.memory_space<hbm>>
      %dma_wait3A_554 = tpu.memref_squeeze %dma_wait3A_553 : memref<1x48xf32, #tpu.memory_space<hbm>> -> memref<48xf32, #tpu.memory_space<hbm>>
      %dma_wait3A_555 = arith.constant 0 : i32
      %dma_wait3A_556 = tpu.memref_slice %arg4[%add3A_7, %dma_wait3A_555] : memref<32x48xf32, #tpu.memory_space<hbm>> -> memref<1x48xf32, #tpu.memory_space<hbm>>
      %dma_wait3A_557 = tpu.memref_squeeze %dma_wait3A_556 : memref<1x48xf32, #tpu.memory_space<hbm>> -> memref<48xf32, #tpu.memory_space<hbm>>
      tpu.wait_dma2 semaphore(%run_scoped3A : memref<!tpu.dma_semaphore, #tpu.memory_space<semaphore_mem>>) src(%arg8 : memref<48xf32, #tpu.memory_space<vmem>>) dst(%dma_wait3A_557 : memref<48xf32, #tpu.memory_space<hbm>>)
      tpu.yield
    }) : () -> ()
    return
  }
}

#map = affine_map<(d0, d1) -> (0, 0)>
module attributes {stable_mosaic.version = 14 : i64} {
  func.func @_stage2_scatter(%arg0: i32, %arg1: i32, %arg2: memref<32x58368xi32, #tpu.memory_space<hbm>>, %arg3: memref<32x4416xf32, #tpu.memory_space<hbm>>, %arg4: memref<32x48xf32, #tpu.memory_space<hbm>>, %arg5: memref<58368xi32, #tpu.memory_space<vmem>>, %arg6: memref<4416xf32, #tpu.memory_space<vmem>>, %arg7: memref<4416xf32, #tpu.memory_space<vmem>>, %arg8: memref<48xf32, #tpu.memory_space<vmem>>) attributes {dimension_semantics = [#tpu.dimension_semantics<core_parallel>, #tpu.dimension_semantics<subcore_parallel>], iteration_bounds = array<i64: 2, 16>, scalar_prefetch = 0 : i64, scratch_operands = 4 : i64, tpu.core_type = #tpu.core_type<sc_vector_subcore>, window_params = [{transform_indices = #map}, {transform_indices = #map}, {transform_indices = #map}]} {
    %mul3A = arith.constant 2 : i32
    %mul3A_0 = arith.muli %arg1, %mul3A : i32
    %add3A = arith.addi %mul3A_0, %arg0 : i32
    %broadcast_in_dim3A = arith.constant 1.000000e+00 : f32
    %broadcast_in_dim3A_1 = vector.broadcast %broadcast_in_dim3A : f32 to vector<16xf32>
    %broadcast_in_dim3A_2 = arith.constant 0.000000e+00 : f32
    %broadcast_in_dim3A_3 = vector.broadcast %broadcast_in_dim3A_2 : f32 to vector<16xf32>
    %iota3A = tpu.iota {dimensions = array<i32: 0>} : vector<16xi32>
    %mul3A_4 = arith.constant 1 : i32
    %mul3A_5 = arith.muli %add3A, %mul3A_4 : i32
    %add3A_6 = arith.constant 0 : i32
    %add3A_7 = arith.addi %mul3A_5, %add3A_6 : i32
    "tpu.region"() ({
      %run_scoped3A = tpu.sem_alloc : memref<!tpu.dma_semaphore, #tpu.memory_space<semaphore_mem>>
      %dma_start3A = arith.constant 0 : i32
      %dma_start3A_548 = tpu.memref_slice %arg2[%add3A_7, %dma_start3A] : memref<32x58368xi32, #tpu.memory_space<hbm>> -> memref<1x58368xi32, #tpu.memory_space<hbm>>
      %dma_start3A_549 = tpu.memref_squeeze %dma_start3A_548 : memref<1x58368xi32, #tpu.memory_space<hbm>> -> memref<58368xi32, #tpu.memory_space<hbm>>
      %dma_start3A_550 = arith.constant 0 : i32
      %dma_start3A_551 = tpu.memref_slice %arg2[%add3A_7, %dma_start3A_550] : memref<32x58368xi32, #tpu.memory_space<hbm>> -> memref<1x58368xi32, #tpu.memory_space<hbm>>
      %dma_start3A_552 = tpu.memref_squeeze %dma_start3A_551 : memref<1x58368xi32, #tpu.memory_space<hbm>> -> memref<58368xi32, #tpu.memory_space<hbm>>
      tpu.enqueue_dma source(%dma_start3A_552 : memref<58368xi32, #tpu.memory_space<hbm>>) target(%arg5 : memref<58368xi32, #tpu.memory_space<vmem>>) target_semaphore(%run_scoped3A : memref<!tpu.dma_semaphore, #tpu.memory_space<semaphore_mem>>)
      %dma_wait3A = arith.constant 0 : i32
      %dma_wait3A_553 = tpu.memref_slice %arg2[%add3A_7, %dma_wait3A] : memref<32x58368xi32, #tpu.memory_space<hbm>> -> memref<1x58368xi32, #tpu.memory_space<hbm>>
      %dma_wait3A_554 = tpu.memref_squeeze %dma_wait3A_553 : memref<1x58368xi32, #tpu.memory_space<hbm>> -> memref<58368xi32, #tpu.memory_space<hbm>>
      %dma_wait3A_555 = arith.constant 0 : i32
      %dma_wait3A_556 = tpu.memref_slice %arg2[%add3A_7, %dma_wait3A_555] : memref<32x58368xi32, #tpu.memory_space<hbm>> -> memref<1x58368xi32, #tpu.memory_space<hbm>>
      %dma_wait3A_557 = tpu.memref_squeeze %dma_wait3A_556 : memref<1x58368xi32, #tpu.memory_space<hbm>> -> memref<58368xi32, #tpu.memory_space<hbm>>
      tpu.wait_dma2 semaphore(%run_scoped3A : memref<!tpu.dma_semaphore, #tpu.memory_space<semaphore_mem>>) src(%dma_wait3A_557 : memref<58368xi32, #tpu.memory_space<hbm>>) dst(%arg5 : memref<58368xi32, #tpu.memory_space<vmem>>)
      tpu.yield
    }) : () -> ()
    %parallel_loop3A = arith.constant 0 : i32
    %parallel_loop3A_8 = arith.constant 4416 : i32
    %parallel_loop3A_9 = arith.constant 16 : i32
    scf.for %parallel_loop3A_548 = %parallel_loop3A to %parallel_loop3A_8 step %parallel_loop3A_9  : i32 {
      %parallel_loop3A_549 = arith.index_cast %parallel_loop3A_548 : i32 to index
      %parallel_loop3A_550 = tpu.vector_load %arg6[%parallel_loop3A_549] {strides = array<i32>} : memref<4416xf32, #tpu.memory_space<vmem>>, vector<16xf32>,
      tpu.vector_store %arg6[%parallel_loop3A_549], %broadcast_in_dim3A_3 {strides = array<i32>} : memref<4416xf32, #tpu.memory_space<vmem>>, vector<16xf32>,
    } {sc.loop_unroll_factor = 1 : i64, sc.parallel_access}
    %parallel_loop3A_10 = arith.constant 0 : i32
    %parallel_loop3A_11 = arith.constant 57760 : i32
    %parallel_loop3A_12 = arith.constant 16 : i32
    scf.for %parallel_loop3A_548 = %parallel_loop3A_10 to %parallel_loop3A_11 step %parallel_loop3A_12  : i32 {
      %parallel_loop3A_549 = arith.index_cast %parallel_loop3A_548 : i32 to index
      %parallel_loop3A_550 = tpu.vector_load %arg5[%parallel_loop3A_549] {strides = array<i32>} : memref<58368xi32, #tpu.memory_space<vmem>>, vector<16xi32>,
      %parallel_loop3A_551 = arith.constant 33 : i32
      %parallel_loop3A_552 = vector.broadcast %parallel_loop3A_551 : i32 to vector<16xi32>
      %parallel_loop3A_553 = arith.muli %parallel_loop3A_550, %parallel_loop3A_552 : vector<16xi32>
      %parallel_loop3A_554 = arith.constant 304 : i32
      %parallel_loop3A_555 = arith.addi %parallel_loop3A_548, %parallel_loop3A_554 : i32
      %parallel_loop3A_556 = arith.index_cast %parallel_loop3A_555 : i32 to index
      %parallel_loop3A_557 = tpu.vector_load %arg5[%parallel_loop3A_556] {strides = array<i32>} : memref<58368xi32, #tpu.memory_space<vmem>>, vector<16xi32>,
      %parallel_loop3A_558 = arith.addi %parallel_loop3A_553, %parallel_loop3A_557 : vector<16xi32>
      %parallel_loop3A_559 = arith.constant 0 : i32
      %parallel_loop3A_560 = vector.broadcast %parallel_loop3A_559 : i32 to vector<16xi32>
      %parallel_loop3A_561 = arith.addi %parallel_loop3A_558, %parallel_loop3A_560 : vector<16xi32>
      tpu.vector_store_idx %arg6[%parallel_loop3A_561], %broadcast_in_dim3A_1 {add = true} : memref<4416xf32, #tpu.memory_space<vmem>>[vector<16xi32>], vector<16xf32>,
      %parallel_loop3A_562 = arith.constant 305 : i32
      %parallel_loop3A_563 = arith.addi %parallel_loop3A_548, %parallel_loop3A_562 : i32
      %parallel_loop3A_564 = arith.index_cast %parallel_loop3A_563 : i32 to index
      %parallel_loop3A_565 = tpu.vector_load %arg5[%parallel_loop3A_564] {strides = array<i32>} : memref<58368xi32, #tpu.memory_space<vmem>>, vector<16xi32>,
      %parallel_loop3A_566 = arith.addi %parallel_loop3A_553, %parallel_loop3A_565 : vector<16xi32>
      %parallel_loop3A_567 = arith.constant 1104 : i32
      %parallel_loop3A_568 = vector.broadcast %parallel_loop3A_567 : i32 to vector<16xi32>
      %parallel_loop3A_569 = arith.addi %parallel_loop3A_566, %parallel_loop3A_568 : vector<16xi32>
      tpu.vector_store_idx %arg6[%parallel_loop3A_569], %broadcast_in_dim3A_1 {add = true} : memref<4416xf32, #tpu.memory_space<vmem>>[vector<16xi32>], vector<16xf32>,
      %parallel_loop3A_570 = arith.constant 1 : i32
      %parallel_loop3A_571 = arith.addi %parallel_loop3A_548, %parallel_loop3A_570 : i32
      %parallel_loop3A_572 = arith.index_cast %parallel_loop3A_571 : i32 to index
      %parallel_loop3A_573 = tpu.vector_load %arg5[%parallel_loop3A_572] {strides = array<i32>} : memref<58368xi32, #tpu.memory_space<vmem>>, vector<16xi32>,
      %parallel_loop3A_574 = arith.addi %parallel_loop3A_553, %parallel_loop3A_573 : vector<16xi32>
      %parallel_loop3A_575 = arith.constant 2208 : i32
      %parallel_loop3A_576 = vector.broadcast %parallel_loop3A_575 : i32 to vector<16xi32>
      %parallel_loop3A_577 = arith.addi %parallel_loop3A_574, %parallel_loop3A_576 : vector<16xi32>
      tpu.vector_store_idx %arg6[%parallel_loop3A_577], %broadcast_in_dim3A_1 {add = true} : memref<4416xf32, #tpu.memory_space<vmem>>[vector<16xi32>], vector<16xf32>,
      %parallel_loop3A_578 = arith.constant 303 : i32
      %parallel_loop3A_579 = arith.addi %parallel_loop3A_548, %parallel_loop3A_578 : i32
      %parallel_loop3A_580 = arith.index_cast %parallel_loop3A_579 : i32 to index
      %parallel_loop3A_581 = tpu.vector_load %arg5[%parallel_loop3A_580] {strides = array<i32>} : memref<58368xi32, #tpu.memory_space<vmem>>, vector<16xi32>,
      %parallel_loop3A_582 = arith.addi %parallel_loop3A_553, %parallel_loop3A_581 : vector<16xi32>
      %parallel_loop3A_583 = arith.constant 3312 : i32
      %parallel_loop3A_584 = vector.broadcast %parallel_loop3A_583 : i32 to vector<16xi32>
      %parallel_loop3A_585 = arith.addi %parallel_loop3A_582, %parallel_loop3A_584 : vector<16xi32>
      tpu.vector_store_idx %arg6[%parallel_loop3A_585], %broadcast_in_dim3A_1 {add = true} : memref<4416xf32, #tpu.memory_space<vmem>>[vector<16xi32>], vector<16xf32>,
    } {sc.loop_unroll_factor = 8 : i64, sc.parallel_access}
    %parallel_loop3A_13 = arith.constant 0 : i32
    %parallel_loop3A_14 = arith.constant 1104 : i32
    %parallel_loop3A_15 = arith.constant 16 : i32
    scf.for %parallel_loop3A_548 = %parallel_loop3A_13 to %parallel_loop3A_14 step %parallel_loop3A_15  : i32 {
      %parallel_loop3A_549 = vector.broadcast %parallel_loop3A_548 : i32 to vector<16xi32>
      %parallel_loop3A_550 = arith.addi %iota3A, %parallel_loop3A_549 : vector<16xi32>
      %parallel_loop3A_551 = arith.constant 33 : i32
      %parallel_loop3A_552 = vector.broadcast %parallel_loop3A_551 : i32 to vector<16xi32>
      %parallel_loop3A_553 = arith.divsi %parallel_loop3A_550, %parallel_loop3A_552 : vector<16xi32>
      %parallel_loop3A_554 = arith.constant 0 : i32
      %parallel_loop3A_555 = vector.broadcast %parallel_loop3A_554 : i32 to vector<16xi32>
      %parallel_loop3A_556 = arith.cmpi sgt, %parallel_loop3A_550, %parallel_loop3A_555 : vector<16xi32>
      %parallel_loop3A_557 = arith.extui %parallel_loop3A_556 : vector<16xi1> to vector<16xi32>
      %parallel_loop3A_558 = arith.constant 0 : i32
      %parallel_loop3A_559 = vector.broadcast %parallel_loop3A_558 : i32 to vector<16xi32>
      %parallel_loop3A_560 = arith.cmpi slt, %parallel_loop3A_550, %parallel_loop3A_559 : vector<16xi32>
      %parallel_loop3A_561 = arith.extui %parallel_loop3A_560 : vector<16xi1> to vector<16xi32>
      %parallel_loop3A_562 = arith.subi %parallel_loop3A_557, %parallel_loop3A_561 : vector<16xi32>
      %parallel_loop3A_563 = arith.constant 0 : i32
      %parallel_loop3A_564 = arith.cmpi sgt, %parallel_loop3A_551, %parallel_loop3A_563 : i32
      %parallel_loop3A_565 = arith.extui %parallel_loop3A_564 : i1 to i32
      %parallel_loop3A_566 = arith.constant 0 : i32
      %parallel_loop3A_567 = arith.cmpi slt, %parallel_loop3A_551, %parallel_loop3A_566 : i32
      %parallel_loop3A_568 = arith.extui %parallel_loop3A_567 : i1 to i32
      %parallel_loop3A_569 = arith.subi %parallel_loop3A_565, %parallel_loop3A_568 : i32
      %parallel_loop3A_570 = vector.broadcast %parallel_loop3A_569 : i32 to vector<16xi32>
      %parallel_loop3A_571 = arith.cmpi ne, %parallel_loop3A_562, %parallel_loop3A_570 : vector<16xi32>
      %parallel_loop3A_572 = vector.broadcast %parallel_loop3A_551 : i32 to vector<16xi32>
      %parallel_loop3A_573 = arith.remsi %parallel_loop3A_550, %parallel_loop3A_572 : vector<16xi32>
      %parallel_loop3A_574 = arith.constant 0 : i32
      %parallel_loop3A_575 = vector.broadcast %parallel_loop3A_574 : i32 to vector<16xi32>
      %parallel_loop3A_576 = arith.cmpi ne, %parallel_loop3A_573, %parallel_loop3A_575 : vector<16xi32>
      %parallel_loop3A_577 = arith.andi %parallel_loop3A_571, %parallel_loop3A_576 : vector<16xi1>
      %parallel_loop3A_578 = arith.constant 1 : i32
      %parallel_loop3A_579 = vector.broadcast %parallel_loop3A_578 : i32 to vector<16xi32>
      %parallel_loop3A_580 = arith.subi %parallel_loop3A_553, %parallel_loop3A_579 : vector<16xi32>
      %parallel_loop3A_581 = arith.select %parallel_loop3A_577, %parallel_loop3A_580, %parallel_loop3A_553 : vector<16xi1>, vector<16xi32>
      %parallel_loop3A_582 = arith.constant 33 : i32
      %parallel_loop3A_583 = vector.broadcast %parallel_loop3A_582 : i32 to vector<16xi32>
      %parallel_loop3A_584 = arith.muli %parallel_loop3A_581, %parallel_loop3A_583 : vector<16xi32>
      %parallel_loop3A_585 = arith.subi %parallel_loop3A_550, %parallel_loop3A_584 : vector<16xi32>
      %parallel_loop3A_586 = arith.constant 33 : i32
      %parallel_loop3A_587 = vector.broadcast %parallel_loop3A_586 : i32 to vector<16xi32>
      %parallel_loop3A_588 = arith.muli %parallel_loop3A_585, %parallel_loop3A_587 : vector<16xi32>
      %parallel_loop3A_589 = arith.addi %parallel_loop3A_588, %parallel_loop3A_581 : vector<16xi32>
      %parallel_loop3A_590 = arith.constant 1088 : i32
      %parallel_loop3A_591 = vector.broadcast %parallel_loop3A_590 : i32 to vector<16xi32>
      %parallel_loop3A_592 = arith.minsi %parallel_loop3A_589, %parallel_loop3A_591 : vector<16xi32>
      %parallel_loop3A_593 = arith.constant 0 : i32
      %parallel_loop3A_594 = vector.broadcast %parallel_loop3A_593 : i32 to vector<16xi32>
      %parallel_loop3A_595 = arith.addi %parallel_loop3A_592, %parallel_loop3A_594 : vector<16xi32>
      %parallel_loop3A_596 = arith.constant 0 : i32
      %parallel_loop3A_597 = arith.addi %parallel_loop3A_548, %parallel_loop3A_596 : i32
      %parallel_loop3A_598 = arith.index_cast %parallel_loop3A_597 : i32 to index
      %parallel_loop3A_599 = tpu.vector_load %arg6[%parallel_loop3A_598] {strides = array<i32>} : memref<4416xf32, #tpu.memory_space<vmem>>, vector<16xf32>,
      %parallel_loop3A_600 = tpu.vector_load_idx %arg6[%parallel_loop3A_595] : memref<4416xf32, #tpu.memory_space<vmem>>[vector<16xi32>], vector<16xf32>,
      %parallel_loop3A_601 = arith.addf %parallel_loop3A_599, %parallel_loop3A_600 : vector<16xf32>
      %parallel_loop3A_602 = arith.constant 0 : i32
      %parallel_loop3A_603 = arith.addi %parallel_loop3A_548, %parallel_loop3A_602 : i32
      %parallel_loop3A_604 = arith.index_cast %parallel_loop3A_603 : i32 to index
      %parallel_loop3A_605 = tpu.vector_load %arg7[%parallel_loop3A_604] {strides = array<i32>} : memref<4416xf32, #tpu.memory_space<vmem>>, vector<16xf32>,
      tpu.vector_store %arg7[%parallel_loop3A_604], %parallel_loop3A_601 {strides = array<i32>} : memref<4416xf32, #tpu.memory_space<vmem>>, vector<16xf32>,
    } {sc.loop_unroll_factor = 2 : i64, sc.parallel_access}
    %parallel_loop3A_16 = arith.constant 0 : i32
    %parallel_loop3A_17 = arith.constant 1104 : i32
    %parallel_loop3A_18 = arith.constant 16 : i32
    scf.for %parallel_loop3A_548 = %parallel_loop3A_16 to %parallel_loop3A_17 step %parallel_loop3A_18  : i32 {
      %parallel_loop3A_549 = vector.broadcast %parallel_loop3A_548 : i32 to vector<16xi32>
      %parallel_loop3A_550 = arith.addi %iota3A, %parallel_loop3A_549 : vector<16xi32>
      %parallel_loop3A_551 = arith.constant 33 : i32
      %parallel_loop3A_552 = vector.broadcast %parallel_loop3A_551 : i32 to vector<16xi32>
      %parallel_loop3A_553 = arith.divsi %parallel_loop3A_550, %parallel_loop3A_552 : vector<16xi32>
      %parallel_loop3A_554 = arith.constant 0 : i32
      %parallel_loop3A_555 = vector.broadcast %parallel_loop3A_554 : i32 to vector<16xi32>
      %parallel_loop3A_556 = arith.cmpi sgt, %parallel_loop3A_550, %parallel_loop3A_555 : vector<16xi32>
      %parallel_loop3A_557 = arith.extui %parallel_loop3A_556 : vector<16xi1> to vector<16xi32>
      %parallel_loop3A_558 = arith.constant 0 : i32
      %parallel_loop3A_559 = vector.broadcast %parallel_loop3A_558 : i32 to vector<16xi32>
      %parallel_loop3A_560 = arith.cmpi slt, %parallel_loop3A_550, %parallel_loop3A_559 : vector<16xi32>
      %parallel_loop3A_561 = arith.extui %parallel_loop3A_560 : vector<16xi1> to vector<16xi32>
      %parallel_loop3A_562 = arith.subi %parallel_loop3A_557, %parallel_loop3A_561 : vector<16xi32>
      %parallel_loop3A_563 = arith.constant 0 : i32
      %parallel_loop3A_564 = arith.cmpi sgt, %parallel_loop3A_551, %parallel_loop3A_563 : i32
      %parallel_loop3A_565 = arith.extui %parallel_loop3A_564 : i1 to i32
      %parallel_loop3A_566 = arith.constant 0 : i32
      %parallel_loop3A_567 = arith.cmpi slt, %parallel_loop3A_551, %parallel_loop3A_566 : i32
      %parallel_loop3A_568 = arith.extui %parallel_loop3A_567 : i1 to i32
      %parallel_loop3A_569 = arith.subi %parallel_loop3A_565, %parallel_loop3A_568 : i32
      %parallel_loop3A_570 = vector.broadcast %parallel_loop3A_569 : i32 to vector<16xi32>
      %parallel_loop3A_571 = arith.cmpi ne, %parallel_loop3A_562, %parallel_loop3A_570 : vector<16xi32>
      %parallel_loop3A_572 = vector.broadcast %parallel_loop3A_551 : i32 to vector<16xi32>
      %parallel_loop3A_573 = arith.remsi %parallel_loop3A_550, %parallel_loop3A_572 : vector<16xi32>
      %parallel_loop3A_574 = arith.constant 0 : i32
      %parallel_loop3A_575 = vector.broadcast %parallel_loop3A_574 : i32 to vector<16xi32>
      %parallel_loop3A_576 = arith.cmpi ne, %parallel_loop3A_573, %parallel_loop3A_575 : vector<16xi32>
      %parallel_loop3A_577 = arith.andi %parallel_loop3A_571, %parallel_loop3A_576 : vector<16xi1>
      %parallel_loop3A_578 = arith.constant 1 : i32
      %parallel_loop3A_579 = vector.broadcast %parallel_loop3A_578 : i32 to vector<16xi32>
      %parallel_loop3A_580 = arith.subi %parallel_loop3A_553, %parallel_loop3A_579 : vector<16xi32>
      %parallel_loop3A_581 = arith.select %parallel_loop3A_577, %parallel_loop3A_580, %parallel_loop3A_553 : vector<16xi1>, vector<16xi32>
      %parallel_loop3A_582 = arith.constant 33 : i32
      %parallel_loop3A_583 = vector.broadcast %parallel_loop3A_582 : i32 to vector<16xi32>
      %parallel_loop3A_584 = arith.muli %parallel_loop3A_581, %parallel_loop3A_583 : vector<16xi32>
      %parallel_loop3A_585 = arith.subi %parallel_loop3A_550, %parallel_loop3A_584 : vector<16xi32>
      %parallel_loop3A_586 = arith.constant 33 : i32
      %parallel_loop3A_587 = vector.broadcast %parallel_loop3A_586 : i32 to vector<16xi32>
      %parallel_loop3A_588 = arith.muli %parallel_loop3A_585, %parallel_loop3A_587 : vector<16xi32>
      %parallel_loop3A_589 = arith.addi %parallel_loop3A_588, %parallel_loop3A_581 : vector<16xi32>
      %parallel_loop3A_590 = arith.constant 1088 : i32
      %parallel_loop3A_591 = vector.broadcast %parallel_loop3A_590 : i32 to vector<16xi32>
      %parallel_loop3A_592 = arith.minsi %parallel_loop3A_589, %parallel_loop3A_591 : vector<16xi32>
      %parallel_loop3A_593 = arith.constant 1104 : i32
      %parallel_loop3A_594 = vector.broadcast %parallel_loop3A_593 : i32 to vector<16xi32>
      %parallel_loop3A_595 = arith.addi %parallel_loop3A_592, %parallel_loop3A_594 : vector<16xi32>
      %parallel_loop3A_596 = arith.constant 1104 : i32
      %parallel_loop3A_597 = arith.addi %parallel_loop3A_548, %parallel_loop3A_596 : i32
      %parallel_loop3A_598 = arith.index_cast %parallel_loop3A_597 : i32 to index
      %parallel_loop3A_599 = tpu.vector_load %arg6[%parallel_loop3A_598] {strides = array<i32>} : memref<4416xf32, #tpu.memory_space<vmem>>, vector<16xf32>,
      %parallel_loop3A_600 = tpu.vector_load_idx %arg6[%parallel_loop3A_595] : memref<4416xf32, #tpu.memory_space<vmem>>[vector<16xi32>], vector<16xf32>,
      %parallel_loop3A_601 = arith.addf %parallel_loop3A_599, %parallel_loop3A_600 : vector<16xf32>
      %parallel_loop3A_602 = arith.constant 1104 : i32
      %parallel_loop3A_603 = arith.addi %parallel_loop3A_548, %parallel_loop3A_602 : i32
      %parallel_loop3A_604 = arith.index_cast %parallel_loop3A_603 : i32 to index
      %parallel_loop3A_605 = tpu.vector_load %arg7[%parallel_loop3A_604] {strides = array<i32>} : memref<4416xf32, #tpu.memory_space<vmem>>, vector<16xf32>,
      tpu.vector_store %arg7[%parallel_loop3A_604], %parallel_loop3A_601 {strides = array<i32>} : memref<4416xf32, #tpu.memory_space<vmem>>, vector<16xf32>,
    } {sc.loop_unroll_factor = 2 : i64, sc.parallel_access}
    %parallel_loop3A_19 = arith.constant 0 : i32
    %parallel_loop3A_20 = arith.constant 1104 : i32
    %parallel_loop3A_21 = arith.constant 16 : i32
    scf.for %parallel_loop3A_548 = %parallel_loop3A_19 to %parallel_loop3A_20 step %parallel_loop3A_21  : i32 {
      %parallel_loop3A_549 = vector.broadcast %parallel_loop3A_548 : i32 to vector<16xi32>
      %parallel_loop3A_550 = arith.addi %iota3A, %parallel_loop3A_549 : vector<16xi32>
      %parallel_loop3A_551 = arith.constant 33 : i32
      %parallel_loop3A_552 = vector.broadcast %parallel_loop3A_551 : i32 to vector<16xi32>
      %parallel_loop3A_553 = arith.divsi %parallel_loop3A_550, %parallel_loop3A_552 : vector<16xi32>
      %parallel_loop3A_554 = arith.constant 0 : i32
      %parallel_loop3A_555 = vector.broadcast %parallel_loop3A_554 : i32 to vector<16xi32>
      %parallel_loop3A_556 = arith.cmpi sgt, %parallel_loop3A_550, %parallel_loop3A_555 : vector<16xi32>
      %parallel_loop3A_557 = arith.extui %parallel_loop3A_556 : vector<16xi1> to vector<16xi32>
      %parallel_loop3A_558 = arith.constant 0 : i32
      %parallel_loop3A_559 = vector.broadcast %parallel_loop3A_558 : i32 to vector<16xi32>
      %parallel_loop3A_560 = arith.cmpi slt, %parallel_loop3A_550, %parallel_loop3A_559 : vector<16xi32>
      %parallel_loop3A_561 = arith.extui %parallel_loop3A_560 : vector<16xi1> to vector<16xi32>
      %parallel_loop3A_562 = arith.subi %parallel_loop3A_557, %parallel_loop3A_561 : vector<16xi32>
      %parallel_loop3A_563 = arith.constant 0 : i32
      %parallel_loop3A_564 = arith.cmpi sgt, %parallel_loop3A_551, %parallel_loop3A_563 : i32
      %parallel_loop3A_565 = arith.extui %parallel_loop3A_564 : i1 to i32
      %parallel_loop3A_566 = arith.constant 0 : i32
      %parallel_loop3A_567 = arith.cmpi slt, %parallel_loop3A_551, %parallel_loop3A_566 : i32
      %parallel_loop3A_568 = arith.extui %parallel_loop3A_567 : i1 to i32
      %parallel_loop3A_569 = arith.subi %parallel_loop3A_565, %parallel_loop3A_568 : i32
      %parallel_loop3A_570 = vector.broadcast %parallel_loop3A_569 : i32 to vector<16xi32>
      %parallel_loop3A_571 = arith.cmpi ne, %parallel_loop3A_562, %parallel_loop3A_570 : vector<16xi32>
      %parallel_loop3A_572 = vector.broadcast %parallel_loop3A_551 : i32 to vector<16xi32>
      %parallel_loop3A_573 = arith.remsi %parallel_loop3A_550, %parallel_loop3A_572 : vector<16xi32>
      %parallel_loop3A_574 = arith.constant 0 : i32
      %parallel_loop3A_575 = vector.broadcast %parallel_loop3A_574 : i32 to vector<16xi32>
      %parallel_loop3A_576 = arith.cmpi ne, %parallel_loop3A_573, %parallel_loop3A_575 : vector<16xi32>
      %parallel_loop3A_577 = arith.andi %parallel_loop3A_571, %parallel_loop3A_576 : vector<16xi1>
      %parallel_loop3A_578 = arith.constant 1 : i32
      %parallel_loop3A_579 = vector.broadcast %parallel_loop3A_578 : i32 to vector<16xi32>
      %parallel_loop3A_580 = arith.subi %parallel_loop3A_553, %parallel_loop3A_579 : vector<16xi32>
      %parallel_loop3A_581 = arith.select %parallel_loop3A_577, %parallel_loop3A_580, %parallel_loop3A_553 : vector<16xi1>, vector<16xi32>
      %parallel_loop3A_582 = arith.constant 33 : i32
      %parallel_loop3A_583 = vector.broadcast %parallel_loop3A_582 : i32 to vector<16xi32>
      %parallel_loop3A_584 = arith.muli %parallel_loop3A_581, %parallel_loop3A_583 : vector<16xi32>
      %parallel_loop3A_585 = arith.subi %parallel_loop3A_550, %parallel_loop3A_584 : vector<16xi32>
      %parallel_loop3A_586 = arith.constant 33 : i32
      %parallel_loop3A_587 = vector.broadcast %parallel_loop3A_586 : i32 to vector<16xi32>
      %parallel_loop3A_588 = arith.muli %parallel_loop3A_585, %parallel_loop3A_587 : vector<16xi32>
      %parallel_loop3A_589 = arith.addi %parallel_loop3A_588, %parallel_loop3A_581 : vector<16xi32>
      %parallel_loop3A_590 = arith.constant 1088 : i32
      %parallel_loop3A_591 = vector.broadcast %parallel_loop3A_590 : i32 to vector<16xi32>
      %parallel_loop3A_592 = arith.minsi %parallel_loop3A_589, %parallel_loop3A_591 : vector<16xi32>
      %parallel_loop3A_593 = arith.constant 2208 : i32
      %parallel_loop3A_594 = vector.broadcast %parallel_loop3A_593 : i32 to vector<16xi32>
      %parallel_loop3A_595 = arith.addi %parallel_loop3A_592, %parallel_loop3A_594 : vector<16xi32>
      %parallel_loop3A_596 = arith.constant 2208 : i32
      %parallel_loop3A_597 = arith.addi %parallel_loop3A_548, %parallel_loop3A_596 : i32
      %parallel_loop3A_598 = arith.index_cast %parallel_loop3A_597 : i32 to index
      %parallel_loop3A_599 = tpu.vector_load %arg6[%parallel_loop3A_598] {strides = array<i32>} : memref<4416xf32, #tpu.memory_space<vmem>>, vector<16xf32>,
      %parallel_loop3A_600 = tpu.vector_load_idx %arg6[%parallel_loop3A_595] : memref<4416xf32, #tpu.memory_space<vmem>>[vector<16xi32>], vector<16xf32>,
      %parallel_loop3A_601 = arith.addf %parallel_loop3A_599, %parallel_loop3A_600 : vector<16xf32>
      %parallel_loop3A_602 = arith.constant 2208 : i32
      %parallel_loop3A_603 = arith.addi %parallel_loop3A_548, %parallel_loop3A_602 : i32
      %parallel_loop3A_604 = arith.index_cast %parallel_loop3A_603 : i32 to index
      %parallel_loop3A_605 = tpu.vector_load %arg7[%parallel_loop3A_604] {strides = array<i32>} : memref<4416xf32, #tpu.memory_space<vmem>>, vector<16xf32>,
      tpu.vector_store %arg7[%parallel_loop3A_604], %parallel_loop3A_601 {strides = array<i32>} : memref<4416xf32, #tpu.memory_space<vmem>>, vector<16xf32>,
    } {sc.loop_unroll_factor = 2 : i64, sc.parallel_access}
    %parallel_loop3A_22 = arith.constant 0 : i32
    %parallel_loop3A_23 = arith.constant 1104 : i32
    %parallel_loop3A_24 = arith.constant 16 : i32
    scf.for %parallel_loop3A_548 = %parallel_loop3A_22 to %parallel_loop3A_23 step %parallel_loop3A_24  : i32 {
      %parallel_loop3A_549 = vector.broadcast %parallel_loop3A_548 : i32 to vector<16xi32>
      %parallel_loop3A_550 = arith.addi %iota3A, %parallel_loop3A_549 : vector<16xi32>
      %parallel_loop3A_551 = arith.constant 33 : i32
      %parallel_loop3A_552 = vector.broadcast %parallel_loop3A_551 : i32 to vector<16xi32>
      %parallel_loop3A_553 = arith.divsi %parallel_loop3A_550, %parallel_loop3A_552 : vector<16xi32>
      %parallel_loop3A_554 = arith.constant 0 : i32
      %parallel_loop3A_555 = vector.broadcast %parallel_loop3A_554 : i32 to vector<16xi32>
      %parallel_loop3A_556 = arith.cmpi sgt, %parallel_loop3A_550, %parallel_loop3A_555 : vector<16xi32>
      %parallel_loop3A_557 = arith.extui %parallel_loop3A_556 : vector<16xi1> to vector<16xi32>
      %parallel_loop3A_558 = arith.constant 0 : i32
      %parallel_loop3A_559 = vector.broadcast %parallel_loop3A_558 : i32 to vector<16xi32>
      %parallel_loop3A_560 = arith.cmpi slt, %parallel_loop3A_550, %parallel_loop3A_559 : vector<16xi32>
      %parallel_loop3A_561 = arith.extui %parallel_loop3A_560 : vector<16xi1> to vector<16xi32>
      %parallel_loop3A_562 = arith.subi %parallel_loop3A_557, %parallel_loop3A_561 : vector<16xi32>
      %parallel_loop3A_563 = arith.constant 0 : i32
      %parallel_loop3A_564 = arith.cmpi sgt, %parallel_loop3A_551, %parallel_loop3A_563 : i32
      %parallel_loop3A_565 = arith.extui %parallel_loop3A_564 : i1 to i32
      %parallel_loop3A_566 = arith.constant 0 : i32
      %parallel_loop3A_567 = arith.cmpi slt, %parallel_loop3A_551, %parallel_loop3A_566 : i32
      %parallel_loop3A_568 = arith.extui %parallel_loop3A_567 : i1 to i32
      %parallel_loop3A_569 = arith.subi %parallel_loop3A_565, %parallel_loop3A_568 : i32
      %parallel_loop3A_570 = vector.broadcast %parallel_loop3A_569 : i32 to vector<16xi32>
      %parallel_loop3A_571 = arith.cmpi ne, %parallel_loop3A_562, %parallel_loop3A_570 : vector<16xi32>
      %parallel_loop3A_572 = vector.broadcast %parallel_loop3A_551 : i32 to vector<16xi32>
      %parallel_loop3A_573 = arith.remsi %parallel_loop3A_550, %parallel_loop3A_572 : vector<16xi32>
      %parallel_loop3A_574 = arith.constant 0 : i32
      %parallel_loop3A_575 = vector.broadcast %parallel_loop3A_574 : i32 to vector<16xi32>
      %parallel_loop3A_576 = arith.cmpi ne, %parallel_loop3A_573, %parallel_loop3A_575 : vector<16xi32>
      %parallel_loop3A_577 = arith.andi %parallel_loop3A_571, %parallel_loop3A_576 : vector<16xi1>
      %parallel_loop3A_578 = arith.constant 1 : i32
      %parallel_loop3A_579 = vector.broadcast %parallel_loop3A_578 : i32 to vector<16xi32>
      %parallel_loop3A_580 = arith.subi %parallel_loop3A_553, %parallel_loop3A_579 : vector<16xi32>
      %parallel_loop3A_581 = arith.select %parallel_loop3A_577, %parallel_loop3A_580, %parallel_loop3A_553 : vector<16xi1>, vector<16xi32>
      %parallel_loop3A_582 = arith.constant 33 : i32
      %parallel_loop3A_583 = vector.broadcast %parallel_loop3A_582 : i32 to vector<16xi32>
      %parallel_loop3A_584 = arith.muli %parallel_loop3A_581, %parallel_loop3A_583 : vector<16xi32>
      %parallel_loop3A_585 = arith.subi %parallel_loop3A_550, %parallel_loop3A_584 : vector<16xi32>
      %parallel_loop3A_586 = arith.constant 33 : i32
      %parallel_loop3A_587 = vector.broadcast %parallel_loop3A_586 : i32 to vector<16xi32>
      %parallel_loop3A_588 = arith.muli %parallel_loop3A_585, %parallel_loop3A_587 : vector<16xi32>
      %parallel_loop3A_589 = arith.addi %parallel_loop3A_588, %parallel_loop3A_581 : vector<16xi32>
      %parallel_loop3A_590 = arith.constant 1088 : i32
      %parallel_loop3A_591 = vector.broadcast %parallel_loop3A_590 : i32 to vector<16xi32>
      %parallel_loop3A_592 = arith.minsi %parallel_loop3A_589, %parallel_loop3A_591 : vector<16xi32>
      %parallel_loop3A_593 = arith.constant 3312 : i32
      %parallel_loop3A_594 = vector.broadcast %parallel_loop3A_593 : i32 to vector<16xi32>
      %parallel_loop3A_595 = arith.addi %parallel_loop3A_592, %parallel_loop3A_594 : vector<16xi32>
      %parallel_loop3A_596 = arith.constant 3312 : i32
      %parallel_loop3A_597 = arith.addi %parallel_loop3A_548, %parallel_loop3A_596 : i32
      %parallel_loop3A_598 = arith.index_cast %parallel_loop3A_597 : i32 to index
      %parallel_loop3A_599 = tpu.vector_load %arg6[%parallel_loop3A_598] {strides = array<i32>} : memref<4416xf32, #tpu.memory_space<vmem>>, vector<16xf32>,
      %parallel_loop3A_600 = tpu.vector_load_idx %arg6[%parallel_loop3A_595] : memref<4416xf32, #tpu.memory_space<vmem>>[vector<16xi32>], vector<16xf32>,
      %parallel_loop3A_601 = arith.addf %parallel_loop3A_599, %parallel_loop3A_600 : vector<16xf32>
      %parallel_loop3A_602 = arith.constant 3312 : i32
      %parallel_loop3A_603 = arith.addi %parallel_loop3A_548, %parallel_loop3A_602 : i32
      %parallel_loop3A_604 = arith.index_cast %parallel_loop3A_603 : i32 to index
      %parallel_loop3A_605 = tpu.vector_load %arg7[%parallel_loop3A_604] {strides = array<i32>} : memref<4416xf32, #tpu.memory_space<vmem>>, vector<16xf32>,
      tpu.vector_store %arg7[%parallel_loop3A_604], %parallel_loop3A_601 {strides = array<i32>} : memref<4416xf32, #tpu.memory_space<vmem>>, vector<16xf32>,
    } {sc.loop_unroll_factor = 2 : i64, sc.parallel_access}
    %add3A_25 = arith.constant 0 : i32
    %add3A_26 = vector.broadcast %add3A_25 : i32 to vector<16xi32>
    %add3A_27 = arith.addi %iota3A, %add3A_26 : vector<16xi32>
    %mul3A_28 = arith.constant 33 : i32
    %mul3A_29 = vector.broadcast %mul3A_28 : i32 to vector<16xi32>
    %mul3A_30 = arith.muli %add3A_27, %mul3A_29 : vector<16xi32>
    %broadcast_in_dim3A_31 = arith.constant 0.000000e+00 : f32
    %broadcast_in_dim3A_32 = vector.broadcast %broadcast_in_dim3A_31 : f32 to vector<16xf32>
    %add3A_33 = arith.constant 0 : i32
    %add3A_34 = vector.broadcast %add3A_33 : i32 to vector<16xi32>
    %add3A_35 = arith.addi %mul3A_30, %add3A_34 : vector<16xi32>
    %gather3A = tpu.vector_load_idx %arg6[%add3A_35] : memref<4416xf32, #tpu.memory_space<vmem>>[vector<16xi32>], vector<16xf32>,
    %add3A_36 = arith.addf %broadcast_in_dim3A_32, %gather3A : vector<16xf32>
    %add3A_37 = arith.constant 1 : i32
    %add3A_38 = vector.broadcast %add3A_37 : i32 to vector<16xi32>
    %add3A_39 = arith.addi %mul3A_30, %add3A_38 : vector<16xi32>
    %gather3A_40 = tpu.vector_load_idx %arg6[%add3A_39] : memref<4416xf32, #tpu.memory_space<vmem>>[vector<16xi32>], vector<16xf32>,
    %add3A_41 = arith.addf %add3A_36, %gather3A_40 : vector<16xf32>
    %add3A_42 = arith.constant 2 : i32
    %add3A_43 = vector.broadcast %add3A_42 : i32 to vector<16xi32>
    %add3A_44 = arith.addi %mul3A_30, %add3A_43 : vector<16xi32>
    %gather3A_45 = tpu.vector_load_idx %arg6[%add3A_44] : memref<4416xf32, #tpu.memory_space<vmem>>[vector<16xi32>], vector<16xf32>,
    %add3A_46 = arith.addf %add3A_41, %gather3A_45 : vector<16xf32>
    %add3A_47 = arith.constant 3 : i32
    %add3A_48 = vector.broadcast %add3A_47 : i32 to vector<16xi32>
    %add3A_49 = arith.addi %mul3A_30, %add3A_48 : vector<16xi32>
    %gather3A_50 = tpu.vector_load_idx %arg6[%add3A_49] : memref<4416xf32, #tpu.memory_space<vmem>>[vector<16xi32>], vector<16xf32>,
    %add3A_51 = arith.addf %add3A_46, %gather3A_50 : vector<16xf32>
    %add3A_52 = arith.constant 4 : i32
    %add3A_53 = vector.broadcast %add3A_52 : i32 to vector<16xi32>
    %add3A_54 = arith.addi %mul3A_30, %add3A_53 : vector<16xi32>
    %gather3A_55 = tpu.vector_load_idx %arg6[%add3A_54] : memref<4416xf32, #tpu.memory_space<vmem>>[vector<16xi32>], vector<16xf32>,
    %add3A_56 = arith.addf %add3A_51, %gather3A_55 : vector<16xf32>
    %add3A_57 = arith.constant 5 : i32
    %add3A_58 = vector.broadcast %add3A_57 : i32 to vector<16xi32>
    %add3A_59 = arith.addi %mul3A_30, %add3A_58 : vector<16xi32>
    %gather3A_60 = tpu.vector_load_idx %arg6[%add3A_59] : memref<4416xf32, #tpu.memory_space<vmem>>[vector<16xi32>], vector<16xf32>,
    %add3A_61 = arith.addf %add3A_56, %gather3A_60 : vector<16xf32>
    %add3A_62 = arith.constant 6 : i32
    %add3A_63 = vector.broadcast %add3A_62 : i32 to vector<16xi32>
    %add3A_64 = arith.addi %mul3A_30, %add3A_63 : vector<16xi32>
    %gather3A_65 = tpu.vector_load_idx %arg6[%add3A_64] : memref<4416xf32, #tpu.memory_space<vmem>>[vector<16xi32>], vector<16xf32>,
    %add3A_66 = arith.addf %add3A_61, %gather3A_65 : vector<16xf32>
    %add3A_67 = arith.constant 7 : i32
    %add3A_68 = vector.broadcast %add3A_67 : i32 to vector<16xi32>
    %add3A_69 = arith.addi %mul3A_30, %add3A_68 : vector<16xi32>
    %gather3A_70 = tpu.vector_load_idx %arg6[%add3A_69] : memref<4416xf32, #tpu.memory_space<vmem>>[vector<16xi32>], vector<16xf32>,
    %add3A_71 = arith.addf %add3A_66, %gather3A_70 : vector<16xf32>
    %add3A_72 = arith.constant 8 : i32
    %add3A_73 = vector.broadcast %add3A_72 : i32 to vector<16xi32>
    %add3A_74 = arith.addi %mul3A_30, %add3A_73 : vector<16xi32>
    %gather3A_75 = tpu.vector_load_idx %arg6[%add3A_74] : memref<4416xf32, #tpu.memory_space<vmem>>[vector<16xi32>], vector<16xf32>,
    %add3A_76 = arith.addf %add3A_71, %gather3A_75 : vector<16xf32>
    %add3A_77 = arith.constant 9 : i32
    %add3A_78 = vector.broadcast %add3A_77 : i32 to vector<16xi32>
    %add3A_79 = arith.addi %mul3A_30, %add3A_78 : vector<16xi32>
    %gather3A_80 = tpu.vector_load_idx %arg6[%add3A_79] : memref<4416xf32, #tpu.memory_space<vmem>>[vector<16xi32>], vector<16xf32>,
    %add3A_81 = arith.addf %add3A_76, %gather3A_80 : vector<16xf32>
    %add3A_82 = arith.constant 10 : i32
    %add3A_83 = vector.broadcast %add3A_82 : i32 to vector<16xi32>
    %add3A_84 = arith.addi %mul3A_30, %add3A_83 : vector<16xi32>
    %gather3A_85 = tpu.vector_load_idx %arg6[%add3A_84] : memref<4416xf32, #tpu.memory_space<vmem>>[vector<16xi32>], vector<16xf32>,
    %add3A_86 = arith.addf %add3A_81, %gather3A_85 : vector<16xf32>
    %add3A_87 = arith.constant 11 : i32
    %add3A_88 = vector.broadcast %add3A_87 : i32 to vector<16xi32>
    %add3A_89 = arith.addi %mul3A_30, %add3A_88 : vector<16xi32>
    %gather3A_90 = tpu.vector_load_idx %arg6[%add3A_89] : memref<4416xf32, #tpu.memory_space<vmem>>[vector<16xi32>], vector<16xf32>,
    %add3A_91 = arith.addf %add3A_86, %gather3A_90 : vector<16xf32>
    %add3A_92 = arith.constant 12 : i32
    %add3A_93 = vector.broadcast %add3A_92 : i32 to vector<16xi32>
    %add3A_94 = arith.addi %mul3A_30, %add3A_93 : vector<16xi32>
    %gather3A_95 = tpu.vector_load_idx %arg6[%add3A_94] : memref<4416xf32, #tpu.memory_space<vmem>>[vector<16xi32>], vector<16xf32>,
    %add3A_96 = arith.addf %add3A_91, %gather3A_95 : vector<16xf32>
    %add3A_97 = arith.constant 13 : i32
    %add3A_98 = vector.broadcast %add3A_97 : i32 to vector<16xi32>
    %add3A_99 = arith.addi %mul3A_30, %add3A_98 : vector<16xi32>
    %gather3A_100 = tpu.vector_load_idx %arg6[%add3A_99] : memref<4416xf32, #tpu.memory_space<vmem>>[vector<16xi32>], vector<16xf32>,
    %add3A_101 = arith.addf %add3A_96, %gather3A_100 : vector<16xf32>
    %add3A_102 = arith.constant 14 : i32
    %add3A_103 = vector.broadcast %add3A_102 : i32 to vector<16xi32>
    %add3A_104 = arith.addi %mul3A_30, %add3A_103 : vector<16xi32>
    %gather3A_105 = tpu.vector_load_idx %arg6[%add3A_104] : memref<4416xf32, #tpu.memory_space<vmem>>[vector<16xi32>], vector<16xf32>,
    %add3A_106 = arith.addf %add3A_101, %gather3A_105 : vector<16xf32>
    %add3A_107 = arith.constant 15 : i32
    %add3A_108 = vector.broadcast %add3A_107 : i32 to vector<16xi32>
    %add3A_109 = arith.addi %mul3A_30, %add3A_108 : vector<16xi32>
    %gather3A_110 = tpu.vector_load_idx %arg6[%add3A_109] : memref<4416xf32, #tpu.memory_space<vmem>>[vector<16xi32>], vector<16xf32>,
    %add3A_111 = arith.addf %add3A_106, %gather3A_110 : vector<16xf32>
    %add3A_112 = arith.constant 16 : i32
    %add3A_113 = vector.broadcast %add3A_112 : i32 to vector<16xi32>
    %add3A_114 = arith.addi %mul3A_30, %add3A_113 : vector<16xi32>
    %gather3A_115 = tpu.vector_load_idx %arg6[%add3A_114] : memref<4416xf32, #tpu.memory_space<vmem>>[vector<16xi32>], vector<16xf32>,
    %add3A_116 = arith.addf %add3A_111, %gather3A_115 : vector<16xf32>
    %add3A_117 = arith.constant 17 : i32
    %add3A_118 = vector.broadcast %add3A_117 : i32 to vector<16xi32>
    %add3A_119 = arith.addi %mul3A_30, %add3A_118 : vector<16xi32>
    %gather3A_120 = tpu.vector_load_idx %arg6[%add3A_119] : memref<4416xf32, #tpu.memory_space<vmem>>[vector<16xi32>], vector<16xf32>,
    %add3A_121 = arith.addf %add3A_116, %gather3A_120 : vector<16xf32>
    %add3A_122 = arith.constant 18 : i32
    %add3A_123 = vector.broadcast %add3A_122 : i32 to vector<16xi32>
    %add3A_124 = arith.addi %mul3A_30, %add3A_123 : vector<16xi32>
    %gather3A_125 = tpu.vector_load_idx %arg6[%add3A_124] : memref<4416xf32, #tpu.memory_space<vmem>>[vector<16xi32>], vector<16xf32>,
    %add3A_126 = arith.addf %add3A_121, %gather3A_125 : vector<16xf32>
    %add3A_127 = arith.constant 19 : i32
    %add3A_128 = vector.broadcast %add3A_127 : i32 to vector<16xi32>
    %add3A_129 = arith.addi %mul3A_30, %add3A_128 : vector<16xi32>
    %gather3A_130 = tpu.vector_load_idx %arg6[%add3A_129] : memref<4416xf32, #tpu.memory_space<vmem>>[vector<16xi32>], vector<16xf32>,
    %add3A_131 = arith.addf %add3A_126, %gather3A_130 : vector<16xf32>
    %add3A_132 = arith.constant 20 : i32
    %add3A_133 = vector.broadcast %add3A_132 : i32 to vector<16xi32>
    %add3A_134 = arith.addi %mul3A_30, %add3A_133 : vector<16xi32>
    %gather3A_135 = tpu.vector_load_idx %arg6[%add3A_134] : memref<4416xf32, #tpu.memory_space<vmem>>[vector<16xi32>], vector<16xf32>,
    %add3A_136 = arith.addf %add3A_131, %gather3A_135 : vector<16xf32>
    %add3A_137 = arith.constant 21 : i32
    %add3A_138 = vector.broadcast %add3A_137 : i32 to vector<16xi32>
    %add3A_139 = arith.addi %mul3A_30, %add3A_138 : vector<16xi32>
    %gather3A_140 = tpu.vector_load_idx %arg6[%add3A_139] : memref<4416xf32, #tpu.memory_space<vmem>>[vector<16xi32>], vector<16xf32>,
    %add3A_141 = arith.addf %add3A_136, %gather3A_140 : vector<16xf32>
    %add3A_142 = arith.constant 22 : i32
    %add3A_143 = vector.broadcast %add3A_142 : i32 to vector<16xi32>
    %add3A_144 = arith.addi %mul3A_30, %add3A_143 : vector<16xi32>
    %gather3A_145 = tpu.vector_load_idx %arg6[%add3A_144] : memref<4416xf32, #tpu.memory_space<vmem>>[vector<16xi32>], vector<16xf32>,
    %add3A_146 = arith.addf %add3A_141, %gather3A_145 : vector<16xf32>
    %add3A_147 = arith.constant 23 : i32
    %add3A_148 = vector.broadcast %add3A_147 : i32 to vector<16xi32>
    %add3A_149 = arith.addi %mul3A_30, %add3A_148 : vector<16xi32>
    %gather3A_150 = tpu.vector_load_idx %arg6[%add3A_149] : memref<4416xf32, #tpu.memory_space<vmem>>[vector<16xi32>], vector<16xf32>,
    %add3A_151 = arith.addf %add3A_146, %gather3A_150 : vector<16xf32>
    %add3A_152 = arith.constant 24 : i32
    %add3A_153 = vector.broadcast %add3A_152 : i32 to vector<16xi32>
    %add3A_154 = arith.addi %mul3A_30, %add3A_153 : vector<16xi32>
    %gather3A_155 = tpu.vector_load_idx %arg6[%add3A_154] : memref<4416xf32, #tpu.memory_space<vmem>>[vector<16xi32>], vector<16xf32>,
    %add3A_156 = arith.addf %add3A_151, %gather3A_155 : vector<16xf32>
    %add3A_157 = arith.constant 25 : i32
    %add3A_158 = vector.broadcast %add3A_157 : i32 to vector<16xi32>
    %add3A_159 = arith.addi %mul3A_30, %add3A_158 : vector<16xi32>
    %gather3A_160 = tpu.vector_load_idx %arg6[%add3A_159] : memref<4416xf32, #tpu.memory_space<vmem>>[vector<16xi32>], vector<16xf32>,
    %add3A_161 = arith.addf %add3A_156, %gather3A_160 : vector<16xf32>
    %add3A_162 = arith.constant 26 : i32
    %add3A_163 = vector.broadcast %add3A_162 : i32 to vector<16xi32>
    %add3A_164 = arith.addi %mul3A_30, %add3A_163 : vector<16xi32>
    %gather3A_165 = tpu.vector_load_idx %arg6[%add3A_164] : memref<4416xf32, #tpu.memory_space<vmem>>[vector<16xi32>], vector<16xf32>,
    %add3A_166 = arith.addf %add3A_161, %gather3A_165 : vector<16xf32>
    %add3A_167 = arith.constant 27 : i32
    %add3A_168 = vector.broadcast %add3A_167 : i32 to vector<16xi32>
    %add3A_169 = arith.addi %mul3A_30, %add3A_168 : vector<16xi32>
    %gather3A_170 = tpu.vector_load_idx %arg6[%add3A_169] : memref<4416xf32, #tpu.memory_space<vmem>>[vector<16xi32>], vector<16xf32>,
    %add3A_171 = arith.addf %add3A_166, %gather3A_170 : vector<16xf32>
    %add3A_172 = arith.constant 28 : i32
    %add3A_173 = vector.broadcast %add3A_172 : i32 to vector<16xi32>
    %add3A_174 = arith.addi %mul3A_30, %add3A_173 : vector<16xi32>
    %gather3A_175 = tpu.vector_load_idx %arg6[%add3A_174] : memref<4416xf32, #tpu.memory_space<vmem>>[vector<16xi32>], vector<16xf32>,
    %add3A_176 = arith.addf %add3A_171, %gather3A_175 : vector<16xf32>
    %add3A_177 = arith.constant 29 : i32
    %add3A_178 = vector.broadcast %add3A_177 : i32 to vector<16xi32>
    %add3A_179 = arith.addi %mul3A_30, %add3A_178 : vector<16xi32>
    %gather3A_180 = tpu.vector_load_idx %arg6[%add3A_179] : memref<4416xf32, #tpu.memory_space<vmem>>[vector<16xi32>], vector<16xf32>,
    %add3A_181 = arith.addf %add3A_176, %gather3A_180 : vector<16xf32>
    %add3A_182 = arith.constant 30 : i32
    %add3A_183 = vector.broadcast %add3A_182 : i32 to vector<16xi32>
    %add3A_184 = arith.addi %mul3A_30, %add3A_183 : vector<16xi32>
    %gather3A_185 = tpu.vector_load_idx %arg6[%add3A_184] : memref<4416xf32, #tpu.memory_space<vmem>>[vector<16xi32>], vector<16xf32>,
    %add3A_186 = arith.addf %add3A_181, %gather3A_185 : vector<16xf32>
    %add3A_187 = arith.constant 31 : i32
    %add3A_188 = vector.broadcast %add3A_187 : i32 to vector<16xi32>
    %add3A_189 = arith.addi %mul3A_30, %add3A_188 : vector<16xi32>
    %gather3A_190 = tpu.vector_load_idx %arg6[%add3A_189] : memref<4416xf32, #tpu.memory_space<vmem>>[vector<16xi32>], vector<16xf32>,
    %add3A_191 = arith.addf %add3A_186, %gather3A_190 : vector<16xf32>
    %add3A_192 = arith.constant 32 : i32
    %add3A_193 = vector.broadcast %add3A_192 : i32 to vector<16xi32>
    %add3A_194 = arith.addi %mul3A_30, %add3A_193 : vector<16xi32>
    %gather3A_195 = tpu.vector_load_idx %arg6[%add3A_194] : memref<4416xf32, #tpu.memory_space<vmem>>[vector<16xi32>], vector<16xf32>,
    %add3A_196 = arith.addf %add3A_191, %gather3A_195 : vector<16xf32>
    %swap3A = arith.constant 0 : index
    %swap3A_197 = tpu.vector_load %arg8[%swap3A] {strides = array<i32>} : memref<48xf32, #tpu.memory_space<vmem>>, vector<16xf32>,
    tpu.vector_store %arg8[%swap3A], %add3A_196 {strides = array<i32>} : memref<48xf32, #tpu.memory_space<vmem>>, vector<16xf32>,
    %add3A_198 = arith.constant 16 : i32
    %add3A_199 = vector.broadcast %add3A_198 : i32 to vector<16xi32>
    %add3A_200 = arith.addi %iota3A, %add3A_199 : vector<16xi32>
    %mul3A_201 = arith.constant 33 : i32
    %mul3A_202 = vector.broadcast %mul3A_201 : i32 to vector<16xi32>
    %mul3A_203 = arith.muli %add3A_200, %mul3A_202 : vector<16xi32>
    %broadcast_in_dim3A_204 = arith.constant 0.000000e+00 : f32
    %broadcast_in_dim3A_205 = vector.broadcast %broadcast_in_dim3A_204 : f32 to vector<16xf32>
    %add3A_206 = arith.constant 0 : i32
    %add3A_207 = vector.broadcast %add3A_206 : i32 to vector<16xi32>
    %add3A_208 = arith.addi %mul3A_203, %add3A_207 : vector<16xi32>
    %gather3A_209 = tpu.vector_load_idx %arg6[%add3A_208] : memref<4416xf32, #tpu.memory_space<vmem>>[vector<16xi32>], vector<16xf32>,
    %add3A_210 = arith.addf %broadcast_in_dim3A_205, %gather3A_209 : vector<16xf32>
    %add3A_211 = arith.constant 1 : i32
    %add3A_212 = vector.broadcast %add3A_211 : i32 to vector<16xi32>
    %add3A_213 = arith.addi %mul3A_203, %add3A_212 : vector<16xi32>
    %gather3A_214 = tpu.vector_load_idx %arg6[%add3A_213] : memref<4416xf32, #tpu.memory_space<vmem>>[vector<16xi32>], vector<16xf32>,
    %add3A_215 = arith.addf %add3A_210, %gather3A_214 : vector<16xf32>
    %add3A_216 = arith.constant 2 : i32
    %add3A_217 = vector.broadcast %add3A_216 : i32 to vector<16xi32>
    %add3A_218 = arith.addi %mul3A_203, %add3A_217 : vector<16xi32>
    %gather3A_219 = tpu.vector_load_idx %arg6[%add3A_218] : memref<4416xf32, #tpu.memory_space<vmem>>[vector<16xi32>], vector<16xf32>,
    %add3A_220 = arith.addf %add3A_215, %gather3A_219 : vector<16xf32>
    %add3A_221 = arith.constant 3 : i32
    %add3A_222 = vector.broadcast %add3A_221 : i32 to vector<16xi32>
    %add3A_223 = arith.addi %mul3A_203, %add3A_222 : vector<16xi32>
    %gather3A_224 = tpu.vector_load_idx %arg6[%add3A_223] : memref<4416xf32, #tpu.memory_space<vmem>>[vector<16xi32>], vector<16xf32>,
    %add3A_225 = arith.addf %add3A_220, %gather3A_224 : vector<16xf32>
    %add3A_226 = arith.constant 4 : i32
    %add3A_227 = vector.broadcast %add3A_226 : i32 to vector<16xi32>
    %add3A_228 = arith.addi %mul3A_203, %add3A_227 : vector<16xi32>
    %gather3A_229 = tpu.vector_load_idx %arg6[%add3A_228] : memref<4416xf32, #tpu.memory_space<vmem>>[vector<16xi32>], vector<16xf32>,
    %add3A_230 = arith.addf %add3A_225, %gather3A_229 : vector<16xf32>
    %add3A_231 = arith.constant 5 : i32
    %add3A_232 = vector.broadcast %add3A_231 : i32 to vector<16xi32>
    %add3A_233 = arith.addi %mul3A_203, %add3A_232 : vector<16xi32>
    %gather3A_234 = tpu.vector_load_idx %arg6[%add3A_233] : memref<4416xf32, #tpu.memory_space<vmem>>[vector<16xi32>], vector<16xf32>,
    %add3A_235 = arith.addf %add3A_230, %gather3A_234 : vector<16xf32>
    %add3A_236 = arith.constant 6 : i32
    %add3A_237 = vector.broadcast %add3A_236 : i32 to vector<16xi32>
    %add3A_238 = arith.addi %mul3A_203, %add3A_237 : vector<16xi32>
    %gather3A_239 = tpu.vector_load_idx %arg6[%add3A_238] : memref<4416xf32, #tpu.memory_space<vmem>>[vector<16xi32>], vector<16xf32>,
    %add3A_240 = arith.addf %add3A_235, %gather3A_239 : vector<16xf32>
    %add3A_241 = arith.constant 7 : i32
    %add3A_242 = vector.broadcast %add3A_241 : i32 to vector<16xi32>
    %add3A_243 = arith.addi %mul3A_203, %add3A_242 : vector<16xi32>
    %gather3A_244 = tpu.vector_load_idx %arg6[%add3A_243] : memref<4416xf32, #tpu.memory_space<vmem>>[vector<16xi32>], vector<16xf32>,
    %add3A_245 = arith.addf %add3A_240, %gather3A_244 : vector<16xf32>
    %add3A_246 = arith.constant 8 : i32
    %add3A_247 = vector.broadcast %add3A_246 : i32 to vector<16xi32>
    %add3A_248 = arith.addi %mul3A_203, %add3A_247 : vector<16xi32>
    %gather3A_249 = tpu.vector_load_idx %arg6[%add3A_248] : memref<4416xf32, #tpu.memory_space<vmem>>[vector<16xi32>], vector<16xf32>,
    %add3A_250 = arith.addf %add3A_245, %gather3A_249 : vector<16xf32>
    %add3A_251 = arith.constant 9 : i32
    %add3A_252 = vector.broadcast %add3A_251 : i32 to vector<16xi32>
    %add3A_253 = arith.addi %mul3A_203, %add3A_252 : vector<16xi32>
    %gather3A_254 = tpu.vector_load_idx %arg6[%add3A_253] : memref<4416xf32, #tpu.memory_space<vmem>>[vector<16xi32>], vector<16xf32>,
    %add3A_255 = arith.addf %add3A_250, %gather3A_254 : vector<16xf32>
    %add3A_256 = arith.constant 10 : i32
    %add3A_257 = vector.broadcast %add3A_256 : i32 to vector<16xi32>
    %add3A_258 = arith.addi %mul3A_203, %add3A_257 : vector<16xi32>
    %gather3A_259 = tpu.vector_load_idx %arg6[%add3A_258] : memref<4416xf32, #tpu.memory_space<vmem>>[vector<16xi32>], vector<16xf32>,
    %add3A_260 = arith.addf %add3A_255, %gather3A_259 : vector<16xf32>
    %add3A_261 = arith.constant 11 : i32
    %add3A_262 = vector.broadcast %add3A_261 : i32 to vector<16xi32>
    %add3A_263 = arith.addi %mul3A_203, %add3A_262 : vector<16xi32>
    %gather3A_264 = tpu.vector_load_idx %arg6[%add3A_263] : memref<4416xf32, #tpu.memory_space<vmem>>[vector<16xi32>], vector<16xf32>,
    %add3A_265 = arith.addf %add3A_260, %gather3A_264 : vector<16xf32>
    %add3A_266 = arith.constant 12 : i32
    %add3A_267 = vector.broadcast %add3A_266 : i32 to vector<16xi32>
    %add3A_268 = arith.addi %mul3A_203, %add3A_267 : vector<16xi32>
    %gather3A_269 = tpu.vector_load_idx %arg6[%add3A_268] : memref<4416xf32, #tpu.memory_space<vmem>>[vector<16xi32>], vector<16xf32>,
    %add3A_270 = arith.addf %add3A_265, %gather3A_269 : vector<16xf32>
    %add3A_271 = arith.constant 13 : i32
    %add3A_272 = vector.broadcast %add3A_271 : i32 to vector<16xi32>
    %add3A_273 = arith.addi %mul3A_203, %add3A_272 : vector<16xi32>
    %gather3A_274 = tpu.vector_load_idx %arg6[%add3A_273] : memref<4416xf32, #tpu.memory_space<vmem>>[vector<16xi32>], vector<16xf32>,
    %add3A_275 = arith.addf %add3A_270, %gather3A_274 : vector<16xf32>
    %add3A_276 = arith.constant 14 : i32
    %add3A_277 = vector.broadcast %add3A_276 : i32 to vector<16xi32>
    %add3A_278 = arith.addi %mul3A_203, %add3A_277 : vector<16xi32>
    %gather3A_279 = tpu.vector_load_idx %arg6[%add3A_278] : memref<4416xf32, #tpu.memory_space<vmem>>[vector<16xi32>], vector<16xf32>,
    %add3A_280 = arith.addf %add3A_275, %gather3A_279 : vector<16xf32>
    %add3A_281 = arith.constant 15 : i32
    %add3A_282 = vector.broadcast %add3A_281 : i32 to vector<16xi32>
    %add3A_283 = arith.addi %mul3A_203, %add3A_282 : vector<16xi32>
    %gather3A_284 = tpu.vector_load_idx %arg6[%add3A_283] : memref<4416xf32, #tpu.memory_space<vmem>>[vector<16xi32>], vector<16xf32>,
    %add3A_285 = arith.addf %add3A_280, %gather3A_284 : vector<16xf32>
    %add3A_286 = arith.constant 16 : i32
    %add3A_287 = vector.broadcast %add3A_286 : i32 to vector<16xi32>
    %add3A_288 = arith.addi %mul3A_203, %add3A_287 : vector<16xi32>
    %gather3A_289 = tpu.vector_load_idx %arg6[%add3A_288] : memref<4416xf32, #tpu.memory_space<vmem>>[vector<16xi32>], vector<16xf32>,
    %add3A_290 = arith.addf %add3A_285, %gather3A_289 : vector<16xf32>
    %add3A_291 = arith.constant 17 : i32
    %add3A_292 = vector.broadcast %add3A_291 : i32 to vector<16xi32>
    %add3A_293 = arith.addi %mul3A_203, %add3A_292 : vector<16xi32>
    %gather3A_294 = tpu.vector_load_idx %arg6[%add3A_293] : memref<4416xf32, #tpu.memory_space<vmem>>[vector<16xi32>], vector<16xf32>,
    %add3A_295 = arith.addf %add3A_290, %gather3A_294 : vector<16xf32>
    %add3A_296 = arith.constant 18 : i32
    %add3A_297 = vector.broadcast %add3A_296 : i32 to vector<16xi32>
    %add3A_298 = arith.addi %mul3A_203, %add3A_297 : vector<16xi32>
    %gather3A_299 = tpu.vector_load_idx %arg6[%add3A_298] : memref<4416xf32, #tpu.memory_space<vmem>>[vector<16xi32>], vector<16xf32>,
    %add3A_300 = arith.addf %add3A_295, %gather3A_299 : vector<16xf32>
    %add3A_301 = arith.constant 19 : i32
    %add3A_302 = vector.broadcast %add3A_301 : i32 to vector<16xi32>
    %add3A_303 = arith.addi %mul3A_203, %add3A_302 : vector<16xi32>
    %gather3A_304 = tpu.vector_load_idx %arg6[%add3A_303] : memref<4416xf32, #tpu.memory_space<vmem>>[vector<16xi32>], vector<16xf32>,
    %add3A_305 = arith.addf %add3A_300, %gather3A_304 : vector<16xf32>
    %add3A_306 = arith.constant 20 : i32
    %add3A_307 = vector.broadcast %add3A_306 : i32 to vector<16xi32>
    %add3A_308 = arith.addi %mul3A_203, %add3A_307 : vector<16xi32>
    %gather3A_309 = tpu.vector_load_idx %arg6[%add3A_308] : memref<4416xf32, #tpu.memory_space<vmem>>[vector<16xi32>], vector<16xf32>,
    %add3A_310 = arith.addf %add3A_305, %gather3A_309 : vector<16xf32>
    %add3A_311 = arith.constant 21 : i32
    %add3A_312 = vector.broadcast %add3A_311 : i32 to vector<16xi32>
    %add3A_313 = arith.addi %mul3A_203, %add3A_312 : vector<16xi32>
    %gather3A_314 = tpu.vector_load_idx %arg6[%add3A_313] : memref<4416xf32, #tpu.memory_space<vmem>>[vector<16xi32>], vector<16xf32>,
    %add3A_315 = arith.addf %add3A_310, %gather3A_314 : vector<16xf32>
    %add3A_316 = arith.constant 22 : i32
    %add3A_317 = vector.broadcast %add3A_316 : i32 to vector<16xi32>
    %add3A_318 = arith.addi %mul3A_203, %add3A_317 : vector<16xi32>
    %gather3A_319 = tpu.vector_load_idx %arg6[%add3A_318] : memref<4416xf32, #tpu.memory_space<vmem>>[vector<16xi32>], vector<16xf32>,
    %add3A_320 = arith.addf %add3A_315, %gather3A_319 : vector<16xf32>
    %add3A_321 = arith.constant 23 : i32
    %add3A_322 = vector.broadcast %add3A_321 : i32 to vector<16xi32>
    %add3A_323 = arith.addi %mul3A_203, %add3A_322 : vector<16xi32>
    %gather3A_324 = tpu.vector_load_idx %arg6[%add3A_323] : memref<4416xf32, #tpu.memory_space<vmem>>[vector<16xi32>], vector<16xf32>,
    %add3A_325 = arith.addf %add3A_320, %gather3A_324 : vector<16xf32>
    %add3A_326 = arith.constant 24 : i32
    %add3A_327 = vector.broadcast %add3A_326 : i32 to vector<16xi32>
    %add3A_328 = arith.addi %mul3A_203, %add3A_327 : vector<16xi32>
    %gather3A_329 = tpu.vector_load_idx %arg6[%add3A_328] : memref<4416xf32, #tpu.memory_space<vmem>>[vector<16xi32>], vector<16xf32>,
    %add3A_330 = arith.addf %add3A_325, %gather3A_329 : vector<16xf32>
    %add3A_331 = arith.constant 25 : i32
    %add3A_332 = vector.broadcast %add3A_331 : i32 to vector<16xi32>
    %add3A_333 = arith.addi %mul3A_203, %add3A_332 : vector<16xi32>
    %gather3A_334 = tpu.vector_load_idx %arg6[%add3A_333] : memref<4416xf32, #tpu.memory_space<vmem>>[vector<16xi32>], vector<16xf32>,
    %add3A_335 = arith.addf %add3A_330, %gather3A_334 : vector<16xf32>
    %add3A_336 = arith.constant 26 : i32
    %add3A_337 = vector.broadcast %add3A_336 : i32 to vector<16xi32>
    %add3A_338 = arith.addi %mul3A_203, %add3A_337 : vector<16xi32>
    %gather3A_339 = tpu.vector_load_idx %arg6[%add3A_338] : memref<4416xf32, #tpu.memory_space<vmem>>[vector<16xi32>], vector<16xf32>,
    %add3A_340 = arith.addf %add3A_335, %gather3A_339 : vector<16xf32>
    %add3A_341 = arith.constant 27 : i32
    %add3A_342 = vector.broadcast %add3A_341 : i32 to vector<16xi32>
    %add3A_343 = arith.addi %mul3A_203, %add3A_342 : vector<16xi32>
    %gather3A_344 = tpu.vector_load_idx %arg6[%add3A_343] : memref<4416xf32, #tpu.memory_space<vmem>>[vector<16xi32>], vector<16xf32>,
    %add3A_345 = arith.addf %add3A_340, %gather3A_344 : vector<16xf32>
    %add3A_346 = arith.constant 28 : i32
    %add3A_347 = vector.broadcast %add3A_346 : i32 to vector<16xi32>
    %add3A_348 = arith.addi %mul3A_203, %add3A_347 : vector<16xi32>
    %gather3A_349 = tpu.vector_load_idx %arg6[%add3A_348] : memref<4416xf32, #tpu.memory_space<vmem>>[vector<16xi32>], vector<16xf32>,
    %add3A_350 = arith.addf %add3A_345, %gather3A_349 : vector<16xf32>
    %add3A_351 = arith.constant 29 : i32
    %add3A_352 = vector.broadcast %add3A_351 : i32 to vector<16xi32>
    %add3A_353 = arith.addi %mul3A_203, %add3A_352 : vector<16xi32>
    %gather3A_354 = tpu.vector_load_idx %arg6[%add3A_353] : memref<4416xf32, #tpu.memory_space<vmem>>[vector<16xi32>], vector<16xf32>,
    %add3A_355 = arith.addf %add3A_350, %gather3A_354 : vector<16xf32>
    %add3A_356 = arith.constant 30 : i32
    %add3A_357 = vector.broadcast %add3A_356 : i32 to vector<16xi32>
    %add3A_358 = arith.addi %mul3A_203, %add3A_357 : vector<16xi32>
    %gather3A_359 = tpu.vector_load_idx %arg6[%add3A_358] : memref<4416xf32, #tpu.memory_space<vmem>>[vector<16xi32>], vector<16xf32>,
    %add3A_360 = arith.addf %add3A_355, %gather3A_359 : vector<16xf32>
    %add3A_361 = arith.constant 31 : i32
    %add3A_362 = vector.broadcast %add3A_361 : i32 to vector<16xi32>
    %add3A_363 = arith.addi %mul3A_203, %add3A_362 : vector<16xi32>
    %gather3A_364 = tpu.vector_load_idx %arg6[%add3A_363] : memref<4416xf32, #tpu.memory_space<vmem>>[vector<16xi32>], vector<16xf32>,
    %add3A_365 = arith.addf %add3A_360, %gather3A_364 : vector<16xf32>
    %add3A_366 = arith.constant 32 : i32
    %add3A_367 = vector.broadcast %add3A_366 : i32 to vector<16xi32>
    %add3A_368 = arith.addi %mul3A_203, %add3A_367 : vector<16xi32>
    %gather3A_369 = tpu.vector_load_idx %arg6[%add3A_368] : memref<4416xf32, #tpu.memory_space<vmem>>[vector<16xi32>], vector<16xf32>,
    %add3A_370 = arith.addf %add3A_365, %gather3A_369 : vector<16xf32>
    %swap3A_371 = arith.constant 16 : index
    %swap3A_372 = tpu.vector_load %arg8[%swap3A_371] {strides = array<i32>} : memref<48xf32, #tpu.memory_space<vmem>>, vector<16xf32>,
    tpu.vector_store %arg8[%swap3A_371], %add3A_370 {strides = array<i32>} : memref<48xf32, #tpu.memory_space<vmem>>, vector<16xf32>,
    %add3A_373 = arith.constant 32 : i32
    %add3A_374 = vector.broadcast %add3A_373 : i32 to vector<16xi32>
    %add3A_375 = arith.addi %iota3A, %add3A_374 : vector<16xi32>
    %mul3A_376 = arith.constant 33 : i32
    %mul3A_377 = vector.broadcast %mul3A_376 : i32 to vector<16xi32>
    %mul3A_378 = arith.muli %add3A_375, %mul3A_377 : vector<16xi32>
    %broadcast_in_dim3A_379 = arith.constant 0.000000e+00 : f32
    %broadcast_in_dim3A_380 = vector.broadcast %broadcast_in_dim3A_379 : f32 to vector<16xf32>
    %add3A_381 = arith.constant 0 : i32
    %add3A_382 = vector.broadcast %add3A_381 : i32 to vector<16xi32>
    %add3A_383 = arith.addi %mul3A_378, %add3A_382 : vector<16xi32>
    %gather3A_384 = tpu.vector_load_idx %arg6[%add3A_383] : memref<4416xf32, #tpu.memory_space<vmem>>[vector<16xi32>], vector<16xf32>,
    %add3A_385 = arith.addf %broadcast_in_dim3A_380, %gather3A_384 : vector<16xf32>
    %add3A_386 = arith.constant 1 : i32
    %add3A_387 = vector.broadcast %add3A_386 : i32 to vector<16xi32>
    %add3A_388 = arith.addi %mul3A_378, %add3A_387 : vector<16xi32>
    %gather3A_389 = tpu.vector_load_idx %arg6[%add3A_388] : memref<4416xf32, #tpu.memory_space<vmem>>[vector<16xi32>], vector<16xf32>,
    %add3A_390 = arith.addf %add3A_385, %gather3A_389 : vector<16xf32>
    %add3A_391 = arith.constant 2 : i32
    %add3A_392 = vector.broadcast %add3A_391 : i32 to vector<16xi32>
    %add3A_393 = arith.addi %mul3A_378, %add3A_392 : vector<16xi32>
    %gather3A_394 = tpu.vector_load_idx %arg6[%add3A_393] : memref<4416xf32, #tpu.memory_space<vmem>>[vector<16xi32>], vector<16xf32>,
    %add3A_395 = arith.addf %add3A_390, %gather3A_394 : vector<16xf32>
    %add3A_396 = arith.constant 3 : i32
    %add3A_397 = vector.broadcast %add3A_396 : i32 to vector<16xi32>
    %add3A_398 = arith.addi %mul3A_378, %add3A_397 : vector<16xi32>
    %gather3A_399 = tpu.vector_load_idx %arg6[%add3A_398] : memref<4416xf32, #tpu.memory_space<vmem>>[vector<16xi32>], vector<16xf32>,
    %add3A_400 = arith.addf %add3A_395, %gather3A_399 : vector<16xf32>
    %add3A_401 = arith.constant 4 : i32
    %add3A_402 = vector.broadcast %add3A_401 : i32 to vector<16xi32>
    %add3A_403 = arith.addi %mul3A_378, %add3A_402 : vector<16xi32>
    %gather3A_404 = tpu.vector_load_idx %arg6[%add3A_403] : memref<4416xf32, #tpu.memory_space<vmem>>[vector<16xi32>], vector<16xf32>,
    %add3A_405 = arith.addf %add3A_400, %gather3A_404 : vector<16xf32>
    %add3A_406 = arith.constant 5 : i32
    %add3A_407 = vector.broadcast %add3A_406 : i32 to vector<16xi32>
    %add3A_408 = arith.addi %mul3A_378, %add3A_407 : vector<16xi32>
    %gather3A_409 = tpu.vector_load_idx %arg6[%add3A_408] : memref<4416xf32, #tpu.memory_space<vmem>>[vector<16xi32>], vector<16xf32>,
    %add3A_410 = arith.addf %add3A_405, %gather3A_409 : vector<16xf32>
    %add3A_411 = arith.constant 6 : i32
    %add3A_412 = vector.broadcast %add3A_411 : i32 to vector<16xi32>
    %add3A_413 = arith.addi %mul3A_378, %add3A_412 : vector<16xi32>
    %gather3A_414 = tpu.vector_load_idx %arg6[%add3A_413] : memref<4416xf32, #tpu.memory_space<vmem>>[vector<16xi32>], vector<16xf32>,
    %add3A_415 = arith.addf %add3A_410, %gather3A_414 : vector<16xf32>
    %add3A_416 = arith.constant 7 : i32
    %add3A_417 = vector.broadcast %add3A_416 : i32 to vector<16xi32>
    %add3A_418 = arith.addi %mul3A_378, %add3A_417 : vector<16xi32>
    %gather3A_419 = tpu.vector_load_idx %arg6[%add3A_418] : memref<4416xf32, #tpu.memory_space<vmem>>[vector<16xi32>], vector<16xf32>,
    %add3A_420 = arith.addf %add3A_415, %gather3A_419 : vector<16xf32>
    %add3A_421 = arith.constant 8 : i32
    %add3A_422 = vector.broadcast %add3A_421 : i32 to vector<16xi32>
    %add3A_423 = arith.addi %mul3A_378, %add3A_422 : vector<16xi32>
    %gather3A_424 = tpu.vector_load_idx %arg6[%add3A_423] : memref<4416xf32, #tpu.memory_space<vmem>>[vector<16xi32>], vector<16xf32>,
    %add3A_425 = arith.addf %add3A_420, %gather3A_424 : vector<16xf32>
    %add3A_426 = arith.constant 9 : i32
    %add3A_427 = vector.broadcast %add3A_426 : i32 to vector<16xi32>
    %add3A_428 = arith.addi %mul3A_378, %add3A_427 : vector<16xi32>
    %gather3A_429 = tpu.vector_load_idx %arg6[%add3A_428] : memref<4416xf32, #tpu.memory_space<vmem>>[vector<16xi32>], vector<16xf32>,
    %add3A_430 = arith.addf %add3A_425, %gather3A_429 : vector<16xf32>
    %add3A_431 = arith.constant 10 : i32
    %add3A_432 = vector.broadcast %add3A_431 : i32 to vector<16xi32>
    %add3A_433 = arith.addi %mul3A_378, %add3A_432 : vector<16xi32>
    %gather3A_434 = tpu.vector_load_idx %arg6[%add3A_433] : memref<4416xf32, #tpu.memory_space<vmem>>[vector<16xi32>], vector<16xf32>,
    %add3A_435 = arith.addf %add3A_430, %gather3A_434 : vector<16xf32>
    %add3A_436 = arith.constant 11 : i32
    %add3A_437 = vector.broadcast %add3A_436 : i32 to vector<16xi32>
    %add3A_438 = arith.addi %mul3A_378, %add3A_437 : vector<16xi32>
    %gather3A_439 = tpu.vector_load_idx %arg6[%add3A_438] : memref<4416xf32, #tpu.memory_space<vmem>>[vector<16xi32>], vector<16xf32>,
    %add3A_440 = arith.addf %add3A_435, %gather3A_439 : vector<16xf32>
    %add3A_441 = arith.constant 12 : i32
    %add3A_442 = vector.broadcast %add3A_441 : i32 to vector<16xi32>
    %add3A_443 = arith.addi %mul3A_378, %add3A_442 : vector<16xi32>
    %gather3A_444 = tpu.vector_load_idx %arg6[%add3A_443] : memref<4416xf32, #tpu.memory_space<vmem>>[vector<16xi32>], vector<16xf32>,
    %add3A_445 = arith.addf %add3A_440, %gather3A_444 : vector<16xf32>
    %add3A_446 = arith.constant 13 : i32
    %add3A_447 = vector.broadcast %add3A_446 : i32 to vector<16xi32>
    %add3A_448 = arith.addi %mul3A_378, %add3A_447 : vector<16xi32>
    %gather3A_449 = tpu.vector_load_idx %arg6[%add3A_448] : memref<4416xf32, #tpu.memory_space<vmem>>[vector<16xi32>], vector<16xf32>,
    %add3A_450 = arith.addf %add3A_445, %gather3A_449 : vector<16xf32>
    %add3A_451 = arith.constant 14 : i32
    %add3A_452 = vector.broadcast %add3A_451 : i32 to vector<16xi32>
    %add3A_453 = arith.addi %mul3A_378, %add3A_452 : vector<16xi32>
    %gather3A_454 = tpu.vector_load_idx %arg6[%add3A_453] : memref<4416xf32, #tpu.memory_space<vmem>>[vector<16xi32>], vector<16xf32>,
    %add3A_455 = arith.addf %add3A_450, %gather3A_454 : vector<16xf32>
    %add3A_456 = arith.constant 15 : i32
    %add3A_457 = vector.broadcast %add3A_456 : i32 to vector<16xi32>
    %add3A_458 = arith.addi %mul3A_378, %add3A_457 : vector<16xi32>
    %gather3A_459 = tpu.vector_load_idx %arg6[%add3A_458] : memref<4416xf32, #tpu.memory_space<vmem>>[vector<16xi32>], vector<16xf32>,
    %add3A_460 = arith.addf %add3A_455, %gather3A_459 : vector<16xf32>
    %add3A_461 = arith.constant 16 : i32
    %add3A_462 = vector.broadcast %add3A_461 : i32 to vector<16xi32>
    %add3A_463 = arith.addi %mul3A_378, %add3A_462 : vector<16xi32>
    %gather3A_464 = tpu.vector_load_idx %arg6[%add3A_463] : memref<4416xf32, #tpu.memory_space<vmem>>[vector<16xi32>], vector<16xf32>,
    %add3A_465 = arith.addf %add3A_460, %gather3A_464 : vector<16xf32>
    %add3A_466 = arith.constant 17 : i32
    %add3A_467 = vector.broadcast %add3A_466 : i32 to vector<16xi32>
    %add3A_468 = arith.addi %mul3A_378, %add3A_467 : vector<16xi32>
    %gather3A_469 = tpu.vector_load_idx %arg6[%add3A_468] : memref<4416xf32, #tpu.memory_space<vmem>>[vector<16xi32>], vector<16xf32>,
    %add3A_470 = arith.addf %add3A_465, %gather3A_469 : vector<16xf32>
    %add3A_471 = arith.constant 18 : i32
    %add3A_472 = vector.broadcast %add3A_471 : i32 to vector<16xi32>
    %add3A_473 = arith.addi %mul3A_378, %add3A_472 : vector<16xi32>
    %gather3A_474 = tpu.vector_load_idx %arg6[%add3A_473] : memref<4416xf32, #tpu.memory_space<vmem>>[vector<16xi32>], vector<16xf32>,
    %add3A_475 = arith.addf %add3A_470, %gather3A_474 : vector<16xf32>
    %add3A_476 = arith.constant 19 : i32
    %add3A_477 = vector.broadcast %add3A_476 : i32 to vector<16xi32>
    %add3A_478 = arith.addi %mul3A_378, %add3A_477 : vector<16xi32>
    %gather3A_479 = tpu.vector_load_idx %arg6[%add3A_478] : memref<4416xf32, #tpu.memory_space<vmem>>[vector<16xi32>], vector<16xf32>,
    %add3A_480 = arith.addf %add3A_475, %gather3A_479 : vector<16xf32>
    %add3A_481 = arith.constant 20 : i32
    %add3A_482 = vector.broadcast %add3A_481 : i32 to vector<16xi32>
    %add3A_483 = arith.addi %mul3A_378, %add3A_482 : vector<16xi32>
    %gather3A_484 = tpu.vector_load_idx %arg6[%add3A_483] : memref<4416xf32, #tpu.memory_space<vmem>>[vector<16xi32>], vector<16xf32>,
    %add3A_485 = arith.addf %add3A_480, %gather3A_484 : vector<16xf32>
    %add3A_486 = arith.constant 21 : i32
    %add3A_487 = vector.broadcast %add3A_486 : i32 to vector<16xi32>
    %add3A_488 = arith.addi %mul3A_378, %add3A_487 : vector<16xi32>
    %gather3A_489 = tpu.vector_load_idx %arg6[%add3A_488] : memref<4416xf32, #tpu.memory_space<vmem>>[vector<16xi32>], vector<16xf32>,
    %add3A_490 = arith.addf %add3A_485, %gather3A_489 : vector<16xf32>
    %add3A_491 = arith.constant 22 : i32
    %add3A_492 = vector.broadcast %add3A_491 : i32 to vector<16xi32>
    %add3A_493 = arith.addi %mul3A_378, %add3A_492 : vector<16xi32>
    %gather3A_494 = tpu.vector_load_idx %arg6[%add3A_493] : memref<4416xf32, #tpu.memory_space<vmem>>[vector<16xi32>], vector<16xf32>,
    %add3A_495 = arith.addf %add3A_490, %gather3A_494 : vector<16xf32>
    %add3A_496 = arith.constant 23 : i32
    %add3A_497 = vector.broadcast %add3A_496 : i32 to vector<16xi32>
    %add3A_498 = arith.addi %mul3A_378, %add3A_497 : vector<16xi32>
    %gather3A_499 = tpu.vector_load_idx %arg6[%add3A_498] : memref<4416xf32, #tpu.memory_space<vmem>>[vector<16xi32>], vector<16xf32>,
    %add3A_500 = arith.addf %add3A_495, %gather3A_499 : vector<16xf32>
    %add3A_501 = arith.constant 24 : i32
    %add3A_502 = vector.broadcast %add3A_501 : i32 to vector<16xi32>
    %add3A_503 = arith.addi %mul3A_378, %add3A_502 : vector<16xi32>
    %gather3A_504 = tpu.vector_load_idx %arg6[%add3A_503] : memref<4416xf32, #tpu.memory_space<vmem>>[vector<16xi32>], vector<16xf32>,
    %add3A_505 = arith.addf %add3A_500, %gather3A_504 : vector<16xf32>
    %add3A_506 = arith.constant 25 : i32
    %add3A_507 = vector.broadcast %add3A_506 : i32 to vector<16xi32>
    %add3A_508 = arith.addi %mul3A_378, %add3A_507 : vector<16xi32>
    %gather3A_509 = tpu.vector_load_idx %arg6[%add3A_508] : memref<4416xf32, #tpu.memory_space<vmem>>[vector<16xi32>], vector<16xf32>,
    %add3A_510 = arith.addf %add3A_505, %gather3A_509 : vector<16xf32>
    %add3A_511 = arith.constant 26 : i32
    %add3A_512 = vector.broadcast %add3A_511 : i32 to vector<16xi32>
    %add3A_513 = arith.addi %mul3A_378, %add3A_512 : vector<16xi32>
    %gather3A_514 = tpu.vector_load_idx %arg6[%add3A_513] : memref<4416xf32, #tpu.memory_space<vmem>>[vector<16xi32>], vector<16xf32>,
    %add3A_515 = arith.addf %add3A_510, %gather3A_514 : vector<16xf32>
    %add3A_516 = arith.constant 27 : i32
    %add3A_517 = vector.broadcast %add3A_516 : i32 to vector<16xi32>
    %add3A_518 = arith.addi %mul3A_378, %add3A_517 : vector<16xi32>
    %gather3A_519 = tpu.vector_load_idx %arg6[%add3A_518] : memref<4416xf32, #tpu.memory_space<vmem>>[vector<16xi32>], vector<16xf32>,
    %add3A_520 = arith.addf %add3A_515, %gather3A_519 : vector<16xf32>
    %add3A_521 = arith.constant 28 : i32
    %add3A_522 = vector.broadcast %add3A_521 : i32 to vector<16xi32>
    %add3A_523 = arith.addi %mul3A_378, %add3A_522 : vector<16xi32>
    %gather3A_524 = tpu.vector_load_idx %arg6[%add3A_523] : memref<4416xf32, #tpu.memory_space<vmem>>[vector<16xi32>], vector<16xf32>,
    %add3A_525 = arith.addf %add3A_520, %gather3A_524 : vector<16xf32>
    %add3A_526 = arith.constant 29 : i32
    %add3A_527 = vector.broadcast %add3A_526 : i32 to vector<16xi32>
    %add3A_528 = arith.addi %mul3A_378, %add3A_527 : vector<16xi32>
    %gather3A_529 = tpu.vector_load_idx %arg6[%add3A_528] : memref<4416xf32, #tpu.memory_space<vmem>>[vector<16xi32>], vector<16xf32>,
    %add3A_530 = arith.addf %add3A_525, %gather3A_529 : vector<16xf32>
    %add3A_531 = arith.constant 30 : i32
    %add3A_532 = vector.broadcast %add3A_531 : i32 to vector<16xi32>
    %add3A_533 = arith.addi %mul3A_378, %add3A_532 : vector<16xi32>
    %gather3A_534 = tpu.vector_load_idx %arg6[%add3A_533] : memref<4416xf32, #tpu.memory_space<vmem>>[vector<16xi32>], vector<16xf32>,
    %add3A_535 = arith.addf %add3A_530, %gather3A_534 : vector<16xf32>
    %add3A_536 = arith.constant 31 : i32
    %add3A_537 = vector.broadcast %add3A_536 : i32 to vector<16xi32>
    %add3A_538 = arith.addi %mul3A_378, %add3A_537 : vector<16xi32>
    %gather3A_539 = tpu.vector_load_idx %arg6[%add3A_538] : memref<4416xf32, #tpu.memory_space<vmem>>[vector<16xi32>], vector<16xf32>,
    %add3A_540 = arith.addf %add3A_535, %gather3A_539 : vector<16xf32>
    %add3A_541 = arith.constant 32 : i32
    %add3A_542 = vector.broadcast %add3A_541 : i32 to vector<16xi32>
    %add3A_543 = arith.addi %mul3A_378, %add3A_542 : vector<16xi32>
    %gather3A_544 = tpu.vector_load_idx %arg6[%add3A_543] : memref<4416xf32, #tpu.memory_space<vmem>>[vector<16xi32>], vector<16xf32>,
    %add3A_545 = arith.addf %add3A_540, %gather3A_544 : vector<16xf32>
    %swap3A_546 = arith.constant 32 : index
    %swap3A_547 = tpu.vector_load %arg8[%swap3A_546] {strides = array<i32>} : memref<48xf32, #tpu.memory_space<vmem>>, vector<16xf32>,
    tpu.vector_store %arg8[%swap3A_546], %add3A_545 {strides = array<i32>} : memref<48xf32, #tpu.memory_space<vmem>>, vector<16xf32>,
    "tpu.region"() ({
      %run_scoped3A = tpu.sem_alloc : memref<!tpu.dma_semaphore, #tpu.memory_space<semaphore_mem>>
      %dma_start3A = arith.constant 0 : i32
      %dma_start3A_548 = tpu.memref_slice %arg3[%add3A_7, %dma_start3A] : memref<32x4416xf32, #tpu.memory_space<hbm>> -> memref<1x4416xf32, #tpu.memory_space<hbm>>
      %dma_start3A_549 = tpu.memref_squeeze %dma_start3A_548 : memref<1x4416xf32, #tpu.memory_space<hbm>> -> memref<4416xf32, #tpu.memory_space<hbm>>
      %dma_start3A_550 = arith.constant 0 : i32
      %dma_start3A_551 = tpu.memref_slice %arg3[%add3A_7, %dma_start3A_550] : memref<32x4416xf32, #tpu.memory_space<hbm>> -> memref<1x4416xf32, #tpu.memory_space<hbm>>
      %dma_start3A_552 = tpu.memref_squeeze %dma_start3A_551 : memref<1x4416xf32, #tpu.memory_space<hbm>> -> memref<4416xf32, #tpu.memory_space<hbm>>
      tpu.enqueue_dma source(%arg7 : memref<4416xf32, #tpu.memory_space<vmem>>) target(%dma_start3A_552 : memref<4416xf32, #tpu.memory_space<hbm>>) target_semaphore(%run_scoped3A : memref<!tpu.dma_semaphore, #tpu.memory_space<semaphore_mem>>)
      %dma_wait3A = arith.constant 0 : i32
      %dma_wait3A_553 = tpu.memref_slice %arg3[%add3A_7, %dma_wait3A] : memref<32x4416xf32, #tpu.memory_space<hbm>> -> memref<1x4416xf32, #tpu.memory_space<hbm>>
      %dma_wait3A_554 = tpu.memref_squeeze %dma_wait3A_553 : memref<1x4416xf32, #tpu.memory_space<hbm>> -> memref<4416xf32, #tpu.memory_space<hbm>>
      %dma_wait3A_555 = arith.constant 0 : i32
      %dma_wait3A_556 = tpu.memref_slice %arg3[%add3A_7, %dma_wait3A_555] : memref<32x4416xf32, #tpu.memory_space<hbm>> -> memref<1x4416xf32, #tpu.memory_space<hbm>>
      %dma_wait3A_557 = tpu.memref_squeeze %dma_wait3A_556 : memref<1x4416xf32, #tpu.memory_space<hbm>> -> memref<4416xf32, #tpu.memory_space<hbm>>
      tpu.wait_dma2 semaphore(%run_scoped3A : memref<!tpu.dma_semaphore, #tpu.memory_space<semaphore_mem>>) src(%arg7 : memref<4416xf32, #tpu.memory_space<vmem>>) dst(%dma_wait3A_557 : memref<4416xf32, #tpu.memory_space<hbm>>)
      tpu.yield
    }) : () -> ()
    "tpu.region"() ({
      %run_scoped3A = tpu.sem_alloc : memref<!tpu.dma_semaphore, #tpu.memory_space<semaphore_mem>>
      %dma_start3A = arith.constant 0 : i32
      %dma_start3A_548 = tpu.memref_slice %arg4[%add3A_7, %dma_start3A] : memref<32x48xf32, #tpu.memory_space<hbm>> -> memref<1x48xf32, #tpu.memory_space<hbm>>
      %dma_start3A_549 = tpu.memref_squeeze %dma_start3A_548 : memref<1x48xf32, #tpu.memory_space<hbm>> -> memref<48xf32, #tpu.memory_space<hbm>>
      %dma_start3A_550 = arith.constant 0 : i32
      %dma_start3A_551 = tpu.memref_slice %arg4[%add3A_7, %dma_start3A_550] : memref<32x48xf32, #tpu.memory_space<hbm>> -> memref<1x48xf32, #tpu.memory_space<hbm>>
      %dma_start3A_552 = tpu.memref_squeeze %dma_start3A_551 : memref<1x48xf32, #tpu.memory_space<hbm>> -> memref<48xf32, #tpu.memory_space<hbm>>
      tpu.enqueue_dma source(%arg8 : memref<48xf32, #tpu.memory_space<vmem>>) target(%dma_start3A_552 : memref<48xf32, #tpu.memory_space<hbm>>) target_semaphore(%run_scoped3A : memref<!tpu.dma_semaphore, #tpu.memory_space<semaphore_mem>>)
      %dma_wait3A = arith.constant 0 : i32
      %dma_wait3A_553 = tpu.memref_slice %arg4[%add3A_7, %dma_wait3A] : memref<32x48xf32, #tpu.memory_space<hbm>> -> memref<1x48xf32, #tpu.memory_space<hbm>>
      %dma_wait3A_554 = tpu.memref_squeeze %dma_wait3A_553 : memref<1x48xf32, #tpu.memory_space<hbm>> -> memref<48xf32, #tpu.memory_space<hbm>>
      %dma_wait3A_555 = arith.constant 0 : i32
      %dma_wait3A_556 = tpu.memref_slice %arg4[%add3A_7, %dma_wait3A_555] : memref<32x48xf32, #tpu.memory_space<hbm>> -> memref<1x48xf32, #tpu.memory_space<hbm>>
      %dma_wait3A_557 = tpu.memref_squeeze %dma_wait3A_556 : memref<1x48xf32, #tpu.memory_space<hbm>> -> memref<48xf32, #tpu.memory_space<hbm>>
      tpu.wait_dma2 semaphore(%run_scoped3A : memref<!tpu.dma_semaphore, #tpu.memory_space<semaphore_mem>>) src(%arg8 : memref<48xf32, #tpu.memory_space<vmem>>) dst(%dma_wait3A_557 : memref<48xf32, #tpu.memory_space<hbm>>)
      tpu.yield
    }) : () -> ()
    return
  }
}

module attributes {stable_mosaic.version = 14 : i64} {
  func.func @_stage1_digitize(%arg0: i32, %arg1: memref<1x190x300xf32, #tpu.memory_space<vmem>>, %arg2: memref<1x192x304xi32, #tpu.memory_space<vmem>>, %arg3: memref<1x1x8xf32, #tpu.memory_space<vmem>>) attributes {dimension_semantics = [#tpu.dimension_semantics<arbitrary>], iteration_bounds = array<i64: 32>, scalar_prefetch = 0 : i64, scratch_operands = 0 : i64, tpu.core_type = #tpu.core_type<tc>, window_params = [{transform_indices = @transform_0, window_bounds = array<i64: 1, 190, 300>}, {transform_indices = @transform_1, window_bounds = array<i64: 1, 192, 304>}, {transform_indices = @transform_2, window_bounds = array<i64: 1, 1, 8>}]} {
    %get3A = arith.constant 0 : index
    %get3A_0 = arith.constant 0 : index
    %get3A_1 = arith.constant 0 : index
    %get3A_2 = vector.load %arg1[%get3A, %get3A_0, %get3A_1] : memref<1x190x300xf32, #tpu.memory_space<vmem>>, vector<1x38x300xf32>
    %get3A_3 = vector.shape_cast %get3A_2 : vector<1x38x300xf32> to vector<38x300xf32>
    %ge3A = arith.constant 0.000000e+00 : f32
    %ge3A_4 = vector.broadcast %ge3A : f32 to vector<38x300xf32>
    %ge3A_5 = arith.cmpf oge, %get3A_3, %ge3A_4 : vector<38x300xf32>
    %jit3A = arith.constant 1.600000e+01 : f32
    %jit3A_6 = arith.constant 0.000000e+00 : f32
    %broadcast_in_dim3A = vector.broadcast %jit3A : f32 to vector<38x300xf32>
    %broadcast_in_dim3A_7 = vector.broadcast %jit3A_6 : f32 to vector<38x300xf32>
    %select_n3A = arith.select %ge3A_5, %broadcast_in_dim3A, %broadcast_in_dim3A_7 : vector<38x300xi1>, vector<38x300xf32>
    %sub3A = arith.constant 8.000000e+00 : f32
    %sub3A_8 = vector.broadcast %sub3A : f32 to vector<38x300xf32>
    %sub3A_9 = arith.subf %select_n3A, %sub3A_8 : vector<38x300xf32>
    %mul3A = arith.constant 2.000000e-01 : f32
    %mul3A_10 = vector.broadcast %mul3A : f32 to vector<38x300xf32>
    %mul3A_11 = arith.mulf %sub3A_9, %mul3A_10 : vector<38x300xf32>
    %ge3A_12 = arith.cmpf oge, %get3A_3, %mul3A_11 : vector<38x300xf32>
    %jit3A_13 = arith.constant 8.000000e+00 : f32
    %jit3A_14 = arith.constant 0.000000e+00 : f32
    %broadcast_in_dim3A_15 = vector.broadcast %jit3A_13 : f32 to vector<38x300xf32>
    %broadcast_in_dim3A_16 = vector.broadcast %jit3A_14 : f32 to vector<38x300xf32>
    %select_n3A_17 = arith.select %ge3A_12, %broadcast_in_dim3A_15, %broadcast_in_dim3A_16 : vector<38x300xi1>, vector<38x300xf32>
    %add3A = arith.addf %select_n3A, %select_n3A_17 : vector<38x300xf32>
    %sub3A_18 = arith.constant 1.200000e+01 : f32
    %sub3A_19 = vector.broadcast %sub3A_18 : f32 to vector<38x300xf32>
    %sub3A_20 = arith.subf %add3A, %sub3A_19 : vector<38x300xf32>
    %mul3A_21 = arith.constant 2.000000e-01 : f32
    %mul3A_22 = vector.broadcast %mul3A_21 : f32 to vector<38x300xf32>
    %mul3A_23 = arith.mulf %sub3A_20, %mul3A_22 : vector<38x300xf32>
    %ge3A_24 = arith.cmpf oge, %get3A_3, %mul3A_23 : vector<38x300xf32>
    %jit3A_25 = arith.constant 4.000000e+00 : f32
    %jit3A_26 = arith.constant 0.000000e+00 : f32
    %broadcast_in_dim3A_27 = vector.broadcast %jit3A_25 : f32 to vector<38x300xf32>
    %broadcast_in_dim3A_28 = vector.broadcast %jit3A_26 : f32 to vector<38x300xf32>
    %select_n3A_29 = arith.select %ge3A_24, %broadcast_in_dim3A_27, %broadcast_in_dim3A_28 : vector<38x300xi1>, vector<38x300xf32>
    %add3A_30 = arith.addf %add3A, %select_n3A_29 : vector<38x300xf32>
    %sub3A_31 = arith.constant 1.400000e+01 : f32
    %sub3A_32 = vector.broadcast %sub3A_31 : f32 to vector<38x300xf32>
    %sub3A_33 = arith.subf %add3A_30, %sub3A_32 : vector<38x300xf32>
    %mul3A_34 = arith.constant 2.000000e-01 : f32
    %mul3A_35 = vector.broadcast %mul3A_34 : f32 to vector<38x300xf32>
    %mul3A_36 = arith.mulf %sub3A_33, %mul3A_35 : vector<38x300xf32>
    %ge3A_37 = arith.cmpf oge, %get3A_3, %mul3A_36 : vector<38x300xf32>
    %jit3A_38 = arith.constant 2.000000e+00 : f32
    %jit3A_39 = arith.constant 0.000000e+00 : f32
    %broadcast_in_dim3A_40 = vector.broadcast %jit3A_38 : f32 to vector<38x300xf32>
    %broadcast_in_dim3A_41 = vector.broadcast %jit3A_39 : f32 to vector<38x300xf32>
    %select_n3A_42 = arith.select %ge3A_37, %broadcast_in_dim3A_40, %broadcast_in_dim3A_41 : vector<38x300xi1>, vector<38x300xf32>
    %add3A_43 = arith.addf %add3A_30, %select_n3A_42 : vector<38x300xf32>
    %sub3A_44 = arith.constant 1.500000e+01 : f32
    %sub3A_45 = vector.broadcast %sub3A_44 : f32 to vector<38x300xf32>
    %sub3A_46 = arith.subf %add3A_43, %sub3A_45 : vector<38x300xf32>
    %mul3A_47 = arith.constant 2.000000e-01 : f32
    %mul3A_48 = vector.broadcast %mul3A_47 : f32 to vector<38x300xf32>
    %mul3A_49 = arith.mulf %sub3A_46, %mul3A_48 : vector<38x300xf32>
    %eq3A = arith.constant 2.000000e+00 : f32
    %eq3A_50 = vector.broadcast %eq3A : f32 to vector<38x300xf32>
    %eq3A_51 = arith.cmpf oeq, %add3A_43, %eq3A_50 : vector<38x300xf32>
    %jit3A_52 = arith.constant -2.600000e+00 : f32
    %broadcast_in_dim3A_53 = vector.broadcast %jit3A_52 : f32 to vector<38x300xf32>
    %select_n3A_54 = arith.select %eq3A_51, %broadcast_in_dim3A_53, %mul3A_49 : vector<38x300xi1>, vector<38x300xf32>
    %eq3A_55 = arith.constant 6.000000e+00 : f32
    %eq3A_56 = vector.broadcast %eq3A_55 : f32 to vector<38x300xf32>
    %eq3A_57 = arith.cmpf oeq, %add3A_43, %eq3A_56 : vector<38x300xf32>
    %jit3A_58 = arith.constant -1.800000e+00 : f32
    %broadcast_in_dim3A_59 = vector.broadcast %jit3A_58 : f32 to vector<38x300xf32>
    %select_n3A_60 = arith.select %eq3A_57, %broadcast_in_dim3A_59, %select_n3A_54 : vector<38x300xi1>, vector<38x300xf32>
    %eq3A_61 = arith.constant 2.400000e+01 : f32
    %eq3A_62 = vector.broadcast %eq3A_61 : f32 to vector<38x300xf32>
    %eq3A_63 = arith.cmpf oeq, %add3A_43, %eq3A_62 : vector<38x300xf32>
    %jit3A_64 = arith.constant 1.800000e+00 : f32
    %broadcast_in_dim3A_65 = vector.broadcast %jit3A_64 : f32 to vector<38x300xf32>
    %select_n3A_66 = arith.select %eq3A_63, %broadcast_in_dim3A_65, %select_n3A_60 : vector<38x300xi1>, vector<38x300xf32>
    %eq3A_67 = arith.constant 2.800000e+01 : f32
    %eq3A_68 = vector.broadcast %eq3A_67 : f32 to vector<38x300xf32>
    %eq3A_69 = arith.cmpf oeq, %add3A_43, %eq3A_68 : vector<38x300xf32>
    %jit3A_70 = arith.constant 2.600000e+00 : f32
    %broadcast_in_dim3A_71 = vector.broadcast %jit3A_70 : f32 to vector<38x300xf32>
    %select_n3A_72 = arith.select %eq3A_69, %broadcast_in_dim3A_71, %select_n3A_66 : vector<38x300xi1>, vector<38x300xf32>
    %ge3A_73 = arith.cmpf oge, %get3A_3, %select_n3A_72 : vector<38x300xf32>
    %jit3A_74 = arith.constant 1.000000e+00 : f32
    %jit3A_75 = arith.constant 0.000000e+00 : f32
    %broadcast_in_dim3A_76 = vector.broadcast %jit3A_74 : f32 to vector<38x300xf32>
    %broadcast_in_dim3A_77 = vector.broadcast %jit3A_75 : f32 to vector<38x300xf32>
    %select_n3A_78 = arith.select %ge3A_73, %broadcast_in_dim3A_76, %broadcast_in_dim3A_77 : vector<38x300xi1>, vector<38x300xf32>
    %add3A_79 = arith.addf %add3A_43, %select_n3A_78 : vector<38x300xf32>
    %convert_element_type3A = arith.fptosi %add3A_79 : vector<38x300xf32> to vector<38x300xi32>
    %broadcast_in_dim3A_80 = arith.constant 32 : i32
    %broadcast_in_dim3A_81 = vector.broadcast %broadcast_in_dim3A_80 : i32 to vector<38x4xi32>
    %concatenate3A = tpu.concatenate %convert_element_type3A, %broadcast_in_dim3A_81 in 1 : vector<38x300xi32>, vector<38x4xi32> -> vector<38x304xi32>
    %swap3A = arith.constant 0 : index
    %swap3A_82 = arith.constant 0 : index
    %swap3A_83 = arith.constant 0 : index
    %swap3A_84 = vector.load %arg2[%swap3A, %swap3A_82, %swap3A_83] : memref<1x192x304xi32, #tpu.memory_space<vmem>>, vector<1x38x304xi32>
    %swap3A_85 = vector.shape_cast %swap3A_84 : vector<1x38x304xi32> to vector<38x304xi32>
    %swap3A_86 = vector.shape_cast %concatenate3A : vector<38x304xi32> to vector<1x38x304xi32>
    tpu.vector_store %arg2[%swap3A, %swap3A_82, %swap3A_83], %swap3A_86 {strides = array<i32>} : memref<1x192x304xi32, #tpu.memory_space<vmem>>, vector<1x38x304xi32>,
    %reduce_sum3A = vector.shape_cast %get3A_3 : vector<38x300xf32> to vector<1x38x300xf32>
    %reduce_sum3A_87 = arith.constant dense<0.000000e+00> : vector<1xf32>
    %reduce_sum3A_88 = vector.multi_reduction <add>, %reduce_sum3A, %reduce_sum3A_87 [1, 2] : vector<1x38x300xf32> to vector<1xf32>
    %reduce_sum3A_89 = vector.shape_cast %reduce_sum3A_88 : vector<1xf32> to vector<1x1x1xf32>
    %reduce_sum3A_90 = vector.extract %reduce_sum3A_89[0, 0, 0] : f32 from vector<1x1x1xf32>
    %add3A_91 = arith.constant 0.000000e+00 : f32
    %add3A_92 = arith.addf %add3A_91, %reduce_sum3A_90 : f32
    %mul3A_93 = arith.mulf %get3A_3, %get3A_3 : vector<38x300xf32>
    %reduce_sum3A_94 = vector.shape_cast %mul3A_93 : vector<38x300xf32> to vector<1x38x300xf32>
    %reduce_sum3A_95 = arith.constant dense<0.000000e+00> : vector<1xf32>
    %reduce_sum3A_96 = vector.multi_reduction <add>, %reduce_sum3A_94, %reduce_sum3A_95 [1, 2] : vector<1x38x300xf32> to vector<1xf32>
    %reduce_sum3A_97 = vector.shape_cast %reduce_sum3A_96 : vector<1xf32> to vector<1x1x1xf32>
    %reduce_sum3A_98 = vector.extract %reduce_sum3A_97[0, 0, 0] : f32 from vector<1x1x1xf32>
    %add3A_99 = arith.constant 0.000000e+00 : f32
    %add3A_100 = arith.addf %add3A_99, %reduce_sum3A_98 : f32
    %reduce_max3A = vector.shape_cast %get3A_3 : vector<38x300xf32> to vector<1x38x300xf32>
    %reduce_max3A_101 = arith.constant dense<0xFF800000> : vector<1xf32>
    %reduce_max3A_102 = vector.multi_reduction <maximumf>, %reduce_max3A, %reduce_max3A_101 [1, 2] : vector<1x38x300xf32> to vector<1xf32>
    %reduce_max3A_103 = vector.shape_cast %reduce_max3A_102 : vector<1xf32> to vector<1x1x1xf32>
    %reduce_max3A_104 = vector.extract %reduce_max3A_103[0, 0, 0] : f32 from vector<1x1x1xf32>
    %max3A = arith.constant 0xFF800000 : f32
    %max3A_105 = arith.maximumf %max3A, %reduce_max3A_104 : f32
    %reduce_min3A = vector.shape_cast %get3A_3 : vector<38x300xf32> to vector<1x38x300xf32>
    %reduce_min3A_106 = arith.constant dense<0x7F800000> : vector<1xf32>
    %reduce_min3A_107 = vector.multi_reduction <minimumf>, %reduce_min3A, %reduce_min3A_106 [1, 2] : vector<1x38x300xf32> to vector<1xf32>
    %reduce_min3A_108 = vector.shape_cast %reduce_min3A_107 : vector<1xf32> to vector<1x1x1xf32>
    %reduce_min3A_109 = vector.extract %reduce_min3A_108[0, 0, 0] : f32 from vector<1x1x1xf32>
    %min3A = arith.constant 0x7F800000 : f32
    %min3A_110 = arith.minimumf %min3A, %reduce_min3A_109 : f32
    %get3A_111 = arith.constant 0 : index
    %get3A_112 = arith.constant 38 : index
    %get3A_113 = arith.constant 0 : index
    %get3A_114 = vector.load %arg1[%get3A_111, %get3A_112, %get3A_113] : memref<1x190x300xf32, #tpu.memory_space<vmem>>, vector<1x38x300xf32>
    %get3A_115 = vector.shape_cast %get3A_114 : vector<1x38x300xf32> to vector<38x300xf32>
    %ge3A_116 = arith.constant 0.000000e+00 : f32
    %ge3A_117 = vector.broadcast %ge3A_116 : f32 to vector<38x300xf32>
    %ge3A_118 = arith.cmpf oge, %get3A_115, %ge3A_117 : vector<38x300xf32>
    %jit3A_119 = arith.constant 1.600000e+01 : f32
    %jit3A_120 = arith.constant 0.000000e+00 : f32
    %broadcast_in_dim3A_121 = vector.broadcast %jit3A_119 : f32 to vector<38x300xf32>
    %broadcast_in_dim3A_122 = vector.broadcast %jit3A_120 : f32 to vector<38x300xf32>
    %select_n3A_123 = arith.select %ge3A_118, %broadcast_in_dim3A_121, %broadcast_in_dim3A_122 : vector<38x300xi1>, vector<38x300xf32>
    %sub3A_124 = arith.constant 8.000000e+00 : f32
    %sub3A_125 = vector.broadcast %sub3A_124 : f32 to vector<38x300xf32>
    %sub3A_126 = arith.subf %select_n3A_123, %sub3A_125 : vector<38x300xf32>
    %mul3A_127 = arith.constant 2.000000e-01 : f32
    %mul3A_128 = vector.broadcast %mul3A_127 : f32 to vector<38x300xf32>
    %mul3A_129 = arith.mulf %sub3A_126, %mul3A_128 : vector<38x300xf32>
    %ge3A_130 = arith.cmpf oge, %get3A_115, %mul3A_129 : vector<38x300xf32>
    %jit3A_131 = arith.constant 8.000000e+00 : f32
    %jit3A_132 = arith.constant 0.000000e+00 : f32
    %broadcast_in_dim3A_133 = vector.broadcast %jit3A_131 : f32 to vector<38x300xf32>
    %broadcast_in_dim3A_134 = vector.broadcast %jit3A_132 : f32 to vector<38x300xf32>
    %select_n3A_135 = arith.select %ge3A_130, %broadcast_in_dim3A_133, %broadcast_in_dim3A_134 : vector<38x300xi1>, vector<38x300xf32>
    %add3A_136 = arith.addf %select_n3A_123, %select_n3A_135 : vector<38x300xf32>
    %sub3A_137 = arith.constant 1.200000e+01 : f32
    %sub3A_138 = vector.broadcast %sub3A_137 : f32 to vector<38x300xf32>
    %sub3A_139 = arith.subf %add3A_136, %sub3A_138 : vector<38x300xf32>
    %mul3A_140 = arith.constant 2.000000e-01 : f32
    %mul3A_141 = vector.broadcast %mul3A_140 : f32 to vector<38x300xf32>
    %mul3A_142 = arith.mulf %sub3A_139, %mul3A_141 : vector<38x300xf32>
    %ge3A_143 = arith.cmpf oge, %get3A_115, %mul3A_142 : vector<38x300xf32>
    %jit3A_144 = arith.constant 4.000000e+00 : f32
    %jit3A_145 = arith.constant 0.000000e+00 : f32
    %broadcast_in_dim3A_146 = vector.broadcast %jit3A_144 : f32 to vector<38x300xf32>
    %broadcast_in_dim3A_147 = vector.broadcast %jit3A_145 : f32 to vector<38x300xf32>
    %select_n3A_148 = arith.select %ge3A_143, %broadcast_in_dim3A_146, %broadcast_in_dim3A_147 : vector<38x300xi1>, vector<38x300xf32>
    %add3A_149 = arith.addf %add3A_136, %select_n3A_148 : vector<38x300xf32>
    %sub3A_150 = arith.constant 1.400000e+01 : f32
    %sub3A_151 = vector.broadcast %sub3A_150 : f32 to vector<38x300xf32>
    %sub3A_152 = arith.subf %add3A_149, %sub3A_151 : vector<38x300xf32>
    %mul3A_153 = arith.constant 2.000000e-01 : f32
    %mul3A_154 = vector.broadcast %mul3A_153 : f32 to vector<38x300xf32>
    %mul3A_155 = arith.mulf %sub3A_152, %mul3A_154 : vector<38x300xf32>
    %ge3A_156 = arith.cmpf oge, %get3A_115, %mul3A_155 : vector<38x300xf32>
    %jit3A_157 = arith.constant 2.000000e+00 : f32
    %jit3A_158 = arith.constant 0.000000e+00 : f32
    %broadcast_in_dim3A_159 = vector.broadcast %jit3A_157 : f32 to vector<38x300xf32>
    %broadcast_in_dim3A_160 = vector.broadcast %jit3A_158 : f32 to vector<38x300xf32>
    %select_n3A_161 = arith.select %ge3A_156, %broadcast_in_dim3A_159, %broadcast_in_dim3A_160 : vector<38x300xi1>, vector<38x300xf32>
    %add3A_162 = arith.addf %add3A_149, %select_n3A_161 : vector<38x300xf32>
    %sub3A_163 = arith.constant 1.500000e+01 : f32
    %sub3A_164 = vector.broadcast %sub3A_163 : f32 to vector<38x300xf32>
    %sub3A_165 = arith.subf %add3A_162, %sub3A_164 : vector<38x300xf32>
    %mul3A_166 = arith.constant 2.000000e-01 : f32
    %mul3A_167 = vector.broadcast %mul3A_166 : f32 to vector<38x300xf32>
    %mul3A_168 = arith.mulf %sub3A_165, %mul3A_167 : vector<38x300xf32>
    %eq3A_169 = arith.constant 2.000000e+00 : f32
    %eq3A_170 = vector.broadcast %eq3A_169 : f32 to vector<38x300xf32>
    %eq3A_171 = arith.cmpf oeq, %add3A_162, %eq3A_170 : vector<38x300xf32>
    %jit3A_172 = arith.constant -2.600000e+00 : f32
    %broadcast_in_dim3A_173 = vector.broadcast %jit3A_172 : f32 to vector<38x300xf32>
    %select_n3A_174 = arith.select %eq3A_171, %broadcast_in_dim3A_173, %mul3A_168 : vector<38x300xi1>, vector<38x300xf32>
    %eq3A_175 = arith.constant 6.000000e+00 : f32
    %eq3A_176 = vector.broadcast %eq3A_175 : f32 to vector<38x300xf32>
    %eq3A_177 = arith.cmpf oeq, %add3A_162, %eq3A_176 : vector<38x300xf32>
    %jit3A_178 = arith.constant -1.800000e+00 : f32
    %broadcast_in_dim3A_179 = vector.broadcast %jit3A_178 : f32 to vector<38x300xf32>
    %select_n3A_180 = arith.select %eq3A_177, %broadcast_in_dim3A_179, %select_n3A_174 : vector<38x300xi1>, vector<38x300xf32>
    %eq3A_181 = arith.constant 2.400000e+01 : f32
    %eq3A_182 = vector.broadcast %eq3A_181 : f32 to vector<38x300xf32>
    %eq3A_183 = arith.cmpf oeq, %add3A_162, %eq3A_182 : vector<38x300xf32>
    %jit3A_184 = arith.constant 1.800000e+00 : f32
    %broadcast_in_dim3A_185 = vector.broadcast %jit3A_184 : f32 to vector<38x300xf32>
    %select_n3A_186 = arith.select %eq3A_183, %broadcast_in_dim3A_185, %select_n3A_180 : vector<38x300xi1>, vector<38x300xf32>
    %eq3A_187 = arith.constant 2.800000e+01 : f32
    %eq3A_188 = vector.broadcast %eq3A_187 : f32 to vector<38x300xf32>
    %eq3A_189 = arith.cmpf oeq, %add3A_162, %eq3A_188 : vector<38x300xf32>
    %jit3A_190 = arith.constant 2.600000e+00 : f32
    %broadcast_in_dim3A_191 = vector.broadcast %jit3A_190 : f32 to vector<38x300xf32>
    %select_n3A_192 = arith.select %eq3A_189, %broadcast_in_dim3A_191, %select_n3A_186 : vector<38x300xi1>, vector<38x300xf32>
    %ge3A_193 = arith.cmpf oge, %get3A_115, %select_n3A_192 : vector<38x300xf32>
    %jit3A_194 = arith.constant 1.000000e+00 : f32
    %jit3A_195 = arith.constant 0.000000e+00 : f32
    %broadcast_in_dim3A_196 = vector.broadcast %jit3A_194 : f32 to vector<38x300xf32>
    %broadcast_in_dim3A_197 = vector.broadcast %jit3A_195 : f32 to vector<38x300xf32>
    %select_n3A_198 = arith.select %ge3A_193, %broadcast_in_dim3A_196, %broadcast_in_dim3A_197 : vector<38x300xi1>, vector<38x300xf32>
    %add3A_199 = arith.addf %add3A_162, %select_n3A_198 : vector<38x300xf32>
    %convert_element_type3A_200 = arith.fptosi %add3A_199 : vector<38x300xf32> to vector<38x300xi32>
    %broadcast_in_dim3A_201 = arith.constant 32 : i32
    %broadcast_in_dim3A_202 = vector.broadcast %broadcast_in_dim3A_201 : i32 to vector<38x4xi32>
    %concatenate3A_203 = tpu.concatenate %convert_element_type3A_200, %broadcast_in_dim3A_202 in 1 : vector<38x300xi32>, vector<38x4xi32> -> vector<38x304xi32>
    %swap3A_204 = arith.constant 0 : index
    %swap3A_205 = arith.constant 38 : index
    %swap3A_206 = arith.constant 0 : index
    %swap3A_207 = vector.load %arg2[%swap3A_204, %swap3A_205, %swap3A_206] : memref<1x192x304xi32, #tpu.memory_space<vmem>>, vector<1x38x304xi32>
    %swap3A_208 = vector.shape_cast %swap3A_207 : vector<1x38x304xi32> to vector<38x304xi32>
    %swap3A_209 = vector.shape_cast %concatenate3A_203 : vector<38x304xi32> to vector<1x38x304xi32>
    tpu.vector_store %arg2[%swap3A_204, %swap3A_205, %swap3A_206], %swap3A_209 {strides = array<i32>} : memref<1x192x304xi32, #tpu.memory_space<vmem>>, vector<1x38x304xi32>,
    %reduce_sum3A_210 = vector.shape_cast %get3A_115 : vector<38x300xf32> to vector<1x38x300xf32>
    %reduce_sum3A_211 = arith.constant dense<0.000000e+00> : vector<1xf32>
    %reduce_sum3A_212 = vector.multi_reduction <add>, %reduce_sum3A_210, %reduce_sum3A_211 [1, 2] : vector<1x38x300xf32> to vector<1xf32>
    %reduce_sum3A_213 = vector.shape_cast %reduce_sum3A_212 : vector<1xf32> to vector<1x1x1xf32>
    %reduce_sum3A_214 = vector.extract %reduce_sum3A_213[0, 0, 0] : f32 from vector<1x1x1xf32>
    %add3A_215 = arith.addf %add3A_92, %reduce_sum3A_214 : f32
    %mul3A_216 = arith.mulf %get3A_115, %get3A_115 : vector<38x300xf32>
    %reduce_sum3A_217 = vector.shape_cast %mul3A_216 : vector<38x300xf32> to vector<1x38x300xf32>
    %reduce_sum3A_218 = arith.constant dense<0.000000e+00> : vector<1xf32>
    %reduce_sum3A_219 = vector.multi_reduction <add>, %reduce_sum3A_217, %reduce_sum3A_218 [1, 2] : vector<1x38x300xf32> to vector<1xf32>
    %reduce_sum3A_220 = vector.shape_cast %reduce_sum3A_219 : vector<1xf32> to vector<1x1x1xf32>
    %reduce_sum3A_221 = vector.extract %reduce_sum3A_220[0, 0, 0] : f32 from vector<1x1x1xf32>
    %add3A_222 = arith.addf %add3A_100, %reduce_sum3A_221 : f32
    %reduce_max3A_223 = vector.shape_cast %get3A_115 : vector<38x300xf32> to vector<1x38x300xf32>
    %reduce_max3A_224 = arith.constant dense<0xFF800000> : vector<1xf32>
    %reduce_max3A_225 = vector.multi_reduction <maximumf>, %reduce_max3A_223, %reduce_max3A_224 [1, 2] : vector<1x38x300xf32> to vector<1xf32>
    %reduce_max3A_226 = vector.shape_cast %reduce_max3A_225 : vector<1xf32> to vector<1x1x1xf32>
    %reduce_max3A_227 = vector.extract %reduce_max3A_226[0, 0, 0] : f32 from vector<1x1x1xf32>
    %max3A_228 = arith.maximumf %max3A_105, %reduce_max3A_227 : f32
    %reduce_min3A_229 = vector.shape_cast %get3A_115 : vector<38x300xf32> to vector<1x38x300xf32>
    %reduce_min3A_230 = arith.constant dense<0x7F800000> : vector<1xf32>
    %reduce_min3A_231 = vector.multi_reduction <minimumf>, %reduce_min3A_229, %reduce_min3A_230 [1, 2] : vector<1x38x300xf32> to vector<1xf32>
    %reduce_min3A_232 = vector.shape_cast %reduce_min3A_231 : vector<1xf32> to vector<1x1x1xf32>
    %reduce_min3A_233 = vector.extract %reduce_min3A_232[0, 0, 0] : f32 from vector<1x1x1xf32>
    %min3A_234 = arith.minimumf %min3A_110, %reduce_min3A_233 : f32
    %get3A_235 = arith.constant 0 : index
    %get3A_236 = arith.constant 76 : index
    %get3A_237 = arith.constant 0 : index
    %get3A_238 = vector.load %arg1[%get3A_235, %get3A_236, %get3A_237] : memref<1x190x300xf32, #tpu.memory_space<vmem>>, vector<1x38x300xf32>
    %get3A_239 = vector.shape_cast %get3A_238 : vector<1x38x300xf32> to vector<38x300xf32>
    %ge3A_240 = arith.constant 0.000000e+00 : f32
    %ge3A_241 = vector.broadcast %ge3A_240 : f32 to vector<38x300xf32>
    %ge3A_242 = arith.cmpf oge, %get3A_239, %ge3A_241 : vector<38x300xf32>
    %jit3A_243 = arith.constant 1.600000e+01 : f32
    %jit3A_244 = arith.constant 0.000000e+00 : f32
    %broadcast_in_dim3A_245 = vector.broadcast %jit3A_243 : f32 to vector<38x300xf32>
    %broadcast_in_dim3A_246 = vector.broadcast %jit3A_244 : f32 to vector<38x300xf32>
    %select_n3A_247 = arith.select %ge3A_242, %broadcast_in_dim3A_245, %broadcast_in_dim3A_246 : vector<38x300xi1>, vector<38x300xf32>
    %sub3A_248 = arith.constant 8.000000e+00 : f32
    %sub3A_249 = vector.broadcast %sub3A_248 : f32 to vector<38x300xf32>
    %sub3A_250 = arith.subf %select_n3A_247, %sub3A_249 : vector<38x300xf32>
    %mul3A_251 = arith.constant 2.000000e-01 : f32
    %mul3A_252 = vector.broadcast %mul3A_251 : f32 to vector<38x300xf32>
    %mul3A_253 = arith.mulf %sub3A_250, %mul3A_252 : vector<38x300xf32>
    %ge3A_254 = arith.cmpf oge, %get3A_239, %mul3A_253 : vector<38x300xf32>
    %jit3A_255 = arith.constant 8.000000e+00 : f32
    %jit3A_256 = arith.constant 0.000000e+00 : f32
    %broadcast_in_dim3A_257 = vector.broadcast %jit3A_255 : f32 to vector<38x300xf32>
    %broadcast_in_dim3A_258 = vector.broadcast %jit3A_256 : f32 to vector<38x300xf32>
    %select_n3A_259 = arith.select %ge3A_254, %broadcast_in_dim3A_257, %broadcast_in_dim3A_258 : vector<38x300xi1>, vector<38x300xf32>
    %add3A_260 = arith.addf %select_n3A_247, %select_n3A_259 : vector<38x300xf32>
    %sub3A_261 = arith.constant 1.200000e+01 : f32
    %sub3A_262 = vector.broadcast %sub3A_261 : f32 to vector<38x300xf32>
    %sub3A_263 = arith.subf %add3A_260, %sub3A_262 : vector<38x300xf32>
    %mul3A_264 = arith.constant 2.000000e-01 : f32
    %mul3A_265 = vector.broadcast %mul3A_264 : f32 to vector<38x300xf32>
    %mul3A_266 = arith.mulf %sub3A_263, %mul3A_265 : vector<38x300xf32>
    %ge3A_267 = arith.cmpf oge, %get3A_239, %mul3A_266 : vector<38x300xf32>
    %jit3A_268 = arith.constant 4.000000e+00 : f32
    %jit3A_269 = arith.constant 0.000000e+00 : f32
    %broadcast_in_dim3A_270 = vector.broadcast %jit3A_268 : f32 to vector<38x300xf32>
    %broadcast_in_dim3A_271 = vector.broadcast %jit3A_269 : f32 to vector<38x300xf32>
    %select_n3A_272 = arith.select %ge3A_267, %broadcast_in_dim3A_270, %broadcast_in_dim3A_271 : vector<38x300xi1>, vector<38x300xf32>
    %add3A_273 = arith.addf %add3A_260, %select_n3A_272 : vector<38x300xf32>
    %sub3A_274 = arith.constant 1.400000e+01 : f32
    %sub3A_275 = vector.broadcast %sub3A_274 : f32 to vector<38x300xf32>
    %sub3A_276 = arith.subf %add3A_273, %sub3A_275 : vector<38x300xf32>
    %mul3A_277 = arith.constant 2.000000e-01 : f32
    %mul3A_278 = vector.broadcast %mul3A_277 : f32 to vector<38x300xf32>
    %mul3A_279 = arith.mulf %sub3A_276, %mul3A_278 : vector<38x300xf32>
    %ge3A_280 = arith.cmpf oge, %get3A_239, %mul3A_279 : vector<38x300xf32>
    %jit3A_281 = arith.constant 2.000000e+00 : f32
    %jit3A_282 = arith.constant 0.000000e+00 : f32
    %broadcast_in_dim3A_283 = vector.broadcast %jit3A_281 : f32 to vector<38x300xf32>
    %broadcast_in_dim3A_284 = vector.broadcast %jit3A_282 : f32 to vector<38x300xf32>
    %select_n3A_285 = arith.select %ge3A_280, %broadcast_in_dim3A_283, %broadcast_in_dim3A_284 : vector<38x300xi1>, vector<38x300xf32>
    %add3A_286 = arith.addf %add3A_273, %select_n3A_285 : vector<38x300xf32>
    %sub3A_287 = arith.constant 1.500000e+01 : f32
    %sub3A_288 = vector.broadcast %sub3A_287 : f32 to vector<38x300xf32>
    %sub3A_289 = arith.subf %add3A_286, %sub3A_288 : vector<38x300xf32>
    %mul3A_290 = arith.constant 2.000000e-01 : f32
    %mul3A_291 = vector.broadcast %mul3A_290 : f32 to vector<38x300xf32>
    %mul3A_292 = arith.mulf %sub3A_289, %mul3A_291 : vector<38x300xf32>
    %eq3A_293 = arith.constant 2.000000e+00 : f32
    %eq3A_294 = vector.broadcast %eq3A_293 : f32 to vector<38x300xf32>
    %eq3A_295 = arith.cmpf oeq, %add3A_286, %eq3A_294 : vector<38x300xf32>
    %jit3A_296 = arith.constant -2.600000e+00 : f32
    %broadcast_in_dim3A_297 = vector.broadcast %jit3A_296 : f32 to vector<38x300xf32>
    %select_n3A_298 = arith.select %eq3A_295, %broadcast_in_dim3A_297, %mul3A_292 : vector<38x300xi1>, vector<38x300xf32>
    %eq3A_299 = arith.constant 6.000000e+00 : f32
    %eq3A_300 = vector.broadcast %eq3A_299 : f32 to vector<38x300xf32>
    %eq3A_301 = arith.cmpf oeq, %add3A_286, %eq3A_300 : vector<38x300xf32>
    %jit3A_302 = arith.constant -1.800000e+00 : f32
    %broadcast_in_dim3A_303 = vector.broadcast %jit3A_302 : f32 to vector<38x300xf32>
    %select_n3A_304 = arith.select %eq3A_301, %broadcast_in_dim3A_303, %select_n3A_298 : vector<38x300xi1>, vector<38x300xf32>
    %eq3A_305 = arith.constant 2.400000e+01 : f32
    %eq3A_306 = vector.broadcast %eq3A_305 : f32 to vector<38x300xf32>
    %eq3A_307 = arith.cmpf oeq, %add3A_286, %eq3A_306 : vector<38x300xf32>
    %jit3A_308 = arith.constant 1.800000e+00 : f32
    %broadcast_in_dim3A_309 = vector.broadcast %jit3A_308 : f32 to vector<38x300xf32>
    %select_n3A_310 = arith.select %eq3A_307, %broadcast_in_dim3A_309, %select_n3A_304 : vector<38x300xi1>, vector<38x300xf32>
    %eq3A_311 = arith.constant 2.800000e+01 : f32
    %eq3A_312 = vector.broadcast %eq3A_311 : f32 to vector<38x300xf32>
    %eq3A_313 = arith.cmpf oeq, %add3A_286, %eq3A_312 : vector<38x300xf32>
    %jit3A_314 = arith.constant 2.600000e+00 : f32
    %broadcast_in_dim3A_315 = vector.broadcast %jit3A_314 : f32 to vector<38x300xf32>
    %select_n3A_316 = arith.select %eq3A_313, %broadcast_in_dim3A_315, %select_n3A_310 : vector<38x300xi1>, vector<38x300xf32>
    %ge3A_317 = arith.cmpf oge, %get3A_239, %select_n3A_316 : vector<38x300xf32>
    %jit3A_318 = arith.constant 1.000000e+00 : f32
    %jit3A_319 = arith.constant 0.000000e+00 : f32
    %broadcast_in_dim3A_320 = vector.broadcast %jit3A_318 : f32 to vector<38x300xf32>
    %broadcast_in_dim3A_321 = vector.broadcast %jit3A_319 : f32 to vector<38x300xf32>
    %select_n3A_322 = arith.select %ge3A_317, %broadcast_in_dim3A_320, %broadcast_in_dim3A_321 : vector<38x300xi1>, vector<38x300xf32>
    %add3A_323 = arith.addf %add3A_286, %select_n3A_322 : vector<38x300xf32>
    %convert_element_type3A_324 = arith.fptosi %add3A_323 : vector<38x300xf32> to vector<38x300xi32>
    %broadcast_in_dim3A_325 = arith.constant 32 : i32
    %broadcast_in_dim3A_326 = vector.broadcast %broadcast_in_dim3A_325 : i32 to vector<38x4xi32>
    %concatenate3A_327 = tpu.concatenate %convert_element_type3A_324, %broadcast_in_dim3A_326 in 1 : vector<38x300xi32>, vector<38x4xi32> -> vector<38x304xi32>
    %swap3A_328 = arith.constant 0 : index
    %swap3A_329 = arith.constant 76 : index
    %swap3A_330 = arith.constant 0 : index
    %swap3A_331 = vector.load %arg2[%swap3A_328, %swap3A_329, %swap3A_330] : memref<1x192x304xi32, #tpu.memory_space<vmem>>, vector<1x38x304xi32>
    %swap3A_332 = vector.shape_cast %swap3A_331 : vector<1x38x304xi32> to vector<38x304xi32>
    %swap3A_333 = vector.shape_cast %concatenate3A_327 : vector<38x304xi32> to vector<1x38x304xi32>
    tpu.vector_store %arg2[%swap3A_328, %swap3A_329, %swap3A_330], %swap3A_333 {strides = array<i32>} : memref<1x192x304xi32, #tpu.memory_space<vmem>>, vector<1x38x304xi32>,
    %reduce_sum3A_334 = vector.shape_cast %get3A_239 : vector<38x300xf32> to vector<1x38x300xf32>
    %reduce_sum3A_335 = arith.constant dense<0.000000e+00> : vector<1xf32>
    %reduce_sum3A_336 = vector.multi_reduction <add>, %reduce_sum3A_334, %reduce_sum3A_335 [1, 2] : vector<1x38x300xf32> to vector<1xf32>
    %reduce_sum3A_337 = vector.shape_cast %reduce_sum3A_336 : vector<1xf32> to vector<1x1x1xf32>
    %reduce_sum3A_338 = vector.extract %reduce_sum3A_337[0, 0, 0] : f32 from vector<1x1x1xf32>
    %add3A_339 = arith.addf %add3A_215, %reduce_sum3A_338 : f32
    %mul3A_340 = arith.mulf %get3A_239, %get3A_239 : vector<38x300xf32>
    %reduce_sum3A_341 = vector.shape_cast %mul3A_340 : vector<38x300xf32> to vector<1x38x300xf32>
    %reduce_sum3A_342 = arith.constant dense<0.000000e+00> : vector<1xf32>
    %reduce_sum3A_343 = vector.multi_reduction <add>, %reduce_sum3A_341, %reduce_sum3A_342 [1, 2] : vector<1x38x300xf32> to vector<1xf32>
    %reduce_sum3A_344 = vector.shape_cast %reduce_sum3A_343 : vector<1xf32> to vector<1x1x1xf32>
    %reduce_sum3A_345 = vector.extract %reduce_sum3A_344[0, 0, 0] : f32 from vector<1x1x1xf32>
    %add3A_346 = arith.addf %add3A_222, %reduce_sum3A_345 : f32
    %reduce_max3A_347 = vector.shape_cast %get3A_239 : vector<38x300xf32> to vector<1x38x300xf32>
    %reduce_max3A_348 = arith.constant dense<0xFF800000> : vector<1xf32>
    %reduce_max3A_349 = vector.multi_reduction <maximumf>, %reduce_max3A_347, %reduce_max3A_348 [1, 2] : vector<1x38x300xf32> to vector<1xf32>
    %reduce_max3A_350 = vector.shape_cast %reduce_max3A_349 : vector<1xf32> to vector<1x1x1xf32>
    %reduce_max3A_351 = vector.extract %reduce_max3A_350[0, 0, 0] : f32 from vector<1x1x1xf32>
    %max3A_352 = arith.maximumf %max3A_228, %reduce_max3A_351 : f32
    %reduce_min3A_353 = vector.shape_cast %get3A_239 : vector<38x300xf32> to vector<1x38x300xf32>
    %reduce_min3A_354 = arith.constant dense<0x7F800000> : vector<1xf32>
    %reduce_min3A_355 = vector.multi_reduction <minimumf>, %reduce_min3A_353, %reduce_min3A_354 [1, 2] : vector<1x38x300xf32> to vector<1xf32>
    %reduce_min3A_356 = vector.shape_cast %reduce_min3A_355 : vector<1xf32> to vector<1x1x1xf32>
    %reduce_min3A_357 = vector.extract %reduce_min3A_356[0, 0, 0] : f32 from vector<1x1x1xf32>
    %min3A_358 = arith.minimumf %min3A_234, %reduce_min3A_357 : f32
    %get3A_359 = arith.constant 0 : index
    %get3A_360 = arith.constant 114 : index
    %get3A_361 = arith.constant 0 : index
    %get3A_362 = vector.load %arg1[%get3A_359, %get3A_360, %get3A_361] : memref<1x190x300xf32, #tpu.memory_space<vmem>>, vector<1x38x300xf32>
    %get3A_363 = vector.shape_cast %get3A_362 : vector<1x38x300xf32> to vector<38x300xf32>
    %ge3A_364 = arith.constant 0.000000e+00 : f32
    %ge3A_365 = vector.broadcast %ge3A_364 : f32 to vector<38x300xf32>
    %ge3A_366 = arith.cmpf oge, %get3A_363, %ge3A_365 : vector<38x300xf32>
    %jit3A_367 = arith.constant 1.600000e+01 : f32
    %jit3A_368 = arith.constant 0.000000e+00 : f32
    %broadcast_in_dim3A_369 = vector.broadcast %jit3A_367 : f32 to vector<38x300xf32>
    %broadcast_in_dim3A_370 = vector.broadcast %jit3A_368 : f32 to vector<38x300xf32>
    %select_n3A_371 = arith.select %ge3A_366, %broadcast_in_dim3A_369, %broadcast_in_dim3A_370 : vector<38x300xi1>, vector<38x300xf32>
    %sub3A_372 = arith.constant 8.000000e+00 : f32
    %sub3A_373 = vector.broadcast %sub3A_372 : f32 to vector<38x300xf32>
    %sub3A_374 = arith.subf %select_n3A_371, %sub3A_373 : vector<38x300xf32>
    %mul3A_375 = arith.constant 2.000000e-01 : f32
    %mul3A_376 = vector.broadcast %mul3A_375 : f32 to vector<38x300xf32>
    %mul3A_377 = arith.mulf %sub3A_374, %mul3A_376 : vector<38x300xf32>
    %ge3A_378 = arith.cmpf oge, %get3A_363, %mul3A_377 : vector<38x300xf32>
    %jit3A_379 = arith.constant 8.000000e+00 : f32
    %jit3A_380 = arith.constant 0.000000e+00 : f32
    %broadcast_in_dim3A_381 = vector.broadcast %jit3A_379 : f32 to vector<38x300xf32>
    %broadcast_in_dim3A_382 = vector.broadcast %jit3A_380 : f32 to vector<38x300xf32>
    %select_n3A_383 = arith.select %ge3A_378, %broadcast_in_dim3A_381, %broadcast_in_dim3A_382 : vector<38x300xi1>, vector<38x300xf32>
    %add3A_384 = arith.addf %select_n3A_371, %select_n3A_383 : vector<38x300xf32>
    %sub3A_385 = arith.constant 1.200000e+01 : f32
    %sub3A_386 = vector.broadcast %sub3A_385 : f32 to vector<38x300xf32>
    %sub3A_387 = arith.subf %add3A_384, %sub3A_386 : vector<38x300xf32>
    %mul3A_388 = arith.constant 2.000000e-01 : f32
    %mul3A_389 = vector.broadcast %mul3A_388 : f32 to vector<38x300xf32>
    %mul3A_390 = arith.mulf %sub3A_387, %mul3A_389 : vector<38x300xf32>
    %ge3A_391 = arith.cmpf oge, %get3A_363, %mul3A_390 : vector<38x300xf32>
    %jit3A_392 = arith.constant 4.000000e+00 : f32
    %jit3A_393 = arith.constant 0.000000e+00 : f32
    %broadcast_in_dim3A_394 = vector.broadcast %jit3A_392 : f32 to vector<38x300xf32>
    %broadcast_in_dim3A_395 = vector.broadcast %jit3A_393 : f32 to vector<38x300xf32>
    %select_n3A_396 = arith.select %ge3A_391, %broadcast_in_dim3A_394, %broadcast_in_dim3A_395 : vector<38x300xi1>, vector<38x300xf32>
    %add3A_397 = arith.addf %add3A_384, %select_n3A_396 : vector<38x300xf32>
    %sub3A_398 = arith.constant 1.400000e+01 : f32
    %sub3A_399 = vector.broadcast %sub3A_398 : f32 to vector<38x300xf32>
    %sub3A_400 = arith.subf %add3A_397, %sub3A_399 : vector<38x300xf32>
    %mul3A_401 = arith.constant 2.000000e-01 : f32
    %mul3A_402 = vector.broadcast %mul3A_401 : f32 to vector<38x300xf32>
    %mul3A_403 = arith.mulf %sub3A_400, %mul3A_402 : vector<38x300xf32>
    %ge3A_404 = arith.cmpf oge, %get3A_363, %mul3A_403 : vector<38x300xf32>
    %jit3A_405 = arith.constant 2.000000e+00 : f32
    %jit3A_406 = arith.constant 0.000000e+00 : f32
    %broadcast_in_dim3A_407 = vector.broadcast %jit3A_405 : f32 to vector<38x300xf32>
    %broadcast_in_dim3A_408 = vector.broadcast %jit3A_406 : f32 to vector<38x300xf32>
    %select_n3A_409 = arith.select %ge3A_404, %broadcast_in_dim3A_407, %broadcast_in_dim3A_408 : vector<38x300xi1>, vector<38x300xf32>
    %add3A_410 = arith.addf %add3A_397, %select_n3A_409 : vector<38x300xf32>
    %sub3A_411 = arith.constant 1.500000e+01 : f32
    %sub3A_412 = vector.broadcast %sub3A_411 : f32 to vector<38x300xf32>
    %sub3A_413 = arith.subf %add3A_410, %sub3A_412 : vector<38x300xf32>
    %mul3A_414 = arith.constant 2.000000e-01 : f32
    %mul3A_415 = vector.broadcast %mul3A_414 : f32 to vector<38x300xf32>
    %mul3A_416 = arith.mulf %sub3A_413, %mul3A_415 : vector<38x300xf32>
    %eq3A_417 = arith.constant 2.000000e+00 : f32
    %eq3A_418 = vector.broadcast %eq3A_417 : f32 to vector<38x300xf32>
    %eq3A_419 = arith.cmpf oeq, %add3A_410, %eq3A_418 : vector<38x300xf32>
    %jit3A_420 = arith.constant -2.600000e+00 : f32
    %broadcast_in_dim3A_421 = vector.broadcast %jit3A_420 : f32 to vector<38x300xf32>
    %select_n3A_422 = arith.select %eq3A_419, %broadcast_in_dim3A_421, %mul3A_416 : vector<38x300xi1>, vector<38x300xf32>
    %eq3A_423 = arith.constant 6.000000e+00 : f32
    %eq3A_424 = vector.broadcast %eq3A_423 : f32 to vector<38x300xf32>
    %eq3A_425 = arith.cmpf oeq, %add3A_410, %eq3A_424 : vector<38x300xf32>
    %jit3A_426 = arith.constant -1.800000e+00 : f32
    %broadcast_in_dim3A_427 = vector.broadcast %jit3A_426 : f32 to vector<38x300xf32>
    %select_n3A_428 = arith.select %eq3A_425, %broadcast_in_dim3A_427, %select_n3A_422 : vector<38x300xi1>, vector<38x300xf32>
    %eq3A_429 = arith.constant 2.400000e+01 : f32
    %eq3A_430 = vector.broadcast %eq3A_429 : f32 to vector<38x300xf32>
    %eq3A_431 = arith.cmpf oeq, %add3A_410, %eq3A_430 : vector<38x300xf32>
    %jit3A_432 = arith.constant 1.800000e+00 : f32
    %broadcast_in_dim3A_433 = vector.broadcast %jit3A_432 : f32 to vector<38x300xf32>
    %select_n3A_434 = arith.select %eq3A_431, %broadcast_in_dim3A_433, %select_n3A_428 : vector<38x300xi1>, vector<38x300xf32>
    %eq3A_435 = arith.constant 2.800000e+01 : f32
    %eq3A_436 = vector.broadcast %eq3A_435 : f32 to vector<38x300xf32>
    %eq3A_437 = arith.cmpf oeq, %add3A_410, %eq3A_436 : vector<38x300xf32>
    %jit3A_438 = arith.constant 2.600000e+00 : f32
    %broadcast_in_dim3A_439 = vector.broadcast %jit3A_438 : f32 to vector<38x300xf32>
    %select_n3A_440 = arith.select %eq3A_437, %broadcast_in_dim3A_439, %select_n3A_434 : vector<38x300xi1>, vector<38x300xf32>
    %ge3A_441 = arith.cmpf oge, %get3A_363, %select_n3A_440 : vector<38x300xf32>
    %jit3A_442 = arith.constant 1.000000e+00 : f32
    %jit3A_443 = arith.constant 0.000000e+00 : f32
    %broadcast_in_dim3A_444 = vector.broadcast %jit3A_442 : f32 to vector<38x300xf32>
    %broadcast_in_dim3A_445 = vector.broadcast %jit3A_443 : f32 to vector<38x300xf32>
    %select_n3A_446 = arith.select %ge3A_441, %broadcast_in_dim3A_444, %broadcast_in_dim3A_445 : vector<38x300xi1>, vector<38x300xf32>
    %add3A_447 = arith.addf %add3A_410, %select_n3A_446 : vector<38x300xf32>
    %convert_element_type3A_448 = arith.fptosi %add3A_447 : vector<38x300xf32> to vector<38x300xi32>
    %broadcast_in_dim3A_449 = arith.constant 32 : i32
    %broadcast_in_dim3A_450 = vector.broadcast %broadcast_in_dim3A_449 : i32 to vector<38x4xi32>
    %concatenate3A_451 = tpu.concatenate %convert_element_type3A_448, %broadcast_in_dim3A_450 in 1 : vector<38x300xi32>, vector<38x4xi32> -> vector<38x304xi32>
    %swap3A_452 = arith.constant 0 : index
    %swap3A_453 = arith.constant 114 : index
    %swap3A_454 = arith.constant 0 : index
    %swap3A_455 = vector.load %arg2[%swap3A_452, %swap3A_453, %swap3A_454] : memref<1x192x304xi32, #tpu.memory_space<vmem>>, vector<1x38x304xi32>
    %swap3A_456 = vector.shape_cast %swap3A_455 : vector<1x38x304xi32> to vector<38x304xi32>
    %swap3A_457 = vector.shape_cast %concatenate3A_451 : vector<38x304xi32> to vector<1x38x304xi32>
    tpu.vector_store %arg2[%swap3A_452, %swap3A_453, %swap3A_454], %swap3A_457 {strides = array<i32>} : memref<1x192x304xi32, #tpu.memory_space<vmem>>, vector<1x38x304xi32>,
    %reduce_sum3A_458 = vector.shape_cast %get3A_363 : vector<38x300xf32> to vector<1x38x300xf32>
    %reduce_sum3A_459 = arith.constant dense<0.000000e+00> : vector<1xf32>
    %reduce_sum3A_460 = vector.multi_reduction <add>, %reduce_sum3A_458, %reduce_sum3A_459 [1, 2] : vector<1x38x300xf32> to vector<1xf32>
    %reduce_sum3A_461 = vector.shape_cast %reduce_sum3A_460 : vector<1xf32> to vector<1x1x1xf32>
    %reduce_sum3A_462 = vector.extract %reduce_sum3A_461[0, 0, 0] : f32 from vector<1x1x1xf32>
    %add3A_463 = arith.addf %add3A_339, %reduce_sum3A_462 : f32
    %mul3A_464 = arith.mulf %get3A_363, %get3A_363 : vector<38x300xf32>
    %reduce_sum3A_465 = vector.shape_cast %mul3A_464 : vector<38x300xf32> to vector<1x38x300xf32>
    %reduce_sum3A_466 = arith.constant dense<0.000000e+00> : vector<1xf32>
    %reduce_sum3A_467 = vector.multi_reduction <add>, %reduce_sum3A_465, %reduce_sum3A_466 [1, 2] : vector<1x38x300xf32> to vector<1xf32>
    %reduce_sum3A_468 = vector.shape_cast %reduce_sum3A_467 : vector<1xf32> to vector<1x1x1xf32>
    %reduce_sum3A_469 = vector.extract %reduce_sum3A_468[0, 0, 0] : f32 from vector<1x1x1xf32>
    %add3A_470 = arith.addf %add3A_346, %reduce_sum3A_469 : f32
    %reduce_max3A_471 = vector.shape_cast %get3A_363 : vector<38x300xf32> to vector<1x38x300xf32>
    %reduce_max3A_472 = arith.constant dense<0xFF800000> : vector<1xf32>
    %reduce_max3A_473 = vector.multi_reduction <maximumf>, %reduce_max3A_471, %reduce_max3A_472 [1, 2] : vector<1x38x300xf32> to vector<1xf32>
    %reduce_max3A_474 = vector.shape_cast %reduce_max3A_473 : vector<1xf32> to vector<1x1x1xf32>
    %reduce_max3A_475 = vector.extract %reduce_max3A_474[0, 0, 0] : f32 from vector<1x1x1xf32>
    %max3A_476 = arith.maximumf %max3A_352, %reduce_max3A_475 : f32
    %reduce_min3A_477 = vector.shape_cast %get3A_363 : vector<38x300xf32> to vector<1x38x300xf32>
    %reduce_min3A_478 = arith.constant dense<0x7F800000> : vector<1xf32>
    %reduce_min3A_479 = vector.multi_reduction <minimumf>, %reduce_min3A_477, %reduce_min3A_478 [1, 2] : vector<1x38x300xf32> to vector<1xf32>
    %reduce_min3A_480 = vector.shape_cast %reduce_min3A_479 : vector<1xf32> to vector<1x1x1xf32>
    %reduce_min3A_481 = vector.extract %reduce_min3A_480[0, 0, 0] : f32 from vector<1x1x1xf32>
    %min3A_482 = arith.minimumf %min3A_358, %reduce_min3A_481 : f32
    %get3A_483 = arith.constant 0 : index
    %get3A_484 = arith.constant 152 : index
    %get3A_485 = arith.constant 0 : index
    %get3A_486 = vector.load %arg1[%get3A_483, %get3A_484, %get3A_485] : memref<1x190x300xf32, #tpu.memory_space<vmem>>, vector<1x38x300xf32>
    %get3A_487 = vector.shape_cast %get3A_486 : vector<1x38x300xf32> to vector<38x300xf32>
    %ge3A_488 = arith.constant 0.000000e+00 : f32
    %ge3A_489 = vector.broadcast %ge3A_488 : f32 to vector<38x300xf32>
    %ge3A_490 = arith.cmpf oge, %get3A_487, %ge3A_489 : vector<38x300xf32>
    %jit3A_491 = arith.constant 1.600000e+01 : f32
    %jit3A_492 = arith.constant 0.000000e+00 : f32
    %broadcast_in_dim3A_493 = vector.broadcast %jit3A_491 : f32 to vector<38x300xf32>
    %broadcast_in_dim3A_494 = vector.broadcast %jit3A_492 : f32 to vector<38x300xf32>
    %select_n3A_495 = arith.select %ge3A_490, %broadcast_in_dim3A_493, %broadcast_in_dim3A_494 : vector<38x300xi1>, vector<38x300xf32>
    %sub3A_496 = arith.constant 8.000000e+00 : f32
    %sub3A_497 = vector.broadcast %sub3A_496 : f32 to vector<38x300xf32>
    %sub3A_498 = arith.subf %select_n3A_495, %sub3A_497 : vector<38x300xf32>
    %mul3A_499 = arith.constant 2.000000e-01 : f32
    %mul3A_500 = vector.broadcast %mul3A_499 : f32 to vector<38x300xf32>
    %mul3A_501 = arith.mulf %sub3A_498, %mul3A_500 : vector<38x300xf32>
    %ge3A_502 = arith.cmpf oge, %get3A_487, %mul3A_501 : vector<38x300xf32>
    %jit3A_503 = arith.constant 8.000000e+00 : f32
    %jit3A_504 = arith.constant 0.000000e+00 : f32
    %broadcast_in_dim3A_505 = vector.broadcast %jit3A_503 : f32 to vector<38x300xf32>
    %broadcast_in_dim3A_506 = vector.broadcast %jit3A_504 : f32 to vector<38x300xf32>
    %select_n3A_507 = arith.select %ge3A_502, %broadcast_in_dim3A_505, %broadcast_in_dim3A_506 : vector<38x300xi1>, vector<38x300xf32>
    %add3A_508 = arith.addf %select_n3A_495, %select_n3A_507 : vector<38x300xf32>
    %sub3A_509 = arith.constant 1.200000e+01 : f32
    %sub3A_510 = vector.broadcast %sub3A_509 : f32 to vector<38x300xf32>
    %sub3A_511 = arith.subf %add3A_508, %sub3A_510 : vector<38x300xf32>
    %mul3A_512 = arith.constant 2.000000e-01 : f32
    %mul3A_513 = vector.broadcast %mul3A_512 : f32 to vector<38x300xf32>
    %mul3A_514 = arith.mulf %sub3A_511, %mul3A_513 : vector<38x300xf32>
    %ge3A_515 = arith.cmpf oge, %get3A_487, %mul3A_514 : vector<38x300xf32>
    %jit3A_516 = arith.constant 4.000000e+00 : f32
    %jit3A_517 = arith.constant 0.000000e+00 : f32
    %broadcast_in_dim3A_518 = vector.broadcast %jit3A_516 : f32 to vector<38x300xf32>
    %broadcast_in_dim3A_519 = vector.broadcast %jit3A_517 : f32 to vector<38x300xf32>
    %select_n3A_520 = arith.select %ge3A_515, %broadcast_in_dim3A_518, %broadcast_in_dim3A_519 : vector<38x300xi1>, vector<38x300xf32>
    %add3A_521 = arith.addf %add3A_508, %select_n3A_520 : vector<38x300xf32>
    %sub3A_522 = arith.constant 1.400000e+01 : f32
    %sub3A_523 = vector.broadcast %sub3A_522 : f32 to vector<38x300xf32>
    %sub3A_524 = arith.subf %add3A_521, %sub3A_523 : vector<38x300xf32>
    %mul3A_525 = arith.constant 2.000000e-01 : f32
    %mul3A_526 = vector.broadcast %mul3A_525 : f32 to vector<38x300xf32>
    %mul3A_527 = arith.mulf %sub3A_524, %mul3A_526 : vector<38x300xf32>
    %ge3A_528 = arith.cmpf oge, %get3A_487, %mul3A_527 : vector<38x300xf32>
    %jit3A_529 = arith.constant 2.000000e+00 : f32
    %jit3A_530 = arith.constant 0.000000e+00 : f32
    %broadcast_in_dim3A_531 = vector.broadcast %jit3A_529 : f32 to vector<38x300xf32>
    %broadcast_in_dim3A_532 = vector.broadcast %jit3A_530 : f32 to vector<38x300xf32>
    %select_n3A_533 = arith.select %ge3A_528, %broadcast_in_dim3A_531, %broadcast_in_dim3A_532 : vector<38x300xi1>, vector<38x300xf32>
    %add3A_534 = arith.addf %add3A_521, %select_n3A_533 : vector<38x300xf32>
    %sub3A_535 = arith.constant 1.500000e+01 : f32
    %sub3A_536 = vector.broadcast %sub3A_535 : f32 to vector<38x300xf32>
    %sub3A_537 = arith.subf %add3A_534, %sub3A_536 : vector<38x300xf32>
    %mul3A_538 = arith.constant 2.000000e-01 : f32
    %mul3A_539 = vector.broadcast %mul3A_538 : f32 to vector<38x300xf32>
    %mul3A_540 = arith.mulf %sub3A_537, %mul3A_539 : vector<38x300xf32>
    %eq3A_541 = arith.constant 2.000000e+00 : f32
    %eq3A_542 = vector.broadcast %eq3A_541 : f32 to vector<38x300xf32>
    %eq3A_543 = arith.cmpf oeq, %add3A_534, %eq3A_542 : vector<38x300xf32>
    %jit3A_544 = arith.constant -2.600000e+00 : f32
    %broadcast_in_dim3A_545 = vector.broadcast %jit3A_544 : f32 to vector<38x300xf32>
    %select_n3A_546 = arith.select %eq3A_543, %broadcast_in_dim3A_545, %mul3A_540 : vector<38x300xi1>, vector<38x300xf32>
    %eq3A_547 = arith.constant 6.000000e+00 : f32
    %eq3A_548 = vector.broadcast %eq3A_547 : f32 to vector<38x300xf32>
    %eq3A_549 = arith.cmpf oeq, %add3A_534, %eq3A_548 : vector<38x300xf32>
    %jit3A_550 = arith.constant -1.800000e+00 : f32
    %broadcast_in_dim3A_551 = vector.broadcast %jit3A_550 : f32 to vector<38x300xf32>
    %select_n3A_552 = arith.select %eq3A_549, %broadcast_in_dim3A_551, %select_n3A_546 : vector<38x300xi1>, vector<38x300xf32>
    %eq3A_553 = arith.constant 2.400000e+01 : f32
    %eq3A_554 = vector.broadcast %eq3A_553 : f32 to vector<38x300xf32>
    %eq3A_555 = arith.cmpf oeq, %add3A_534, %eq3A_554 : vector<38x300xf32>
    %jit3A_556 = arith.constant 1.800000e+00 : f32
    %broadcast_in_dim3A_557 = vector.broadcast %jit3A_556 : f32 to vector<38x300xf32>
    %select_n3A_558 = arith.select %eq3A_555, %broadcast_in_dim3A_557, %select_n3A_552 : vector<38x300xi1>, vector<38x300xf32>
    %eq3A_559 = arith.constant 2.800000e+01 : f32
    %eq3A_560 = vector.broadcast %eq3A_559 : f32 to vector<38x300xf32>
    %eq3A_561 = arith.cmpf oeq, %add3A_534, %eq3A_560 : vector<38x300xf32>
    %jit3A_562 = arith.constant 2.600000e+00 : f32
    %broadcast_in_dim3A_563 = vector.broadcast %jit3A_562 : f32 to vector<38x300xf32>
    %select_n3A_564 = arith.select %eq3A_561, %broadcast_in_dim3A_563, %select_n3A_558 : vector<38x300xi1>, vector<38x300xf32>
    %ge3A_565 = arith.cmpf oge, %get3A_487, %select_n3A_564 : vector<38x300xf32>
    %jit3A_566 = arith.constant 1.000000e+00 : f32
    %jit3A_567 = arith.constant 0.000000e+00 : f32
    %broadcast_in_dim3A_568 = vector.broadcast %jit3A_566 : f32 to vector<38x300xf32>
    %broadcast_in_dim3A_569 = vector.broadcast %jit3A_567 : f32 to vector<38x300xf32>
    %select_n3A_570 = arith.select %ge3A_565, %broadcast_in_dim3A_568, %broadcast_in_dim3A_569 : vector<38x300xi1>, vector<38x300xf32>
    %add3A_571 = arith.addf %add3A_534, %select_n3A_570 : vector<38x300xf32>
    %convert_element_type3A_572 = arith.fptosi %add3A_571 : vector<38x300xf32> to vector<38x300xi32>
    %broadcast_in_dim3A_573 = arith.constant 32 : i32
    %broadcast_in_dim3A_574 = vector.broadcast %broadcast_in_dim3A_573 : i32 to vector<38x4xi32>
    %concatenate3A_575 = tpu.concatenate %convert_element_type3A_572, %broadcast_in_dim3A_574 in 1 : vector<38x300xi32>, vector<38x4xi32> -> vector<38x304xi32>
    %swap3A_576 = arith.constant 0 : index
    %swap3A_577 = arith.constant 152 : index
    %swap3A_578 = arith.constant 0 : index
    %swap3A_579 = vector.load %arg2[%swap3A_576, %swap3A_577, %swap3A_578] : memref<1x192x304xi32, #tpu.memory_space<vmem>>, vector<1x38x304xi32>
    %swap3A_580 = vector.shape_cast %swap3A_579 : vector<1x38x304xi32> to vector<38x304xi32>
    %swap3A_581 = vector.shape_cast %concatenate3A_575 : vector<38x304xi32> to vector<1x38x304xi32>
    tpu.vector_store %arg2[%swap3A_576, %swap3A_577, %swap3A_578], %swap3A_581 {strides = array<i32>} : memref<1x192x304xi32, #tpu.memory_space<vmem>>, vector<1x38x304xi32>,
    %reduce_sum3A_582 = vector.shape_cast %get3A_487 : vector<38x300xf32> to vector<1x38x300xf32>
    %reduce_sum3A_583 = arith.constant dense<0.000000e+00> : vector<1xf32>
    %reduce_sum3A_584 = vector.multi_reduction <add>, %reduce_sum3A_582, %reduce_sum3A_583 [1, 2] : vector<1x38x300xf32> to vector<1xf32>
    %reduce_sum3A_585 = vector.shape_cast %reduce_sum3A_584 : vector<1xf32> to vector<1x1x1xf32>
    %reduce_sum3A_586 = vector.extract %reduce_sum3A_585[0, 0, 0] : f32 from vector<1x1x1xf32>
    %add3A_587 = arith.addf %add3A_463, %reduce_sum3A_586 : f32
    %mul3A_588 = arith.mulf %get3A_487, %get3A_487 : vector<38x300xf32>
    %reduce_sum3A_589 = vector.shape_cast %mul3A_588 : vector<38x300xf32> to vector<1x38x300xf32>
    %reduce_sum3A_590 = arith.constant dense<0.000000e+00> : vector<1xf32>
    %reduce_sum3A_591 = vector.multi_reduction <add>, %reduce_sum3A_589, %reduce_sum3A_590 [1, 2] : vector<1x38x300xf32> to vector<1xf32>
    %reduce_sum3A_592 = vector.shape_cast %reduce_sum3A_591 : vector<1xf32> to vector<1x1x1xf32>
    %reduce_sum3A_593 = vector.extract %reduce_sum3A_592[0, 0, 0] : f32 from vector<1x1x1xf32>
    %add3A_594 = arith.addf %add3A_470, %reduce_sum3A_593 : f32
    %reduce_max3A_595 = vector.shape_cast %get3A_487 : vector<38x300xf32> to vector<1x38x300xf32>
    %reduce_max3A_596 = arith.constant dense<0xFF800000> : vector<1xf32>
    %reduce_max3A_597 = vector.multi_reduction <maximumf>, %reduce_max3A_595, %reduce_max3A_596 [1, 2] : vector<1x38x300xf32> to vector<1xf32>
    %reduce_max3A_598 = vector.shape_cast %reduce_max3A_597 : vector<1xf32> to vector<1x1x1xf32>
    %reduce_max3A_599 = vector.extract %reduce_max3A_598[0, 0, 0] : f32 from vector<1x1x1xf32>
    %max3A_600 = arith.maximumf %max3A_476, %reduce_max3A_599 : f32
    %reduce_min3A_601 = vector.shape_cast %get3A_487 : vector<38x300xf32> to vector<1x38x300xf32>
    %reduce_min3A_602 = arith.constant dense<0x7F800000> : vector<1xf32>
    %reduce_min3A_603 = vector.multi_reduction <minimumf>, %reduce_min3A_601, %reduce_min3A_602 [1, 2] : vector<1x38x300xf32> to vector<1xf32>
    %reduce_min3A_604 = vector.shape_cast %reduce_min3A_603 : vector<1xf32> to vector<1x1x1xf32>
    %reduce_min3A_605 = vector.extract %reduce_min3A_604[0, 0, 0] : f32 from vector<1x1x1xf32>
    %min3A_606 = arith.minimumf %min3A_482, %reduce_min3A_605 : f32
    %broadcast_in_dim3A_607 = arith.constant 32 : i32
    %broadcast_in_dim3A_608 = vector.broadcast %broadcast_in_dim3A_607 : i32 to vector<2x304xi32>
    %swap3A_609 = arith.constant 0 : index
    %swap3A_610 = arith.constant 190 : index
    %swap3A_611 = arith.constant 0 : index
    %swap3A_612 = vector.load %arg2[%swap3A_609, %swap3A_610, %swap3A_611] : memref<1x192x304xi32, #tpu.memory_space<vmem>>, vector<1x2x304xi32>
    %swap3A_613 = vector.shape_cast %swap3A_612 : vector<1x2x304xi32> to vector<2x304xi32>
    %swap3A_614 = vector.shape_cast %broadcast_in_dim3A_608 : vector<2x304xi32> to vector<1x2x304xi32>
    tpu.vector_store %arg2[%swap3A_609, %swap3A_610, %swap3A_611], %swap3A_614 {strides = array<i32>} : memref<1x192x304xi32, #tpu.memory_space<vmem>>, vector<1x2x304xi32>,
    %div3A = arith.constant 5.700000e+04 : f32
    %div3A_615 = arith.divf %add3A_587, %div3A : f32
    %div3A_616 = arith.constant 5.700000e+04 : f32
    %div3A_617 = arith.divf %add3A_594, %div3A_616 : f32
    %mul3A_618 = arith.mulf %div3A_615, %div3A_615 : f32
    %sub3A_619 = arith.subf %div3A_617, %mul3A_618 : f32
    %max3A_620 = arith.constant 0.000000e+00 : f32
    %max3A_621 = arith.maximumf %sub3A_619, %max3A_620 : f32
    %sqrt3A = math.sqrt %max3A_621 : f32
    %sub3A_622 = arith.subf %max3A_600, %div3A_615 : f32
    %div3A_623 = arith.divf %sub3A_622, %sqrt3A : f32
    %sub3A_624 = arith.subf %div3A_615, %min3A_606 : f32
    %div3A_625 = arith.divf %sub3A_624, %sqrt3A : f32
    %stack3A = arith.constant 0.000000e+00 : f32
    %stack3A_626 = arith.constant 0.000000e+00 : f32
    %stack3A_627 = arith.constant 0.000000e+00 : f32
    %stack3A_628 = arith.constant 0.000000e+00 : f32
    %stack3A_629 = vector.broadcast %div3A_615 : f32 to vector<1xf32>
    %stack3A_630 = vector.broadcast %sqrt3A : f32 to vector<1xf32>
    %stack3A_631 = vector.broadcast %div3A_623 : f32 to vector<1xf32>
    %stack3A_632 = vector.broadcast %div3A_625 : f32 to vector<1xf32>
    %stack3A_633 = vector.broadcast %stack3A : f32 to vector<1xf32>
    %stack3A_634 = vector.broadcast %stack3A_626 : f32 to vector<1xf32>
    %stack3A_635 = vector.broadcast %stack3A_627 : f32 to vector<1xf32>
    %stack3A_636 = vector.broadcast %stack3A_628 : f32 to vector<1xf32>
    %stack3A_637 = tpu.concatenate %stack3A_629, %stack3A_630, %stack3A_631, %stack3A_632, %stack3A_633, %stack3A_634, %stack3A_635, %stack3A_636 in 0 : vector<1xf32>, vector<1xf32>, vector<1xf32>, vector<1xf32>, vector<1xf32>, vector<1xf32>, vector<1xf32>, vector<1xf32> -> vector<8xf32>
    %reshape3A = vector.shape_cast %stack3A_637 : vector<8xf32> to vector<1x1x8xf32>
    %swap3A_638 = arith.constant 0 : index
    %swap3A_639 = arith.constant 0 : index
    %swap3A_640 = arith.constant 0 : index
    %swap3A_641 = vector.load %arg3[%swap3A_638, %swap3A_639, %swap3A_640] : memref<1x1x8xf32, #tpu.memory_space<vmem>>, vector<1x1x8xf32>
    tpu.vector_store %arg3[%swap3A_638, %swap3A_639, %swap3A_640], %reshape3A {strides = array<i32>} : memref<1x1x8xf32, #tpu.memory_space<vmem>>, vector<1x1x8xf32>,
    return
  }
  func.func @transform_0(%arg0: i32) -> (i32, i32, i32) {
    %add3A = arith.constant 32 : i32
    %add3A_0 = arith.addi %arg0, %add3A : i32
    %c0_i32 = arith.constant 0 : i32
    %c0_i32_1 = arith.constant 0 : i32
    %c0_i32_2 = arith.constant 0 : i32
    return %add3A_0, %c0_i32, %c0_i32_1 : i32, i32, i32
  }
  func.func @transform_1(%arg0: i32) -> (i32, i32, i32) {
    %c0_i32 = arith.constant 0 : i32
    %c0_i32_0 = arith.constant 0 : i32
    %c0_i32_1 = arith.constant 0 : i32
    return %arg0, %c0_i32, %c0_i32_0 : i32, i32, i32
  }
  func.func @transform_2(%arg0: i32) -> (i32, i32, i32) {
    %c0_i32 = arith.constant 0 : i32
    %c0_i32_0 = arith.constant 0 : i32
    %c0_i32_1 = arith.constant 0 : i32
    return %arg0, %c0_i32, %c0_i32_0 : i32, i32, i32
  }
}

module attributes {stable_mosaic.version = 14 : i64} {
  func.func @_stage1_digitize(%arg0: i32, %arg1: memref<1x190x300xf32, #tpu.memory_space<vmem>>, %arg2: memref<1x192x304xi32, #tpu.memory_space<vmem>>, %arg3: memref<1x1x8xf32, #tpu.memory_space<vmem>>) attributes {dimension_semantics = [#tpu.dimension_semantics<arbitrary>], iteration_bounds = array<i64: 32>, scalar_prefetch = 0 : i64, scratch_operands = 0 : i64, tpu.core_type = #tpu.core_type<tc>, window_params = [{transform_indices = @transform_0, window_bounds = array<i64: 1, 190, 300>}, {transform_indices = @transform_1, window_bounds = array<i64: 1, 192, 304>}, {transform_indices = @transform_2, window_bounds = array<i64: 1, 1, 8>}]} {
    %get3A = arith.constant 0 : index
    %get3A_0 = arith.constant 0 : index
    %get3A_1 = arith.constant 0 : index
    %get3A_2 = vector.load %arg1[%get3A, %get3A_0, %get3A_1] : memref<1x190x300xf32, #tpu.memory_space<vmem>>, vector<1x38x300xf32>
    %get3A_3 = vector.shape_cast %get3A_2 : vector<1x38x300xf32> to vector<38x300xf32>
    %ge3A = arith.constant 0.000000e+00 : f32
    %ge3A_4 = vector.broadcast %ge3A : f32 to vector<38x300xf32>
    %ge3A_5 = arith.cmpf oge, %get3A_3, %ge3A_4 : vector<38x300xf32>
    %jit3A = arith.constant 1.600000e+01 : f32
    %jit3A_6 = arith.constant 0.000000e+00 : f32
    %broadcast_in_dim3A = vector.broadcast %jit3A : f32 to vector<38x300xf32>
    %broadcast_in_dim3A_7 = vector.broadcast %jit3A_6 : f32 to vector<38x300xf32>
    %select_n3A = arith.select %ge3A_5, %broadcast_in_dim3A, %broadcast_in_dim3A_7 : vector<38x300xi1>, vector<38x300xf32>
    %sub3A = arith.constant 8.000000e+00 : f32
    %sub3A_8 = vector.broadcast %sub3A : f32 to vector<38x300xf32>
    %sub3A_9 = arith.subf %select_n3A, %sub3A_8 : vector<38x300xf32>
    %mul3A = arith.constant 2.000000e-01 : f32
    %mul3A_10 = vector.broadcast %mul3A : f32 to vector<38x300xf32>
    %mul3A_11 = arith.mulf %sub3A_9, %mul3A_10 : vector<38x300xf32>
    %ge3A_12 = arith.cmpf oge, %get3A_3, %mul3A_11 : vector<38x300xf32>
    %jit3A_13 = arith.constant 8.000000e+00 : f32
    %jit3A_14 = arith.constant 0.000000e+00 : f32
    %broadcast_in_dim3A_15 = vector.broadcast %jit3A_13 : f32 to vector<38x300xf32>
    %broadcast_in_dim3A_16 = vector.broadcast %jit3A_14 : f32 to vector<38x300xf32>
    %select_n3A_17 = arith.select %ge3A_12, %broadcast_in_dim3A_15, %broadcast_in_dim3A_16 : vector<38x300xi1>, vector<38x300xf32>
    %add3A = arith.addf %select_n3A, %select_n3A_17 : vector<38x300xf32>
    %sub3A_18 = arith.constant 1.200000e+01 : f32
    %sub3A_19 = vector.broadcast %sub3A_18 : f32 to vector<38x300xf32>
    %sub3A_20 = arith.subf %add3A, %sub3A_19 : vector<38x300xf32>
    %mul3A_21 = arith.constant 2.000000e-01 : f32
    %mul3A_22 = vector.broadcast %mul3A_21 : f32 to vector<38x300xf32>
    %mul3A_23 = arith.mulf %sub3A_20, %mul3A_22 : vector<38x300xf32>
    %ge3A_24 = arith.cmpf oge, %get3A_3, %mul3A_23 : vector<38x300xf32>
    %jit3A_25 = arith.constant 4.000000e+00 : f32
    %jit3A_26 = arith.constant 0.000000e+00 : f32
    %broadcast_in_dim3A_27 = vector.broadcast %jit3A_25 : f32 to vector<38x300xf32>
    %broadcast_in_dim3A_28 = vector.broadcast %jit3A_26 : f32 to vector<38x300xf32>
    %select_n3A_29 = arith.select %ge3A_24, %broadcast_in_dim3A_27, %broadcast_in_dim3A_28 : vector<38x300xi1>, vector<38x300xf32>
    %add3A_30 = arith.addf %add3A, %select_n3A_29 : vector<38x300xf32>
    %sub3A_31 = arith.constant 1.400000e+01 : f32
    %sub3A_32 = vector.broadcast %sub3A_31 : f32 to vector<38x300xf32>
    %sub3A_33 = arith.subf %add3A_30, %sub3A_32 : vector<38x300xf32>
    %mul3A_34 = arith.constant 2.000000e-01 : f32
    %mul3A_35 = vector.broadcast %mul3A_34 : f32 to vector<38x300xf32>
    %mul3A_36 = arith.mulf %sub3A_33, %mul3A_35 : vector<38x300xf32>
    %ge3A_37 = arith.cmpf oge, %get3A_3, %mul3A_36 : vector<38x300xf32>
    %jit3A_38 = arith.constant 2.000000e+00 : f32
    %jit3A_39 = arith.constant 0.000000e+00 : f32
    %broadcast_in_dim3A_40 = vector.broadcast %jit3A_38 : f32 to vector<38x300xf32>
    %broadcast_in_dim3A_41 = vector.broadcast %jit3A_39 : f32 to vector<38x300xf32>
    %select_n3A_42 = arith.select %ge3A_37, %broadcast_in_dim3A_40, %broadcast_in_dim3A_41 : vector<38x300xi1>, vector<38x300xf32>
    %add3A_43 = arith.addf %add3A_30, %select_n3A_42 : vector<38x300xf32>
    %sub3A_44 = arith.constant 1.500000e+01 : f32
    %sub3A_45 = vector.broadcast %sub3A_44 : f32 to vector<38x300xf32>
    %sub3A_46 = arith.subf %add3A_43, %sub3A_45 : vector<38x300xf32>
    %mul3A_47 = arith.constant 2.000000e-01 : f32
    %mul3A_48 = vector.broadcast %mul3A_47 : f32 to vector<38x300xf32>
    %mul3A_49 = arith.mulf %sub3A_46, %mul3A_48 : vector<38x300xf32>
    %eq3A = arith.constant 2.000000e+00 : f32
    %eq3A_50 = vector.broadcast %eq3A : f32 to vector<38x300xf32>
    %eq3A_51 = arith.cmpf oeq, %add3A_43, %eq3A_50 : vector<38x300xf32>
    %jit3A_52 = arith.constant -2.600000e+00 : f32
    %broadcast_in_dim3A_53 = vector.broadcast %jit3A_52 : f32 to vector<38x300xf32>
    %select_n3A_54 = arith.select %eq3A_51, %broadcast_in_dim3A_53, %mul3A_49 : vector<38x300xi1>, vector<38x300xf32>
    %eq3A_55 = arith.constant 6.000000e+00 : f32
    %eq3A_56 = vector.broadcast %eq3A_55 : f32 to vector<38x300xf32>
    %eq3A_57 = arith.cmpf oeq, %add3A_43, %eq3A_56 : vector<38x300xf32>
    %jit3A_58 = arith.constant -1.800000e+00 : f32
    %broadcast_in_dim3A_59 = vector.broadcast %jit3A_58 : f32 to vector<38x300xf32>
    %select_n3A_60 = arith.select %eq3A_57, %broadcast_in_dim3A_59, %select_n3A_54 : vector<38x300xi1>, vector<38x300xf32>
    %eq3A_61 = arith.constant 2.400000e+01 : f32
    %eq3A_62 = vector.broadcast %eq3A_61 : f32 to vector<38x300xf32>
    %eq3A_63 = arith.cmpf oeq, %add3A_43, %eq3A_62 : vector<38x300xf32>
    %jit3A_64 = arith.constant 1.800000e+00 : f32
    %broadcast_in_dim3A_65 = vector.broadcast %jit3A_64 : f32 to vector<38x300xf32>
    %select_n3A_66 = arith.select %eq3A_63, %broadcast_in_dim3A_65, %select_n3A_60 : vector<38x300xi1>, vector<38x300xf32>
    %eq3A_67 = arith.constant 2.800000e+01 : f32
    %eq3A_68 = vector.broadcast %eq3A_67 : f32 to vector<38x300xf32>
    %eq3A_69 = arith.cmpf oeq, %add3A_43, %eq3A_68 : vector<38x300xf32>
    %jit3A_70 = arith.constant 2.600000e+00 : f32
    %broadcast_in_dim3A_71 = vector.broadcast %jit3A_70 : f32 to vector<38x300xf32>
    %select_n3A_72 = arith.select %eq3A_69, %broadcast_in_dim3A_71, %select_n3A_66 : vector<38x300xi1>, vector<38x300xf32>
    %ge3A_73 = arith.cmpf oge, %get3A_3, %select_n3A_72 : vector<38x300xf32>
    %jit3A_74 = arith.constant 1.000000e+00 : f32
    %jit3A_75 = arith.constant 0.000000e+00 : f32
    %broadcast_in_dim3A_76 = vector.broadcast %jit3A_74 : f32 to vector<38x300xf32>
    %broadcast_in_dim3A_77 = vector.broadcast %jit3A_75 : f32 to vector<38x300xf32>
    %select_n3A_78 = arith.select %ge3A_73, %broadcast_in_dim3A_76, %broadcast_in_dim3A_77 : vector<38x300xi1>, vector<38x300xf32>
    %add3A_79 = arith.addf %add3A_43, %select_n3A_78 : vector<38x300xf32>
    %convert_element_type3A = arith.fptosi %add3A_79 : vector<38x300xf32> to vector<38x300xi32>
    %broadcast_in_dim3A_80 = arith.constant 32 : i32
    %broadcast_in_dim3A_81 = vector.broadcast %broadcast_in_dim3A_80 : i32 to vector<38x4xi32>
    %concatenate3A = tpu.concatenate %convert_element_type3A, %broadcast_in_dim3A_81 in 1 : vector<38x300xi32>, vector<38x4xi32> -> vector<38x304xi32>
    %swap3A = arith.constant 0 : index
    %swap3A_82 = arith.constant 0 : index
    %swap3A_83 = arith.constant 0 : index
    %swap3A_84 = vector.load %arg2[%swap3A, %swap3A_82, %swap3A_83] : memref<1x192x304xi32, #tpu.memory_space<vmem>>, vector<1x38x304xi32>
    %swap3A_85 = vector.shape_cast %swap3A_84 : vector<1x38x304xi32> to vector<38x304xi32>
    %swap3A_86 = vector.shape_cast %concatenate3A : vector<38x304xi32> to vector<1x38x304xi32>
    tpu.vector_store %arg2[%swap3A, %swap3A_82, %swap3A_83], %swap3A_86 {strides = array<i32>} : memref<1x192x304xi32, #tpu.memory_space<vmem>>, vector<1x38x304xi32>,
    %reduce_sum3A = vector.shape_cast %get3A_3 : vector<38x300xf32> to vector<1x38x300xf32>
    %reduce_sum3A_87 = arith.constant dense<0.000000e+00> : vector<1xf32>
    %reduce_sum3A_88 = vector.multi_reduction <add>, %reduce_sum3A, %reduce_sum3A_87 [1, 2] : vector<1x38x300xf32> to vector<1xf32>
    %reduce_sum3A_89 = vector.shape_cast %reduce_sum3A_88 : vector<1xf32> to vector<1x1x1xf32>
    %reduce_sum3A_90 = vector.extract %reduce_sum3A_89[0, 0, 0] : f32 from vector<1x1x1xf32>
    %add3A_91 = arith.constant 0.000000e+00 : f32
    %add3A_92 = arith.addf %add3A_91, %reduce_sum3A_90 : f32
    %mul3A_93 = arith.mulf %get3A_3, %get3A_3 : vector<38x300xf32>
    %reduce_sum3A_94 = vector.shape_cast %mul3A_93 : vector<38x300xf32> to vector<1x38x300xf32>
    %reduce_sum3A_95 = arith.constant dense<0.000000e+00> : vector<1xf32>
    %reduce_sum3A_96 = vector.multi_reduction <add>, %reduce_sum3A_94, %reduce_sum3A_95 [1, 2] : vector<1x38x300xf32> to vector<1xf32>
    %reduce_sum3A_97 = vector.shape_cast %reduce_sum3A_96 : vector<1xf32> to vector<1x1x1xf32>
    %reduce_sum3A_98 = vector.extract %reduce_sum3A_97[0, 0, 0] : f32 from vector<1x1x1xf32>
    %add3A_99 = arith.constant 0.000000e+00 : f32
    %add3A_100 = arith.addf %add3A_99, %reduce_sum3A_98 : f32
    %reduce_max3A = vector.shape_cast %get3A_3 : vector<38x300xf32> to vector<1x38x300xf32>
    %reduce_max3A_101 = arith.constant dense<0xFF800000> : vector<1xf32>
    %reduce_max3A_102 = vector.multi_reduction <maximumf>, %reduce_max3A, %reduce_max3A_101 [1, 2] : vector<1x38x300xf32> to vector<1xf32>
    %reduce_max3A_103 = vector.shape_cast %reduce_max3A_102 : vector<1xf32> to vector<1x1x1xf32>
    %reduce_max3A_104 = vector.extract %reduce_max3A_103[0, 0, 0] : f32 from vector<1x1x1xf32>
    %max3A = arith.constant 0xFF800000 : f32
    %max3A_105 = arith.maximumf %max3A, %reduce_max3A_104 : f32
    %reduce_min3A = vector.shape_cast %get3A_3 : vector<38x300xf32> to vector<1x38x300xf32>
    %reduce_min3A_106 = arith.constant dense<0x7F800000> : vector<1xf32>
    %reduce_min3A_107 = vector.multi_reduction <minimumf>, %reduce_min3A, %reduce_min3A_106 [1, 2] : vector<1x38x300xf32> to vector<1xf32>
    %reduce_min3A_108 = vector.shape_cast %reduce_min3A_107 : vector<1xf32> to vector<1x1x1xf32>
    %reduce_min3A_109 = vector.extract %reduce_min3A_108[0, 0, 0] : f32 from vector<1x1x1xf32>
    %min3A = arith.constant 0x7F800000 : f32
    %min3A_110 = arith.minimumf %min3A, %reduce_min3A_109 : f32
    %get3A_111 = arith.constant 0 : index
    %get3A_112 = arith.constant 38 : index
    %get3A_113 = arith.constant 0 : index
    %get3A_114 = vector.load %arg1[%get3A_111, %get3A_112, %get3A_113] : memref<1x190x300xf32, #tpu.memory_space<vmem>>, vector<1x38x300xf32>
    %get3A_115 = vector.shape_cast %get3A_114 : vector<1x38x300xf32> to vector<38x300xf32>
    %ge3A_116 = arith.constant 0.000000e+00 : f32
    %ge3A_117 = vector.broadcast %ge3A_116 : f32 to vector<38x300xf32>
    %ge3A_118 = arith.cmpf oge, %get3A_115, %ge3A_117 : vector<38x300xf32>
    %jit3A_119 = arith.constant 1.600000e+01 : f32
    %jit3A_120 = arith.constant 0.000000e+00 : f32
    %broadcast_in_dim3A_121 = vector.broadcast %jit3A_119 : f32 to vector<38x300xf32>
    %broadcast_in_dim3A_122 = vector.broadcast %jit3A_120 : f32 to vector<38x300xf32>
    %select_n3A_123 = arith.select %ge3A_118, %broadcast_in_dim3A_121, %broadcast_in_dim3A_122 : vector<38x300xi1>, vector<38x300xf32>
    %sub3A_124 = arith.constant 8.000000e+00 : f32
    %sub3A_125 = vector.broadcast %sub3A_124 : f32 to vector<38x300xf32>
    %sub3A_126 = arith.subf %select_n3A_123, %sub3A_125 : vector<38x300xf32>
    %mul3A_127 = arith.constant 2.000000e-01 : f32
    %mul3A_128 = vector.broadcast %mul3A_127 : f32 to vector<38x300xf32>
    %mul3A_129 = arith.mulf %sub3A_126, %mul3A_128 : vector<38x300xf32>
    %ge3A_130 = arith.cmpf oge, %get3A_115, %mul3A_129 : vector<38x300xf32>
    %jit3A_131 = arith.constant 8.000000e+00 : f32
    %jit3A_132 = arith.constant 0.000000e+00 : f32
    %broadcast_in_dim3A_133 = vector.broadcast %jit3A_131 : f32 to vector<38x300xf32>
    %broadcast_in_dim3A_134 = vector.broadcast %jit3A_132 : f32 to vector<38x300xf32>
    %select_n3A_135 = arith.select %ge3A_130, %broadcast_in_dim3A_133, %broadcast_in_dim3A_134 : vector<38x300xi1>, vector<38x300xf32>
    %add3A_136 = arith.addf %select_n3A_123, %select_n3A_135 : vector<38x300xf32>
    %sub3A_137 = arith.constant 1.200000e+01 : f32
    %sub3A_138 = vector.broadcast %sub3A_137 : f32 to vector<38x300xf32>
    %sub3A_139 = arith.subf %add3A_136, %sub3A_138 : vector<38x300xf32>
    %mul3A_140 = arith.constant 2.000000e-01 : f32
    %mul3A_141 = vector.broadcast %mul3A_140 : f32 to vector<38x300xf32>
    %mul3A_142 = arith.mulf %sub3A_139, %mul3A_141 : vector<38x300xf32>
    %ge3A_143 = arith.cmpf oge, %get3A_115, %mul3A_142 : vector<38x300xf32>
    %jit3A_144 = arith.constant 4.000000e+00 : f32
    %jit3A_145 = arith.constant 0.000000e+00 : f32
    %broadcast_in_dim3A_146 = vector.broadcast %jit3A_144 : f32 to vector<38x300xf32>
    %broadcast_in_dim3A_147 = vector.broadcast %jit3A_145 : f32 to vector<38x300xf32>
    %select_n3A_148 = arith.select %ge3A_143, %broadcast_in_dim3A_146, %broadcast_in_dim3A_147 : vector<38x300xi1>, vector<38x300xf32>
    %add3A_149 = arith.addf %add3A_136, %select_n3A_148 : vector<38x300xf32>
    %sub3A_150 = arith.constant 1.400000e+01 : f32
    %sub3A_151 = vector.broadcast %sub3A_150 : f32 to vector<38x300xf32>
    %sub3A_152 = arith.subf %add3A_149, %sub3A_151 : vector<38x300xf32>
    %mul3A_153 = arith.constant 2.000000e-01 : f32
    %mul3A_154 = vector.broadcast %mul3A_153 : f32 to vector<38x300xf32>
    %mul3A_155 = arith.mulf %sub3A_152, %mul3A_154 : vector<38x300xf32>
    %ge3A_156 = arith.cmpf oge, %get3A_115, %mul3A_155 : vector<38x300xf32>
    %jit3A_157 = arith.constant 2.000000e+00 : f32
    %jit3A_158 = arith.constant 0.000000e+00 : f32
    %broadcast_in_dim3A_159 = vector.broadcast %jit3A_157 : f32 to vector<38x300xf32>
    %broadcast_in_dim3A_160 = vector.broadcast %jit3A_158 : f32 to vector<38x300xf32>
    %select_n3A_161 = arith.select %ge3A_156, %broadcast_in_dim3A_159, %broadcast_in_dim3A_160 : vector<38x300xi1>, vector<38x300xf32>
    %add3A_162 = arith.addf %add3A_149, %select_n3A_161 : vector<38x300xf32>
    %sub3A_163 = arith.constant 1.500000e+01 : f32
    %sub3A_164 = vector.broadcast %sub3A_163 : f32 to vector<38x300xf32>
    %sub3A_165 = arith.subf %add3A_162, %sub3A_164 : vector<38x300xf32>
    %mul3A_166 = arith.constant 2.000000e-01 : f32
    %mul3A_167 = vector.broadcast %mul3A_166 : f32 to vector<38x300xf32>
    %mul3A_168 = arith.mulf %sub3A_165, %mul3A_167 : vector<38x300xf32>
    %eq3A_169 = arith.constant 2.000000e+00 : f32
    %eq3A_170 = vector.broadcast %eq3A_169 : f32 to vector<38x300xf32>
    %eq3A_171 = arith.cmpf oeq, %add3A_162, %eq3A_170 : vector<38x300xf32>
    %jit3A_172 = arith.constant -2.600000e+00 : f32
    %broadcast_in_dim3A_173 = vector.broadcast %jit3A_172 : f32 to vector<38x300xf32>
    %select_n3A_174 = arith.select %eq3A_171, %broadcast_in_dim3A_173, %mul3A_168 : vector<38x300xi1>, vector<38x300xf32>
    %eq3A_175 = arith.constant 6.000000e+00 : f32
    %eq3A_176 = vector.broadcast %eq3A_175 : f32 to vector<38x300xf32>
    %eq3A_177 = arith.cmpf oeq, %add3A_162, %eq3A_176 : vector<38x300xf32>
    %jit3A_178 = arith.constant -1.800000e+00 : f32
    %broadcast_in_dim3A_179 = vector.broadcast %jit3A_178 : f32 to vector<38x300xf32>
    %select_n3A_180 = arith.select %eq3A_177, %broadcast_in_dim3A_179, %select_n3A_174 : vector<38x300xi1>, vector<38x300xf32>
    %eq3A_181 = arith.constant 2.400000e+01 : f32
    %eq3A_182 = vector.broadcast %eq3A_181 : f32 to vector<38x300xf32>
    %eq3A_183 = arith.cmpf oeq, %add3A_162, %eq3A_182 : vector<38x300xf32>
    %jit3A_184 = arith.constant 1.800000e+00 : f32
    %broadcast_in_dim3A_185 = vector.broadcast %jit3A_184 : f32 to vector<38x300xf32>
    %select_n3A_186 = arith.select %eq3A_183, %broadcast_in_dim3A_185, %select_n3A_180 : vector<38x300xi1>, vector<38x300xf32>
    %eq3A_187 = arith.constant 2.800000e+01 : f32
    %eq3A_188 = vector.broadcast %eq3A_187 : f32 to vector<38x300xf32>
    %eq3A_189 = arith.cmpf oeq, %add3A_162, %eq3A_188 : vector<38x300xf32>
    %jit3A_190 = arith.constant 2.600000e+00 : f32
    %broadcast_in_dim3A_191 = vector.broadcast %jit3A_190 : f32 to vector<38x300xf32>
    %select_n3A_192 = arith.select %eq3A_189, %broadcast_in_dim3A_191, %select_n3A_186 : vector<38x300xi1>, vector<38x300xf32>
    %ge3A_193 = arith.cmpf oge, %get3A_115, %select_n3A_192 : vector<38x300xf32>
    %jit3A_194 = arith.constant 1.000000e+00 : f32
    %jit3A_195 = arith.constant 0.000000e+00 : f32
    %broadcast_in_dim3A_196 = vector.broadcast %jit3A_194 : f32 to vector<38x300xf32>
    %broadcast_in_dim3A_197 = vector.broadcast %jit3A_195 : f32 to vector<38x300xf32>
    %select_n3A_198 = arith.select %ge3A_193, %broadcast_in_dim3A_196, %broadcast_in_dim3A_197 : vector<38x300xi1>, vector<38x300xf32>
    %add3A_199 = arith.addf %add3A_162, %select_n3A_198 : vector<38x300xf32>
    %convert_element_type3A_200 = arith.fptosi %add3A_199 : vector<38x300xf32> to vector<38x300xi32>
    %broadcast_in_dim3A_201 = arith.constant 32 : i32
    %broadcast_in_dim3A_202 = vector.broadcast %broadcast_in_dim3A_201 : i32 to vector<38x4xi32>
    %concatenate3A_203 = tpu.concatenate %convert_element_type3A_200, %broadcast_in_dim3A_202 in 1 : vector<38x300xi32>, vector<38x4xi32> -> vector<38x304xi32>
    %swap3A_204 = arith.constant 0 : index
    %swap3A_205 = arith.constant 38 : index
    %swap3A_206 = arith.constant 0 : index
    %swap3A_207 = vector.load %arg2[%swap3A_204, %swap3A_205, %swap3A_206] : memref<1x192x304xi32, #tpu.memory_space<vmem>>, vector<1x38x304xi32>
    %swap3A_208 = vector.shape_cast %swap3A_207 : vector<1x38x304xi32> to vector<38x304xi32>
    %swap3A_209 = vector.shape_cast %concatenate3A_203 : vector<38x304xi32> to vector<1x38x304xi32>
    tpu.vector_store %arg2[%swap3A_204, %swap3A_205, %swap3A_206], %swap3A_209 {strides = array<i32>} : memref<1x192x304xi32, #tpu.memory_space<vmem>>, vector<1x38x304xi32>,
    %reduce_sum3A_210 = vector.shape_cast %get3A_115 : vector<38x300xf32> to vector<1x38x300xf32>
    %reduce_sum3A_211 = arith.constant dense<0.000000e+00> : vector<1xf32>
    %reduce_sum3A_212 = vector.multi_reduction <add>, %reduce_sum3A_210, %reduce_sum3A_211 [1, 2] : vector<1x38x300xf32> to vector<1xf32>
    %reduce_sum3A_213 = vector.shape_cast %reduce_sum3A_212 : vector<1xf32> to vector<1x1x1xf32>
    %reduce_sum3A_214 = vector.extract %reduce_sum3A_213[0, 0, 0] : f32 from vector<1x1x1xf32>
    %add3A_215 = arith.addf %add3A_92, %reduce_sum3A_214 : f32
    %mul3A_216 = arith.mulf %get3A_115, %get3A_115 : vector<38x300xf32>
    %reduce_sum3A_217 = vector.shape_cast %mul3A_216 : vector<38x300xf32> to vector<1x38x300xf32>
    %reduce_sum3A_218 = arith.constant dense<0.000000e+00> : vector<1xf32>
    %reduce_sum3A_219 = vector.multi_reduction <add>, %reduce_sum3A_217, %reduce_sum3A_218 [1, 2] : vector<1x38x300xf32> to vector<1xf32>
    %reduce_sum3A_220 = vector.shape_cast %reduce_sum3A_219 : vector<1xf32> to vector<1x1x1xf32>
    %reduce_sum3A_221 = vector.extract %reduce_sum3A_220[0, 0, 0] : f32 from vector<1x1x1xf32>
    %add3A_222 = arith.addf %add3A_100, %reduce_sum3A_221 : f32
    %reduce_max3A_223 = vector.shape_cast %get3A_115 : vector<38x300xf32> to vector<1x38x300xf32>
    %reduce_max3A_224 = arith.constant dense<0xFF800000> : vector<1xf32>
    %reduce_max3A_225 = vector.multi_reduction <maximumf>, %reduce_max3A_223, %reduce_max3A_224 [1, 2] : vector<1x38x300xf32> to vector<1xf32>
    %reduce_max3A_226 = vector.shape_cast %reduce_max3A_225 : vector<1xf32> to vector<1x1x1xf32>
    %reduce_max3A_227 = vector.extract %reduce_max3A_226[0, 0, 0] : f32 from vector<1x1x1xf32>
    %max3A_228 = arith.maximumf %max3A_105, %reduce_max3A_227 : f32
    %reduce_min3A_229 = vector.shape_cast %get3A_115 : vector<38x300xf32> to vector<1x38x300xf32>
    %reduce_min3A_230 = arith.constant dense<0x7F800000> : vector<1xf32>
    %reduce_min3A_231 = vector.multi_reduction <minimumf>, %reduce_min3A_229, %reduce_min3A_230 [1, 2] : vector<1x38x300xf32> to vector<1xf32>
    %reduce_min3A_232 = vector.shape_cast %reduce_min3A_231 : vector<1xf32> to vector<1x1x1xf32>
    %reduce_min3A_233 = vector.extract %reduce_min3A_232[0, 0, 0] : f32 from vector<1x1x1xf32>
    %min3A_234 = arith.minimumf %min3A_110, %reduce_min3A_233 : f32
    %get3A_235 = arith.constant 0 : index
    %get3A_236 = arith.constant 76 : index
    %get3A_237 = arith.constant 0 : index
    %get3A_238 = vector.load %arg1[%get3A_235, %get3A_236, %get3A_237] : memref<1x190x300xf32, #tpu.memory_space<vmem>>, vector<1x38x300xf32>
    %get3A_239 = vector.shape_cast %get3A_238 : vector<1x38x300xf32> to vector<38x300xf32>
    %ge3A_240 = arith.constant 0.000000e+00 : f32
    %ge3A_241 = vector.broadcast %ge3A_240 : f32 to vector<38x300xf32>
    %ge3A_242 = arith.cmpf oge, %get3A_239, %ge3A_241 : vector<38x300xf32>
    %jit3A_243 = arith.constant 1.600000e+01 : f32
    %jit3A_244 = arith.constant 0.000000e+00 : f32
    %broadcast_in_dim3A_245 = vector.broadcast %jit3A_243 : f32 to vector<38x300xf32>
    %broadcast_in_dim3A_246 = vector.broadcast %jit3A_244 : f32 to vector<38x300xf32>
    %select_n3A_247 = arith.select %ge3A_242, %broadcast_in_dim3A_245, %broadcast_in_dim3A_246 : vector<38x300xi1>, vector<38x300xf32>
    %sub3A_248 = arith.constant 8.000000e+00 : f32
    %sub3A_249 = vector.broadcast %sub3A_248 : f32 to vector<38x300xf32>
    %sub3A_250 = arith.subf %select_n3A_247, %sub3A_249 : vector<38x300xf32>
    %mul3A_251 = arith.constant 2.000000e-01 : f32
    %mul3A_252 = vector.broadcast %mul3A_251 : f32 to vector<38x300xf32>
    %mul3A_253 = arith.mulf %sub3A_250, %mul3A_252 : vector<38x300xf32>
    %ge3A_254 = arith.cmpf oge, %get3A_239, %mul3A_253 : vector<38x300xf32>
    %jit3A_255 = arith.constant 8.000000e+00 : f32
    %jit3A_256 = arith.constant 0.000000e+00 : f32
    %broadcast_in_dim3A_257 = vector.broadcast %jit3A_255 : f32 to vector<38x300xf32>
    %broadcast_in_dim3A_258 = vector.broadcast %jit3A_256 : f32 to vector<38x300xf32>
    %select_n3A_259 = arith.select %ge3A_254, %broadcast_in_dim3A_257, %broadcast_in_dim3A_258 : vector<38x300xi1>, vector<38x300xf32>
    %add3A_260 = arith.addf %select_n3A_247, %select_n3A_259 : vector<38x300xf32>
    %sub3A_261 = arith.constant 1.200000e+01 : f32
    %sub3A_262 = vector.broadcast %sub3A_261 : f32 to vector<38x300xf32>
    %sub3A_263 = arith.subf %add3A_260, %sub3A_262 : vector<38x300xf32>
    %mul3A_264 = arith.constant 2.000000e-01 : f32
    %mul3A_265 = vector.broadcast %mul3A_264 : f32 to vector<38x300xf32>
    %mul3A_266 = arith.mulf %sub3A_263, %mul3A_265 : vector<38x300xf32>
    %ge3A_267 = arith.cmpf oge, %get3A_239, %mul3A_266 : vector<38x300xf32>
    %jit3A_268 = arith.constant 4.000000e+00 : f32
    %jit3A_269 = arith.constant 0.000000e+00 : f32
    %broadcast_in_dim3A_270 = vector.broadcast %jit3A_268 : f32 to vector<38x300xf32>
    %broadcast_in_dim3A_271 = vector.broadcast %jit3A_269 : f32 to vector<38x300xf32>
    %select_n3A_272 = arith.select %ge3A_267, %broadcast_in_dim3A_270, %broadcast_in_dim3A_271 : vector<38x300xi1>, vector<38x300xf32>
    %add3A_273 = arith.addf %add3A_260, %select_n3A_272 : vector<38x300xf32>
    %sub3A_274 = arith.constant 1.400000e+01 : f32
    %sub3A_275 = vector.broadcast %sub3A_274 : f32 to vector<38x300xf32>
    %sub3A_276 = arith.subf %add3A_273, %sub3A_275 : vector<38x300xf32>
    %mul3A_277 = arith.constant 2.000000e-01 : f32
    %mul3A_278 = vector.broadcast %mul3A_277 : f32 to vector<38x300xf32>
    %mul3A_279 = arith.mulf %sub3A_276, %mul3A_278 : vector<38x300xf32>
    %ge3A_280 = arith.cmpf oge, %get3A_239, %mul3A_279 : vector<38x300xf32>
    %jit3A_281 = arith.constant 2.000000e+00 : f32
    %jit3A_282 = arith.constant 0.000000e+00 : f32
    %broadcast_in_dim3A_283 = vector.broadcast %jit3A_281 : f32 to vector<38x300xf32>
    %broadcast_in_dim3A_284 = vector.broadcast %jit3A_282 : f32 to vector<38x300xf32>
    %select_n3A_285 = arith.select %ge3A_280, %broadcast_in_dim3A_283, %broadcast_in_dim3A_284 : vector<38x300xi1>, vector<38x300xf32>
    %add3A_286 = arith.addf %add3A_273, %select_n3A_285 : vector<38x300xf32>
    %sub3A_287 = arith.constant 1.500000e+01 : f32
    %sub3A_288 = vector.broadcast %sub3A_287 : f32 to vector<38x300xf32>
    %sub3A_289 = arith.subf %add3A_286, %sub3A_288 : vector<38x300xf32>
    %mul3A_290 = arith.constant 2.000000e-01 : f32
    %mul3A_291 = vector.broadcast %mul3A_290 : f32 to vector<38x300xf32>
    %mul3A_292 = arith.mulf %sub3A_289, %mul3A_291 : vector<38x300xf32>
    %eq3A_293 = arith.constant 2.000000e+00 : f32
    %eq3A_294 = vector.broadcast %eq3A_293 : f32 to vector<38x300xf32>
    %eq3A_295 = arith.cmpf oeq, %add3A_286, %eq3A_294 : vector<38x300xf32>
    %jit3A_296 = arith.constant -2.600000e+00 : f32
    %broadcast_in_dim3A_297 = vector.broadcast %jit3A_296 : f32 to vector<38x300xf32>
    %select_n3A_298 = arith.select %eq3A_295, %broadcast_in_dim3A_297, %mul3A_292 : vector<38x300xi1>, vector<38x300xf32>
    %eq3A_299 = arith.constant 6.000000e+00 : f32
    %eq3A_300 = vector.broadcast %eq3A_299 : f32 to vector<38x300xf32>
    %eq3A_301 = arith.cmpf oeq, %add3A_286, %eq3A_300 : vector<38x300xf32>
    %jit3A_302 = arith.constant -1.800000e+00 : f32
    %broadcast_in_dim3A_303 = vector.broadcast %jit3A_302 : f32 to vector<38x300xf32>
    %select_n3A_304 = arith.select %eq3A_301, %broadcast_in_dim3A_303, %select_n3A_298 : vector<38x300xi1>, vector<38x300xf32>
    %eq3A_305 = arith.constant 2.400000e+01 : f32
    %eq3A_306 = vector.broadcast %eq3A_305 : f32 to vector<38x300xf32>
    %eq3A_307 = arith.cmpf oeq, %add3A_286, %eq3A_306 : vector<38x300xf32>
    %jit3A_308 = arith.constant 1.800000e+00 : f32
    %broadcast_in_dim3A_309 = vector.broadcast %jit3A_308 : f32 to vector<38x300xf32>
    %select_n3A_310 = arith.select %eq3A_307, %broadcast_in_dim3A_309, %select_n3A_304 : vector<38x300xi1>, vector<38x300xf32>
    %eq3A_311 = arith.constant 2.800000e+01 : f32
    %eq3A_312 = vector.broadcast %eq3A_311 : f32 to vector<38x300xf32>
    %eq3A_313 = arith.cmpf oeq, %add3A_286, %eq3A_312 : vector<38x300xf32>
    %jit3A_314 = arith.constant 2.600000e+00 : f32
    %broadcast_in_dim3A_315 = vector.broadcast %jit3A_314 : f32 to vector<38x300xf32>
    %select_n3A_316 = arith.select %eq3A_313, %broadcast_in_dim3A_315, %select_n3A_310 : vector<38x300xi1>, vector<38x300xf32>
    %ge3A_317 = arith.cmpf oge, %get3A_239, %select_n3A_316 : vector<38x300xf32>
    %jit3A_318 = arith.constant 1.000000e+00 : f32
    %jit3A_319 = arith.constant 0.000000e+00 : f32
    %broadcast_in_dim3A_320 = vector.broadcast %jit3A_318 : f32 to vector<38x300xf32>
    %broadcast_in_dim3A_321 = vector.broadcast %jit3A_319 : f32 to vector<38x300xf32>
    %select_n3A_322 = arith.select %ge3A_317, %broadcast_in_dim3A_320, %broadcast_in_dim3A_321 : vector<38x300xi1>, vector<38x300xf32>
    %add3A_323 = arith.addf %add3A_286, %select_n3A_322 : vector<38x300xf32>
    %convert_element_type3A_324 = arith.fptosi %add3A_323 : vector<38x300xf32> to vector<38x300xi32>
    %broadcast_in_dim3A_325 = arith.constant 32 : i32
    %broadcast_in_dim3A_326 = vector.broadcast %broadcast_in_dim3A_325 : i32 to vector<38x4xi32>
    %concatenate3A_327 = tpu.concatenate %convert_element_type3A_324, %broadcast_in_dim3A_326 in 1 : vector<38x300xi32>, vector<38x4xi32> -> vector<38x304xi32>
    %swap3A_328 = arith.constant 0 : index
    %swap3A_329 = arith.constant 76 : index
    %swap3A_330 = arith.constant 0 : index
    %swap3A_331 = vector.load %arg2[%swap3A_328, %swap3A_329, %swap3A_330] : memref<1x192x304xi32, #tpu.memory_space<vmem>>, vector<1x38x304xi32>
    %swap3A_332 = vector.shape_cast %swap3A_331 : vector<1x38x304xi32> to vector<38x304xi32>
    %swap3A_333 = vector.shape_cast %concatenate3A_327 : vector<38x304xi32> to vector<1x38x304xi32>
    tpu.vector_store %arg2[%swap3A_328, %swap3A_329, %swap3A_330], %swap3A_333 {strides = array<i32>} : memref<1x192x304xi32, #tpu.memory_space<vmem>>, vector<1x38x304xi32>,
    %reduce_sum3A_334 = vector.shape_cast %get3A_239 : vector<38x300xf32> to vector<1x38x300xf32>
    %reduce_sum3A_335 = arith.constant dense<0.000000e+00> : vector<1xf32>
    %reduce_sum3A_336 = vector.multi_reduction <add>, %reduce_sum3A_334, %reduce_sum3A_335 [1, 2] : vector<1x38x300xf32> to vector<1xf32>
    %reduce_sum3A_337 = vector.shape_cast %reduce_sum3A_336 : vector<1xf32> to vector<1x1x1xf32>
    %reduce_sum3A_338 = vector.extract %reduce_sum3A_337[0, 0, 0] : f32 from vector<1x1x1xf32>
    %add3A_339 = arith.addf %add3A_215, %reduce_sum3A_338 : f32
    %mul3A_340 = arith.mulf %get3A_239, %get3A_239 : vector<38x300xf32>
    %reduce_sum3A_341 = vector.shape_cast %mul3A_340 : vector<38x300xf32> to vector<1x38x300xf32>
    %reduce_sum3A_342 = arith.constant dense<0.000000e+00> : vector<1xf32>
    %reduce_sum3A_343 = vector.multi_reduction <add>, %reduce_sum3A_341, %reduce_sum3A_342 [1, 2] : vector<1x38x300xf32> to vector<1xf32>
    %reduce_sum3A_344 = vector.shape_cast %reduce_sum3A_343 : vector<1xf32> to vector<1x1x1xf32>
    %reduce_sum3A_345 = vector.extract %reduce_sum3A_344[0, 0, 0] : f32 from vector<1x1x1xf32>
    %add3A_346 = arith.addf %add3A_222, %reduce_sum3A_345 : f32
    %reduce_max3A_347 = vector.shape_cast %get3A_239 : vector<38x300xf32> to vector<1x38x300xf32>
    %reduce_max3A_348 = arith.constant dense<0xFF800000> : vector<1xf32>
    %reduce_max3A_349 = vector.multi_reduction <maximumf>, %reduce_max3A_347, %reduce_max3A_348 [1, 2] : vector<1x38x300xf32> to vector<1xf32>
    %reduce_max3A_350 = vector.shape_cast %reduce_max3A_349 : vector<1xf32> to vector<1x1x1xf32>
    %reduce_max3A_351 = vector.extract %reduce_max3A_350[0, 0, 0] : f32 from vector<1x1x1xf32>
    %max3A_352 = arith.maximumf %max3A_228, %reduce_max3A_351 : f32
    %reduce_min3A_353 = vector.shape_cast %get3A_239 : vector<38x300xf32> to vector<1x38x300xf32>
    %reduce_min3A_354 = arith.constant dense<0x7F800000> : vector<1xf32>
    %reduce_min3A_355 = vector.multi_reduction <minimumf>, %reduce_min3A_353, %reduce_min3A_354 [1, 2] : vector<1x38x300xf32> to vector<1xf32>
    %reduce_min3A_356 = vector.shape_cast %reduce_min3A_355 : vector<1xf32> to vector<1x1x1xf32>
    %reduce_min3A_357 = vector.extract %reduce_min3A_356[0, 0, 0] : f32 from vector<1x1x1xf32>
    %min3A_358 = arith.minimumf %min3A_234, %reduce_min3A_357 : f32
    %get3A_359 = arith.constant 0 : index
    %get3A_360 = arith.constant 114 : index
    %get3A_361 = arith.constant 0 : index
    %get3A_362 = vector.load %arg1[%get3A_359, %get3A_360, %get3A_361] : memref<1x190x300xf32, #tpu.memory_space<vmem>>, vector<1x38x300xf32>
    %get3A_363 = vector.shape_cast %get3A_362 : vector<1x38x300xf32> to vector<38x300xf32>
    %ge3A_364 = arith.constant 0.000000e+00 : f32
    %ge3A_365 = vector.broadcast %ge3A_364 : f32 to vector<38x300xf32>
    %ge3A_366 = arith.cmpf oge, %get3A_363, %ge3A_365 : vector<38x300xf32>
    %jit3A_367 = arith.constant 1.600000e+01 : f32
    %jit3A_368 = arith.constant 0.000000e+00 : f32
    %broadcast_in_dim3A_369 = vector.broadcast %jit3A_367 : f32 to vector<38x300xf32>
    %broadcast_in_dim3A_370 = vector.broadcast %jit3A_368 : f32 to vector<38x300xf32>
    %select_n3A_371 = arith.select %ge3A_366, %broadcast_in_dim3A_369, %broadcast_in_dim3A_370 : vector<38x300xi1>, vector<38x300xf32>
    %sub3A_372 = arith.constant 8.000000e+00 : f32
    %sub3A_373 = vector.broadcast %sub3A_372 : f32 to vector<38x300xf32>
    %sub3A_374 = arith.subf %select_n3A_371, %sub3A_373 : vector<38x300xf32>
    %mul3A_375 = arith.constant 2.000000e-01 : f32
    %mul3A_376 = vector.broadcast %mul3A_375 : f32 to vector<38x300xf32>
    %mul3A_377 = arith.mulf %sub3A_374, %mul3A_376 : vector<38x300xf32>
    %ge3A_378 = arith.cmpf oge, %get3A_363, %mul3A_377 : vector<38x300xf32>
    %jit3A_379 = arith.constant 8.000000e+00 : f32
    %jit3A_380 = arith.constant 0.000000e+00 : f32
    %broadcast_in_dim3A_381 = vector.broadcast %jit3A_379 : f32 to vector<38x300xf32>
    %broadcast_in_dim3A_382 = vector.broadcast %jit3A_380 : f32 to vector<38x300xf32>
    %select_n3A_383 = arith.select %ge3A_378, %broadcast_in_dim3A_381, %broadcast_in_dim3A_382 : vector<38x300xi1>, vector<38x300xf32>
    %add3A_384 = arith.addf %select_n3A_371, %select_n3A_383 : vector<38x300xf32>
    %sub3A_385 = arith.constant 1.200000e+01 : f32
    %sub3A_386 = vector.broadcast %sub3A_385 : f32 to vector<38x300xf32>
    %sub3A_387 = arith.subf %add3A_384, %sub3A_386 : vector<38x300xf32>
    %mul3A_388 = arith.constant 2.000000e-01 : f32
    %mul3A_389 = vector.broadcast %mul3A_388 : f32 to vector<38x300xf32>
    %mul3A_390 = arith.mulf %sub3A_387, %mul3A_389 : vector<38x300xf32>
    %ge3A_391 = arith.cmpf oge, %get3A_363, %mul3A_390 : vector<38x300xf32>
    %jit3A_392 = arith.constant 4.000000e+00 : f32
    %jit3A_393 = arith.constant 0.000000e+00 : f32
    %broadcast_in_dim3A_394 = vector.broadcast %jit3A_392 : f32 to vector<38x300xf32>
    %broadcast_in_dim3A_395 = vector.broadcast %jit3A_393 : f32 to vector<38x300xf32>
    %select_n3A_396 = arith.select %ge3A_391, %broadcast_in_dim3A_394, %broadcast_in_dim3A_395 : vector<38x300xi1>, vector<38x300xf32>
    %add3A_397 = arith.addf %add3A_384, %select_n3A_396 : vector<38x300xf32>
    %sub3A_398 = arith.constant 1.400000e+01 : f32
    %sub3A_399 = vector.broadcast %sub3A_398 : f32 to vector<38x300xf32>
    %sub3A_400 = arith.subf %add3A_397, %sub3A_399 : vector<38x300xf32>
    %mul3A_401 = arith.constant 2.000000e-01 : f32
    %mul3A_402 = vector.broadcast %mul3A_401 : f32 to vector<38x300xf32>
    %mul3A_403 = arith.mulf %sub3A_400, %mul3A_402 : vector<38x300xf32>
    %ge3A_404 = arith.cmpf oge, %get3A_363, %mul3A_403 : vector<38x300xf32>
    %jit3A_405 = arith.constant 2.000000e+00 : f32
    %jit3A_406 = arith.constant 0.000000e+00 : f32
    %broadcast_in_dim3A_407 = vector.broadcast %jit3A_405 : f32 to vector<38x300xf32>
    %broadcast_in_dim3A_408 = vector.broadcast %jit3A_406 : f32 to vector<38x300xf32>
    %select_n3A_409 = arith.select %ge3A_404, %broadcast_in_dim3A_407, %broadcast_in_dim3A_408 : vector<38x300xi1>, vector<38x300xf32>
    %add3A_410 = arith.addf %add3A_397, %select_n3A_409 : vector<38x300xf32>
    %sub3A_411 = arith.constant 1.500000e+01 : f32
    %sub3A_412 = vector.broadcast %sub3A_411 : f32 to vector<38x300xf32>
    %sub3A_413 = arith.subf %add3A_410, %sub3A_412 : vector<38x300xf32>
    %mul3A_414 = arith.constant 2.000000e-01 : f32
    %mul3A_415 = vector.broadcast %mul3A_414 : f32 to vector<38x300xf32>
    %mul3A_416 = arith.mulf %sub3A_413, %mul3A_415 : vector<38x300xf32>
    %eq3A_417 = arith.constant 2.000000e+00 : f32
    %eq3A_418 = vector.broadcast %eq3A_417 : f32 to vector<38x300xf32>
    %eq3A_419 = arith.cmpf oeq, %add3A_410, %eq3A_418 : vector<38x300xf32>
    %jit3A_420 = arith.constant -2.600000e+00 : f32
    %broadcast_in_dim3A_421 = vector.broadcast %jit3A_420 : f32 to vector<38x300xf32>
    %select_n3A_422 = arith.select %eq3A_419, %broadcast_in_dim3A_421, %mul3A_416 : vector<38x300xi1>, vector<38x300xf32>
    %eq3A_423 = arith.constant 6.000000e+00 : f32
    %eq3A_424 = vector.broadcast %eq3A_423 : f32 to vector<38x300xf32>
    %eq3A_425 = arith.cmpf oeq, %add3A_410, %eq3A_424 : vector<38x300xf32>
    %jit3A_426 = arith.constant -1.800000e+00 : f32
    %broadcast_in_dim3A_427 = vector.broadcast %jit3A_426 : f32 to vector<38x300xf32>
    %select_n3A_428 = arith.select %eq3A_425, %broadcast_in_dim3A_427, %select_n3A_422 : vector<38x300xi1>, vector<38x300xf32>
    %eq3A_429 = arith.constant 2.400000e+01 : f32
    %eq3A_430 = vector.broadcast %eq3A_429 : f32 to vector<38x300xf32>
    %eq3A_431 = arith.cmpf oeq, %add3A_410, %eq3A_430 : vector<38x300xf32>
    %jit3A_432 = arith.constant 1.800000e+00 : f32
    %broadcast_in_dim3A_433 = vector.broadcast %jit3A_432 : f32 to vector<38x300xf32>
    %select_n3A_434 = arith.select %eq3A_431, %broadcast_in_dim3A_433, %select_n3A_428 : vector<38x300xi1>, vector<38x300xf32>
    %eq3A_435 = arith.constant 2.800000e+01 : f32
    %eq3A_436 = vector.broadcast %eq3A_435 : f32 to vector<38x300xf32>
    %eq3A_437 = arith.cmpf oeq, %add3A_410, %eq3A_436 : vector<38x300xf32>
    %jit3A_438 = arith.constant 2.600000e+00 : f32
    %broadcast_in_dim3A_439 = vector.broadcast %jit3A_438 : f32 to vector<38x300xf32>
    %select_n3A_440 = arith.select %eq3A_437, %broadcast_in_dim3A_439, %select_n3A_434 : vector<38x300xi1>, vector<38x300xf32>
    %ge3A_441 = arith.cmpf oge, %get3A_363, %select_n3A_440 : vector<38x300xf32>
    %jit3A_442 = arith.constant 1.000000e+00 : f32
    %jit3A_443 = arith.constant 0.000000e+00 : f32
    %broadcast_in_dim3A_444 = vector.broadcast %jit3A_442 : f32 to vector<38x300xf32>
    %broadcast_in_dim3A_445 = vector.broadcast %jit3A_443 : f32 to vector<38x300xf32>
    %select_n3A_446 = arith.select %ge3A_441, %broadcast_in_dim3A_444, %broadcast_in_dim3A_445 : vector<38x300xi1>, vector<38x300xf32>
    %add3A_447 = arith.addf %add3A_410, %select_n3A_446 : vector<38x300xf32>
    %convert_element_type3A_448 = arith.fptosi %add3A_447 : vector<38x300xf32> to vector<38x300xi32>
    %broadcast_in_dim3A_449 = arith.constant 32 : i32
    %broadcast_in_dim3A_450 = vector.broadcast %broadcast_in_dim3A_449 : i32 to vector<38x4xi32>
    %concatenate3A_451 = tpu.concatenate %convert_element_type3A_448, %broadcast_in_dim3A_450 in 1 : vector<38x300xi32>, vector<38x4xi32> -> vector<38x304xi32>
    %swap3A_452 = arith.constant 0 : index
    %swap3A_453 = arith.constant 114 : index
    %swap3A_454 = arith.constant 0 : index
    %swap3A_455 = vector.load %arg2[%swap3A_452, %swap3A_453, %swap3A_454] : memref<1x192x304xi32, #tpu.memory_space<vmem>>, vector<1x38x304xi32>
    %swap3A_456 = vector.shape_cast %swap3A_455 : vector<1x38x304xi32> to vector<38x304xi32>
    %swap3A_457 = vector.shape_cast %concatenate3A_451 : vector<38x304xi32> to vector<1x38x304xi32>
    tpu.vector_store %arg2[%swap3A_452, %swap3A_453, %swap3A_454], %swap3A_457 {strides = array<i32>} : memref<1x192x304xi32, #tpu.memory_space<vmem>>, vector<1x38x304xi32>,
    %reduce_sum3A_458 = vector.shape_cast %get3A_363 : vector<38x300xf32> to vector<1x38x300xf32>
    %reduce_sum3A_459 = arith.constant dense<0.000000e+00> : vector<1xf32>
    %reduce_sum3A_460 = vector.multi_reduction <add>, %reduce_sum3A_458, %reduce_sum3A_459 [1, 2] : vector<1x38x300xf32> to vector<1xf32>
    %reduce_sum3A_461 = vector.shape_cast %reduce_sum3A_460 : vector<1xf32> to vector<1x1x1xf32>
    %reduce_sum3A_462 = vector.extract %reduce_sum3A_461[0, 0, 0] : f32 from vector<1x1x1xf32>
    %add3A_463 = arith.addf %add3A_339, %reduce_sum3A_462 : f32
    %mul3A_464 = arith.mulf %get3A_363, %get3A_363 : vector<38x300xf32>
    %reduce_sum3A_465 = vector.shape_cast %mul3A_464 : vector<38x300xf32> to vector<1x38x300xf32>
    %reduce_sum3A_466 = arith.constant dense<0.000000e+00> : vector<1xf32>
    %reduce_sum3A_467 = vector.multi_reduction <add>, %reduce_sum3A_465, %reduce_sum3A_466 [1, 2] : vector<1x38x300xf32> to vector<1xf32>
    %reduce_sum3A_468 = vector.shape_cast %reduce_sum3A_467 : vector<1xf32> to vector<1x1x1xf32>
    %reduce_sum3A_469 = vector.extract %reduce_sum3A_468[0, 0, 0] : f32 from vector<1x1x1xf32>
    %add3A_470 = arith.addf %add3A_346, %reduce_sum3A_469 : f32
    %reduce_max3A_471 = vector.shape_cast %get3A_363 : vector<38x300xf32> to vector<1x38x300xf32>
    %reduce_max3A_472 = arith.constant dense<0xFF800000> : vector<1xf32>
    %reduce_max3A_473 = vector.multi_reduction <maximumf>, %reduce_max3A_471, %reduce_max3A_472 [1, 2] : vector<1x38x300xf32> to vector<1xf32>
    %reduce_max3A_474 = vector.shape_cast %reduce_max3A_473 : vector<1xf32> to vector<1x1x1xf32>
    %reduce_max3A_475 = vector.extract %reduce_max3A_474[0, 0, 0] : f32 from vector<1x1x1xf32>
    %max3A_476 = arith.maximumf %max3A_352, %reduce_max3A_475 : f32
    %reduce_min3A_477 = vector.shape_cast %get3A_363 : vector<38x300xf32> to vector<1x38x300xf32>
    %reduce_min3A_478 = arith.constant dense<0x7F800000> : vector<1xf32>
    %reduce_min3A_479 = vector.multi_reduction <minimumf>, %reduce_min3A_477, %reduce_min3A_478 [1, 2] : vector<1x38x300xf32> to vector<1xf32>
    %reduce_min3A_480 = vector.shape_cast %reduce_min3A_479 : vector<1xf32> to vector<1x1x1xf32>
    %reduce_min3A_481 = vector.extract %reduce_min3A_480[0, 0, 0] : f32 from vector<1x1x1xf32>
    %min3A_482 = arith.minimumf %min3A_358, %reduce_min3A_481 : f32
    %get3A_483 = arith.constant 0 : index
    %get3A_484 = arith.constant 152 : index
    %get3A_485 = arith.constant 0 : index
    %get3A_486 = vector.load %arg1[%get3A_483, %get3A_484, %get3A_485] : memref<1x190x300xf32, #tpu.memory_space<vmem>>, vector<1x38x300xf32>
    %get3A_487 = vector.shape_cast %get3A_486 : vector<1x38x300xf32> to vector<38x300xf32>
    %ge3A_488 = arith.constant 0.000000e+00 : f32
    %ge3A_489 = vector.broadcast %ge3A_488 : f32 to vector<38x300xf32>
    %ge3A_490 = arith.cmpf oge, %get3A_487, %ge3A_489 : vector<38x300xf32>
    %jit3A_491 = arith.constant 1.600000e+01 : f32
    %jit3A_492 = arith.constant 0.000000e+00 : f32
    %broadcast_in_dim3A_493 = vector.broadcast %jit3A_491 : f32 to vector<38x300xf32>
    %broadcast_in_dim3A_494 = vector.broadcast %jit3A_492 : f32 to vector<38x300xf32>
    %select_n3A_495 = arith.select %ge3A_490, %broadcast_in_dim3A_493, %broadcast_in_dim3A_494 : vector<38x300xi1>, vector<38x300xf32>
    %sub3A_496 = arith.constant 8.000000e+00 : f32
    %sub3A_497 = vector.broadcast %sub3A_496 : f32 to vector<38x300xf32>
    %sub3A_498 = arith.subf %select_n3A_495, %sub3A_497 : vector<38x300xf32>
    %mul3A_499 = arith.constant 2.000000e-01 : f32
    %mul3A_500 = vector.broadcast %mul3A_499 : f32 to vector<38x300xf32>
    %mul3A_501 = arith.mulf %sub3A_498, %mul3A_500 : vector<38x300xf32>
    %ge3A_502 = arith.cmpf oge, %get3A_487, %mul3A_501 : vector<38x300xf32>
    %jit3A_503 = arith.constant 8.000000e+00 : f32
    %jit3A_504 = arith.constant 0.000000e+00 : f32
    %broadcast_in_dim3A_505 = vector.broadcast %jit3A_503 : f32 to vector<38x300xf32>
    %broadcast_in_dim3A_506 = vector.broadcast %jit3A_504 : f32 to vector<38x300xf32>
    %select_n3A_507 = arith.select %ge3A_502, %broadcast_in_dim3A_505, %broadcast_in_dim3A_506 : vector<38x300xi1>, vector<38x300xf32>
    %add3A_508 = arith.addf %select_n3A_495, %select_n3A_507 : vector<38x300xf32>
    %sub3A_509 = arith.constant 1.200000e+01 : f32
    %sub3A_510 = vector.broadcast %sub3A_509 : f32 to vector<38x300xf32>
    %sub3A_511 = arith.subf %add3A_508, %sub3A_510 : vector<38x300xf32>
    %mul3A_512 = arith.constant 2.000000e-01 : f32
    %mul3A_513 = vector.broadcast %mul3A_512 : f32 to vector<38x300xf32>
    %mul3A_514 = arith.mulf %sub3A_511, %mul3A_513 : vector<38x300xf32>
    %ge3A_515 = arith.cmpf oge, %get3A_487, %mul3A_514 : vector<38x300xf32>
    %jit3A_516 = arith.constant 4.000000e+00 : f32
    %jit3A_517 = arith.constant 0.000000e+00 : f32
    %broadcast_in_dim3A_518 = vector.broadcast %jit3A_516 : f32 to vector<38x300xf32>
    %broadcast_in_dim3A_519 = vector.broadcast %jit3A_517 : f32 to vector<38x300xf32>
    %select_n3A_520 = arith.select %ge3A_515, %broadcast_in_dim3A_518, %broadcast_in_dim3A_519 : vector<38x300xi1>, vector<38x300xf32>
    %add3A_521 = arith.addf %add3A_508, %select_n3A_520 : vector<38x300xf32>
    %sub3A_522 = arith.constant 1.400000e+01 : f32
    %sub3A_523 = vector.broadcast %sub3A_522 : f32 to vector<38x300xf32>
    %sub3A_524 = arith.subf %add3A_521, %sub3A_523 : vector<38x300xf32>
    %mul3A_525 = arith.constant 2.000000e-01 : f32
    %mul3A_526 = vector.broadcast %mul3A_525 : f32 to vector<38x300xf32>
    %mul3A_527 = arith.mulf %sub3A_524, %mul3A_526 : vector<38x300xf32>
    %ge3A_528 = arith.cmpf oge, %get3A_487, %mul3A_527 : vector<38x300xf32>
    %jit3A_529 = arith.constant 2.000000e+00 : f32
    %jit3A_530 = arith.constant 0.000000e+00 : f32
    %broadcast_in_dim3A_531 = vector.broadcast %jit3A_529 : f32 to vector<38x300xf32>
    %broadcast_in_dim3A_532 = vector.broadcast %jit3A_530 : f32 to vector<38x300xf32>
    %select_n3A_533 = arith.select %ge3A_528, %broadcast_in_dim3A_531, %broadcast_in_dim3A_532 : vector<38x300xi1>, vector<38x300xf32>
    %add3A_534 = arith.addf %add3A_521, %select_n3A_533 : vector<38x300xf32>
    %sub3A_535 = arith.constant 1.500000e+01 : f32
    %sub3A_536 = vector.broadcast %sub3A_535 : f32 to vector<38x300xf32>
    %sub3A_537 = arith.subf %add3A_534, %sub3A_536 : vector<38x300xf32>
    %mul3A_538 = arith.constant 2.000000e-01 : f32
    %mul3A_539 = vector.broadcast %mul3A_538 : f32 to vector<38x300xf32>
    %mul3A_540 = arith.mulf %sub3A_537, %mul3A_539 : vector<38x300xf32>
    %eq3A_541 = arith.constant 2.000000e+00 : f32
    %eq3A_542 = vector.broadcast %eq3A_541 : f32 to vector<38x300xf32>
    %eq3A_543 = arith.cmpf oeq, %add3A_534, %eq3A_542 : vector<38x300xf32>
    %jit3A_544 = arith.constant -2.600000e+00 : f32
    %broadcast_in_dim3A_545 = vector.broadcast %jit3A_544 : f32 to vector<38x300xf32>
    %select_n3A_546 = arith.select %eq3A_543, %broadcast_in_dim3A_545, %mul3A_540 : vector<38x300xi1>, vector<38x300xf32>
    %eq3A_547 = arith.constant 6.000000e+00 : f32
    %eq3A_548 = vector.broadcast %eq3A_547 : f32 to vector<38x300xf32>
    %eq3A_549 = arith.cmpf oeq, %add3A_534, %eq3A_548 : vector<38x300xf32>
    %jit3A_550 = arith.constant -1.800000e+00 : f32
    %broadcast_in_dim3A_551 = vector.broadcast %jit3A_550 : f32 to vector<38x300xf32>
    %select_n3A_552 = arith.select %eq3A_549, %broadcast_in_dim3A_551, %select_n3A_546 : vector<38x300xi1>, vector<38x300xf32>
    %eq3A_553 = arith.constant 2.400000e+01 : f32
    %eq3A_554 = vector.broadcast %eq3A_553 : f32 to vector<38x300xf32>
    %eq3A_555 = arith.cmpf oeq, %add3A_534, %eq3A_554 : vector<38x300xf32>
    %jit3A_556 = arith.constant 1.800000e+00 : f32
    %broadcast_in_dim3A_557 = vector.broadcast %jit3A_556 : f32 to vector<38x300xf32>
    %select_n3A_558 = arith.select %eq3A_555, %broadcast_in_dim3A_557, %select_n3A_552 : vector<38x300xi1>, vector<38x300xf32>
    %eq3A_559 = arith.constant 2.800000e+01 : f32
    %eq3A_560 = vector.broadcast %eq3A_559 : f32 to vector<38x300xf32>
    %eq3A_561 = arith.cmpf oeq, %add3A_534, %eq3A_560 : vector<38x300xf32>
    %jit3A_562 = arith.constant 2.600000e+00 : f32
    %broadcast_in_dim3A_563 = vector.broadcast %jit3A_562 : f32 to vector<38x300xf32>
    %select_n3A_564 = arith.select %eq3A_561, %broadcast_in_dim3A_563, %select_n3A_558 : vector<38x300xi1>, vector<38x300xf32>
    %ge3A_565 = arith.cmpf oge, %get3A_487, %select_n3A_564 : vector<38x300xf32>
    %jit3A_566 = arith.constant 1.000000e+00 : f32
    %jit3A_567 = arith.constant 0.000000e+00 : f32
    %broadcast_in_dim3A_568 = vector.broadcast %jit3A_566 : f32 to vector<38x300xf32>
    %broadcast_in_dim3A_569 = vector.broadcast %jit3A_567 : f32 to vector<38x300xf32>
    %select_n3A_570 = arith.select %ge3A_565, %broadcast_in_dim3A_568, %broadcast_in_dim3A_569 : vector<38x300xi1>, vector<38x300xf32>
    %add3A_571 = arith.addf %add3A_534, %select_n3A_570 : vector<38x300xf32>
    %convert_element_type3A_572 = arith.fptosi %add3A_571 : vector<38x300xf32> to vector<38x300xi32>
    %broadcast_in_dim3A_573 = arith.constant 32 : i32
    %broadcast_in_dim3A_574 = vector.broadcast %broadcast_in_dim3A_573 : i32 to vector<38x4xi32>
    %concatenate3A_575 = tpu.concatenate %convert_element_type3A_572, %broadcast_in_dim3A_574 in 1 : vector<38x300xi32>, vector<38x4xi32> -> vector<38x304xi32>
    %swap3A_576 = arith.constant 0 : index
    %swap3A_577 = arith.constant 152 : index
    %swap3A_578 = arith.constant 0 : index
    %swap3A_579 = vector.load %arg2[%swap3A_576, %swap3A_577, %swap3A_578] : memref<1x192x304xi32, #tpu.memory_space<vmem>>, vector<1x38x304xi32>
    %swap3A_580 = vector.shape_cast %swap3A_579 : vector<1x38x304xi32> to vector<38x304xi32>
    %swap3A_581 = vector.shape_cast %concatenate3A_575 : vector<38x304xi32> to vector<1x38x304xi32>
    tpu.vector_store %arg2[%swap3A_576, %swap3A_577, %swap3A_578], %swap3A_581 {strides = array<i32>} : memref<1x192x304xi32, #tpu.memory_space<vmem>>, vector<1x38x304xi32>,
    %reduce_sum3A_582 = vector.shape_cast %get3A_487 : vector<38x300xf32> to vector<1x38x300xf32>
    %reduce_sum3A_583 = arith.constant dense<0.000000e+00> : vector<1xf32>
    %reduce_sum3A_584 = vector.multi_reduction <add>, %reduce_sum3A_582, %reduce_sum3A_583 [1, 2] : vector<1x38x300xf32> to vector<1xf32>
    %reduce_sum3A_585 = vector.shape_cast %reduce_sum3A_584 : vector<1xf32> to vector<1x1x1xf32>
    %reduce_sum3A_586 = vector.extract %reduce_sum3A_585[0, 0, 0] : f32 from vector<1x1x1xf32>
    %add3A_587 = arith.addf %add3A_463, %reduce_sum3A_586 : f32
    %mul3A_588 = arith.mulf %get3A_487, %get3A_487 : vector<38x300xf32>
    %reduce_sum3A_589 = vector.shape_cast %mul3A_588 : vector<38x300xf32> to vector<1x38x300xf32>
    %reduce_sum3A_590 = arith.constant dense<0.000000e+00> : vector<1xf32>
    %reduce_sum3A_591 = vector.multi_reduction <add>, %reduce_sum3A_589, %reduce_sum3A_590 [1, 2] : vector<1x38x300xf32> to vector<1xf32>
    %reduce_sum3A_592 = vector.shape_cast %reduce_sum3A_591 : vector<1xf32> to vector<1x1x1xf32>
    %reduce_sum3A_593 = vector.extract %reduce_sum3A_592[0, 0, 0] : f32 from vector<1x1x1xf32>
    %add3A_594 = arith.addf %add3A_470, %reduce_sum3A_593 : f32
    %reduce_max3A_595 = vector.shape_cast %get3A_487 : vector<38x300xf32> to vector<1x38x300xf32>
    %reduce_max3A_596 = arith.constant dense<0xFF800000> : vector<1xf32>
    %reduce_max3A_597 = vector.multi_reduction <maximumf>, %reduce_max3A_595, %reduce_max3A_596 [1, 2] : vector<1x38x300xf32> to vector<1xf32>
    %reduce_max3A_598 = vector.shape_cast %reduce_max3A_597 : vector<1xf32> to vector<1x1x1xf32>
    %reduce_max3A_599 = vector.extract %reduce_max3A_598[0, 0, 0] : f32 from vector<1x1x1xf32>
    %max3A_600 = arith.maximumf %max3A_476, %reduce_max3A_599 : f32
    %reduce_min3A_601 = vector.shape_cast %get3A_487 : vector<38x300xf32> to vector<1x38x300xf32>
    %reduce_min3A_602 = arith.constant dense<0x7F800000> : vector<1xf32>
    %reduce_min3A_603 = vector.multi_reduction <minimumf>, %reduce_min3A_601, %reduce_min3A_602 [1, 2] : vector<1x38x300xf32> to vector<1xf32>
    %reduce_min3A_604 = vector.shape_cast %reduce_min3A_603 : vector<1xf32> to vector<1x1x1xf32>
    %reduce_min3A_605 = vector.extract %reduce_min3A_604[0, 0, 0] : f32 from vector<1x1x1xf32>
    %min3A_606 = arith.minimumf %min3A_482, %reduce_min3A_605 : f32
    %broadcast_in_dim3A_607 = arith.constant 32 : i32
    %broadcast_in_dim3A_608 = vector.broadcast %broadcast_in_dim3A_607 : i32 to vector<2x304xi32>
    %swap3A_609 = arith.constant 0 : index
    %swap3A_610 = arith.constant 190 : index
    %swap3A_611 = arith.constant 0 : index
    %swap3A_612 = vector.load %arg2[%swap3A_609, %swap3A_610, %swap3A_611] : memref<1x192x304xi32, #tpu.memory_space<vmem>>, vector<1x2x304xi32>
    %swap3A_613 = vector.shape_cast %swap3A_612 : vector<1x2x304xi32> to vector<2x304xi32>
    %swap3A_614 = vector.shape_cast %broadcast_in_dim3A_608 : vector<2x304xi32> to vector<1x2x304xi32>
    tpu.vector_store %arg2[%swap3A_609, %swap3A_610, %swap3A_611], %swap3A_614 {strides = array<i32>} : memref<1x192x304xi32, #tpu.memory_space<vmem>>, vector<1x2x304xi32>,
    %div3A = arith.constant 5.700000e+04 : f32
    %div3A_615 = arith.divf %add3A_587, %div3A : f32
    %div3A_616 = arith.constant 5.700000e+04 : f32
    %div3A_617 = arith.divf %add3A_594, %div3A_616 : f32
    %mul3A_618 = arith.mulf %div3A_615, %div3A_615 : f32
    %sub3A_619 = arith.subf %div3A_617, %mul3A_618 : f32
    %max3A_620 = arith.constant 0.000000e+00 : f32
    %max3A_621 = arith.maximumf %sub3A_619, %max3A_620 : f32
    %sqrt3A = math.sqrt %max3A_621 : f32
    %sub3A_622 = arith.subf %max3A_600, %div3A_615 : f32
    %div3A_623 = arith.divf %sub3A_622, %sqrt3A : f32
    %sub3A_624 = arith.subf %div3A_615, %min3A_606 : f32
    %div3A_625 = arith.divf %sub3A_624, %sqrt3A : f32
    %stack3A = arith.constant 0.000000e+00 : f32
    %stack3A_626 = arith.constant 0.000000e+00 : f32
    %stack3A_627 = arith.constant 0.000000e+00 : f32
    %stack3A_628 = arith.constant 0.000000e+00 : f32
    %stack3A_629 = vector.broadcast %div3A_615 : f32 to vector<1xf32>
    %stack3A_630 = vector.broadcast %sqrt3A : f32 to vector<1xf32>
    %stack3A_631 = vector.broadcast %div3A_623 : f32 to vector<1xf32>
    %stack3A_632 = vector.broadcast %div3A_625 : f32 to vector<1xf32>
    %stack3A_633 = vector.broadcast %stack3A : f32 to vector<1xf32>
    %stack3A_634 = vector.broadcast %stack3A_626 : f32 to vector<1xf32>
    %stack3A_635 = vector.broadcast %stack3A_627 : f32 to vector<1xf32>
    %stack3A_636 = vector.broadcast %stack3A_628 : f32 to vector<1xf32>
    %stack3A_637 = tpu.concatenate %stack3A_629, %stack3A_630, %stack3A_631, %stack3A_632, %stack3A_633, %stack3A_634, %stack3A_635, %stack3A_636 in 0 : vector<1xf32>, vector<1xf32>, vector<1xf32>, vector<1xf32>, vector<1xf32>, vector<1xf32>, vector<1xf32>, vector<1xf32> -> vector<8xf32>
    %reshape3A = vector.shape_cast %stack3A_637 : vector<8xf32> to vector<1x1x8xf32>
    %swap3A_638 = arith.constant 0 : index
    %swap3A_639 = arith.constant 0 : index
    %swap3A_640 = arith.constant 0 : index
    %swap3A_641 = vector.load %arg3[%swap3A_638, %swap3A_639, %swap3A_640] : memref<1x1x8xf32, #tpu.memory_space<vmem>>, vector<1x1x8xf32>
    tpu.vector_store %arg3[%swap3A_638, %swap3A_639, %swap3A_640], %reshape3A {strides = array<i32>} : memref<1x1x8xf32, #tpu.memory_space<vmem>>, vector<1x1x8xf32>,
    return
  }
  func.func @transform_0(%arg0: i32) -> (i32, i32, i32) {
    %add3A = arith.constant 0 : i32
    %add3A_0 = arith.addi %arg0, %add3A : i32
    %c0_i32 = arith.constant 0 : i32
    %c0_i32_1 = arith.constant 0 : i32
    %c0_i32_2 = arith.constant 0 : i32
    return %add3A_0, %c0_i32, %c0_i32_1 : i32, i32, i32
  }
  func.func @transform_1(%arg0: i32) -> (i32, i32, i32) {
    %c0_i32 = arith.constant 0 : i32
    %c0_i32_0 = arith.constant 0 : i32
    %c0_i32_1 = arith.constant 0 : i32
    return %arg0, %c0_i32, %c0_i32_0 : i32, i32, i32
  }
  func.func @transform_2(%arg0: i32) -> (i32, i32, i32) {
    %c0_i32 = arith.constant 0 : i32
    %c0_i32_0 = arith.constant 0 : i32
    %c0_i32_1 = arith.constant 0 : i32
    return %arg0, %c0_i32, %c0_i32_0 : i32, i32, i32
  }
}

module attributes {stable_mosaic.version = 14 : i64} {
  func.func @_stage3_props(%arg0: memref<128x1104xf32, #tpu.memory_space<vmem>>, %arg1: memref<32x48xf32, #tpu.memory_space<vmem>>, %arg2: memref<128x8xf32, #tpu.memory_space<vmem>>, %arg3: memref<32x32xf32, #tpu.memory_space<vmem>>) attributes {dimension_semantics = [], scalar_prefetch = 0 : i64, scratch_operands = 0 : i64, tpu.core_type = #tpu.core_type<tc>} {
    %iota3A = tpu.iota {dimensions = array<i32: 1>} : vector<1x1104xi32>
    %jit3A = arith.constant 33 : i32
    %div3A = vector.broadcast %jit3A : i32 to vector<1x1104xi32>
    %div3A_0 = arith.divsi %iota3A, %div3A : vector<1x1104xi32>
    %sign3A = arith.constant 0 : i32
    %sign3A_1 = vector.broadcast %sign3A : i32 to vector<1x1104xi32>
    %sign3A_2 = arith.cmpi sgt, %iota3A, %sign3A_1 : vector<1x1104xi32>
    %sign3A_3 = arith.extui %sign3A_2 : vector<1x1104xi1> to vector<1x1104xi32>
    %sign3A_4 = arith.constant 0 : i32
    %sign3A_5 = vector.broadcast %sign3A_4 : i32 to vector<1x1104xi32>
    %sign3A_6 = arith.cmpi slt, %iota3A, %sign3A_5 : vector<1x1104xi32>
    %sign3A_7 = arith.extui %sign3A_6 : vector<1x1104xi1> to vector<1x1104xi32>
    %sign3A_8 = arith.subi %sign3A_3, %sign3A_7 : vector<1x1104xi32>
    %sign3A_9 = arith.constant 0 : i32
    %sign3A_10 = arith.cmpi sgt, %jit3A, %sign3A_9 : i32
    %sign3A_11 = arith.extui %sign3A_10 : i1 to i32
    %sign3A_12 = arith.constant 0 : i32
    %sign3A_13 = arith.cmpi slt, %jit3A, %sign3A_12 : i32
    %sign3A_14 = arith.extui %sign3A_13 : i1 to i32
    %sign3A_15 = arith.subi %sign3A_11, %sign3A_14 : i32
    %ne3A = vector.broadcast %sign3A_15 : i32 to vector<1x1104xi32>
    %ne3A_16 = arith.cmpi ne, %sign3A_8, %ne3A : vector<1x1104xi32>
    %rem3A = vector.broadcast %jit3A : i32 to vector<1x1104xi32>
    %rem3A_17 = arith.remsi %iota3A, %rem3A : vector<1x1104xi32>
    %ne3A_18 = arith.constant 0 : i32
    %ne3A_19 = vector.broadcast %ne3A_18 : i32 to vector<1x1104xi32>
    %ne3A_20 = arith.cmpi ne, %rem3A_17, %ne3A_19 : vector<1x1104xi32>
    %and3A = arith.andi %ne3A_16, %ne3A_20 : vector<1x1104xi1>
    %sub3A = arith.constant 1 : i32
    %sub3A_21 = vector.broadcast %sub3A : i32 to vector<1x1104xi32>
    %sub3A_22 = arith.subi %div3A_0, %sub3A_21 : vector<1x1104xi32>
    %select_n3A = arith.select %and3A, %sub3A_22, %div3A_0 : vector<1x1104xi1>, vector<1x1104xi32>
    %convert_element_type3A = arith.sitofp %select_n3A : vector<1x1104xi32> to vector<1x1104xf32>
    %jit3A_23 = arith.constant 33 : i32
    %eq3A = arith.constant 0 : i32
    %eq3A_24 = arith.cmpi eq, %jit3A_23, %eq3A : i32
    %jit3A_25 = arith.constant 1 : i32
    %select_n3A_26 = arith.select %eq3A_24, %jit3A_25, %jit3A_23 : i32
    %rem3A_27 = vector.broadcast %select_n3A_26 : i32 to vector<1x1104xi32>
    %rem3A_28 = arith.remsi %iota3A, %rem3A_27 : vector<1x1104xi32>
    %ne3A_29 = arith.constant 0 : i32
    %ne3A_30 = vector.broadcast %ne3A_29 : i32 to vector<1x1104xi32>
    %ne3A_31 = arith.cmpi ne, %rem3A_28, %ne3A_30 : vector<1x1104xi32>
    %lt3A = arith.constant 0 : i32
    %lt3A_32 = vector.broadcast %lt3A : i32 to vector<1x1104xi32>
    %lt3A_33 = arith.cmpi slt, %rem3A_28, %lt3A_32 : vector<1x1104xi32>
    %lt3A_34 = arith.constant 0 : i32
    %lt3A_35 = arith.cmpi slt, %select_n3A_26, %lt3A_34 : i32
    %ne3A_36 = vector.broadcast %lt3A_35 : i1 to vector<1x1104xi1>
    %ne3A_37 = vector.broadcast %ne3A_36 : vector<1x1104xi1> to vector<1x1104xi1>
    %ne3A_38 = arith.xori %lt3A_33, %ne3A_37 : vector<1x1104xi1>
    %and3A_39 = arith.andi %ne3A_38, %ne3A_31 : vector<1x1104xi1>
    %add3A = vector.broadcast %select_n3A_26 : i32 to vector<1x1104xi32>
    %add3A_40 = arith.addi %rem3A_28, %add3A : vector<1x1104xi32>
    %select_n3A_41 = arith.select %and3A_39, %add3A_40, %rem3A_28 : vector<1x1104xi1>, vector<1x1104xi32>
    %convert_element_type3A_42 = arith.sitofp %select_n3A_41 : vector<1x1104xi32> to vector<1x1104xf32>
    %lt3A_43 = arith.constant 1089 : i32
    %lt3A_44 = vector.broadcast %lt3A_43 : i32 to vector<1x1104xi32>
    %lt3A_45 = arith.cmpi slt, %iota3A, %lt3A_44 : vector<1x1104xi32>
    %jit3A_46 = arith.constant 33 : i32
    %div3A_47 = vector.broadcast %jit3A_46 : i32 to vector<1x1104xi32>
    %div3A_48 = arith.divsi %iota3A, %div3A_47 : vector<1x1104xi32>
    %sign3A_49 = arith.constant 0 : i32
    %sign3A_50 = vector.broadcast %sign3A_49 : i32 to vector<1x1104xi32>
    %sign3A_51 = arith.cmpi sgt, %iota3A, %sign3A_50 : vector<1x1104xi32>
    %sign3A_52 = arith.extui %sign3A_51 : vector<1x1104xi1> to vector<1x1104xi32>
    %sign3A_53 = arith.constant 0 : i32
    %sign3A_54 = vector.broadcast %sign3A_53 : i32 to vector<1x1104xi32>
    %sign3A_55 = arith.cmpi slt, %iota3A, %sign3A_54 : vector<1x1104xi32>
    %sign3A_56 = arith.extui %sign3A_55 : vector<1x1104xi1> to vector<1x1104xi32>
    %sign3A_57 = arith.subi %sign3A_52, %sign3A_56 : vector<1x1104xi32>
    %sign3A_58 = arith.constant 0 : i32
    %sign3A_59 = arith.cmpi sgt, %jit3A_46, %sign3A_58 : i32
    %sign3A_60 = arith.extui %sign3A_59 : i1 to i32
    %sign3A_61 = arith.constant 0 : i32
    %sign3A_62 = arith.cmpi slt, %jit3A_46, %sign3A_61 : i32
    %sign3A_63 = arith.extui %sign3A_62 : i1 to i32
    %sign3A_64 = arith.subi %sign3A_60, %sign3A_63 : i32
    %ne3A_65 = vector.broadcast %sign3A_64 : i32 to vector<1x1104xi32>
    %ne3A_66 = arith.cmpi ne, %sign3A_57, %ne3A_65 : vector<1x1104xi32>
    %rem3A_67 = vector.broadcast %jit3A_46 : i32 to vector<1x1104xi32>
    %rem3A_68 = arith.remsi %iota3A, %rem3A_67 : vector<1x1104xi32>
    %ne3A_69 = arith.constant 0 : i32
    %ne3A_70 = vector.broadcast %ne3A_69 : i32 to vector<1x1104xi32>
    %ne3A_71 = arith.cmpi ne, %rem3A_68, %ne3A_70 : vector<1x1104xi32>
    %and3A_72 = arith.andi %ne3A_66, %ne3A_71 : vector<1x1104xi1>
    %sub3A_73 = arith.constant 1 : i32
    %sub3A_74 = vector.broadcast %sub3A_73 : i32 to vector<1x1104xi32>
    %sub3A_75 = arith.subi %div3A_48, %sub3A_74 : vector<1x1104xi32>
    %select_n3A_76 = arith.select %and3A_72, %sub3A_75, %div3A_48 : vector<1x1104xi1>, vector<1x1104xi32>
    %lt3A_77 = arith.constant 32 : i32
    %lt3A_78 = vector.broadcast %lt3A_77 : i32 to vector<1x1104xi32>
    %lt3A_79 = arith.cmpi slt, %select_n3A_76, %lt3A_78 : vector<1x1104xi32>
    %and3A_80 = arith.andi %lt3A_45, %lt3A_79 : vector<1x1104xi1>
    %jit3A_81 = arith.constant 33 : i32
    %eq3A_82 = arith.constant 0 : i32
    %eq3A_83 = arith.cmpi eq, %jit3A_81, %eq3A_82 : i32
    %jit3A_84 = arith.constant 1 : i32
    %select_n3A_85 = arith.select %eq3A_83, %jit3A_84, %jit3A_81 : i32
    %rem3A_86 = vector.broadcast %select_n3A_85 : i32 to vector<1x1104xi32>
    %rem3A_87 = arith.remsi %iota3A, %rem3A_86 : vector<1x1104xi32>
    %ne3A_88 = arith.constant 0 : i32
    %ne3A_89 = vector.broadcast %ne3A_88 : i32 to vector<1x1104xi32>
    %ne3A_90 = arith.cmpi ne, %rem3A_87, %ne3A_89 : vector<1x1104xi32>
    %lt3A_91 = arith.constant 0 : i32
    %lt3A_92 = vector.broadcast %lt3A_91 : i32 to vector<1x1104xi32>
    %lt3A_93 = arith.cmpi slt, %rem3A_87, %lt3A_92 : vector<1x1104xi32>
    %lt3A_94 = arith.constant 0 : i32
    %lt3A_95 = arith.cmpi slt, %select_n3A_85, %lt3A_94 : i32
    %ne3A_96 = vector.broadcast %lt3A_95 : i1 to vector<1x1104xi1>
    %ne3A_97 = vector.broadcast %ne3A_96 : vector<1x1104xi1> to vector<1x1104xi1>
    %ne3A_98 = arith.xori %lt3A_93, %ne3A_97 : vector<1x1104xi1>
    %and3A_99 = arith.andi %ne3A_98, %ne3A_90 : vector<1x1104xi1>
    %add3A_100 = vector.broadcast %select_n3A_85 : i32 to vector<1x1104xi32>
    %add3A_101 = arith.addi %rem3A_87, %add3A_100 : vector<1x1104xi32>
    %select_n3A_102 = arith.select %and3A_99, %add3A_101, %rem3A_87 : vector<1x1104xi1>, vector<1x1104xi32>
    %lt3A_103 = arith.constant 32 : i32
    %lt3A_104 = vector.broadcast %lt3A_103 : i32 to vector<1x1104xi32>
    %lt3A_105 = arith.cmpi slt, %select_n3A_102, %lt3A_104 : vector<1x1104xi32>
    %and3A_106 = arith.andi %and3A_80, %lt3A_105 : vector<1x1104xi1>
    %get3A = arith.constant 0 : index
    %get3A_107 = arith.constant 0 : index
    %get3A_108 = vector.load %arg0[%get3A, %get3A_107] : memref<128x1104xf32, #tpu.memory_space<vmem>>, vector<128x1104xf32>
    %jit3A_109 = arith.constant 0.000000e+00 : f32
    %broadcast_in_dim3A = vector.shape_cast %and3A_106 : vector<1x1104xi1> to vector<1x1104xi1>
    %broadcast_in_dim3A_110 = vector.broadcast %broadcast_in_dim3A : vector<1x1104xi1> to vector<128x1104xi1>
    %broadcast_in_dim3A_111 = vector.broadcast %jit3A_109 : f32 to vector<128x1104xf32>
    %select_n3A_112 = arith.select %broadcast_in_dim3A_110, %get3A_108, %broadcast_in_dim3A_111 : vector<128x1104xi1>, vector<128x1104xf32>
    %reduce_sum3A = arith.constant dense<0.000000e+00> : vector<128xf32>
    %reduce_sum3A_113 = vector.multi_reduction <add>, %select_n3A_112, %reduce_sum3A [1] : vector<128x1104xf32> to vector<128xf32>
    %broadcast_in_dim3A_114 = vector.shape_cast %reduce_sum3A_113 : vector<128xf32> to vector<128x1xf32>
    %gt3A = arith.constant 0.000000e+00 : f32
    %gt3A_115 = vector.broadcast %gt3A : f32 to vector<128x1xf32>
    %gt3A_116 = arith.cmpf ogt, %broadcast_in_dim3A_114, %gt3A_115 : vector<128x1xf32>
    %jit3A_117 = arith.constant 1.000000e+00 : f32
    %broadcast_in_dim3A_118 = vector.broadcast %jit3A_117 : f32 to vector<128x1xf32>
    %select_n3A_119 = arith.select %gt3A_116, %broadcast_in_dim3A_114, %broadcast_in_dim3A_118 : vector<128x1xi1>, vector<128x1xf32>
    %div3A_120 = vector.broadcast %select_n3A_119 : vector<128x1xf32> to vector<128x1104xf32>
    %div3A_121 = arith.divf %select_n3A_112, %div3A_120 : vector<128x1104xf32>
    %reduce_sum3A_122 = arith.constant dense<0.000000e+00> : vector<128xf32>
    %reduce_sum3A_123 = vector.multi_reduction <add>, %div3A_121, %reduce_sum3A_122 [1] : vector<128x1104xf32> to vector<128xf32>
    %broadcast_in_dim3A_124 = vector.shape_cast %reduce_sum3A_123 : vector<128xf32> to vector<128x1xf32>
    %eq3A_125 = arith.constant 0.000000e+00 : f32
    %eq3A_126 = vector.broadcast %eq3A_125 : f32 to vector<128x1xf32>
    %eq3A_127 = arith.cmpf oeq, %broadcast_in_dim3A_124, %eq3A_126 : vector<128x1xf32>
    %jit3A_128 = arith.constant 1.000000e+00 : f32
    %broadcast_in_dim3A_129 = vector.broadcast %jit3A_128 : f32 to vector<128x1xf32>
    %select_n3A_130 = arith.select %eq3A_127, %broadcast_in_dim3A_129, %broadcast_in_dim3A_124 : vector<128x1xi1>, vector<128x1xf32>
    %div3A_131 = vector.broadcast %select_n3A_130 : vector<128x1xf32> to vector<128x1104xf32>
    %div3A_132 = arith.divf %div3A_121, %div3A_131 : vector<128x1104xf32>
    %sub3A_133 = arith.subf %convert_element_type3A, %convert_element_type3A_42 : vector<1x1104xf32>
    %integer_pow3A = arith.mulf %sub3A_133, %sub3A_133 : vector<1x1104xf32>
    %mul3A = vector.broadcast %integer_pow3A : vector<1x1104xf32> to vector<128x1104xf32>
    %mul3A_134 = arith.mulf %div3A_132, %mul3A : vector<128x1104xf32>
    %reduce_sum3A_135 = arith.constant dense<0.000000e+00> : vector<128xf32>
    %reduce_sum3A_136 = vector.multi_reduction <add>, %mul3A_134, %reduce_sum3A_135 [1] : vector<128x1104xf32> to vector<128xf32>
    %broadcast_in_dim3A_137 = vector.shape_cast %reduce_sum3A_136 : vector<128xf32> to vector<128x1xf32>
    %add3A_138 = arith.constant 1.000000e+00 : f32
    %add3A_139 = vector.broadcast %add3A_138 : f32 to vector<1x1104xf32>
    %add3A_140 = arith.addf %add3A_139, %integer_pow3A : vector<1x1104xf32>
    %div3A_141 = vector.broadcast %add3A_140 : vector<1x1104xf32> to vector<128x1104xf32>
    %div3A_142 = arith.divf %div3A_132, %div3A_141 : vector<128x1104xf32>
    %reduce_sum3A_143 = arith.constant dense<0.000000e+00> : vector<128xf32>
    %reduce_sum3A_144 = vector.multi_reduction <add>, %div3A_142, %reduce_sum3A_143 [1] : vector<128x1104xf32> to vector<128xf32>
    %broadcast_in_dim3A_145 = vector.shape_cast %reduce_sum3A_144 : vector<128xf32> to vector<128x1xf32>
    %mul3A_146 = arith.mulf %div3A_132, %div3A_132 : vector<128x1104xf32>
    %reduce_sum3A_147 = arith.constant dense<0.000000e+00> : vector<128xf32>
    %reduce_sum3A_148 = vector.multi_reduction <add>, %mul3A_146, %reduce_sum3A_147 [1] : vector<128x1104xf32> to vector<128xf32>
    %broadcast_in_dim3A_149 = vector.shape_cast %reduce_sum3A_148 : vector<128xf32> to vector<128x1xf32>
    %sqrt3A = math.sqrt %broadcast_in_dim3A_149 : vector<128x1xf32>
    %mul3A_150 = vector.broadcast %convert_element_type3A : vector<1x1104xf32> to vector<128x1104xf32>
    %mul3A_151 = arith.mulf %mul3A_150, %div3A_132 : vector<128x1104xf32>
    %reduce_sum3A_152 = arith.constant dense<0.000000e+00> : vector<128xf32>
    %reduce_sum3A_153 = vector.multi_reduction <add>, %mul3A_151, %reduce_sum3A_152 [1] : vector<128x1104xf32> to vector<128xf32>
    %broadcast_in_dim3A_154 = vector.shape_cast %reduce_sum3A_153 : vector<128xf32> to vector<128x1xf32>
    %mul3A_155 = vector.broadcast %convert_element_type3A_42 : vector<1x1104xf32> to vector<128x1104xf32>
    %mul3A_156 = arith.mulf %mul3A_155, %div3A_132 : vector<128x1104xf32>
    %reduce_sum3A_157 = arith.constant dense<0.000000e+00> : vector<128xf32>
    %reduce_sum3A_158 = vector.multi_reduction <add>, %mul3A_156, %reduce_sum3A_157 [1] : vector<128x1104xf32> to vector<128xf32>
    %broadcast_in_dim3A_159 = vector.shape_cast %reduce_sum3A_158 : vector<128xf32> to vector<128x1xf32>
    %sub3A_160 = vector.broadcast %convert_element_type3A : vector<1x1104xf32> to vector<128x1104xf32>
    %sub3A_161 = vector.broadcast %broadcast_in_dim3A_154 : vector<128x1xf32> to vector<128x1104xf32>
    %sub3A_162 = arith.subf %sub3A_160, %sub3A_161 : vector<128x1104xf32>
    %integer_pow3A_163 = arith.mulf %sub3A_162, %sub3A_162 : vector<128x1104xf32>
    %mul3A_164 = arith.mulf %div3A_132, %integer_pow3A_163 : vector<128x1104xf32>
    %reduce_sum3A_165 = arith.constant dense<0.000000e+00> : vector<128xf32>
    %reduce_sum3A_166 = vector.multi_reduction <add>, %mul3A_164, %reduce_sum3A_165 [1] : vector<128x1104xf32> to vector<128xf32>
    %broadcast_in_dim3A_167 = vector.shape_cast %reduce_sum3A_166 : vector<128xf32> to vector<128x1xf32>
    %sqrt3A_168 = math.sqrt %broadcast_in_dim3A_167 : vector<128x1xf32>
    %sub3A_169 = vector.broadcast %convert_element_type3A_42 : vector<1x1104xf32> to vector<128x1104xf32>
    %sub3A_170 = vector.broadcast %broadcast_in_dim3A_159 : vector<128x1xf32> to vector<128x1104xf32>
    %sub3A_171 = arith.subf %sub3A_169, %sub3A_170 : vector<128x1104xf32>
    %integer_pow3A_172 = arith.mulf %sub3A_171, %sub3A_171 : vector<128x1104xf32>
    %mul3A_173 = arith.mulf %div3A_132, %integer_pow3A_172 : vector<128x1104xf32>
    %reduce_sum3A_174 = arith.constant dense<0.000000e+00> : vector<128xf32>
    %reduce_sum3A_175 = vector.multi_reduction <add>, %mul3A_173, %reduce_sum3A_174 [1] : vector<128x1104xf32> to vector<128xf32>
    %broadcast_in_dim3A_176 = vector.shape_cast %reduce_sum3A_175 : vector<128xf32> to vector<128x1xf32>
    %sqrt3A_177 = math.sqrt %broadcast_in_dim3A_176 : vector<128x1xf32>
    %sub3A_178 = vector.broadcast %convert_element_type3A : vector<1x1104xf32> to vector<128x1104xf32>
    %sub3A_179 = vector.broadcast %broadcast_in_dim3A_154 : vector<128x1xf32> to vector<128x1104xf32>
    %sub3A_180 = arith.subf %sub3A_178, %sub3A_179 : vector<128x1104xf32>
    %mul3A_181 = arith.mulf %div3A_132, %sub3A_180 : vector<128x1104xf32>
    %sub3A_182 = vector.broadcast %convert_element_type3A_42 : vector<1x1104xf32> to vector<128x1104xf32>
    %sub3A_183 = vector.broadcast %broadcast_in_dim3A_159 : vector<128x1xf32> to vector<128x1104xf32>
    %sub3A_184 = arith.subf %sub3A_182, %sub3A_183 : vector<128x1104xf32>
    %mul3A_185 = arith.mulf %mul3A_181, %sub3A_184 : vector<128x1104xf32>
    %reduce_sum3A_186 = arith.constant dense<0.000000e+00> : vector<128xf32>
    %reduce_sum3A_187 = vector.multi_reduction <add>, %mul3A_185, %reduce_sum3A_186 [1] : vector<128x1104xf32> to vector<128xf32>
    %broadcast_in_dim3A_188 = vector.shape_cast %reduce_sum3A_187 : vector<128xf32> to vector<128x1xf32>
    %mul3A_189 = arith.mulf %sqrt3A_168, %sqrt3A_177 : vector<128x1xf32>
    %lt3A_190 = arith.constant 1.000000e-15 : f32
    %lt3A_191 = vector.broadcast %lt3A_190 : f32 to vector<128x1xf32>
    %lt3A_192 = arith.cmpf olt, %sqrt3A_168, %lt3A_191 : vector<128x1xf32>
    %lt3A_193 = arith.constant 1.000000e-15 : f32
    %lt3A_194 = vector.broadcast %lt3A_193 : f32 to vector<128x1xf32>
    %lt3A_195 = arith.cmpf olt, %sqrt3A_177, %lt3A_194 : vector<128x1xf32>
    %or3A = arith.ori %lt3A_192, %lt3A_195 : vector<128x1xi1>
    %eq3A_196 = arith.constant 0.000000e+00 : f32
    %eq3A_197 = vector.broadcast %eq3A_196 : f32 to vector<128x1xf32>
    %eq3A_198 = arith.cmpf oeq, %mul3A_189, %eq3A_197 : vector<128x1xf32>
    %jit3A_199 = arith.constant 1.000000e+00 : f32
    %broadcast_in_dim3A_200 = vector.broadcast %jit3A_199 : f32 to vector<128x1xf32>
    %select_n3A_201 = arith.select %eq3A_198, %broadcast_in_dim3A_200, %mul3A_189 : vector<128x1xi1>, vector<128x1xf32>
    %div3A_202 = arith.divf %broadcast_in_dim3A_188, %select_n3A_201 : vector<128x1xf32>
    %jit3A_203 = arith.constant 1.000000e+00 : f32
    %broadcast_in_dim3A_204 = vector.broadcast %jit3A_203 : f32 to vector<128x1xf32>
    %select_n3A_205 = arith.select %or3A, %broadcast_in_dim3A_204, %div3A_202 : vector<128x1xi1>, vector<128x1xf32>
    %add3A_206 = arith.constant 9.99999993E-9 : f32
    %add3A_207 = vector.broadcast %add3A_206 : f32 to vector<128x1104xf32>
    %add3A_208 = arith.addf %div3A_121, %add3A_207 : vector<128x1104xf32>
    %log3A = math.log %add3A_208 : vector<128x1104xf32>
    %log3A_209 = arith.constant 2.000000e+00 : f32
    %log3A_210 = math.log %log3A_209 : f32
    %div3A_211 = vector.broadcast %log3A_210 : f32 to vector<128x1104xf32>
    %div3A_212 = arith.divf %log3A, %div3A_211 : vector<128x1104xf32>
    %mul3A_213 = arith.mulf %div3A_121, %div3A_212 : vector<128x1104xf32>
    %reduce_sum3A_214 = arith.constant dense<0.000000e+00> : vector<128xf32>
    %reduce_sum3A_215 = vector.multi_reduction <add>, %mul3A_213, %reduce_sum3A_214 [1] : vector<128x1104xf32> to vector<128xf32>
    %broadcast_in_dim3A_216 = vector.shape_cast %reduce_sum3A_215 : vector<128xf32> to vector<128x1xf32>
    %neg3A = arith.constant 0.000000e+00 : f32
    %neg3A_217 = vector.broadcast %neg3A : f32 to vector<128x1xf32>
    %neg3A_218 = arith.subf %neg3A_217, %broadcast_in_dim3A_216 : vector<128x1xf32>
    %broadcast_in_dim3A_219 = arith.constant 0.000000e+00 : f32
    %broadcast_in_dim3A_220 = vector.broadcast %broadcast_in_dim3A_219 : f32 to vector<128x1xf32>
    %concatenate3A = tpu.concatenate %broadcast_in_dim3A_137, %broadcast_in_dim3A_145, %sqrt3A, %select_n3A_205, %neg3A_218, %broadcast_in_dim3A_220, %broadcast_in_dim3A_220, %broadcast_in_dim3A_220 in 1 : vector<128x1xf32>, vector<128x1xf32>, vector<128x1xf32>, vector<128x1xf32>, vector<128x1xf32>, vector<128x1xf32>, vector<128x1xf32>, vector<128x1xf32> -> vector<128x8xf32>
    %swap3A = arith.constant 0 : index
    %swap3A_221 = arith.constant 0 : index
    %swap3A_222 = vector.load %arg2[%swap3A, %swap3A_221] : memref<128x8xf32, #tpu.memory_space<vmem>>, vector<128x8xf32>
    tpu.vector_store %arg2[%swap3A, %swap3A_221], %concatenate3A {strides = array<i32>} : memref<128x8xf32, #tpu.memory_space<vmem>>, vector<128x8xf32>,
    %get3A_223 = arith.constant 0 : index
    %get3A_224 = arith.constant 0 : index
    %get3A_225 = vector.load %arg1[%get3A_223, %get3A_224] : memref<32x48xf32, #tpu.memory_space<vmem>>, vector<32x48xf32>
    %iota3A_226 = tpu.iota {dimensions = array<i32: 1>} : vector<1x48xi32>
    %lt3A_227 = arith.constant 32 : i32
    %lt3A_228 = vector.broadcast %lt3A_227 : i32 to vector<1x48xi32>
    %lt3A_229 = arith.cmpi slt, %iota3A_226, %lt3A_228 : vector<1x48xi32>
    %jit3A_230 = arith.constant 0.000000e+00 : f32
    %broadcast_in_dim3A_231 = vector.shape_cast %lt3A_229 : vector<1x48xi1> to vector<1x48xi1>
    %broadcast_in_dim3A_232 = vector.broadcast %broadcast_in_dim3A_231 : vector<1x48xi1> to vector<32x48xi1>
    %broadcast_in_dim3A_233 = vector.broadcast %jit3A_230 : f32 to vector<32x48xf32>
    %select_n3A_234 = arith.select %broadcast_in_dim3A_232, %get3A_225, %broadcast_in_dim3A_233 : vector<32x48xi1>, vector<32x48xf32>
    %reduce_max3A = arith.constant dense<0xFF800000> : vector<32xf32>
    %reduce_max3A_235 = vector.multi_reduction <maximumf>, %select_n3A_234, %reduce_max3A [1] : vector<32x48xf32> to vector<32xf32>
    %broadcast_in_dim3A_236 = vector.shape_cast %reduce_max3A_235 : vector<32xf32> to vector<32x1xf32>
    %ge3A = arith.constant 5.700000e+04 : f32
    %ge3A_237 = vector.broadcast %ge3A : f32 to vector<32x1xf32>
    %ge3A_238 = arith.cmpf oge, %broadcast_in_dim3A_236, %ge3A_237 : vector<32x1xf32>
    %div3A_239 = arith.constant 5.700000e+04 : f32
    %div3A_240 = vector.broadcast %div3A_239 : f32 to vector<32x48xf32>
    %div3A_241 = arith.divf %select_n3A_234, %div3A_240 : vector<32x48xf32>
    %jit3A_242 = arith.constant 0.000000e+00 : f32
    %broadcast_in_dim3A_243 = vector.shape_cast %ge3A_238 : vector<32x1xi1> to vector<32x1xi1>
    %broadcast_in_dim3A_244 = vector.broadcast %broadcast_in_dim3A_243 : vector<32x1xi1> to vector<32x48xi1>
    %broadcast_in_dim3A_245 = vector.broadcast %jit3A_242 : f32 to vector<32x48xf32>
    %select_n3A_246 = arith.select %broadcast_in_dim3A_244, %broadcast_in_dim3A_245, %div3A_241 : vector<32x48xi1>, vector<32x48xf32>
    %slice3A = vector.extract_strided_slice %select_n3A_246 {offsets = [0, 0], sizes = [32, 32], strides = [1, 1]} : vector<32x48xf32> to vector<32x32xf32>
    %swap3A_247 = arith.constant 0 : index
    %swap3A_248 = arith.constant 0 : index
    %swap3A_249 = vector.load %arg3[%swap3A_247, %swap3A_248] : memref<32x32xf32, #tpu.memory_space<vmem>>, vector<32x32xf32>
    tpu.vector_store %arg3[%swap3A_247, %swap3A_248], %slice3A {strides = array<i32>} : memref<32x32xf32, #tpu.memory_space<vmem>>, vector<32x32xf32>,
    return
  }
}

</mosaic_0001>

<sc_bundles>
// kernel: kernel.11.cloned.1.call-start
scs
__scs_entry_jumppad:
0x0: {  	(pc) =	sbr.rel $0x88, $3  }
0x1: {  	(tag) =	ssettag $0x0;
	lr =	simm.s32 $0x1  }
0x2: {  	[smem:$0x3FA0] =	sst lr;
	_ =	strace $0xD0000000  }
0x3: {  	_ = 	snop  }
0x4: {  	_ = 	snop  }
0x5: {  	_ = 	snop  }
0x6: {  	_ = 	snop  }
0x7: {  	_ = 	snop  }
__scs_overlays_trampoline_lowered:
0x8: {  	[smem:$0x3FAF] =	sst s0  }
0x9: {  	[smem:$0x3FB0] =	sst s1  }
0xa: {  	[smem:$0x3FB1] =	sst s2  }
0xb: {  	[smem:$0x3FB2] =	sst s3  }
0xc: {  	[smem:$0x3FB3] =	sst s4  }
0xd: {  	[smem:$0x3FB4] =	sst s5  }
0xe: {  	[smem:$0x3FB5] =	sst s6  }
0xf: {  	[smem:$0x3FB6] =	sst s7  }
0x10: {  	[smem:$0x3FB7] =	sst s8  }
0x11: {  	[smem:$0x3FB8] =	sst s9;
	s0 =	simm.s32 @!p0 $0x0  }
0x12: {  	s1 =	sld [smem:$0x3F9E];
	s0 =	simm.s32 @p0 $0x1  }
0x13: {  	[smem:$0x3FB9] =	sst s0;
	s0 =	simm.s32 @!p1 $0x0  }
0x14: {  	s2 =	sld [smem:$0x3F9D];
	s0 =	simm.s32 @p1 $0x1  }
0x15: {  	[smem:$0x3FBA] =	sst s0;
	s0 =	simm.s32 @!p2 $0x0  }
0x16: {  	s3 =	sld [smem:$0x3FDB];
	s0 =	simm.s32 @p2 $0x1  }
0x17: {  	s4 =	simm.s32 $0x1BF5;
	[smem:$0x3FBC] =	sst s0  }
0x18: {  	s0 =	sld [smem:$0x3F9F];
	_ =	swait.ge [sflag:s4], $0x0  }
0x19: {  	s7 =	sld [smem:$0x3FA0]  }
0x1a: {  	s8 =	sadd.s32 $0xFFFFE003, lr  }
0x1b: {  	s9 =	sadd.s32 $0xFFFFFEF7, lr;
	s5 =	simm.s32 $0xFFFFFFFF;
	p2 =	slt.u32 s8, $0xFFFFF086  }
0x1c: {  	p1 =	slt.u32 s9, $0xF7A;
	s5 =	simm.s32 @!p2 $0x0  }
0x1d: {  	s5 =	simm.s32 @p1 $0x1;
	p0 =	seq.s32 s7, s2  }
0x1e: {  	s7 =	smul.u32 @!p0 $0xF7A, s2;
	p2 =	seq.s32 @!p0 s5, $0x0  }
0x1f: {  	s9 =	smul.u32 $0xF7A, s1;
	s8 =	simm.s32 @!p0 $0x1BF5;
	p2 =	por !p2, p0  }
0x20: {  	[sflag:s8] =	ssyncset.s32 @!p0 $0xFFFFF086;
	s6 =	sadd.s32 @!p0 s3, s7;
	s7 =	simm.s32 @!p0 $0x108  }
0x21: {  	s3 =	sadd.s32 s3, s9;
	s6 =	sadd.s32 @!p0 $0x88, s6;
	s7 =	simm.s32 @p2 $0x1082  }
0x22: {  	[simem:s7], [sflag:s8] =	dma.local @!p0 [hbm:s6], $0xF7A  }
0x23: {  	s9 =	sor.u32 $0xD0000000, s2;
	s6 =	simm.s32 $0x108;
	_ =	swait.ge @!p0 [sflag:s8], $0x0  }
0x24: {  	s3 =	sadd.s32 $0x88, s3;
	s6 =	simm.s32 @!p1 $0x1082;
	[sflag:s4] =	ssyncset.s32 $0xFFFFF086  }
0x25: {  	[simem:s6], [sflag:s4] =	dma.local [hbm:s3], $0xF7A  }
0x26: {  	[smem:$0x3FA0] =	sst s1;
	(tag) =	ssettag s2;
	_ =	strace s9  }
0x27: {  	s1 =	sld [smem:$0x3FB0]  }
0x28: {  	s2 =	sld [smem:$0x3FB1]  }
0x29: {  	s4 =	sld [smem:$0x3FB3]  }
0x2a: {  	p0 =	seq.s32 s5, $0x0;
	s5 =	sld [smem:$0x3FB4]  }
0x2b: {  	s6 =	sld [smem:$0x3FB5]  }
0x2c: {  	s7 =	sld [smem:$0x3FB6]  }
0x2d: {  	s3 =	simm.s32 $0x108;
	s8 =	sld [smem:$0x3FB7]  }
0x2e: {  	s3 =	simm.s32 @!p0 $0x1082;
	s9 =	sld [smem:$0x3FB8]  }
0x2f: {  	lr =	sadd.s32 s0, s3;
	s0 =	sld [smem:$0x3FAF]  }
0x30: {  	s3 =	sld [smem:$0x3FB2]  }
0x31: {  	[smem:$0x3FBB] =	sst s10  }
0x32: {  	s10 =	sld [smem:$0x3FB9];
	_ =	sdelay $0x3  }
0x33: {  	p0 =	seq.s32 s10, $0x1;
	s10 =	sld [smem:$0x3FBB];
	_ =	sdelay $0x3  }
0x34: {  	[smem:$0x3FBB] =	sst s10  }
0x35: {  	s10 =	sld [smem:$0x3FBA];
	_ =	sdelay $0x3  }
0x36: {  	p1 =	seq.s32 s10, $0x1;
	s10 =	sld [smem:$0x3FBB];
	_ =	sdelay $0x3  }
0x37: {  	[smem:$0x3FBB] =	sst s10  }
0x38: {  	s10 =	sld [smem:$0x3FBC]  }
0x39: {  	_ = 	snop;
	(pc) =	sbr.ind lr, $3  }
0x3a: {  	_ = 	snop  }
0x3b: {  	_ = 	snop  }
0x3c: {  	p2 =	seq.s32 s10, $0x1;
	s10 =	sld [smem:$0x3FBB]  }
0x3d: {  	_ =	shalt  }
0x3e: {  	_ =	shalt  }
0x3f: {  	_ =	shalt  }
0x40: {  	_ =	shalt  }
0x41: {  	_ =	shalt  }
0x42: {  	_ =	shalt  }
0x43: {  	_ =	shalt  }
0x44: {  	_ =	shalt  }
0x45: {  	_ =	shalt  }
0x46: {  	_ =	shalt  }
0x47: {  	_ =	shalt  }
0x48: {  	_ =	shalt  }
0x49: {  	_ =	shalt  }
0x4a: {  	_ =	shalt  }
0x4b: {  	_ =	shalt  }
0x4c: {  	_ =	shalt  }
0x4d: {  	_ =	shalt  }
0x4e: {  	_ =	shalt  }
0x4f: {  	_ =	shalt  }
0x50: {  	_ =	shalt  }
0x51: {  	_ =	shalt  }
0x52: {  	_ =	shalt  }
0x53: {  	_ =	shalt  }
0x54: {  	_ =	shalt  }
0x55: {  	_ =	shalt  }
0x56: {  	_ =	shalt  }
0x57: {  	_ =	shalt  }
0x58: {  	_ =	shalt  }
0x59: {  	_ =	shalt  }
0x5a: {  	_ =	shalt  }
0x5b: {  	_ =	shalt  }
0x5c: {  	_ =	shalt  }
0x5d: {  	_ =	shalt  }
0x5e: {  	_ =	shalt  }
0x5f: {  	_ =	shalt  }
0x60: {  	_ =	shalt  }
0x61: {  	_ =	shalt  }
0x62: {  	_ =	shalt  }
0x63: {  	_ =	shalt  }
0x64: {  	_ =	shalt  }
0x65: {  	_ =	shalt  }
0x66: {  	_ =	shalt  }
0x67: {  	_ =	shalt  }
0x68: {  	_ =	shalt  }
0x69: {  	_ =	shalt  }
0x6a: {  	_ =	shalt  }
0x6b: {  	_ =	shalt  }
0x6c: {  	_ =	shalt  }
0x6d: {  	_ =	shalt  }
0x6e: {  	_ =	shalt  }
0x6f: {  	_ =	shalt  }
0x70: {  	_ =	shalt  }
0x71: {  	_ =	shalt  }
0x72: {  	_ =	shalt  }
0x73: {  	_ =	shalt  }
0x74: {  	_ =	shalt  }
0x75: {  	_ =	shalt  }
0x76: {  	_ =	shalt  }
0x77: {  	_ =	shalt  }
0x78: {  	_ =	shalt  }
0x79: {  	_ =	shalt  }
0x7a: {  	_ =	shalt  }
0x7b: {  	_ =	shalt  }
0x7c: {  	_ =	shalt  }
0x7d: {  	_ =	shalt  }
0x7e: {  	_ =	shalt  }
0x7f: {  	_ =	shalt  }
0x80: {  	_ =	shalt  }
0x81: {  	_ =	shalt  }
0x82: {  	_ =	shalt  }
0x83: {  	_ =	shalt  }
0x84: {  	_ =	shalt  }
0x85: {  	_ =	shalt  }
0x86: {  	_ =	shalt  }
0x87: {  	_ =	shalt  }
.Lfunc_end0:
.L_simem_size_0:
called_computation.1_lowered:
.L_overlay_start_0:
0x88: {  	s2 =	sld [smem:$0x3FD9]  }
0x89: {  	s3 =	sld [smem:$0x3FFE];
	_ =	sdelay $0x1  }
0x8a: {  	s1 =	srdreg.scid  }
0x8b: {  	s0 =	sand.u32 $0x1, s1  }
0x8c: {  	s16 =	sshll.u32 s0, $0xA;
	s2 =	sadd.s32 s3, s2  }
0x8d: {  	s2 =	sadd.s32 s2, s16  }
0x8e: {  	[smem:$0x3FC7] =	sst s2  }
0x8f: {  	_ = 	snop  }
0x90: {  	(tm) =	ssettm $0x1  }
0x91: {  	s17 =	sld [smem:$0x3FFB];
	_ =	sdelay $0x3  }
0x92: {  	_ =	strace s17  }
0x93: {  	s2 =	sld [smem:$0x3FFC];
	_ =	sdelay $0x3  }
0x94: {  	_ =	strace s2  }
0x95: {  	s2 =	sld [smem:$0x3FFD];
	_ =	sdelay $0x3  }
0x96: {  	_ =	strace s2  }
0x97: {  	_ =	strace $0x8FFFFFFF  }
0x98: {  	s18 =	sld [smem:$0x3FDB];
	_ =	sdelay $0x1  }
0x99: {  	s19 =	simm.s32 $_scs_section_size  }
0x9a: {  	s4 =	simm.s32 $_size__tile_overlayer_lowered;
	s5 =	simm.s32 $_tile_overlayer_lowered  }
0x9b: {  	s22 =	simm.s32 $0x1BFF;
	s21 =	sshll.u32 s5, $0x1;
	s2 =	sadd.s32 s19, s18  }
0x9c: {  	s6 =	simm.s32 $0x0;
	s20 =	sshll.u32 s4, $0x1;
	s4 =	sadd.s32 s21, s2  }
0x9d: {  	[timem:s6], [sflag:s22] =	dma.local [hbm:s4], s20  }
0x9e: {  	_ =	swait.ge [sflag:s22], s20  }
0x9f: {  	s3 =	ssub.s32 $0x0, s20;
	[sflag:s22] =	ssyncset.done $0x0  }
0xa0: {  	[sflag:s22] =	ssyncadd.s32 s3;
	_ =	sdelay $0x1  }
0xa1: {  	s23 =	simm.s32 $0x1B8B  }
0xa2: {  	_ =	swait.ge [sflag:s23], $0x1  }
0xa3: {  	[sflag:s23] =	ssyncset.done $0x0  }
0xa4: {  	s25 =	simm.s32 $0x1B8E;
	s24 =	sld [smem:$0x3FFE];
	[sflag:s23] =	ssyncadd.s32 $0xFFFFFFFF  }
0xa5: {  	s26 =	simm.s32 $execute0_lowered;
	[smem:$0x3FD2] =	sst s25  }
0xa6: {  	s4 =	sshll.u32 s26, $0x1;
	_ =	strace $0x80000046;
	[dreg:$0x1] =	wrdreg $0xFFFFFFFF  }
0xa7: {  	s28 =	simm.s32 $_size_execute0_lowered;
	s2 =	sadd.s32 s2, s4;
	[dreg:$0x0] =	wrdreg $0x0  }
0xa8: {  	s4 =	sshll.u32 s28, $0x1;
	[dreg:$0x2] =	wrdreg s2  }
0xa9: {  	[dreg:$0x3] =	wrdreg s4  }
0xaa: {  	[dreg:$0x4] =	wrdreg $0xC0  }
0xab: {  	_ =	task [dreg:s6], $0x5FFFF  }
0xac: {  	[dreg:$0x1] =	wrdreg $0xFFFFFFFF  }
0xad: {  	[dreg:$0x0] =	wrdreg $0x60  }
0xae: {  	[dreg:$0x2] =	wrdreg s24  }
0xaf: {  	[dreg:$0x3] =	wrdreg $0xA  }
0xb0: {  	_ =	task.clear_ibuf [dreg:s6], $0x4FFFF;
	_ =	strace $0x90000046  }
0xb1: {  	s29 =	simm.s32 $0xA;
	_ =	strace $0x80000048  }
0xb2: {  	_ =	swait.ge [sflag:s29], $0x1  }
0xb3: {  	[sflag:s29] =	ssyncadd.s32 $0xFFFFFFFF  }
0xb4: {  	_ =	strace $0x90000048  }
0xb5: {  	_ =	sfence  }
0xb6: {  	s30 =	sld [smem:$0x0];
	_ =	sdelay $0x2  }
0xb7: {  	s31 =	sshll.u32 s1, $0xD;
	s1 =	sshrl.u32 s1, $0x2  }
0xb8: {  	s3 =	sand.u32 $0x4000, s31;
	s1 =	sadd.s32 s1, s30  }
0xb9: {  	s0 =	sor.u32 s3, s0;
	s1 =	sshll.u32 s1, $0x11  }
0xba: {  	s0 =	sor.u32 s1, s0  }
0xbb: {  	s0 =	sadd.s32 $0x8F2B, s0  }
0xbc: {  	[sflag:s0] =	ssyncadd.remote.s32 $0x1  }
0xbd: {  	_ =	sfence.sel $0xFFFF  }
0xbe: {  	[dreg:$0x0] =	wrdreg $0xFFFFFFFF;
	(pc) =	sbr.abs _section_cstart, $3  }
0xbf: {  	[dreg:$0x1] =	wrdreg $0xFFFFFFFF  }
0xc0: {  	_ =	task.clear_ibuf [dreg:s6], $0x2FFFF;
	_ =	strace $0x9FFFFFFF  }
0xc1: {  	(tm) =	ssettm $0x7FFFFFFF  }
tec
execute0_lowered:
.L_overlay_start_1:
0x0: {  	(tag) =	ssettag $0x1  }
0x1: {  	v0 =	vimm.s32 $0x63422184;
	v1 =	vimm.s32 $0xE7C6A500  }
0x2: {  	v2 =	vimm.s32 $0x1EF;
	vm7 =	vcmask $0x300;
	vm0 =	vcmask $0x1304  }
0x3: {  	vm13 =	vcmask $0x1F14;
	vm6 =	vcmask $0x2320;
	vm5 =	vcmask $0x2724  }
0x4: {  	vm4 =	vcmask $0x2B28;
	vm3 =	vcmask $0x2F2C;
	vm2 =	vcmask $0x3330  }
0x5: {  	v6 =	vimm.s32 $0x63F;
	vm8 =	vcmask $0x704;
	vm9 =	vcmask $0xB08  }
0x6: {  	vm1 =	vcmask $0x3B38;
	vm10 =	vcmask $0xF0C;
	vm11 =	vcmask $0x1310  }
0x7: {  	v7 =	vimm.s32 $0xA8F;
	v8 =	vimm.s32 $0xEDF;
	vm12 =	vcmask $0x1714  }
0x8: {  	vm14 =	vcmask $0x1B18;
	vm15 =	vcmask $0x1F1C;
	v0 =	vunpack.c.0.s8.s32 v0  }
0x9: {  	v1 =	vunpack.c.0.s8.s32 v1;
	v2 =	vsel vm7, $0x440, v2;
	v6 =	vsel vm7, $0x890, v6  }
0xa: {  	v7 =	vsel vm7, $0xCE0, v7;
	v8 =	vsel vm7, $0x1130, v8;
	v6 =	vsel vm8, $0x471, v6  }
0xb: {  	v7 =	vsel vm8, $0x8C1, v7;
	v8 =	vsel vm8, $0xD11, v8;
	v0 =	vand.u32 $0xFF, v0  }
0xc: {  	v1 =	vand.u32 $0xFF, v1;
	v6 =	vsel vm9, $0x492, v6;
	v7 =	vsel vm9, $0x8E2, v7  }
0xd: {  	v8 =	vsel vm9, $0xD32, v8;
	v0 =	vsel vm0, v0, v2;
	vm0 =	vcmask $0x3734  }
0xe: {  	v6 =	vsel vm10, $0x4B3, v6;
	v7 =	vsel vm10, $0x903, v7;
	v8 =	vsel vm10, $0xD53, v8  }
0xf: {  	v1 =	vsel vm13, v1, v0;
	v0 =	vimm.f32 $0.0e+00;
	v6 =	vsel vm11, $0x4D4, v6  }
0x10: {  	v7 =	vsel vm11, $0x924, v7;
	v8 =	vsel vm11, $0xD74, v8;
	v2 =	vsel vm6, $0x108, v1  }
0x11: {  	v1 =	vimm.f32 $1.000000000e+00;
	v6 =	vsel vm12, $0x4F5, v6;
	v7 =	vsel vm12, $0x945, v7  }
0x12: {  	v8 =	vsel vm12, $0xD95, v8;
	v3 =	vsel vm5, $0x129, v2;
	v2 =	vlaneseq.u32  }
0x13: {  	v6 =	vsel vm14, $0x516, v6;
	v7 =	vsel vm14, $0x966, v7;
	v8 =	vsel vm14, $0xDB6, v8  }
0x14: {  	v4 =	vsel vm4, $0x14A, v3;
	v3 =	vmul.u32 $0xFFFFFFFF, v2;
	v6 =	vsel vm15, $0x537, v6  }
0x15: {  	v7 =	vsel vm15, $0x987, v7;
	v8 =	vsel vm15, $0xDD7, v8;
	v5 =	vsel vm3, $0x16B, v4  }
0x16: {  	v4 =	vimm.s32 $0x0;
	v6 =	vsel vm6, $0x558, v6;
	v7 =	vsel vm6, $0x9A8, v7  }
0x17: {  	s3 =	rddreg [dreg:$0x0];
	v8 =	vsel vm6, $0xDF8, v8;
	v5 =	vsel vm2, $0x18C, v5;
	v6 =	vsel vm5, $0x579, v6  }
0x18: {  	s1 =	srdreg.scid;
	s0 =	stileid.u32;
	v7 =	vsel vm5, $0x9C9, v7;
	v8 =	vsel vm5, $0xE19, v8;
	v6 =	vsel vm4, $0x59A, v6  }
0x19: {  	s2 =	simm.s32 $0x0;
	s9 =	simm.s32 $0x1;
	s10 =	simm.s32 $0xE400;
	v5 =	vsel vm0, $0x1AD, v5;
	v7 =	vsel vm4, $0x9EA, v7;
	v6 =	vsel vm3, $0x5BB, v6  }
0x1a: {  	s11 =	simm.s32 $0xF580;
	s12 =	simm.s32 $0x10700;
	s13 =	simm.s32 $0x0;
	v8 =	vsel vm4, $0xE3A, v8;
	v5 =	vsel vm1, $0x1CE, v5;
	v6 =	vsel vm2, $0x5DC, v6  }
0x1b: {  	s4 =	sand.u32 $0x1, s1;
	s5 =	sshrl.u32 s0, $0x2;
	s1 =	rddreg [dreg:$0x1];
	v9 =	vsel vm0, $0x5FD, v6;
	v6 =	vsel vm3, $0xA0B, v7;
	v7 =	vsel vm3, $0xE5B, v8  }
0x1c: {  	s26 =	sshll.u32 s0, $0x8;
	[smem:$0x7FF] =	sst s2;
	s8 =	smul.u32 $0x72000, s5;
	v8 =	vsel vm2, $0xA2C, v6;
	v10 =	vsel vm2, $0xE7C, v7;
	v6 =	vmul.u32 $0x21, v2  }
0x1d: {  	s6 =	sshll.u32 s4, $0x7;
	s7 =	sand.u32 $0x300, s26;
	s28 =	smul.u32 $0x8C00, s5;
	v7 =	vsel vm1, $0x61E, v9;
	v8 =	vsel vm0, $0xA4D, v8;
	v9 =	vsel vm0, $0xE9D, v10  }
0x1e: {  	_ =	strace $0x80000047;
	s4 =	ssub.s32 $0x2, s4;
	s6 =	sor.u32 s6, s7;
	v8 =	vsel vm1, $0xA6E, v8;
	v9 =	vsel vm1, $0xEBE, v9;
	v10 =	vadd.s32 $0x1, v6  }
0x1f: {  	s5 =	sshll.u32 s5, $0xA;
	s30 =	sshrl.u32 s4, $0x1;
	s7 =	sor.u32 s8, s6;
	v11 =	vadd.s32 $0x2, v6;
	v12 =	vadd.s32 $0x3, v6;
	v13 =	vadd.s32 $0x4, v6  }
0x20: {  	s8 =	sor.u32 s28, s6;
	s5 =	sor.u32 s5, s6;
	s31 =	ssub.s32 s4, s30;
	v14 =	vadd.s32 $0x5, v6;
	v15 =	vadd.s32 $0x6, v6;
	v16 =	vadd.s32 $0x7, v6  }
0x21: {  	s7 =	sshrl.u32 s7, $0x3;
	s29 =	sshrl.u32 s8, $0x3;
	s5 =	sshrl.u32 s5, $0x3;
	v17 =	vadd.s32 $0x8, v6;
	v18 =	vadd.s32 $0x9, v6;
	v19 =	vadd.s32 $0xA, v6  }
0x22: {  	s8 =	simm.s32 $0x400;
	s7 =	sadd.s32 s7, s3;
	s6 =	sadd.s32 s29, s3;
	v20 =	vadd.s32 $0xB, v6;
	v21 =	vadd.s32 $0xC, v6;
	v22 =	vadd.s32 $0xD, v6  }
0x23: {  	s5 =	sadd.s32 s5, s3;
	s3 =	sadd.s32 $0x92000, s7;
	s4 =	sadd.s32 $0xCB000, s6;
	v23 =	vadd.s32 $0xE, v6;
	v24 =	vadd.s32 $0xF, v6;
	v25 =	vadd.s32 $0x10, v6  }
0x24: {  	s5 =	sadd.s32 $0xCF600, s5;
	s6 =	smax.u32 s31, $0x1;
	s7 =	simm.s32 $0x80;
	v26 =	vadd.s32 $0x11, v6;
	v27 =	vadd.s32 $0x12, v6;
	v28 =	vadd.s32 $0x13, v6  }
.LBB2_1:
0x25: {  	[tilespmem:s2], [sflag:$0x1] =	stream.strided.gather [hbm4b:s3+s7], $0xE400, s8, s7, $0x38;
	[tilespmem:$0x10780] =	vst v63  }
0x26: {  	_ =	swait.ge [sflag:s9], $0xE400  }
0x27: {  	[sflag:s9] =	ssyncset.done $0x0  }
0x28: {  	[sflag:s9] =	ssyncadd.s32 $0xFFFF1C00  }
0x29: {  	s15 =	simm.s32 $0x0;
	s14 =	simm.s32 $0x12F;
	s16 =	simm.s32 $0xE400;
	[tilespmem:s10+$0x0] =	vst v0  }
.LBB2_2:
0x2a: {  	s15 =	sadd.s32 $0x10, s15  }
0x2b: {  	s16 =	sadd.s32 $0x10, s16;
	p0 =	slt.u32 s15, $0x1130  }
.Ltmp0:
0x2c: {  	[tilespmem:s16+$0x0] =	vst v0;
	(pc) =	sbr.rel @p0 .LBB2_2-.Ltmp0, $1  }
0x2d: {  	_ =	sdelay $0x3  }
0x2e: {  	v29 =	vld [tilespmem:s14+$0xFFFFFF41]  }
0x2f: {  	v30 =	vld [tilespmem:s14+$0x71]  }
0x30: {  	v31 =	vld [tilespmem:s14+$0xFFFFFEE1]  }
0x31: {  	v32 =	vld [tilespmem:s14+$0xFFFFFEF1]  }
0x32: {  	v34 =	vld [tilespmem:s14+$0xFFFFFF11]  }
0x33: {  	v35 =	vld [tilespmem:s14+$0xFFFFFED1]  }
0x34: {  	v36 =	vld [tilespmem:s14+$0x1]  }
0x35: {  	v37 =	vld [tilespmem:s14+$0x11]  }
0x36: {  	v38 =	vld [tilespmem:s14+$0x21]  }
0x37: {  	v40 =	vld [tilespmem:s14+$0xFFFFFF31];
	v33 =	vmul.u32 $0x21, v29  }
0x38: {  	v29 =	vld [tilespmem:s14+$0xFFFFFF01]  }
0x39: {  	v41 =	vld [tilespmem:s14+$0x31];
	v35 =	vmul.u32 $0x21, v35;
	v30 =	vadd.s32 v30, v33  }
0x3a: {  	v39 =	vmul.u32 $0x21, v31;
	v31 =	vld [tilespmem:s14+$0xFFFFFF21]  }
0x3b: {  	v42 =	vld [tilespmem:s14+$0x41];
	v36 =	vadd.s32 v36, v35  }
0x3c: {  	v43 =	vld [tilespmem:s14+$0x51];
	v32 =	vmul.u32 $0x21, v32  }
0x3d: {  	v45 =	vld [tilespmem:s14+$0x61];
	v37 =	vadd.s32 v37, v39;
	v44 =	vmul.u32 $0x21, v29  }
0x3e: {  	v38 =	vadd.s32 v38, v32;
	[tilespmem:v30+s10+$0x0] =	vst.idx.add.f32.msk $0xffff, v1  }
0x3f: {  	v29 =	vmul.u32 $0x21, v31;
	v31 =	vadd.s32 v41, v44;
	v30 =	vld [tilespmem:s14+$0x72]  }
0x40: {  	[tilespmem:v36+s10+$0x0] =	vst.idx.add.f32.msk $0xffff, v1  }
0x41: {  	v63 =	vld [tilespmem:s14+$0x2]  }
0x42: {  	[tilespmem:v37+s10+$0x0] =	vst.idx.add.f32.msk $0xffff, v1;
	v62 =	vadd.s32 v43, v29  }
0x43: {  	[tilespmem:v38+s10+$0x0] =	vst.idx.add.f32.msk $0xffff, v1  }
0x44: {  	[tilespmem:v31+s10+$0x0] =	vst.idx.add.f32.msk $0xffff, v1;
	v31 =	vmul.u32 $0x21, v40;
	v30 =	vadd.s32 v30, v33  }
0x45: {  	v50 =	vld [tilespmem:s14+$0x22];
	v46 =	vadd.s32 $0x450, v30  }
0x46: {  	v49 =	vld [tilespmem:s14+$0x12];
	v37 =	vadd.s32 v63, v35;
	v48 =	vadd.s32 v45, v31  }
0x47: {  	[tilespmem:v62+s10+$0x0] =	vst.idx.add.f32.msk $0xffff, v1;
	v37 =	vadd.s32 $0x450, v37  }
0x48: {  	v51 =	vld [tilespmem:s14+$0x32]  }
0x49: {  	v53 =	vld [tilespmem:s14+$0x52]  }
0x4a: {  	v40 =	vadd.s32 v50, v32;
	v30 =	vmul.u32 $0x21, v34;
	[tilespmem:v46+s10+$0x0] =	vst.idx.add.f32.msk $0xffff, v1  }
0x4b: {  	v56 =	vadd.s32 $0x450, v40;
	[tilespmem:v48+s10+$0x0] =	vst.idx.add.f32.msk $0xffff, v1  }
0x4c: {  	v34 =	vadd.s32 v42, v30;
	[tilespmem:v37+s10+$0x0] =	vst.idx.add.f32.msk $0xffff, v1  }
0x4d: {  	v47 =	vld [tilespmem:s14+$0xFFFFFF42]  }
0x4e: {  	v57 =	vadd.s32 v51, v44;
	v55 =	vld [tilespmem:s14+$0x62]  }
0x4f: {  	v40 =	vadd.s32 $0x450, v57;
	v61 =	vld [tilespmem:s14+$0xFFFFFED2]  }
0x50: {  	v54 =	vadd.s32 v49, v39;
	[tilespmem:v56+s10+$0x0] =	vst.idx.add.f32.msk $0xffff, v1  }
0x51: {  	[tilespmem:v34+s10+$0x0] =	vst.idx.add.f32.msk $0xffff, v1;
	v34 =	vadd.s32 $0x450, v54  }
0x52: {  	v52 =	vld [tilespmem:s14+$0x42];
	v38 =	vadd.s32 v47, v33  }
0x53: {  	v45 =	vld [tilespmem:s14+$0xFFFFFEF2];
	v36 =	vadd.s32 v55, v31;
	v38 =	vadd.s32 $0x8A0, v38  }
0x54: {  	[tilespmem:v40+s10+$0x0] =	vst.idx.add.f32.msk $0xffff, v1;
	v46 =	vadd.s32 v61, v35;
	v62 =	vadd.s32 $0x450, v36  }
0x55: {  	v47 =	vld [tilespmem:s14+$0xFFFFFF02];
	v37 =	vadd.s32 $0x8A0, v46  }
0x56: {  	[tilespmem:v34+s10+$0x0] =	vst.idx.add.f32.msk $0xffff, v1  }
0x57: {  	v42 =	vadd.s32 v52, v30;
	v63 =	vld [tilespmem:s14+$0xFFFFFEE2]  }
0x58: {  	v60 =	vadd.s32 v53, v29;
	v59 =	vadd.s32 $0x450, v42;
	[tilespmem:v38+s10+$0x0] =	vst.idx.add.f32.msk $0xffff, v1  }
0x59: {  	v42 =	vadd.s32 $0x450, v60;
	[tilespmem:v62+s10+$0x0] =	vst.idx.add.f32.msk $0xffff, v1  }
0x5a: {  	[tilespmem:v37+s10+$0x0] =	vst.idx.add.f32.msk $0xffff, v1  }
0x5b: {  	v58 =	vld [tilespmem:s14+$0x70]  }
0x5c: {  	v34 =	vadd.s32 v45, v32;
	v50 =	vld [tilespmem:s14+$0xFFFFFF32]  }
0x5d: {  	v51 =	vadd.s32 $0x8A0, v34;
	[tilespmem:v59+s10+$0x0] =	vst.idx.add.f32.msk $0xffff, v1  }
0x5e: {  	v36 =	vadd.s32 v63, v39;
	[tilespmem:v42+s10+$0x0] =	vst.idx.add.f32.msk $0xffff, v1  }
0x5f: {  	v36 =	vadd.s32 $0x8A0, v36;
	v48 =	vld [tilespmem:s14+$0xFFFFFF12]  }
0x60: {  	v52 =	vadd.s32 v47, v44;
	v49 =	vld [tilespmem:s14+$0xFFFFFF22]  }
0x61: {  	v34 =	vadd.s32 $0x8A0, v52;
	v54 =	vld [tilespmem:s14+$0x0]  }
0x62: {  	[tilespmem:v51+s10+$0x0] =	vst.idx.add.f32.msk $0xffff, v1;
	v33 =	vadd.s32 v58, v33  }
0x63: {  	v61 =	vld [tilespmem:s14+$0x20];
	v57 =	vadd.s32 v50, v31;
	v33 =	vadd.s32 $0xCF0, v33  }
0x64: {  	[tilespmem:v36+s10+$0x0] =	vst.idx.add.f32.msk $0xffff, v1;
	v40 =	vadd.s32 $0x8A0, v57;
	v53 =	vadd.s32 v48, v30  }
0x65: {  	v55 =	vadd.s32 v49, v29;
	v58 =	vld [tilespmem:s14+$0x10];
	v37 =	vadd.s32 $0x8A0, v53  }
0x66: {  	[tilespmem:v34+s10+$0x0] =	vst.idx.add.f32.msk $0xffff, v1;
	v56 =	vadd.s32 $0x8A0, v55  }
0x67: {  	v63 =	vld [tilespmem:s14+$0x30]  }
0x68: {  	[tilespmem:v33+s10+$0x0] =	vst.idx.add.f32.msk $0xffff, v1  }
0x69: {  	v59 =	vadd.s32 v54, v35;
	[tilespmem:v40+s10+$0x0] =	vst.idx.add.f32.msk $0xffff, v1  }
0x6a: {  	v33 =	vadd.s32 $0xCF0, v59;
	v60 =	vadd.s32 v58, v39;
	[tilespmem:v37+s10+$0x0] =	vst.idx.add.f32.msk $0xffff, v1  }
0x6b: {  	[tilespmem:v56+s10+$0x0] =	vst.idx.add.f32.msk $0xffff, v1;
	v62 =	vadd.s32 $0xCF0, v60  }
0x6c: {  	v36 =	vld [tilespmem:s14+$0x40]  }
0x6d: {  	v35 =	vld [tilespmem:s14+$0x50]  }
0x6e: {  	v34 =	vld [tilespmem:s14+$0x60]  }
0x6f: {  	s16 =	simm.s32 $0x0;
	v32 =	vadd.s32 v61, v32;
	[tilespmem:v33+s10+$0x0] =	vst.idx.add.f32.msk $0xffff, v1  }
0x70: {  	s15 =	simm.s32 $0xE2B1;
	s17 =	simm.s32 $0x1AF;
	v38 =	vadd.s32 $0xCF0, v32;
	v32 =	vadd.s32 v63, v44;
	s14 =	simm.s32 $0xE170;
	[tilespmem:v62+s10+$0x0] =	vst.idx.add.f32.msk $0xffff, v1  }
.LBB2_4:
0x71: {  	v33 =	vld [tilespmem:s17+$0xFFFFFF41];
	s16 =	sadd.s32 $0x80, s16;
	v39 =	vadd.s32 $0xCF0, v32;
	v30 =	vadd.s32 v36, v30  }
0x72: {  	v32 =	vld [tilespmem:s17+$0xFFFFFEE1];
	p0 =	slt.u32 s16, $0xE100;
	v40 =	vadd.s32 $0xCF0, v30;
	v29 =	vadd.s32 v35, v29  }
0x73: {  	v30 =	vld [tilespmem:s17+$0x71];
	v35 =	vadd.s32 $0xCF0, v29;
	v29 =	vadd.s32 v34, v31  }
0x74: {  	v31 =	vld [tilespmem:s17+$0xFFFFFEF1];
	v36 =	vadd.s32 $0xCF0, v29  }
0x75: {  	v29 =	vld [tilespmem:s17+$0xFFFFFF01]  }
0x76: {  	v37 =	vld [tilespmem:s17+$0xFFFFFF11];
	v41 =	vmul.u32 $0x21, v33  }
0x77: {  	v34 =	vmul.u32 $0x21, v32;
	v42 =	vld [tilespmem:s17+$0xFFFFFF21]  }
0x78: {  	v43 =	vld [tilespmem:s17+$0xFFFFFF31];
	v44 =	vadd.s32 v30, v41  }
0x79: {  	v45 =	vld [tilespmem:s17+$0xFFFFFED1];
	v33 =	vmul.u32 $0x21, v31  }
0x7a: {  	v46 =	vld [tilespmem:s17+$0x1];
	v32 =	vmul.u32 $0x21, v29  }
0x7b: {  	v47 =	vld [tilespmem:s17+$0x11];
	v30 =	vmul.u32 $0x21, v37  }
0x7c: {  	v48 =	vld [tilespmem:s17+$0x21];
	v29 =	vmul.u32 $0x21, v42  }
0x7d: {  	v31 =	vmul.u32 $0x21, v43;
	[tilespmem:v44+s10+$0x0] =	vst.idx.add.f32.msk $0xffff, v1  }
0x7e: {  	v37 =	vmul.u32 $0x21, v45;
	v42 =	vld [tilespmem:s17+$0x72]  }
0x7f: {  	v43 =	vld [tilespmem:s17+$0x31]  }
0x80: {  	v44 =	vadd.s32 v46, v37;
	v45 =	vadd.s32 v47, v34;
	v46 =	vld [tilespmem:s17+$0x41]  }
0x81: {  	v47 =	vadd.s32 v48, v33;
	v48 =	vld [tilespmem:s17+$0x51]  }
0x82: {  	v49 =	vld [tilespmem:s17+$0x61]  }
0x83: {  	v42 =	vadd.s32 v42, v41;
	[tilespmem:v38+s10+$0x0] =	vst.idx.add.f32.msk $0xffff, v1  }
0x84: {  	v38 =	vadd.s32 v43, v32;
	v42 =	vadd.s32 $0x450, v42;
	[tilespmem:v39+s10+$0x0] =	vst.idx.add.f32.msk $0xffff, v1  }
0x85: {  	[tilespmem:v44+s10+$0x0] =	vst.idx.add.f32.msk $0xffff, v1;
	v39 =	vadd.s32 v46, v30  }
0x86: {  	[tilespmem:v45+s10+$0x0] =	vst.idx.add.f32.msk $0xffff, v1;
	v43 =	vadd.s32 v48, v29  }
0x87: {  	[tilespmem:v47+s10+$0x0] =	vst.idx.add.f32.msk $0xffff, v1;
	v44 =	vadd.s32 v49, v31  }
0x88: {  	v45 =	vld [tilespmem:s17+$0x2]  }
0x89: {  	[tilespmem:v42+s10+$0x0] =	vst.idx.add.f32.msk $0xffff, v1  }
0x8a: {  	v42 =	vld [tilespmem:s17+$0xFFFFFF42]  }
0x8b: {  	[tilespmem:v38+s10+$0x0] =	vst.idx.add.f32.msk $0xffff, v1  }
0x8c: {  	[tilespmem:v39+s10+$0x0] =	vst.idx.add.f32.msk $0xffff, v1  }
0x8d: {  	v38 =	vadd.s32 v45, v37;
	[tilespmem:v43+s10+$0x0] =	vst.idx.add.f32.msk $0xffff, v1  }
0x8e: {  	v38 =	vadd.s32 $0x450, v38;
	[tilespmem:v44+s10+$0x0] =	vst.idx.add.f32.msk $0xffff, v1  }
0x8f: {  	v39 =	vld [tilespmem:s17+$0x12];
	v42 =	vadd.s32 v42, v41  }
0x90: {  	v43 =	vld [tilespmem:s17+$0x22];
	v42 =	vadd.s32 $0x8A0, v42  }
0x91: {  	v44 =	vld [tilespmem:s17+$0x32]  }
0x92: {  	v45 =	vld [tilespmem:s17+$0x42]  }
0x93: {  	v46 =	vld [tilespmem:s17+$0x52]  }
0x94: {  	v39 =	vadd.s32 v39, v34;
	v47 =	vld [tilespmem:s17+$0x62]  }
0x95: {  	v39 =	vadd.s32 $0x450, v39;
	v43 =	vadd.s32 v43, v33;
	[tilespmem:v42+s10+$0x0] =	vst.idx.add.f32.msk $0xffff, v1  }
0x96: {  	v42 =	vadd.s32 $0x450, v43;
	v43 =	vadd.s32 v44, v32;
	v44 =	vld [tilespmem:s17+$0x70]  }
0x97: {  	[tilespmem:v38+s10+$0x0] =	vst.idx.add.f32.msk $0xffff, v1;
	v38 =	vadd.s32 $0x450, v43;
	v43 =	vadd.s32 v45, v30  }
0x98: {  	v45 =	vld [tilespmem:s17+$0xFFFFFED2];
	v43 =	vadd.s32 $0x450, v43;
	v46 =	vadd.s32 v46, v29  }
0x99: {  	v46 =	vadd.s32 $0x450, v46;
	v47 =	vadd.s32 v47, v31;
	[tilespmem:v40+s10+$0x0] =	vst.idx.add.f32.msk $0xffff, v1  }
0x9a: {  	[tilespmem:v39+s10+$0x0] =	vst.idx.add.f32.msk $0xffff, v1;
	v39 =	vadd.s32 $0x450, v47  }
0x9b: {  	[tilespmem:v42+s10+$0x0] =	vst.idx.add.f32.msk $0xffff, v1;
	v40 =	vadd.s32 v44, v41  }
0x9c: {  	[tilespmem:v38+s10+$0x0] =	vst.idx.add.f32.msk $0xffff, v1;
	v38 =	vadd.s32 $0xCF0, v40  }
0x9d: {  	v40 =	vadd.s32 v45, v37;
	[tilespmem:v43+s10+$0x0] =	vst.idx.add.f32.msk $0xffff, v1  }
0x9e: {  	v40 =	vadd.s32 $0x8A0, v40;
	[tilespmem:v46+s10+$0x0] =	vst.idx.add.f32.msk $0xffff, v1  }
0x9f: {  	[tilespmem:v39+s10+$0x0] =	vst.idx.add.f32.msk $0xffff, v1  }
0xa0: {  	v39 =	vld [tilespmem:s17+$0xFFFFFEE2]  }
0xa1: {  	[tilespmem:v38+s10+$0x0] =	vst.idx.add.f32.msk $0xffff, v1  }
0xa2: {  	v38 =	vld [tilespmem:s17+$0xFFFFFEF2]  }
0xa3: {  	v41 =	vld [tilespmem:s17+$0xFFFFFF02]  }
0xa4: {  	v42 =	vld [tilespmem:s17+$0xFFFFFF12]  }
0xa5: {  	v39 =	vadd.s32 v39, v34;
	v43 =	vld [tilespmem:s17+$0xFFFFFF22]  }
0xa6: {  	v39 =	vadd.s32 $0x8A0, v39;
	v44 =	vld [tilespmem:s17+$0xFFFFFF32]  }
0xa7: {  	[tilespmem:v40+s10+$0x0] =	vst.idx.add.f32.msk $0xffff, v1;
	v38 =	vadd.s32 v38, v33  }
0xa8: {  	v40 =	vld [tilespmem:s17+$0x0];
	v38 =	vadd.s32 $0x8A0, v38;
	v41 =	vadd.s32 v41, v32  }
0xa9: {  	v41 =	vadd.s32 $0x8A0, v41;
	v42 =	vadd.s32 v42, v30;
	[tilespmem:v35+s10+$0x0] =	vst.idx.add.f32.msk $0xffff, v1  }
0xaa: {  	v35 =	vadd.s32 $0x8A0, v42;
	v42 =	vadd.s32 v43, v29;
	[tilespmem:v36+s10+$0x0] =	vst.idx.add.f32.msk $0xffff, v1  }
0xab: {  	[tilespmem:v39+s10+$0x0] =	vst.idx.add.f32.msk $0xffff, v1;
	v36 =	vadd.s32 $0x8A0, v42;
	v39 =	vadd.s32 v44, v31  }
0xac: {  	v42 =	vld [tilespmem:s17+$0x10];
	v39 =	vadd.s32 $0x8A0, v39  }
0xad: {  	v37 =	vadd.s32 v40, v37;
	[tilespmem:v38+s10+$0x0] =	vst.idx.add.f32.msk $0xffff, v1  }
0xae: {  	v37 =	vadd.s32 $0xCF0, v37;
	[tilespmem:v41+s10+$0x0] =	vst.idx.add.f32.msk $0xffff, v1  }
0xaf: {  	[tilespmem:v35+s10+$0x0] =	vst.idx.add.f32.msk $0xffff, v1  }
0xb0: {  	[tilespmem:v36+s10+$0x0] =	vst.idx.add.f32.msk $0xffff, v1  }
0xb1: {  	v34 =	vadd.s32 v42, v34;
	[tilespmem:v39+s10+$0x0] =	vst.idx.add.f32.msk $0xffff, v1  }
0xb2: {  	v38 =	vadd.s32 $0xCF0, v34;
	v39 =	vld [tilespmem:s17+$0x20]  }
0xb3: {  	v40 =	vld [tilespmem:s17+$0x30]  }
.Ltmp1:
0xb4: {  	v36 =	vld [tilespmem:s17+$0x40];
	(pc) =	sbr.rel @p0 .LBB2_4-.Ltmp1, $4  }
0xb5: {  	v35 =	vld [tilespmem:s17+$0x50]  }
0xb6: {  	v34 =	vld [tilespmem:s17+$0x60]  }
0xb7: {  	[tilespmem:v37+s10+$0x0] =	vst.idx.add.f32.msk $0xffff, v1;
	v33 =	vadd.s32 v39, v33  }
0xb8: {  	s17 =	sadd.s32 $0x80, s17;
	[tilespmem:v38+s10+$0x0] =	vst.idx.add.f32.msk $0xffff, v1;
	v38 =	vadd.s32 $0xCF0, v33;
	v32 =	vadd.s32 v40, v32  }
0xb9: {  	v32 =	vadd.s32 $0xCF0, v32;
	v30 =	vadd.s32 v36, v30  }
0xba: {  	v30 =	vadd.s32 $0xCF0, v30;
	v29 =	vadd.s32 v35, v29  }
0xbb: {  	v29 =	vadd.s32 $0xCF0, v29;
	v31 =	vadd.s32 v34, v31  }
0xbc: {  	v31 =	vadd.s32 $0xCF0, v31  }
0xbd: {  	[tilespmem:v38+s10+$0x0] =	vst.idx.add.f32.msk $0xffff, v1  }
0xbe: {  	[tilespmem:v32+s10+$0x0] =	vst.idx.add.f32.msk $0xffff, v1  }
0xbf: {  	[tilespmem:v30+s10+$0x0] =	vst.idx.add.f32.msk $0xffff, v1  }
0xc0: {  	[tilespmem:v29+s10+$0x0] =	vst.idx.add.f32.msk $0xffff, v1  }
0xc1: {  	[tilespmem:v31+s10+$0x0] =	vst.idx.add.f32.msk $0xffff, v1  }
.LBB2_6:
0xc2: {  	v29 =	vld [tilespmem:s15+$0xFFFFFECF];
	_ =	sdelay $0x1  }
0xc3: {  	v30 =	vld [tilespmem:s15+$0xFFFFFFFF];
	_ =	sdelay $0x2  }
0xc4: {  	v29 =	vmul.u32 $0x21, v29;
	_ =	sdelay $0x1  }
0xc5: {  	v30 =	vadd.s32 v30, v29;
	_ =	sdelay $0x4  }
0xc6: {  	[tilespmem:v30+s10+$0x0] =	vst.idx.add.f32.msk $0xffff, v1  }
0xc7: {  	v30 =	vld [tilespmem:s15+$0x0];
	_ =	sdelay $0x4  }
0xc8: {  	v30 =	vadd.s32 v30, v29  }
0xc9: {  	v30 =	vadd.s32 $0x450, v30;
	_ =	sdelay $0x4  }
0xca: {  	[tilespmem:v30+s10+$0x0] =	vst.idx.add.f32.msk $0xffff, v1  }
0xcb: {  	v30 =	vld [tilespmem:s15+$0xFFFFFED0];
	_ =	sdelay $0x4  }
0xcc: {  	v30 =	vadd.s32 v30, v29  }
0xcd: {  	v30 =	vadd.s32 $0x8A0, v30;
	_ =	sdelay $0x4  }
0xce: {  	[tilespmem:v30+s10+$0x0] =	vst.idx.add.f32.msk $0xffff, v1  }
0xcf: {  	v30 =	vld [tilespmem:s15+$0xFFFFFFFE];
	_ =	sdelay $0x4  }
0xd0: {  	s14 =	sadd.s32 $0x10, s14;
	v29 =	vadd.s32 v30, v29  }
0xd1: {  	p0 =	slt.u32 s14, $0xE190;
	v29 =	vadd.s32 $0xCF0, v29  }
.Ltmp2:
0xd2: {  	_ = 	snop;
	(pc) =	sbr.rel @p0 .LBB2_6-.Ltmp2, $3  }
0xd3: {  	_ =	sdelay $0x1  }
0xd4: {  	s18 =	simm.s32 $0x0  }
0xd5: {  	s17 =	simm.s32 $0xE410;
	s16 =	simm.s32 $0xF590;
	s15 =	sadd.s32 $0x10, s15;
	[tilespmem:v29+s10+$0x0] =	vst.idx.add.f32.msk $0xffff, v1  }
0xd6: {  	v29 =	vor.u32 s18, v2  }
0xd7: {  	v30 =	vmulhi.u32 $0x3E0F83E1, v29;
	_ =	sdelay $0x1  }
0xd8: {  	v30 =	vshrl.u32 v30, $0x3  }
0xd9: {  	v32 =	vmov s18;
	v33 =	vmul.u32 $0xFFFFFFDF, v30  }
0xda: {  	s14 =	simm.s32 $0x10;
	v35 =	vsub.s32 v3, v32  }
0xdb: {  	v31 =	vor.u32 s14, v2;
	vm0 =	veq.s32 v32, v2;
	vm1 =	vne.s32 v33, v35  }
0xdc: {  	s29 =	simm.s32 $0x20;
	v34 =	vmulhi.u32 $0x3E0F83E1, v31;
	vm0 =	vmand vm0, vm1  }
0xdd: {  	s15 =	simm.s32 $0x30;
	v49 =	vor.u32 s29, v2;
	v48 =	vsel vm0, $0xFFFFFFFF, v4  }
0xde: {  	v36 =	vor.u32 s15, v2;
	v47 =	vshrl.u32 v34, $0x3;
	v30 =	vadd.s32 v48, v30  }
0xdf: {  	v51 =	vmulhi.u32 $0x3E0F83E1, v49;
	v34 =	vmul.u32 $0xFFFFFFDF, v47;
	v50 =	vmul.u32 $0xFFFFFFDF, v30  }
0xe0: {  	v52 =	vmov s29;
	v37 =	vmulhi.u32 $0x3E0F83E1, v36  }
0xe1: {  	v31 =	vadd.s32 v31, v34;
	v34 =	vshrl.u32 v51, $0x3;
	v29 =	vadd.s32 v29, v50  }
0xe2: {  	v31 =	vmul.u32 $0x21, v31;
	v53 =	vmul.u32 $0xFFFFFFDF, v34;
	v29 =	vmul.u32 $0x21, v29  }
0xe3: {  	v38 =	vsub.s32 v3, v52;
	vm10 =	veq.s32 v52, v2;
	v54 =	vshrl.u32 v37, $0x3  }
0xe4: {  	v31 =	vadd.s32 v47, v31;
	vm11 =	vne.s32 v53, v38;
	v29 =	vadd.s32 v30, v29  }
0xe5: {  	vm9 =	vlt.s32 v31, $0x440;
	vm0 =	vmand vm10, vm11;
	vm2 =	vlt.s32 v29, $0x440  }
0xe6: {  	v30 =	vnsel vm9, $0x440, v31;
	v31 =	vnsel vm2, $0x440, v29;
	v29 =	vsel vm0, $0xFFFFFFFF, v4  }
0xe7: {  	s30 =	simm.s32 $0x40;
	v55 =	vmul.u32 $0xFFFFFFDF, v54;
	v34 =	vadd.s32 v29, v34  }
0xe8: {  	s31 =	simm.s32 $0x50;
	v29 =	vor.u32 s30, v2;
	v56 =	vmul.u32 $0xFFFFFFDF, v34  }
0xe9: {  	v60 =	vld [tilespmem:s17+$0xFFFFFFF0];
	v58 =	vor.u32 s31, v2;
	v35 =	vadd.s32 v36, v55;
	v57 =	vmulhi.u32 $0x3E0F83E1, v29  }
0xea: {  	v41 =	vld [tilespmem:s17+$0x0];
	v61 =	vmov s30;
	v35 =	vmul.u32 $0x21, v35;
	v33 =	vadd.s32 v49, v56  }
0xeb: {  	v39 =	vmulhi.u32 $0x3E0F83E1, v58;
	v36 =	vshrl.u32 v57, $0x3;
	v59 =	vld.idx.msk [tilespmem:v31+s10+$0x0], $0xffff;
	v31 =	vmul.u32 $0x21, v33  }
0xec: {  	v42 =	vsub.s32 v3, v61;
	v32 =	vadd.s32 v54, v35;
	v30 =	vld.idx.msk [tilespmem:v30+s10+$0x0], $0xffff;
	v40 =	vmul.u32 $0xFFFFFFDF, v36  }
0xed: {  	vm13 =	veq.s32 v61, v2;
	vm12 =	vlt.s32 v32, $0x440;
	v43 =	vadd.s32 v34, v31  }
0xee: {  	v31 =	vnsel vm12, $0x440, v32;
	vm14 =	vne.s32 v40, v42;
	vm15 =	vlt.s32 v43, $0x440  }
0xef: {  	v34 =	vshrl.u32 v39, $0x3;
	vm0 =	vmand vm13, vm14;
	v32 =	vnsel vm15, $0x440, v43  }
0xf0: {  	v39 =	vmul.u32 $0xFFFFFFDF, v34;
	v62 =	vsel vm0, $0xFFFFFFFF, v4;
	v63 =	vadd.f32 v59, v60  }
0xf1: {  	s14 =	simm.s32 $0x60;
	v30 =	vadd.f32 v30, v41;
	v33 =	vadd.s32 v62, v36  }
0xf2: {  	s18 =	simm.s32 $0x70;
	s15 =	simm.s32 $0x80;
	v35 =	vor.u32 s14, v2;
	v37 =	vadd.s32 v58, v39;
	v36 =	vmul.u32 $0xFFFFFFDF, v33;
	[tilespmem:s16+$0xFFFFFFF0] =	vst v63  }
.LBB2_8:
0xf3: {  	p0 =	slt.u32 s15, $0x420;
	v38 =	vmulhi.u32 $0x3E0F83E1, v35;
	v39 =	vor.u32 s18, v2;
	v37 =	vmul.u32 $0x21, v37;
	v40 =	vld.idx.msk [tilespmem:v31+s10+$0x0], $0xffff;
	[tilespmem:s16+$0x0] =	vst v30  }
0xf4: {  	s17 =	sadd.s32 $0x20, s17;
	v30 =	vmulhi.u32 $0x3E0F83E1, v39;
	v31 =	vadd.s32 v29, v36;
	v36 =	vld.idx.msk [tilespmem:v32+s10+$0x0], $0xffff;
	v29 =	vmov v35  }
0xf5: {  	v35 =	vshrl.u32 v38, $0x3;
	v31 =	vmul.u32 $0x21, v31;
	v32 =	vadd.s32 v34, v37;
	v37 =	vld [tilespmem:s17+$0xFFFFFFF0]  }
0xf6: {  	v34 =	vmov s14;
	s14 =	smov.u32 s15;
	v38 =	vmul.u32 $0xFFFFFFDF, v35;
	vm0 =	vlt.s32 v32, $0x440;
	v41 =	vld [tilespmem:s17+$0x0]  }
0xf7: {  	v42 =	vsub.s32 v3, v34;
	v33 =	vadd.s32 v33, v31;
	v31 =	vnsel vm0, $0x440, v32  }
.Ltmp3:
0xf8: {  	vm0 =	veq.s32 v34, v2;
	vm1 =	vne.s32 v38, v42;
	vm2 =	vlt.s32 v33, $0x440;
	(pc) =	sbr.rel @p0 .LBB2_8-.Ltmp3, $4  }
0xf9: {  	v34 =	vshrl.u32 v30, $0x3;
	vm0 =	vmand vm0, vm1;
	v32 =	vnsel vm2, $0x440, v33  }
0xfa: {  	v38 =	vmul.u32 $0xFFFFFFDF, v34;
	v30 =	vsel vm0, $0xFFFFFFFF, v4;
	v42 =	vadd.f32 v36, v37  }
0xfb: {  	s16 =	sadd.s32 $0x20, s16;
	v33 =	vadd.s32 v30, v35;
	v30 =	vadd.f32 v40, v41  }
0xfc: {  	s15 =	sadd.s32 $0x20, s15;
	s18 =	sadd.s32 $0x10, s14;
	v37 =	vadd.s32 v39, v38;
	v35 =	vor.u32 s14, v2;
	v36 =	vmul.u32 $0xFFFFFFDF, v33;
	[tilespmem:s16+$0xFFFFFFF0] =	vst v42  }
0xfd: {  	v38 =	vmulhi.u32 $0x3E0F83E1, v35;
	_ =	sdelay $0x1  }
0xfe: {  	v38 =	vshrl.u32 v38, $0x3  }
0xff: {  	v39 =	vmov s14;
	v40 =	vmul.u32 $0xFFFFFFDF, v38  }
0x100: {  	v53 =	vor.u32 s18, v2;
	v41 =	vsub.s32 v3, v39  }
0x101: {  	vm0 =	veq.s32 v39, v2;
	v55 =	vmulhi.u32 $0x3E0F83E1, v53;
	vm1 =	vne.s32 v40, v41  }
0x102: {  	vm0 =	vmand vm0, vm1  }
0x103: {  	v29 =	vadd.s32 v29, v36;
	v58 =	vshrl.u32 v55, $0x3;
	v54 =	vsel vm0, $0xFFFFFFFF, v4  }
0x104: {  	v29 =	vmul.u32 $0x21, v29;
	v59 =	vmul.u32 $0xFFFFFFDF, v58;
	v56 =	vadd.s32 v54, v38  }
0x105: {  	v57 =	vmul.u32 $0xFFFFFFDF, v56  }
0x106: {  	v37 =	vmul.u32 $0x21, v37;
	v31 =	vld.idx.msk [tilespmem:v31+s10+$0x0], $0xffff;
	v29 =	vadd.s32 v33, v29;
	v33 =	vadd.s32 v53, v59  }
0x107: {  	v32 =	vld.idx.msk [tilespmem:v32+s10+$0x0], $0xffff;
	s23 =	sadd.s32 $0x20, s17;
	v33 =	vmul.u32 $0x21, v33;
	v60 =	vadd.s32 v35, v57  }
0x108: {  	v61 =	vld [tilespmem:s23+$0xFFFFFFF0];
	v34 =	vadd.s32 v34, v37;
	vm4 =	vlt.s32 v29, $0x440;
	v35 =	vmul.u32 $0x21, v60  }
0x109: {  	v62 =	vld [tilespmem:s23+$0x0];
	s14 =	sadd.s32 $0x20, s23;
	vm15 =	vlt.s32 v34, $0x440;
	v29 =	vnsel vm4, $0x440, v29;
	v33 =	vadd.s32 v58, v33  }
0x10a: {  	s15 =	simm.s32 $0x0;
	v63 =	vld [tilespmem:s14+$0xFFFFFFF0];
	v34 =	vnsel vm15, $0x440, v34;
	vm6 =	vlt.s32 v33, $0x440;
	v35 =	vadd.s32 v56, v35  }
0x10b: {  	v49 =	vor.u32 s15, v2;
	v48 =	vld [tilespmem:s14+$0x0];
	s14 =	sadd.s32 $0x20, s14;
	v33 =	vnsel vm6, $0x440, v33;
	vm5 =	vlt.s32 v35, $0x440  }
0x10c: {  	v50 =	vmulhi.u32 $0x3E0F83E1, v49;
	v42 =	vld [tilespmem:s14+$0xFFFFFFF0];
	v35 =	vnsel vm5, $0x440, v35  }
0x10d: {  	v52 =	vld [tilespmem:s14+$0x0]  }
0x10e: {  	v51 =	vshrl.u32 v50, $0x3;
	v29 =	vld.idx.msk [tilespmem:v29+s10+$0x0], $0xffff  }
0x10f: {  	v43 =	vmov s15;
	v44 =	vmul.u32 $0xFFFFFFDF, v51;
	v34 =	vld.idx.msk [tilespmem:v34+s10+$0x0], $0xffff  }
0x110: {  	s24 =	simm.s32 $0x10;
	v45 =	vsub.s32 v3, v43;
	vm7 =	veq.s32 v43, v2;
	v33 =	vld.idx.msk [tilespmem:v33+s10+$0x0], $0xffff  }
0x111: {  	v32 =	vadd.f32 v32, v61;
	v53 =	vor.u32 s24, v2;
	vm8 =	vne.s32 v44, v45;
	v35 =	vld.idx.msk [tilespmem:v35+s10+$0x0], $0xffff  }
0x112: {  	[tilespmem:s16+$0x0] =	vst v30;
	s25 =	sadd.s32 $0x20, s16;
	s28 =	simm.s32 $0x20;
	v31 =	vadd.f32 v31, v62;
	v54 =	vmulhi.u32 $0x3E0F83E1, v53;
	vm0 =	vmand vm7, vm8  }
0x113: {  	v45 =	vmov s28;
	[tilespmem:s25+$0xFFFFFFF0] =	vst v32;
	v58 =	vsel vm0, $0xFFFFFFFF, v4;
	v29 =	vadd.f32 v29, v63  }
0x114: {  	s14 =	sadd.s32 $0x20, s25;
	[tilespmem:s25+$0x0] =	vst v31;
	v36 =	vadd.s32 v58, v51;
	v30 =	vadd.f32 v34, v48;
	v56 =	vshrl.u32 v54, $0x3  }
0x115: {  	v60 =	vor.u32 s28, v2;
	v57 =	vmul.u32 $0xFFFFFFDF, v56;
	[tilespmem:s14+$0xFFFFFFF0] =	vst v29;
	v29 =	vadd.f32 v33, v52  }
0x116: {  	s26 =	simm.s32 $0x30;
	s29 =	simm.s32 $0x50;
	v61 =	vmul.u32 $0xFFFFFFDF, v36;
	v62 =	vmulhi.u32 $0x3E0F83E1, v60;
	[tilespmem:s14+$0x0] =	vst v30;
	s14 =	sadd.s32 $0x20, s14;
	v55 =	vadd.f32 v35, v42  }
0x117: {  	v31 =	vor.u32 s26, v2;
	v38 =	vor.u32 s29, v2;
	v30 =	vadd.s32 v53, v57;
	[tilespmem:s14+$0x0] =	vst v29  }
0x118: {  	v32 =	vshrl.u32 v62, $0x3;
	v30 =	vmul.u32 $0x21, v30;
	v29 =	vadd.s32 v49, v61;
	[tilespmem:s14+$0xFFFFFFF0] =	vst v55  }
0x119: {  	v47 =	vsub.s32 v3, v45;
	v46 =	vmul.u32 $0xFFFFFFDF, v32;
	v29 =	vmul.u32 $0x21, v29;
	v63 =	vld [tilespmem:$0xE840]  }
0x11a: {  	vm10 =	veq.s32 v45, v2;
	v59 =	vmulhi.u32 $0x3E0F83E1, v31;
	v30 =	vadd.s32 v56, v30;
	v44 =	vld.idx.msk [tilespmem:v5+s10+$0x0], $0xffff  }
0x11b: {  	vm11 =	vne.s32 v46, v47;
	vm9 =	vlt.s32 v30, $0x440;
	v29 =	vadd.s32 v36, v29  }
0x11c: {  	vm0 =	vmand vm10, vm11;
	v30 =	vnsel vm9, $0x440, v30;
	vm2 =	vlt.s32 v29, $0x440  }
0x11d: {  	v33 =	vshrl.u32 v59, $0x3;
	v48 =	vadd.s32 $0x450, v30;
	v29 =	vnsel vm2, $0x440, v29  }
0x11e: {  	v30 =	vmul.u32 $0xFFFFFFDF, v33;
	v49 =	vsel vm0, $0xFFFFFFFF, v4;
	v50 =	vadd.s32 $0x450, v29  }
0x11f: {  	s30 =	simm.s32 $0x40;
	v51 =	vmulhi.u32 $0x3E0F83E1, v38;
	v32 =	vadd.s32 v49, v32;
	v29 =	vadd.f32 v44, v63  }
0x120: {  	v52 =	vadd.s32 v31, v30;
	v31 =	vor.u32 s30, v2;
	v39 =	vmul.u32 $0xFFFFFFDF, v32  }
0x121: {  	v58 =	vmov s30;
	v53 =	vmulhi.u32 $0x3E0F83E1, v31;
	v54 =	vmul.u32 $0x21, v52;
	[tilespmem:$0xF9C0] =	vst v29  }
0x122: {  	vm13 =	veq.s32 v58, v2;
	v30 =	vshrl.u32 v51, $0x3;
	v35 =	vadd.s32 v60, v39;
	v56 =	vld.idx.msk [tilespmem:v48+s10+$0x0], $0xffff  }
0x123: {  	s15 =	simm.s32 $0xE860;
	v57 =	vshrl.u32 v53, $0x3;
	v35 =	vmul.u32 $0x21, v35;
	v33 =	vadd.s32 v33, v54;
	v40 =	vld.idx.msk [tilespmem:v50+s10+$0x0], $0xffff  }
0x124: {  	v55 =	vmul.u32 $0xFFFFFFDF, v30;
	v59 =	vmul.u32 $0xFFFFFFDF, v57;
	vm12 =	vlt.s32 v33, $0x440;
	v60 =	vld [tilespmem:s15+$0xFFFFFFF0]  }
0x125: {  	v61 =	vsub.s32 v3, v58;
	v32 =	vadd.s32 v32, v35;
	v33 =	vnsel vm12, $0x440, v33;
	v62 =	vld [tilespmem:s15+$0x0]  }
0x126: {  	v39 =	vadd.s32 v38, v55;
	vm14 =	vne.s32 v59, v61;
	vm15 =	vlt.s32 v32, $0x440  }
0x127: {  	s31 =	simm.s32 $0x70;
	v35 =	vadd.s32 $0x450, v33;
	vm0 =	vmand vm13, vm14;
	v32 =	vnsel vm15, $0x440, v32  }
0x128: {  	v34 =	vadd.s32 $0x450, v32;
	v63 =	vsel vm0, $0xFFFFFFFF, v4;
	v29 =	vor.u32 s31, v2  }
0x129: {  	s16 =	simm.s32 $0x60;
	v36 =	vadd.s32 v63, v57;
	v37 =	vmulhi.u32 $0x3E0F83E1, v29;
	v32 =	vadd.f32 v40, v60  }
0x12a: {  	s17 =	simm.s32 $0x80;
	s14 =	simm.s32 $0xF9E0;
	v38 =	vor.u32 s16, v2;
	v40 =	vmul.u32 $0xFFFFFFDF, v36;
	v33 =	vadd.f32 v56, v62  }
.LBB2_10:
0x12b: {  	s18 =	sadd.s32 $0x10, s17;
	p0 =	slt.u32 s17, $0x420;
	v41 =	vmulhi.u32 $0x3E0F83E1, v38;
	v37 =	vshrl.u32 v37, $0x3;
	v39 =	vmul.u32 $0x21, v39;
	[tilespmem:s14+$0xFFFFFFF0] =	vst v32  }
0x12c: {  	v42 =	vor.u32 s18, v2;
	v32 =	vmul.u32 $0xFFFFFFDF, v37;
	v40 =	vadd.s32 v31, v40;
	v43 =	vld.idx.msk [tilespmem:v35+s10+$0x0], $0xffff;
	[tilespmem:s14+$0x0] =	vst v33;
	v31 =	vmovc v38  }
0x12d: {  	s15 =	sadd.s32 $0x20, s15;
	v33 =	vshrl.u32 v41, $0x3;
	v35 =	vmul.u32 $0x21, v40;
	v38 =	vadd.s32 v30, v39;
	v40 =	vld.idx.msk [tilespmem:v34+s10+$0x0], $0xffff;
	v30 =	vmovc v37  }
0x12e: {  	v34 =	vmov s16;
	s16 =	smov.u32 s17;
	v37 =	vmul.u32 $0xFFFFFFDF, v33;
	vm0 =	vlt.s32 v38, $0x440;
	v41 =	vld [tilespmem:s15+$0xFFFFFFF0]  }
0x12f: {  	v39 =	vsub.s32 v3, v34;
	v35 =	vadd.s32 v36, v35;
	v36 =	vnsel vm0, $0x440, v38;
	v44 =	vld [tilespmem:s15+$0x0]  }
.Ltmp4:
0x130: {  	vm0 =	veq.s32 v34, v2;
	vm1 =	vne.s32 v37, v39;
	vm2 =	vlt.s32 v35, $0x440;
	(pc) =	sbr.rel @p0 .LBB2_10-.Ltmp4, $4  }
0x131: {  	vm0 =	vmand vm0, vm1;
	v34 =	vnsel vm2, $0x440, v35;
	v35 =	vadd.s32 $0x450, v36  }
0x132: {  	v37 =	vmulhi.u32 $0x3E0F83E1, v42;
	v36 =	vsel vm0, $0xFFFFFFFF, v4;
	v34 =	vadd.s32 $0x450, v34  }
0x133: {  	v39 =	vadd.s32 v29, v32;
	v29 =	vmovc v42;
	v36 =	vadd.s32 v36, v33;
	v32 =	vadd.f32 v40, v41  }
0x134: {  	s14 =	sadd.s32 $0x20, s14;
	s17 =	sadd.s32 $0x20, s17;
	v38 =	vor.u32 s16, v2;
	v40 =	vmul.u32 $0xFFFFFFDF, v36;
	v33 =	vadd.f32 v43, v44  }
0x135: {  	v41 =	vmulhi.u32 $0x3E0F83E1, v38;
	_ =	sdelay $0x1  }
0x136: {  	v41 =	vshrl.u32 v41, $0x3  }
0x137: {  	v42 =	vmov s16;
	v43 =	vmul.u32 $0xFFFFFFDF, v41  }
0x138: {  	v44 =	vsub.s32 v3, v42  }
0x139: {  	vm0 =	veq.s32 v42, v2;
	vm1 =	vne.s32 v43, v44  }
0x13a: {  	vm0 =	vmand vm0, vm1  }
0x13b: {  	v37 =	vshrl.u32 v37, $0x3;
	v55 =	vsel vm0, $0xFFFFFFFF, v4  }
0x13c: {  	v39 =	vmul.u32 $0x21, v39;
	v57 =	vmul.u32 $0xFFFFFFDF, v37;
	v56 =	vadd.s32 v55, v41  }
0x13d: {  	v31 =	vadd.s32 v31, v40;
	v41 =	vmul.u32 $0xFFFFFFDF, v56  }
0x13e: {  	v31 =	vmul.u32 $0x21, v31;
	v30 =	vadd.s32 v30, v39;
	v29 =	vadd.s32 v29, v57  }
0x13f: {  	v35 =	vld.idx.msk [tilespmem:v35+s10+$0x0], $0xffff;
	vm15 =	vlt.s32 v30, $0x440;
	v29 =	vmul.u32 $0x21, v29;
	v58 =	vadd.s32 v38, v41  }
0x140: {  	v34 =	vld.idx.msk [tilespmem:v34+s10+$0x0], $0xffff;
	s15 =	sadd.s32 $0x20, s15;
	v31 =	vadd.s32 v36, v31;
	v30 =	vnsel vm15, $0x440, v30;
	v36 =	vmul.u32 $0x21, v58  }
0x141: {  	v59 =	vld [tilespmem:s15+$0xFFFFFFF0];
	vm4 =	vlt.s32 v31, $0x440;
	v30 =	vadd.s32 $0x450, v30;
	v29 =	vadd.s32 v37, v29  }
0x142: {  	v60 =	vld [tilespmem:s15+$0x0];
	s15 =	sadd.s32 $0x20, s15;
	v31 =	vnsel vm4, $0x440, v31;
	vm6 =	vlt.s32 v29, $0x440;
	v36 =	vadd.s32 v56, v36  }
0x143: {  	v61 =	vld [tilespmem:s15+$0xFFFFFFF0];
	v31 =	vadd.s32 $0x450, v31;
	v29 =	vnsel vm6, $0x440, v29;
	vm5 =	vlt.s32 v36, $0x440  }
0x144: {  	s24 =	simm.s32 $0x0;
	v62 =	vld [tilespmem:s15+$0x0];
	s15 =	sadd.s32 $0x20, s15;
	v29 =	vadd.s32 $0x450, v29;
	v36 =	vnsel vm5, $0x440, v36  }
0x145: {  	v63 =	vor.u32 s24, v2;
	v49 =	vld [tilespmem:s15+$0xFFFFFFF0];
	v36 =	vadd.s32 $0x450, v36  }
0x146: {  	s17 =	simm.s32 $0x10;
	v48 =	vmulhi.u32 $0x3E0F83E1, v63;
	v51 =	vld [tilespmem:s15+$0x0]  }
0x147: {  	v52 =	vor.u32 s17, v2;
	v30 =	vld.idx.msk [tilespmem:v30+s10+$0x0], $0xffff  }
0x148: {  	s26 =	simm.s32 $0x30;
	v53 =	vmov s24;
	v54 =	vmulhi.u32 $0x3E0F83E1, v52;
	v50 =	vshrl.u32 v48, $0x3;
	v31 =	vld.idx.msk [tilespmem:v31+s10+$0x0], $0xffff  }
0x149: {  	vm7 =	veq.s32 v53, v2;
	v57 =	vor.u32 s26, v2;
	v45 =	vmul.u32 $0xFFFFFFDF, v50;
	v29 =	vld.idx.msk [tilespmem:v29+s10+$0x0], $0xffff  }
0x14a: {  	[tilespmem:s14+$0xFFFFFFF0] =	vst v32;
	s28 =	simm.s32 $0x20;
	v32 =	vshrl.u32 v54, $0x3;
	v34 =	vadd.f32 v34, v59;
	v55 =	vsub.s32 v3, v53;
	v36 =	vld.idx.msk [tilespmem:v36+s10+$0x0], $0xffff  }
0x14b: {  	s25 =	sadd.s32 $0x20, s14;
	[tilespmem:s14+$0x0] =	vst v33;
	v44 =	vmov s28;
	v35 =	vadd.f32 v35, v60;
	vm8 =	vne.s32 v45, v55  }
0x14c: {  	[tilespmem:s25+$0xFFFFFFF0] =	vst v34;
	vm0 =	vmand vm7, vm8;
	v58 =	vmul.u32 $0xFFFFFFDF, v32;
	v30 =	vadd.f32 v30, v62  }
0x14d: {  	s14 =	sadd.s32 $0x20, s25;
	v60 =	vor.u32 s28, v2;
	[tilespmem:s25+$0x0] =	vst v35;
	v59 =	vsel vm0, $0xFFFFFFFF, v4;
	v31 =	vadd.f32 v31, v61  }
0x14e: {  	[tilespmem:s14+$0x0] =	vst v30;
	v30 =	vadd.s32 v52, v58;
	v61 =	vmulhi.u32 $0x3E0F83E1, v60;
	v29 =	vadd.f32 v29, v51  }
0x14f: {  	v30 =	vmul.u32 $0x21, v30;
	[tilespmem:s14+$0xFFFFFFF0] =	vst v31;
	s14 =	sadd.s32 $0x20, s14;
	v56 =	vadd.f32 v36, v49;
	v36 =	vadd.s32 v59, v50  }
0x150: {  	v31 =	vmulhi.u32 $0x3E0F83E1, v57;
	v33 =	vshrl.u32 v61, $0x3;
	[tilespmem:s14+$0x0] =	vst v29;
	v37 =	vmul.u32 $0xFFFFFFDF, v36  }
0x151: {  	v46 =	vsub.s32 v3, v44;
	vm10 =	veq.s32 v44, v2;
	v45 =	vmul.u32 $0xFFFFFFDF, v33;
	[tilespmem:s14+$0xFFFFFFF0] =	vst v56  }
0x152: {  	v30 =	vadd.s32 v32, v30;
	v62 =	vshrl.u32 v31, $0x3;
	v29 =	vadd.s32 v63, v37;
	v31 =	vld [tilespmem:$0xEC90]  }
0x153: {  	vm9 =	vlt.s32 v30, $0x440;
	vm11 =	vne.s32 v45, v46;
	v63 =	vld.idx.msk [tilespmem:v7+s10+$0x0], $0xffff;
	v29 =	vmul.u32 $0x21, v29  }
0x154: {  	v30 =	vnsel vm9, $0x440, v30;
	vm0 =	vmand vm10, vm11  }
0x155: {  	s30 =	simm.s32 $0x40;
	v47 =	vadd.s32 $0x8A0, v30;
	v30 =	vmul.u32 $0xFFFFFFDF, v62;
	v29 =	vadd.s32 v36, v29  }
0x156: {  	v58 =	vmov s30;
	v48 =	vsel vm0, $0xFFFFFFFF, v4;
	vm2 =	vlt.s32 v29, $0x440  }
0x157: {  	v51 =	vadd.s32 v57, v30;
	v30 =	vor.u32 s30, v2;
	v29 =	vnsel vm2, $0x440, v29  }
0x158: {  	v50 =	vadd.s32 v48, v33;
	v49 =	vadd.s32 $0x8A0, v29;
	v29 =	vadd.f32 v63, v31  }
0x159: {  	s29 =	simm.s32 $0x50;
	v53 =	vmulhi.u32 $0x3E0F83E1, v30;
	v33 =	vmul.u32 $0x21, v51;
	v52 =	vmul.u32 $0xFFFFFFDF, v50  }
0x15a: {  	v39 =	vor.u32 s29, v2;
	vm13 =	veq.s32 v58, v2;
	[tilespmem:$0xFE10] =	vst v29  }
0x15b: {  	s14 =	simm.s32 $0xECB0;
	v56 =	vshrl.u32 v53, $0x3;
	v33 =	vadd.s32 v62, v33;
	v34 =	vadd.s32 v60, v52;
	v55 =	vld.idx.msk [tilespmem:v47+s10+$0x0], $0xffff  }
0x15c: {  	s16 =	simm.s32 $0x60;
	v59 =	vmul.u32 $0xFFFFFFDF, v56;
	vm12 =	vlt.s32 v33, $0x440;
	v34 =	vmul.u32 $0x21, v34;
	v60 =	vld [tilespmem:s14+$0xFFFFFFF0]  }
0x15d: {  	v61 =	vsub.s32 v3, v58;
	v37 =	vor.u32 s16, v2;
	v33 =	vnsel vm12, $0x440, v33;
	v57 =	vld.idx.msk [tilespmem:v49+s10+$0x0], $0xffff  }
0x15e: {  	vm14 =	vne.s32 v59, v61;
	v32 =	vadd.s32 v50, v34;
	v31 =	vmulhi.u32 $0x3E0F83E1, v39;
	v62 =	vld [tilespmem:s14+$0x0]  }
0x15f: {  	v35 =	vadd.s32 $0x8A0, v33;
	vm0 =	vmand vm13, vm14;
	vm15 =	vlt.s32 v32, $0x440  }
0x160: {  	s31 =	simm.s32 $0x70;
	v32 =	vnsel vm15, $0x440, v32;
	v63 =	vsel vm0, $0xFFFFFFFF, v4;
	v31 =	vshrl.u32 v31, $0x3  }
0x161: {  	v33 =	vadd.s32 $0x8A0, v32;
	v29 =	vor.u32 s31, v2;
	v54 =	vmul.u32 $0xFFFFFFDF, v31  }
0x162: {  	v36 =	vadd.s32 v63, v56;
	v38 =	vmulhi.u32 $0x3E0F83E1, v29;
	v32 =	vadd.f32 v57, v60  }
0x163: {  	s17 =	simm.s32 $0x80;
	s15 =	simm.s32 $0xFE30;
	v40 =	vmul.u32 $0xFFFFFFDF, v36;
	v39 =	vadd.s32 v39, v54;
	v34 =	vadd.f32 v55, v62  }
.LBB2_12:
0x164: {  	s18 =	sadd.s32 $0x10, s17;
	p0 =	slt.u32 s17, $0x420;
	v41 =	vmulhi.u32 $0x3E0F83E1, v37;
	v38 =	vshrl.u32 v38, $0x3;
	v39 =	vmul.u32 $0x21, v39;
	[tilespmem:s15+$0xFFFFFFF0] =	vst v32  }
0x165: {  	v42 =	vor.u32 s18, v2;
	v32 =	vmul.u32 $0xFFFFFFDF, v38;
	v40 =	vadd.s32 v30, v40;
	v43 =	vld.idx.msk [tilespmem:v35+s10+$0x0], $0xffff;
	[tilespmem:s15+$0x0] =	vst v34;
	v30 =	vmovc v37  }
0x166: {  	s14 =	sadd.s32 $0x20, s14;
	v34 =	vshrl.u32 v41, $0x3;
	v35 =	vmul.u32 $0x21, v40;
	v37 =	vadd.s32 v31, v39;
	v40 =	vld.idx.msk [tilespmem:v33+s10+$0x0], $0xffff;
	v31 =	vmovc v38  }
0x167: {  	v33 =	vmov s16;
	s16 =	smov.u32 s17;
	v38 =	vmul.u32 $0xFFFFFFDF, v34;
	vm0 =	vlt.s32 v37, $0x440;
	v41 =	vld [tilespmem:s14+$0xFFFFFFF0]  }
0x168: {  	v39 =	vsub.s32 v3, v33;
	v35 =	vadd.s32 v36, v35;
	v36 =	vnsel vm0, $0x440, v37;
	v44 =	vld [tilespmem:s14+$0x0]  }
.Ltmp5:
0x169: {  	vm0 =	veq.s32 v33, v2;
	vm1 =	vne.s32 v38, v39;
	vm2 =	vlt.s32 v35, $0x440;
	(pc) =	sbr.rel @p0 .LBB2_12-.Ltmp5, $4  }
0x16a: {  	vm0 =	vmand vm0, vm1;
	v33 =	vnsel vm2, $0x440, v35;
	v35 =	vadd.s32 $0x8A0, v36  }
0x16b: {  	v38 =	vmulhi.u32 $0x3E0F83E1, v42;
	v36 =	vsel vm0, $0xFFFFFFFF, v4;
	v33 =	vadd.s32 $0x8A0, v33  }
0x16c: {  	v39 =	vadd.s32 v29, v32;
	v29 =	vmovc v42;
	v36 =	vadd.s32 v36, v34;
	v32 =	vadd.f32 v40, v41  }
0x16d: {  	s15 =	sadd.s32 $0x20, s15;
	s17 =	sadd.s32 $0x20, s17;
	v37 =	vor.u32 s16, v2;
	v40 =	vmul.u32 $0xFFFFFFDF, v36;
	v34 =	vadd.f32 v43, v44  }
0x16e: {  	v41 =	vmulhi.u32 $0x3E0F83E1, v37;
	_ =	sdelay $0x1  }
0x16f: {  	v41 =	vshrl.u32 v41, $0x3  }
0x170: {  	v42 =	vmov s16;
	v43 =	vmul.u32 $0xFFFFFFDF, v41  }
0x171: {  	v44 =	vsub.s32 v3, v42  }
0x172: {  	vm0 =	veq.s32 v42, v2;
	vm1 =	vne.s32 v43, v44  }
0x173: {  	vm0 =	vmand vm0, vm1  }
0x174: {  	v38 =	vshrl.u32 v38, $0x3;
	v62 =	vsel vm0, $0xFFFFFFFF, v4  }
0x175: {  	v39 =	vmul.u32 $0x21, v39;
	v61 =	vmul.u32 $0xFFFFFFDF, v38;
	v63 =	vadd.s32 v62, v41  }
0x176: {  	v30 =	vadd.s32 v30, v40;
	v40 =	vmul.u32 $0xFFFFFFDF, v63  }
0x177: {  	v30 =	vmul.u32 $0x21, v30;
	v31 =	vadd.s32 v31, v39;
	v29 =	vadd.s32 v29, v61  }
0x178: {  	vm15 =	vlt.s32 v31, $0x440;
	v29 =	vmul.u32 $0x21, v29;
	v44 =	vadd.s32 v37, v40  }
0x179: {  	s14 =	sadd.s32 $0x20, s14;
	v30 =	vadd.s32 v36, v30;
	v31 =	vnsel vm15, $0x440, v31;
	v36 =	vmul.u32 $0x21, v44  }
0x17a: {  	v45 =	vld [tilespmem:s14+$0xFFFFFFF0];
	vm4 =	vlt.s32 v30, $0x440;
	v31 =	vadd.s32 $0x8A0, v31;
	v29 =	vadd.s32 v38, v29  }
0x17b: {  	v46 =	vld [tilespmem:s14+$0x0];
	s14 =	sadd.s32 $0x20, s14;
	v30 =	vnsel vm4, $0x440, v30;
	vm5 =	vlt.s32 v29, $0x440;
	v36 =	vadd.s32 v63, v36  }
0x17c: {  	v47 =	vld [tilespmem:s14+$0xFFFFFFF0];
	v30 =	vadd.s32 $0x8A0, v30;
	v29 =	vnsel vm5, $0x440, v29;
	vm6 =	vlt.s32 v36, $0x440  }
0x17d: {  	v48 =	vld [tilespmem:s14+$0x0];
	s14 =	sadd.s32 $0x20, s14;
	v29 =	vadd.s32 $0x8A0, v29;
	v36 =	vnsel vm6, $0x440, v36  }
0x17e: {  	v49 =	vld [tilespmem:s14+$0xFFFFFFF0];
	v36 =	vadd.s32 $0x8A0, v36  }
0x17f: {  	v51 =	vld [tilespmem:s14+$0x0]  }
0x180: {  	v31 =	vld.idx.msk [tilespmem:v31+s10+$0x0], $0xffff  }
0x181: {  	v30 =	vld.idx.msk [tilespmem:v30+s10+$0x0], $0xffff  }
0x182: {  	v29 =	vld.idx.msk [tilespmem:v29+s10+$0x0], $0xffff  }
0x183: {  	v36 =	vld.idx.msk [tilespmem:v36+s10+$0x0], $0xffff;
	_ =	sdelay $0x1  }
0x184: {  	s25 =	sadd.s32 $0x20, s15;
	v31 =	vadd.f32 v31, v48  }
0x185: {  	v33 =	vld.idx.msk [tilespmem:v33+s10+$0x0], $0xffff;
	s26 =	simm.s32 $0x0;
	s14 =	sadd.s32 $0x20, s25;
	v30 =	vadd.f32 v30, v47  }
0x186: {  	v53 =	vor.u32 s26, v2;
	[tilespmem:s14+$0x0] =	vst v31;
	v29 =	vadd.f32 v29, v51  }
0x187: {  	v35 =	vld.idx.msk [tilespmem:v35+s10+$0x0], $0xffff;
	s28 =	simm.s32 $0x10;
	v54 =	vmulhi.u32 $0x3E0F83E1, v53;
	[tilespmem:s14+$0xFFFFFFF0] =	vst v30;
	s14 =	sadd.s32 $0x20, s14;
	v30 =	vadd.f32 v36, v49  }
0x188: {  	s29 =	simm.s32 $0x30;
	[tilespmem:s14+$0x0] =	vst v29;
	v29 =	vor.u32 s28, v2  }
0x189: {  	v60 =	vor.u32 s29, v2;
	v57 =	vmulhi.u32 $0x3E0F83E1, v29;
	[tilespmem:s14+$0xFFFFFFF0] =	vst v30;
	v30 =	vshrl.u32 v54, $0x3  }
0x18a: {  	v50 =	vadd.f32 v33, v45;
	v31 =	vmov s26;
	v55 =	vmul.u32 $0xFFFFFFDF, v30  }
0x18b: {  	v58 =	vsub.s32 v3, v31;
	vm7 =	veq.s32 v31, v2;
	v31 =	vshrl.u32 v57, $0x3  }
0x18c: {  	[tilespmem:s15+$0xFFFFFFF0] =	vst v32;
	s18 =	simm.s32 $0x20;
	v52 =	vadd.f32 v35, v46;
	v35 =	vmul.u32 $0xFFFFFFDF, v31;
	vm8 =	vne.s32 v55, v58  }
0x18d: {  	[tilespmem:s15+$0x0] =	vst v34;
	v62 =	vmulhi.u32 $0x3E0F83E1, v60;
	v63 =	vor.u32 s18, v2;
	vm0 =	vmand vm7, vm8  }
0x18e: {  	[tilespmem:s25+$0xFFFFFFF0] =	vst v50;
	v46 =	vmulhi.u32 $0x3E0F83E1, v63;
	v29 =	vadd.s32 v29, v35;
	v61 =	vsel vm0, $0xFFFFFFFF, v4  }
0x18f: {  	[tilespmem:s25+$0x0] =	vst v52;
	v29 =	vmul.u32 $0x21, v29;
	v30 =	vadd.s32 v61, v30  }
0x190: {  	v47 =	vshrl.u32 v62, $0x3;
	v35 =	vshrl.u32 v46, $0x3;
	v56 =	vld [tilespmem:$0xF0E0];
	v45 =	vmul.u32 $0xFFFFFFDF, v30  }
0x191: {  	v49 =	vmul.u32 $0xFFFFFFDF, v35;
	v59 =	vld.idx.msk [tilespmem:v8+s10+$0x0], $0xffff;
	v29 =	vadd.s32 v31, v29;
	v31 =	vmov s18  }
0x192: {  	vm9 =	vlt.s32 v29, $0x440;
	v50 =	vsub.s32 v3, v31;
	v32 =	vadd.s32 v53, v45  }
0x193: {  	vm10 =	veq.s32 v31, v2;
	v31 =	vmul.u32 $0xFFFFFFDF, v47;
	v32 =	vmul.u32 $0x21, v32  }
0x194: {  	v29 =	vnsel vm9, $0x440, v29;
	vm11 =	vne.s32 v49, v50  }
0x195: {  	v51 =	vadd.s32 $0xCF0, v29;
	v33 =	vadd.s32 v60, v31;
	v30 =	vadd.s32 v30, v32  }
0x196: {  	vm0 =	vmand vm10, vm11;
	v34 =	vadd.f32 v59, v56;
	vm2 =	vlt.s32 v30, $0x440  }
0x197: {  	s14 =	simm.s32 $0x40;
	v33 =	vmul.u32 $0x21, v33;
	v29 =	vsel vm0, $0xFFFFFFFF, v4;
	v30 =	vnsel vm2, $0x440, v30  }
0x198: {  	s20 =	sand.u32 $0x7E0, s26;
	v35 =	vadd.s32 v29, v35;
	v29 =	vor.u32 s14, v2;
	[tilespmem:$0x10260] =	vst v34;
	v52 =	vadd.s32 $0xCF0, v30  }
0x199: {  	s30 =	simm.s32 $0x50;
	v54 =	vmulhi.u32 $0x3E0F83E1, v29;
	v53 =	vmul.u32 $0xFFFFFFDF, v35;
	v55 =	vld [tilespmem:s20+$0xF100]  }
0x19a: {  	v48 =	vor.u32 s30, v2;
	v59 =	vmov s14;
	v33 =	vadd.s32 v47, v33;
	v57 =	vld.idx.msk [tilespmem:v51+s10+$0x0], $0xffff  }
0x19b: {  	s16 =	simm.s32 $0xF0F0;
	vm12 =	vlt.s32 v33, $0x440;
	v39 =	vshrl.u32 v54, $0x3;
	v34 =	vadd.s32 v63, v53  }
0x19c: {  	v61 =	vld [tilespmem:s16+$0x0];
	v33 =	vnsel vm12, $0x440, v33;
	v60 =	vmul.u32 $0xFFFFFFDF, v39;
	v58 =	vmul.u32 $0x21, v34  }
0x19d: {  	v62 =	vsub.s32 v3, v59;
	vm13 =	veq.s32 v59, v2;
	v34 =	vadd.s32 $0xCF0, v33;
	v38 =	vld.idx.msk [tilespmem:v52+s10+$0x0], $0xffff  }
0x19e: {  	vm14 =	vne.s32 v60, v62;
	v32 =	vadd.s32 v35, v58;
	v30 =	vmulhi.u32 $0x3E0F83E1, v48  }
0x19f: {  	vm0 =	vmand vm13, vm14;
	v41 =	vadd.f32 v57, v55;
	vm15 =	vlt.s32 v32, $0x440  }
0x1a0: {  	s31 =	simm.s32 $0x70;
	v63 =	vsel vm0, $0xFFFFFFFF, v4;
	v32 =	vnsel vm15, $0x440, v32;
	v31 =	vshrl.u32 v30, $0x3  }
0x1a1: {  	v30 =	vor.u32 s31, v2;
	v32 =	vadd.s32 $0xCF0, v32;
	v56 =	vmul.u32 $0xFFFFFFDF, v31  }
0x1a2: {  	s17 =	simm.s32 $0x60;
	v35 =	vadd.s32 v63, v39;
	v37 =	vmulhi.u32 $0x3E0F83E1, v30;
	v33 =	vadd.f32 v38, v61  }
0x1a3: {  	s19 =	simm.s32 $0x80;
	s15 =	simm.s32 $0x10270;
	v36 =	vor.u32 s17, v2;
	s18 =	sand.u32 $0x7E0, s18;
	[tilespmem:s20+$0x10280] =	vst v41;
	v39 =	vadd.s32 v48, v56;
	v38 =	vmul.u32 $0xFFFFFFDF, v35  }
.LBB2_14:
0x1a4: {  	s20 =	sadd.s32 $0x10, s19;
	p0 =	slt.u32 s19, $0x420;
	v40 =	vmulhi.u32 $0x3E0F83E1, v36;
	v37 =	vshrl.u32 v37, $0x3;
	v39 =	vmul.u32 $0x21, v39;
	v41 =	vld [tilespmem:s18+$0xF100];
	[tilespmem:s15+$0x0] =	vst v33;
	s21 =	smov.u32 s14  }
0x1a5: {  	s14 =	smov.u32 s17;
	s17 =	smov.u32 s19;
	v42 =	vor.u32 s20, v2;
	v43 =	vmul.u32 $0xFFFFFFDF, v37;
	v33 =	vadd.s32 v29, v38;
	v38 =	vld.idx.msk [tilespmem:v34+s10+$0x0], $0xffff;
	v29 =	vmovc v36  }
0x1a6: {  	s16 =	sadd.s32 $0x20, s16;
	v36 =	vshrl.u32 v40, $0x3;
	v33 =	vmul.u32 $0x21, v33;
	v34 =	vadd.s32 v31, v39;
	v39 =	vld.idx.msk [tilespmem:v32+s10+$0x0], $0xffff;
	v31 =	vmovc v37  }
0x1a7: {  	v32 =	vmov s14;
	v37 =	vmul.u32 $0xFFFFFFDF, v36;
	vm0 =	vlt.s32 v34, $0x440;
	v40 =	vld [tilespmem:s16+$0x0]  }
0x1a8: {  	v44 =	vsub.s32 v3, v32;
	v33 =	vadd.s32 v35, v33;
	v34 =	vnsel vm0, $0x440, v34  }
.Ltmp6:
0x1a9: {  	vm0 =	veq.s32 v32, v2;
	vm1 =	vne.s32 v37, v44;
	vm2 =	vlt.s32 v33, $0x440;
	(pc) =	sbr.rel @p0 .LBB2_14-.Ltmp6, $4  }
0x1aa: {  	v34 =	vadd.s32 $0xCF0, v34;
	vm0 =	vmand vm0, vm1;
	v32 =	vnsel vm2, $0x440, v33  }
0x1ab: {  	v41 =	vadd.f32 v38, v41;
	v33 =	vsel vm0, $0xFFFFFFFF, v4;
	v32 =	vadd.s32 $0xCF0, v32  }
0x1ac: {  	v37 =	vmulhi.u32 $0x3E0F83E1, v42;
	v35 =	vadd.s32 v33, v36;
	v33 =	vadd.f32 v39, v40  }
0x1ad: {  	s19 =	sadd.s32 $0x20, s19;
	s15 =	sadd.s32 $0x20, s15;
	v36 =	vor.u32 s17, v2;
	v39 =	vadd.s32 v30, v43;
	v30 =	vmovc v42;
	v38 =	vmul.u32 $0xFFFFFFDF, v35;
	[tilespmem:s18+$0x10280] =	vst v41;
	s18 =	sand.u32 $0x7E0, s21  }
0x1ae: {  	v40 =	vmulhi.u32 $0x3E0F83E1, v36;
	_ =	sdelay $0x1  }
0x1af: {  	v40 =	vshrl.u32 v40, $0x3  }
0x1b0: {  	v41 =	vmov s17;
	v42 =	vmul.u32 $0xFFFFFFDF, v40  }
0x1b1: {  	v43 =	vsub.s32 v3, v41  }
0x1b2: {  	vm0 =	veq.s32 v41, v2;
	vm1 =	vne.s32 v42, v43  }
0x1b3: {  	vm0 =	vmand vm0, vm1  }
0x1b4: {  	v37 =	vshrl.u32 v37, $0x3;
	v39 =	vmul.u32 $0x21, v39;
	v56 =	vsel vm0, $0xFFFFFFFF, v4  }
0x1b5: {  	v55 =	vmul.u32 $0xFFFFFFDF, v37;
	v29 =	vadd.s32 v29, v38;
	v38 =	vadd.s32 v56, v40  }
0x1b6: {  	v57 =	vmul.u32 $0xFFFFFFDF, v38  }
0x1b7: {  	v29 =	vmul.u32 $0x21, v29;
	v31 =	vadd.s32 v31, v39;
	v30 =	vadd.s32 v30, v55  }
0x1b8: {  	v59 =	vld [tilespmem:s18+$0xF100];
	vm12 =	vlt.s32 v31, $0x440;
	v30 =	vmul.u32 $0x21, v30;
	v58 =	vadd.s32 v36, v57  }
0x1b9: {  	v34 =	vld.idx.msk [tilespmem:v34+s10+$0x0], $0xffff;
	v29 =	vadd.s32 v35, v29;
	v31 =	vnsel vm12, $0x440, v31;
	v35 =	vmul.u32 $0x21, v58  }
0x1ba: {  	v32 =	vld.idx.msk [tilespmem:v32+s10+$0x0], $0xffff;
	s16 =	sadd.s32 $0x20, s16;
	vm13 =	vlt.s32 v29, $0x440;
	v31 =	vadd.s32 $0xCF0, v31;
	v30 =	vadd.s32 v37, v30  }
0x1bb: {  	s14 =	sand.u32 $0x7E0, s14;
	v60 =	vld [tilespmem:s16+$0x0];
	v29 =	vnsel vm13, $0x440, v29;
	vm14 =	vlt.s32 v30, $0x440;
	v35 =	vadd.s32 v38, v35  }
0x1bc: {  	s29 =	sand.u32 $0x7E0, s17;
	v61 =	vld [tilespmem:s14+$0xF100];
	v29 =	vadd.s32 $0xCF0, v29;
	v30 =	vnsel vm14, $0x440, v30;
	vm15 =	vlt.s32 v35, $0x440  }
0x1bd: {  	s16 =	sadd.s32 $0x20, s16;
	v63 =	vld [tilespmem:s29+$0xF100];
	v30 =	vadd.s32 $0xCF0, v30;
	v35 =	vnsel vm15, $0x440, v35  }
0x1be: {  	v62 =	vld [tilespmem:s16+$0x0];
	s16 =	sadd.s32 $0x20, s16;
	v35 =	vadd.s32 $0xCF0, v35  }
0x1bf: {  	v44 =	vld [tilespmem:s16+$0x0]  }
0x1c0: {  	v31 =	vld.idx.msk [tilespmem:v31+s10+$0x0], $0xffff  }
0x1c1: {  	v29 =	vld.idx.msk [tilespmem:v29+s10+$0x0], $0xffff  }
0x1c2: {  	v30 =	vld.idx.msk [tilespmem:v30+s10+$0x0], $0xffff  }
0x1c3: {  	v34 =	vadd.f32 v34, v59;
	v35 =	vld.idx.msk [tilespmem:v35+s10+$0x0], $0xffff  }
0x1c4: {  	[tilespmem:s15+$0x0] =	vst v33;
	v32 =	vadd.f32 v32, v60  }
0x1c5: {  	s30 =	sadd.s32 $0x20, s15;
	[tilespmem:s18+$0x10280] =	vst v34;
	v31 =	vadd.f32 v31, v61  }
0x1c6: {  	[tilespmem:s30+$0x0] =	vst v32;
	v29 =	vadd.f32 v29, v62  }
0x1c7: {  	s31 =	sadd.s32 $0x20, s30;
	[tilespmem:s14+$0x10280] =	vst v31;
	v30 =	vadd.f32 v30, v63  }
0x1c8: {  	[tilespmem:s31+$0x0] =	vst v29;
	v29 =	vadd.f32 v35, v44  }
0x1c9: {  	s14 =	sadd.s32 $0x20, s31;
	[tilespmem:s29+$0x10280] =	vst v30  }
0x1ca: {  	[tilespmem:s14+$0x0] =	vst v29  }
0x1cb: {  	v29 =	vld [tilespmem:$0xF530]  }
0x1cc: {  	v30 =	vld.idx.msk [tilespmem:v9+s10+$0x0], $0xffff;
	_ =	sdelay $0x4  }
0x1cd: {  	v29 =	vadd.f32 v30, v29;
	_ =	sdelay $0x1  }
0x1ce: {  	[tilespmem:$0x106B0] =	vst v29  }
0x1cf: {  	v29 =	vld.idx.msk [tilespmem:v6+s10+$0x0], $0xffff;
	_ =	sdelay $0x1  }
0x1d0: {  	v30 =	vld.idx.msk [tilespmem:v10+s10+$0x0], $0xffff;
	_ =	sdelay $0x1  }
0x1d1: {  	v31 =	vld.idx.msk [tilespmem:v11+s10+$0x0], $0xffff  }
0x1d2: {  	v29 =	vadd.f32 $0.0e+00, v29  }
0x1d3: {  	v32 =	vld.idx.msk [tilespmem:v12+s10+$0x0], $0xffff  }
0x1d4: {  	v29 =	vadd.f32 v30, v29  }
0x1d5: {  	v30 =	vld.idx.msk [tilespmem:v13+s10+$0x0], $0xffff  }
0x1d6: {  	v29 =	vadd.f32 v31, v29  }
0x1d7: {  	v31 =	vld.idx.msk [tilespmem:v14+s10+$0x0], $0xffff  }
0x1d8: {  	v29 =	vadd.f32 v32, v29  }
0x1d9: {  	v45 =	vld.idx.msk [tilespmem:v15+s10+$0x0], $0xffff  }
0x1da: {  	v29 =	vadd.f32 v30, v29  }
0x1db: {  	v30 =	vld.idx.msk [tilespmem:v16+s10+$0x0], $0xffff  }
0x1dc: {  	v29 =	vadd.f32 v31, v29  }
0x1dd: {  	v31 =	vld.idx.msk [tilespmem:v17+s10+$0x0], $0xffff  }
0x1de: {  	v29 =	vadd.f32 v45, v29  }
0x1df: {  	v46 =	vld.idx.msk [tilespmem:v18+s10+$0x0], $0xffff  }
0x1e0: {  	v29 =	vadd.f32 v30, v29  }
0x1e1: {  	v30 =	vld.idx.msk [tilespmem:v19+s10+$0x0], $0xffff  }
0x1e2: {  	v29 =	vadd.f32 v31, v29  }
0x1e3: {  	v31 =	vld.idx.msk [tilespmem:v20+s10+$0x0], $0xffff  }
0x1e4: {  	v29 =	vadd.f32 v46, v29  }
0x1e5: {  	v47 =	vld.idx.msk [tilespmem:v21+s10+$0x0], $0xffff  }
0x1e6: {  	v29 =	vadd.f32 v30, v29  }
0x1e7: {  	v30 =	vld.idx.msk [tilespmem:v22+s10+$0x0], $0xffff  }
0x1e8: {  	v29 =	vadd.f32 v31, v29  }
0x1e9: {  	v31 =	vld.idx.msk [tilespmem:v23+s10+$0x0], $0xffff  }
0x1ea: {  	v29 =	vadd.f32 v47, v29  }
0x1eb: {  	v48 =	vld.idx.msk [tilespmem:v24+s10+$0x0], $0xffff  }
0x1ec: {  	v29 =	vadd.f32 v30, v29  }
0x1ed: {  	v30 =	vld.idx.msk [tilespmem:v25+s10+$0x0], $0xffff  }
0x1ee: {  	v29 =	vadd.f32 v31, v29  }
0x1ef: {  	v31 =	vld.idx.msk [tilespmem:v26+s10+$0x0], $0xffff  }
0x1f0: {  	v49 =	vadd.s32 $0x14, v6;
	v29 =	vadd.f32 v48, v29  }
0x1f1: {  	v33 =	vld.idx.msk [tilespmem:v27+s10+$0x0], $0xffff  }
0x1f2: {  	v29 =	vadd.f32 v30, v29;
	v30 =	vadd.s32 $0x15, v6  }
0x1f3: {  	v34 =	vld.idx.msk [tilespmem:v28+s10+$0x0], $0xffff  }
0x1f4: {  	v29 =	vadd.f32 v31, v29;
	v31 =	vadd.s32 $0x16, v6  }
0x1f5: {  	v32 =	vld.idx.msk [tilespmem:v49+s10+$0x0], $0xffff  }
0x1f6: {  	v50 =	vadd.s32 $0x17, v6;
	v29 =	vadd.f32 v33, v29  }
0x1f7: {  	v30 =	vld.idx.msk [tilespmem:v30+s10+$0x0], $0xffff  }
0x1f8: {  	v51 =	vadd.s32 $0x18, v6;
	v29 =	vadd.f32 v34, v29  }
0x1f9: {  	v31 =	vld.idx.msk [tilespmem:v31+s10+$0x0], $0xffff  }
0x1fa: {  	v52 =	vadd.s32 $0x19, v6;
	v29 =	vadd.f32 v32, v29  }
0x1fb: {  	v33 =	vld.idx.msk [tilespmem:v50+s10+$0x0], $0xffff  }
0x1fc: {  	v29 =	vadd.f32 v30, v29;
	v30 =	vadd.s32 $0x1A, v6  }
0x1fd: {  	v34 =	vld.idx.msk [tilespmem:v51+s10+$0x0], $0xffff  }
0x1fe: {  	v29 =	vadd.f32 v31, v29;
	v31 =	vadd.s32 $0x1B, v6  }
0x1ff: {  	v32 =	vld.idx.msk [tilespmem:v52+s10+$0x0], $0xffff  }
0x200: {  	v53 =	vadd.s32 $0x1C, v6;
	v29 =	vadd.f32 v33, v29  }
0x201: {  	v30 =	vld.idx.msk [tilespmem:v30+s10+$0x0], $0xffff  }
0x202: {  	v54 =	vadd.s32 $0x1D, v6;
	v29 =	vadd.f32 v34, v29  }
0x203: {  	v31 =	vld.idx.msk [tilespmem:v31+s10+$0x0], $0xffff  }
0x204: {  	v55 =	vadd.s32 $0x1E, v6;
	v29 =	vadd.f32 v32, v29  }
0x205: {  	v33 =	vld.idx.msk [tilespmem:v53+s10+$0x0], $0xffff  }
0x206: {  	v29 =	vadd.f32 v30, v29;
	v30 =	vadd.s32 $0x1F, v6  }
0x207: {  	v34 =	vld.idx.msk [tilespmem:v54+s10+$0x0], $0xffff  }
0x208: {  	v29 =	vadd.f32 v31, v29;
	v31 =	vadd.s32 $0x20, v6  }
0x209: {  	v32 =	vld.idx.msk [tilespmem:v55+s10+$0x0], $0xffff  }
0x20a: {  	v29 =	vadd.f32 v33, v29  }
0x20b: {  	v30 =	vld.idx.msk [tilespmem:v30+s10+$0x0], $0xffff  }
0x20c: {  	v29 =	vadd.f32 v34, v29  }
0x20d: {  	v31 =	vld.idx.msk [tilespmem:v31+s10+$0x0], $0xffff  }
0x20e: {  	v29 =	vadd.f32 v32, v29;
	_ =	sdelay $0x1  }
0x20f: {  	v29 =	vadd.f32 v30, v29;
	v30 =	vadd.s32 $0x210, v6;
	_ =	sdelay $0x1  }
0x210: {  	v29 =	vadd.f32 v31, v29;
	v31 =	vadd.s32 $0x211, v6;
	_ =	sdelay $0x1  }
0x211: {  	[tilespmem:$0x10700] =	vst v29;
	v29 =	vadd.s32 $0x212, v6  }
0x212: {  	v30 =	vld.idx.msk [tilespmem:v30+s10+$0x0], $0xffff  }
0x213: {  	v56 =	vadd.s32 $0x213, v6  }
0x214: {  	v31 =	vld.idx.msk [tilespmem:v31+s10+$0x0], $0xffff  }
0x215: {  	v57 =	vadd.s32 $0x214, v6  }
0x216: {  	v29 =	vld.idx.msk [tilespmem:v29+s10+$0x0], $0xffff  }
0x217: {  	v58 =	vadd.s32 $0x215, v6;
	v30 =	vadd.f32 $0.0e+00, v30  }
0x218: {  	v32 =	vld.idx.msk [tilespmem:v56+s10+$0x0], $0xffff  }
0x219: {  	v30 =	vadd.f32 v31, v30;
	v31 =	vadd.s32 $0x216, v6  }
0x21a: {  	v33 =	vld.idx.msk [tilespmem:v57+s10+$0x0], $0xffff  }
0x21b: {  	v29 =	vadd.f32 v29, v30;
	v30 =	vadd.s32 $0x217, v6  }
0x21c: {  	v34 =	vld.idx.msk [tilespmem:v58+s10+$0x0], $0xffff  }
0x21d: {  	v59 =	vadd.s32 $0x218, v6;
	v29 =	vadd.f32 v32, v29  }
0x21e: {  	v31 =	vld.idx.msk [tilespmem:v31+s10+$0x0], $0xffff  }
0x21f: {  	v60 =	vadd.s32 $0x219, v6;
	v29 =	vadd.f32 v33, v29  }
0x220: {  	v30 =	vld.idx.msk [tilespmem:v30+s10+$0x0], $0xffff  }
0x221: {  	v61 =	vadd.s32 $0x21A, v6;
	v29 =	vadd.f32 v34, v29  }
0x222: {  	v32 =	vld.idx.msk [tilespmem:v59+s10+$0x0], $0xffff  }
0x223: {  	v29 =	vadd.f32 v31, v29;
	v31 =	vadd.s32 $0x21B, v6  }
0x224: {  	v33 =	vld.idx.msk [tilespmem:v60+s10+$0x0], $0xffff  }
0x225: {  	v29 =	vadd.f32 v30, v29;
	v30 =	vadd.s32 $0x21C, v6  }
0x226: {  	v34 =	vld.idx.msk [tilespmem:v61+s10+$0x0], $0xffff  }
0x227: {  	v62 =	vadd.s32 $0x21D, v6;
	v29 =	vadd.f32 v32, v29  }
0x228: {  	v31 =	vld.idx.msk [tilespmem:v31+s10+$0x0], $0xffff  }
0x229: {  	v63 =	vadd.s32 $0x21E, v6;
	v29 =	vadd.f32 v33, v29  }
0x22a: {  	v30 =	vld.idx.msk [tilespmem:v30+s10+$0x0], $0xffff  }
0x22b: {  	v36 =	vadd.s32 $0x21F, v6;
	v29 =	vadd.f32 v34, v29  }
0x22c: {  	v32 =	vld.idx.msk [tilespmem:v62+s10+$0x0], $0xffff  }
0x22d: {  	v29 =	vadd.f32 v31, v29;
	v31 =	vadd.s32 $0x220, v6  }
0x22e: {  	v33 =	vld.idx.msk [tilespmem:v63+s10+$0x0], $0xffff  }
0x22f: {  	v29 =	vadd.f32 v30, v29;
	v30 =	vadd.s32 $0x221, v6  }
0x230: {  	v34 =	vld.idx.msk [tilespmem:v36+s10+$0x0], $0xffff  }
0x231: {  	v37 =	vadd.s32 $0x222, v6;
	v29 =	vadd.f32 v32, v29  }
0x232: {  	v31 =	vld.idx.msk [tilespmem:v31+s10+$0x0], $0xffff  }
0x233: {  	v38 =	vadd.s32 $0x223, v6;
	v29 =	vadd.f32 v33, v29  }
0x234: {  	v30 =	vld.idx.msk [tilespmem:v30+s10+$0x0], $0xffff  }
0x235: {  	v39 =	vadd.s32 $0x224, v6;
	v29 =	vadd.f32 v34, v29  }
0x236: {  	v32 =	vld.idx.msk [tilespmem:v37+s10+$0x0], $0xffff  }
0x237: {  	v29 =	vadd.f32 v31, v29;
	v31 =	vadd.s32 $0x225, v6  }
0x238: {  	v33 =	vld.idx.msk [tilespmem:v38+s10+$0x0], $0xffff  }
0x239: {  	v29 =	vadd.f32 v30, v29;
	v30 =	vadd.s32 $0x226, v6  }
0x23a: {  	v34 =	vld.idx.msk [tilespmem:v39+s10+$0x0], $0xffff  }
0x23b: {  	v40 =	vadd.s32 $0x227, v6;
	v29 =	vadd.f32 v32, v29  }
0x23c: {  	v31 =	vld.idx.msk [tilespmem:v31+s10+$0x0], $0xffff  }
0x23d: {  	v41 =	vadd.s32 $0x228, v6;
	v29 =	vadd.f32 v33, v29  }
0x23e: {  	v30 =	vld.idx.msk [tilespmem:v30+s10+$0x0], $0xffff  }
0x23f: {  	v42 =	vadd.s32 $0x229, v6;
	v29 =	vadd.f32 v34, v29  }
0x240: {  	v32 =	vld.idx.msk [tilespmem:v40+s10+$0x0], $0xffff  }
0x241: {  	v29 =	vadd.f32 v31, v29;
	v31 =	vadd.s32 $0x22A, v6  }
0x242: {  	v33 =	vld.idx.msk [tilespmem:v41+s10+$0x0], $0xffff  }
0x243: {  	v29 =	vadd.f32 v30, v29;
	v30 =	vadd.s32 $0x22B, v6  }
0x244: {  	v34 =	vld.idx.msk [tilespmem:v42+s10+$0x0], $0xffff  }
0x245: {  	v43 =	vadd.s32 $0x22C, v6;
	v29 =	vadd.f32 v32, v29  }
0x246: {  	v31 =	vld.idx.msk [tilespmem:v31+s10+$0x0], $0xffff  }
0x247: {  	v44 =	vadd.s32 $0x22D, v6;
	v29 =	vadd.f32 v33, v29  }
0x248: {  	v30 =	vld.idx.msk [tilespmem:v30+s10+$0x0], $0xffff  }
0x249: {  	v45 =	vadd.s32 $0x22E, v6;
	v29 =	vadd.f32 v34, v29  }
0x24a: {  	v32 =	vld.idx.msk [tilespmem:v43+s10+$0x0], $0xffff  }
0x24b: {  	v29 =	vadd.f32 v31, v29;
	v31 =	vadd.s32 $0x22F, v6  }
0x24c: {  	v33 =	vld.idx.msk [tilespmem:v44+s10+$0x0], $0xffff  }
0x24d: {  	v29 =	vadd.f32 v30, v29;
	v30 =	vadd.s32 $0x230, v6  }
0x24e: {  	v34 =	vld.idx.msk [tilespmem:v45+s10+$0x0], $0xffff  }
0x24f: {  	v29 =	vadd.f32 v32, v29  }
0x250: {  	v31 =	vld.idx.msk [tilespmem:v31+s10+$0x0], $0xffff  }
0x251: {  	v29 =	vadd.f32 v33, v29  }
0x252: {  	v30 =	vld.idx.msk [tilespmem:v30+s10+$0x0], $0xffff  }
0x253: {  	v29 =	vadd.f32 v34, v29;
	_ =	sdelay $0x1  }
0x254: {  	v29 =	vadd.f32 v31, v29;
	v31 =	vadd.s32 $0x420, v6;
	_ =	sdelay $0x1  }
0x255: {  	v29 =	vadd.f32 v30, v29;
	v30 =	vadd.s32 $0x421, v6;
	_ =	sdelay $0x1  }
0x256: {  	[tilespmem:$0x10710] =	vst v29;
	v29 =	vadd.s32 $0x422, v6  }
0x257: {  	v31 =	vld.idx.msk [tilespmem:v31+s10+$0x0], $0xffff  }
0x258: {  	v46 =	vadd.s32 $0x423, v6  }
0x259: {  	v30 =	vld.idx.msk [tilespmem:v30+s10+$0x0], $0xffff  }
0x25a: {  	v47 =	vadd.s32 $0x424, v6  }
0x25b: {  	v29 =	vld.idx.msk [tilespmem:v29+s10+$0x0], $0xffff  }
0x25c: {  	v48 =	vadd.s32 $0x425, v6;
	v31 =	vadd.f32 $0.0e+00, v31  }
0x25d: {  	v32 =	vld.idx.msk [tilespmem:v46+s10+$0x0], $0xffff  }
0x25e: {  	v30 =	vadd.f32 v30, v31;
	v31 =	vadd.s32 $0x426, v6  }
0x25f: {  	v33 =	vld.idx.msk [tilespmem:v47+s10+$0x0], $0xffff  }
0x260: {  	v29 =	vadd.f32 v29, v30;
	v30 =	vadd.s32 $0x427, v6  }
0x261: {  	v34 =	vld.idx.msk [tilespmem:v48+s10+$0x0], $0xffff  }
0x262: {  	v49 =	vadd.s32 $0x428, v6;
	v29 =	vadd.f32 v32, v29  }
0x263: {  	v31 =	vld.idx.msk [tilespmem:v31+s10+$0x0], $0xffff  }
0x264: {  	v50 =	vadd.s32 $0x429, v6;
	v29 =	vadd.f32 v33, v29  }
0x265: {  	v30 =	vld.idx.msk [tilespmem:v30+s10+$0x0], $0xffff  }
0x266: {  	v51 =	vadd.s32 $0x42A, v6;
	v29 =	vadd.f32 v34, v29  }
0x267: {  	v32 =	vld.idx.msk [tilespmem:v49+s10+$0x0], $0xffff  }
0x268: {  	v29 =	vadd.f32 v31, v29;
	v31 =	vadd.s32 $0x42B, v6  }
0x269: {  	v33 =	vld.idx.msk [tilespmem:v50+s10+$0x0], $0xffff  }
0x26a: {  	v29 =	vadd.f32 v30, v29;
	v30 =	vadd.s32 $0x42C, v6  }
0x26b: {  	v34 =	vld.idx.msk [tilespmem:v51+s10+$0x0], $0xffff  }
0x26c: {  	v52 =	vadd.s32 $0x42D, v6;
	v29 =	vadd.f32 v32, v29  }
0x26d: {  	v31 =	vld.idx.msk [tilespmem:v31+s10+$0x0], $0xffff  }
0x26e: {  	v53 =	vadd.s32 $0x42E, v6;
	v29 =	vadd.f32 v33, v29  }
0x26f: {  	v30 =	vld.idx.msk [tilespmem:v30+s10+$0x0], $0xffff  }
0x270: {  	v54 =	vadd.s32 $0x42F, v6;
	v29 =	vadd.f32 v34, v29  }
0x271: {  	v32 =	vld.idx.msk [tilespmem:v52+s10+$0x0], $0xffff  }
0x272: {  	v29 =	vadd.f32 v31, v29;
	v31 =	vadd.s32 $0x430, v6  }
0x273: {  	v33 =	vld.idx.msk [tilespmem:v53+s10+$0x0], $0xffff  }
0x274: {  	v29 =	vadd.f32 v30, v29;
	v30 =	vadd.s32 $0x431, v6  }
0x275: {  	v34 =	vld.idx.msk [tilespmem:v54+s10+$0x0], $0xffff  }
0x276: {  	v55 =	vadd.s32 $0x432, v6;
	v29 =	vadd.f32 v32, v29  }
0x277: {  	v31 =	vld.idx.msk [tilespmem:v31+s10+$0x0], $0xffff  }
0x278: {  	v56 =	vadd.s32 $0x433, v6;
	v29 =	vadd.f32 v33, v29  }
0x279: {  	v30 =	vld.idx.msk [tilespmem:v30+s10+$0x0], $0xffff  }
0x27a: {  	v57 =	vadd.s32 $0x434, v6;
	v29 =	vadd.f32 v34, v29  }
0x27b: {  	v32 =	vld.idx.msk [tilespmem:v55+s10+$0x0], $0xffff  }
0x27c: {  	v29 =	vadd.f32 v31, v29;
	v31 =	vadd.s32 $0x435, v6  }
0x27d: {  	v33 =	vld.idx.msk [tilespmem:v56+s10+$0x0], $0xffff  }
0x27e: {  	v29 =	vadd.f32 v30, v29;
	v30 =	vadd.s32 $0x436, v6  }
0x27f: {  	v34 =	vld.idx.msk [tilespmem:v57+s10+$0x0], $0xffff  }
0x280: {  	v58 =	vadd.s32 $0x437, v6;
	v29 =	vadd.f32 v32, v29  }
0x281: {  	v31 =	vld.idx.msk [tilespmem:v31+s10+$0x0], $0xffff  }
0x282: {  	v59 =	vadd.s32 $0x438, v6;
	v29 =	vadd.f32 v33, v29  }
0x283: {  	v30 =	vld.idx.msk [tilespmem:v30+s10+$0x0], $0xffff  }
0x284: {  	v60 =	vadd.s32 $0x439, v6;
	v29 =	vadd.f32 v34, v29  }
0x285: {  	v32 =	vld.idx.msk [tilespmem:v58+s10+$0x0], $0xffff  }
0x286: {  	v29 =	vadd.f32 v31, v29;
	v31 =	vadd.s32 $0x43A, v6  }
0x287: {  	v33 =	vld.idx.msk [tilespmem:v59+s10+$0x0], $0xffff  }
0x288: {  	v29 =	vadd.f32 v30, v29;
	v30 =	vadd.s32 $0x43B, v6  }
0x289: {  	v34 =	vld.idx.msk [tilespmem:v60+s10+$0x0], $0xffff  }
0x28a: {  	v61 =	vadd.s32 $0x43C, v6;
	v29 =	vadd.f32 v32, v29  }
0x28b: {  	v31 =	vld.idx.msk [tilespmem:v31+s10+$0x0], $0xffff  }
0x28c: {  	v62 =	vadd.s32 $0x43D, v6;
	v29 =	vadd.f32 v33, v29  }
0x28d: {  	v30 =	vld.idx.msk [tilespmem:v30+s10+$0x0], $0xffff  }
0x28e: {  	v63 =	vadd.s32 $0x43E, v6;
	v29 =	vadd.f32 v34, v29  }
0x28f: {  	v32 =	vld.idx.msk [tilespmem:v61+s10+$0x0], $0xffff  }
0x290: {  	v29 =	vadd.f32 v31, v29;
	v31 =	vadd.s32 $0x43F, v6  }
0x291: {  	v33 =	vld.idx.msk [tilespmem:v62+s10+$0x0], $0xffff  }
0x292: {  	v29 =	vadd.f32 v30, v29;
	v30 =	vadd.s32 $0x440, v6  }
0x293: {  	v34 =	vld.idx.msk [tilespmem:v63+s10+$0x0], $0xffff  }
0x294: {  	v29 =	vadd.f32 v32, v29  }
0x295: {  	v31 =	vld.idx.msk [tilespmem:v31+s10+$0x0], $0xffff  }
0x296: {  	v29 =	vadd.f32 v33, v29  }
0x297: {  	v30 =	vld.idx.msk [tilespmem:v30+s10+$0x0], $0xffff  }
0x298: {  	v29 =	vadd.f32 v34, v29;
	_ =	sdelay $0x1  }
0x299: {  	v29 =	vadd.f32 v31, v29;
	_ =	sdelay $0x1  }
0x29a: {  	v29 =	vadd.f32 v30, v29;
	_ =	sdelay $0x1  }
0x29b: {  	[tilespmem:$0x10720] =	vst v29  }
0x29c: {  	[hbm4b:s4+s7] =	stream.strided.scatter [tilespmem:s11], [sflag:$0x1], $0x1180, s8, s7, $0x38;
	[tilespmem:$0x10780] =	vst v63  }
0x29d: {  	s13 =	sadd.s32 $0x1, s13;
	_ =	swait.ge [sflag:s9], $0x1180  }
0x29e: {  	p0 =	sne.s32 s13, s6;
	[sflag:s9] =	ssyncset.done $0x0  }
.Ltmp7:
0x29f: {  	[sflag:s9] =	ssyncadd.s32 $0xFFFFEE80;
	(pc) =	sbr.rel @p0 .LBB2_1-.Ltmp7, $4  }
0x2a0: {  	[hbm4b:s5+s2] =	stream.linear.scatter [tilespmem:s12], [sflag:$0x1], $0x80, $0x38;
	[tilespmem:$0x10780] =	vst v63  }
0x2a1: {  	_ =	swait.ge [sflag:s9], $0x80  }
0x2a2: {  	[sflag:s9] =	ssyncset.done $0x0  }
0x2a3: {  	[sflag:s9] =	ssyncadd.s32 $0xFFFFFF80  }
0x2a4: {  	_ =	sfence.sel $0x180000  }
0x2a5: {  	[bflag:$0x0] =	sbarrier.arrive $0xFFFF  }
0x2a6: {  	p0 =	sne.s32 s0, $0x0;
	_ =	strace $0x90000047  }
0x2a7: {  	s0 =	sadd.s32 @!p0 $0x100000, s1;
	[bflag:$0x2] =	sbarrier.arrive $0xFFFF  }
0x2a8: {  	[sflag:s0] =	ssyncadd.tile.s32 @!p0 $0x1;
	_ =	shalt  }
.Lfunc_end2:
_tile_overlayer_lowered:
.L_overlay_start_2:
0x2a9: {  	(tag) =	ssettag $0x2  }
0x2aa: {  	s0 =	rddreg [dreg:$0x0];
	s2 =	stileid.u32  }
0x2ab: {  	s1 =	rddreg [dreg:$0x1];
	p0 =	sne.s32 s2, $0x0  }
0x2ac: {  	s3 =	rddreg [dreg:$0x2];
	[bflag:$0x3] =	sbarrier.arrive $0xFFFF;
	s2 =	simm.s32 @!p0 $0x1C01  }
0x2ad: {  	[timem:s3], [sflag:s2] =	dma.local @!p0 [hbm:s0], s1  }
0x2ae: {  	s0 =	simm.s32 @!p0 $0x1  }
0x2af: {  	_ =	swait.ge @!p0 [sflag:s0], s1  }
0x2b0: {  	s1 =	ssub.s32 @!p0 $0x0, s1;
	[sflag:s0] =	ssyncset.done @!p0 $0x0  }
0x2b1: {  	[sflag:s0] =	ssyncadd.s32 @!p0 s1  }
0x2b2: {  	[bflag:$0x3] =	sbarrier.arrive $0xFFFF  }
0x2b3: {  	_ =	shalt  }

// kernel: kernel.8.cloned.1.call-start
scs
__scs_entry_jumppad:
0x0: {  	(pc) =	sbr.rel $0x88, $3  }
0x1: {  	(tag) =	ssettag $0x0;
	lr =	simm.s32 $0x1  }
0x2: {  	[smem:$0x3FA0] =	sst lr;
	_ =	strace $0xD0000000  }
0x3: {  	_ = 	snop  }
0x4: {  	_ = 	snop  }
0x5: {  	_ = 	snop  }
0x6: {  	_ = 	snop  }
0x7: {  	_ = 	snop  }
__scs_overlays_trampoline_lowered:
0x8: {  	[smem:$0x3FAF] =	sst s0  }
0x9: {  	[smem:$0x3FB0] =	sst s1  }
0xa: {  	[smem:$0x3FB1] =	sst s2  }
0xb: {  	[smem:$0x3FB2] =	sst s3  }
0xc: {  	[smem:$0x3FB3] =	sst s4  }
0xd: {  	[smem:$0x3FB4] =	sst s5  }
0xe: {  	[smem:$0x3FB5] =	sst s6  }
0xf: {  	[smem:$0x3FB6] =	sst s7  }
0x10: {  	[smem:$0x3FB7] =	sst s8  }
0x11: {  	[smem:$0x3FB8] =	sst s9;
	s0 =	simm.s32 @!p0 $0x0  }
0x12: {  	s1 =	sld [smem:$0x3F9E];
	s0 =	simm.s32 @p0 $0x1  }
0x13: {  	[smem:$0x3FB9] =	sst s0;
	s0 =	simm.s32 @!p1 $0x0  }
0x14: {  	s2 =	sld [smem:$0x3F9D];
	s0 =	simm.s32 @p1 $0x1  }
0x15: {  	[smem:$0x3FBA] =	sst s0;
	s0 =	simm.s32 @!p2 $0x0  }
0x16: {  	s3 =	sld [smem:$0x3FDB];
	s0 =	simm.s32 @p2 $0x1  }
0x17: {  	s4 =	simm.s32 $0x1BF5;
	[smem:$0x3FBC] =	sst s0  }
0x18: {  	s0 =	sld [smem:$0x3F9F];
	_ =	swait.ge [sflag:s4], $0x0  }
0x19: {  	s7 =	sld [smem:$0x3FA0]  }
0x1a: {  	s8 =	sadd.s32 $0xFFFFE003, lr  }
0x1b: {  	s9 =	sadd.s32 $0xFFFFFEF7, lr;
	s5 =	simm.s32 $0xFFFFFFFF;
	p2 =	slt.u32 s8, $0xFFFFF086  }
0x1c: {  	p1 =	slt.u32 s9, $0xF7A;
	s5 =	simm.s32 @!p2 $0x0  }
0x1d: {  	s5 =	simm.s32 @p1 $0x1;
	p0 =	seq.s32 s7, s2  }
0x1e: {  	s7 =	smul.u32 @!p0 $0xF7A, s2;
	p2 =	seq.s32 @!p0 s5, $0x0  }
0x1f: {  	s9 =	smul.u32 $0xF7A, s1;
	s8 =	simm.s32 @!p0 $0x1BF5;
	p2 =	por !p2, p0  }
0x20: {  	[sflag:s8] =	ssyncset.s32 @!p0 $0xFFFFF086;
	s6 =	sadd.s32 @!p0 s3, s7;
	s7 =	simm.s32 @!p0 $0x108  }
0x21: {  	s3 =	sadd.s32 s3, s9;
	s6 =	sadd.s32 @!p0 $0x88, s6;
	s7 =	simm.s32 @p2 $0x1082  }
0x22: {  	[simem:s7], [sflag:s8] =	dma.local @!p0 [hbm:s6], $0xF7A  }
0x23: {  	s9 =	sor.u32 $0xD0000000, s2;
	s6 =	simm.s32 $0x108;
	_ =	swait.ge @!p0 [sflag:s8], $0x0  }
0x24: {  	s3 =	sadd.s32 $0x88, s3;
	s6 =	simm.s32 @!p1 $0x1082;
	[sflag:s4] =	ssyncset.s32 $0xFFFFF086  }
0x25: {  	[simem:s6], [sflag:s4] =	dma.local [hbm:s3], $0xF7A  }
0x26: {  	[smem:$0x3FA0] =	sst s1;
	(tag) =	ssettag s2;
	_ =	strace s9  }
0x27: {  	s1 =	sld [smem:$0x3FB0]  }
0x28: {  	s2 =	sld [smem:$0x3FB1]  }
0x29: {  	s4 =	sld [smem:$0x3FB3]  }
0x2a: {  	p0 =	seq.s32 s5, $0x0;
	s5 =	sld [smem:$0x3FB4]  }
0x2b: {  	s6 =	sld [smem:$0x3FB5]  }
0x2c: {  	s7 =	sld [smem:$0x3FB6]  }
0x2d: {  	s3 =	simm.s32 $0x108;
	s8 =	sld [smem:$0x3FB7]  }
0x2e: {  	s3 =	simm.s32 @!p0 $0x1082;
	s9 =	sld [smem:$0x3FB8]  }
0x2f: {  	lr =	sadd.s32 s0, s3;
	s0 =	sld [smem:$0x3FAF]  }
0x30: {  	s3 =	sld [smem:$0x3FB2]  }
0x31: {  	[smem:$0x3FBB] =	sst s10  }
0x32: {  	s10 =	sld [smem:$0x3FB9];
	_ =	sdelay $0x3  }
0x33: {  	p0 =	seq.s32 s10, $0x1;
	s10 =	sld [smem:$0x3FBB];
	_ =	sdelay $0x3  }
0x34: {  	[smem:$0x3FBB] =	sst s10  }
0x35: {  	s10 =	sld [smem:$0x3FBA];
	_ =	sdelay $0x3  }
0x36: {  	p1 =	seq.s32 s10, $0x1;
	s10 =	sld [smem:$0x3FBB];
	_ =	sdelay $0x3  }
0x37: {  	[smem:$0x3FBB] =	sst s10  }
0x38: {  	s10 =	sld [smem:$0x3FBC]  }
0x39: {  	_ = 	snop;
	(pc) =	sbr.ind lr, $3  }
0x3a: {  	_ = 	snop  }
0x3b: {  	_ = 	snop  }
0x3c: {  	p2 =	seq.s32 s10, $0x1;
	s10 =	sld [smem:$0x3FBB]  }
0x3d: {  	_ =	shalt  }
0x3e: {  	_ =	shalt  }
0x3f: {  	_ =	shalt  }
0x40: {  	_ =	shalt  }
0x41: {  	_ =	shalt  }
0x42: {  	_ =	shalt  }
0x43: {  	_ =	shalt  }
0x44: {  	_ =	shalt  }
0x45: {  	_ =	shalt  }
0x46: {  	_ =	shalt  }
0x47: {  	_ =	shalt  }
0x48: {  	_ =	shalt  }
0x49: {  	_ =	shalt  }
0x4a: {  	_ =	shalt  }
0x4b: {  	_ =	shalt  }
0x4c: {  	_ =	shalt  }
0x4d: {  	_ =	shalt  }
0x4e: {  	_ =	shalt  }
0x4f: {  	_ =	shalt  }
0x50: {  	_ =	shalt  }
0x51: {  	_ =	shalt  }
0x52: {  	_ =	shalt  }
0x53: {  	_ =	shalt  }
0x54: {  	_ =	shalt  }
0x55: {  	_ =	shalt  }
0x56: {  	_ =	shalt  }
0x57: {  	_ =	shalt  }
0x58: {  	_ =	shalt  }
0x59: {  	_ =	shalt  }
0x5a: {  	_ =	shalt  }
0x5b: {  	_ =	shalt  }
0x5c: {  	_ =	shalt  }
0x5d: {  	_ =	shalt  }
0x5e: {  	_ =	shalt  }
0x5f: {  	_ =	shalt  }
0x60: {  	_ =	shalt  }
0x61: {  	_ =	shalt  }
0x62: {  	_ =	shalt  }
0x63: {  	_ =	shalt  }
0x64: {  	_ =	shalt  }
0x65: {  	_ =	shalt  }
0x66: {  	_ =	shalt  }
0x67: {  	_ =	shalt  }
0x68: {  	_ =	shalt  }
0x69: {  	_ =	shalt  }
0x6a: {  	_ =	shalt  }
0x6b: {  	_ =	shalt  }
0x6c: {  	_ =	shalt  }
0x6d: {  	_ =	shalt  }
0x6e: {  	_ =	shalt  }
0x6f: {  	_ =	shalt  }
0x70: {  	_ =	shalt  }
0x71: {  	_ =	shalt  }
0x72: {  	_ =	shalt  }
0x73: {  	_ =	shalt  }
0x74: {  	_ =	shalt  }
0x75: {  	_ =	shalt  }
0x76: {  	_ =	shalt  }
0x77: {  	_ =	shalt  }
0x78: {  	_ =	shalt  }
0x79: {  	_ =	shalt  }
0x7a: {  	_ =	shalt  }
0x7b: {  	_ =	shalt  }
0x7c: {  	_ =	shalt  }
0x7d: {  	_ =	shalt  }
0x7e: {  	_ =	shalt  }
0x7f: {  	_ =	shalt  }
0x80: {  	_ =	shalt  }
0x81: {  	_ =	shalt  }
0x82: {  	_ =	shalt  }
0x83: {  	_ =	shalt  }
0x84: {  	_ =	shalt  }
0x85: {  	_ =	shalt  }
0x86: {  	_ =	shalt  }
0x87: {  	_ =	shalt  }
.Lfunc_end0:
.L_simem_size_0:
called_computation_lowered:
.L_overlay_start_0:
0x88: {  	s2 =	sld [smem:$0x3FD9]  }
0x89: {  	s3 =	sld [smem:$0x3FFE];
	_ =	sdelay $0x1  }
0x8a: {  	s1 =	srdreg.scid  }
0x8b: {  	s0 =	sand.u32 $0x1, s1  }
0x8c: {  	s17 =	sshll.u32 s0, $0xA;
	s2 =	sadd.s32 s3, s2  }
0x8d: {  	s2 =	sadd.s32 s2, s17  }
0x8e: {  	[smem:$0x3FC7] =	sst s2  }
0x8f: {  	_ = 	snop  }
0x90: {  	s18 =	sld [smem:$0x3FD0];
	(tm) =	ssettm $0x1  }
0x91: {  	s19 =	sld [smem:$0x3FFB];
	_ =	sdelay $0x3  }
0x92: {  	_ =	strace s19  }
0x93: {  	s2 =	sld [smem:$0x3FFC];
	_ =	sdelay $0x3  }
0x94: {  	_ =	strace s2  }
0x95: {  	s2 =	sld [smem:$0x3FFD];
	_ =	sdelay $0x3  }
0x96: {  	_ =	strace s2  }
0x97: {  	_ =	strace $0x8FFFFFFF  }
0x98: {  	s20 =	sld [smem:$0x3FDB];
	_ =	sdelay $0x1  }
0x99: {  	s4 =	simm.s32 $_scs_section_size  }
0x9a: {  	s5 =	simm.s32 $_size__tile_overlayer_lowered;
	s6 =	simm.s32 $_tile_overlayer_lowered  }
0x9b: {  	s7 =	simm.s32 $0x1BFF;
	s21 =	sshll.u32 s6, $0x1;
	s4 =	sadd.s32 s4, s20  }
0x9c: {  	s22 =	simm.s32 $0x0;
	s5 =	sshll.u32 s5, $0x1;
	s6 =	sadd.s32 s21, s4  }
0x9d: {  	[timem:s22], [sflag:s7] =	dma.local [hbm:s6], s5  }
0x9e: {  	_ =	swait.ge [sflag:s7], s5  }
0x9f: {  	s5 =	ssub.s32 $0x0, s5;
	[sflag:s7] =	ssyncset.done $0x0  }
0xa0: {  	[sflag:s7] =	ssyncadd.s32 s5;
	_ =	sdelay $0x1  }
0xa1: {  	s23 =	simm.s32 $0x1B8B  }
0xa2: {  	_ =	swait.ge [sflag:s23], $0x1  }
0xa3: {  	[sflag:s23] =	ssyncset.done $0x0  }
0xa4: {  	[sflag:s23] =	ssyncadd.s32 $0xFFFFFFFF  }
0xa5: {  	s5 =	sld [smem:$0x0]  }
0xa6: {  	s6 =	sand.u32 $0xFFFFFFFE, s1  }
0xa7: {  	p0 =	sne.s32 s1, s6  }
0xa8: {  	s6 =	sshll.u32 @p0 s6, $0xE  }
0xa9: {  	s6 =	sadd.s32 @p0 $0x11B8D, s6;
	s7 =	sshll.u32 @p0 s5, $0x11  }
0xaa: {  	s6 =	sor.u32 @p0 s7, s6  }
0xab: {  	[sflag:s6] =	ssyncadd.remote.s32 @p0 $0x1;
	_ =	sdelay $0x1  }
0xac: {  	s6 =	simm.s32 @p0 $0x1B8D  }
0xad: {  	_ =	swait.eq @p0 [sflag:s6], $0x1  }
0xae: {  	[sflag:s6] =	ssyncadd.s32 @p0 $0xFFFFFFFF  }
0xaf: {  	s7 =	sshll.u32 @!p0 s1, $0xE  }
0xb0: {  	s7 =	sor.u32 @!p0 $0x4000, s7;
	s6 =	simm.s32 @!p0 $0x1B8D  }
0xb1: {  	s5 =	sshll.u32 @!p0 s5, $0x11;
	s7 =	sadd.s32 @!p0 $0x11B8D, s7;
	_ =	swait.eq @!p0 [sflag:s6], $0x1  }
0xb2: {  	s5 =	sor.u32 @!p0 s5, s7;
	[sflag:s6] =	ssyncadd.s32 @!p0 $0xFFFFFFFF  }
0xb3: {  	s25 =	simm.s32 $0x1B8E;
	s24 =	sld [smem:$0x3FFE];
	[sflag:s5] =	ssyncadd.remote.s32 @!p0 $0x1  }
0xb4: {  	s26 =	simm.s32 $execute0_lowered;
	[smem:$0x3FD2] =	sst s25  }
0xb5: {  	s6 =	sshll.u32 s26, $0x1;
	_ =	strace $0x80000049;
	[dreg:$0x1] =	wrdreg $0xFFFFFFFF  }
0xb6: {  	s28 =	simm.s32 $_size_execute0_lowered;
	s4 =	sadd.s32 s4, s6;
	[dreg:$0x0] =	wrdreg $0x0  }
0xb7: {  	s6 =	sshll.u32 s28, $0x1;
	[dreg:$0x2] =	wrdreg s4  }
0xb8: {  	[dreg:$0x3] =	wrdreg s6  }
0xb9: {  	[dreg:$0x4] =	wrdreg $0xC0  }
0xba: {  	_ =	task [dreg:s22], $0x5FFFF  }
0xbb: {  	[dreg:$0x1] =	wrdreg $0xFFFFFFFF  }
0xbc: {  	[dreg:$0x0] =	wrdreg $0x60  }
0xbd: {  	[dreg:$0x2] =	wrdreg s24  }
0xbe: {  	[dreg:$0x3] =	wrdreg s18  }
0xbf: {  	[dreg:$0x4] =	wrdreg $0x9  }
0xc0: {  	_ =	task.clear_ibuf [dreg:s22], $0x5FFFF;
	_ =	strace $0x90000049  }
0xc1: {  	s29 =	simm.s32 $0x9;
	_ =	strace $0x8000004B  }
0xc2: {  	_ =	swait.ge [sflag:s29], $0x1  }
0xc3: {  	[sflag:s29] =	ssyncadd.s32 $0xFFFFFFFF  }
0xc4: {  	_ =	strace $0x9000004B  }
0xc5: {  	_ =	sfence  }
0xc6: {  	s30 =	sld [smem:$0x0];
	_ =	sdelay $0x2  }
0xc7: {  	s31 =	sshll.u32 s1, $0xD;
	s1 =	sshrl.u32 s1, $0x2  }
0xc8: {  	s4 =	sand.u32 $0x4000, s31;
	s1 =	sadd.s32 s1, s30  }
0xc9: {  	s0 =	sor.u32 s4, s0;
	s1 =	sshll.u32 s1, $0x11  }
0xca: {  	s0 =	sor.u32 s1, s0  }
0xcb: {  	s0 =	sadd.s32 $0x8F2B, s0  }
0xcc: {  	[sflag:s0] =	ssyncadd.remote.s32 $0x1  }
0xcd: {  	_ =	sfence.sel $0xFFFF  }
0xce: {  	[dreg:$0x0] =	wrdreg $0xFFFFFFFF;
	(pc) =	sbr.abs _section_cstart, $3  }
0xcf: {  	[dreg:$0x1] =	wrdreg $0xFFFFFFFF  }
0xd0: {  	_ =	task.clear_ibuf [dreg:s22], $0x2FFFF;
	_ =	strace $0x9FFFFFFF  }
0xd1: {  	(tm) =	ssettm $0x7FFFFFFF  }
tec
execute0_lowered:
.L_overlay_start_1:
0x0: {  	(tag) =	ssettag $0x1  }
0x1: {  	v0 =	vimm.s32 $0x63422184;
	v1 =	vimm.s32 $0xE7C6A500  }
0x2: {  	v2 =	vimm.s32 $0x1EF;
	vm7 =	vcmask $0x300;
	vm0 =	vcmask $0x1304  }
0x3: {  	vm13 =	vcmask $0x1F14;
	vm6 =	vcmask $0x2320;
	vm5 =	vcmask $0x2724  }
0x4: {  	vm4 =	vcmask $0x2B28;
	vm3 =	vcmask $0x2F2C;
	vm2 =	vcmask $0x3330  }
0x5: {  	v6 =	vimm.s32 $0x63F;
	vm8 =	vcmask $0x704;
	vm9 =	vcmask $0xB08  }
0x6: {  	vm1 =	vcmask $0x3B38;
	vm10 =	vcmask $0xF0C;
	vm11 =	vcmask $0x1310  }
0x7: {  	v7 =	vimm.s32 $0xA8F;
	v8 =	vimm.s32 $0xEDF;
	vm12 =	vcmask $0x1714  }
0x8: {  	vm14 =	vcmask $0x1B18;
	vm15 =	vcmask $0x1F1C;
	v0 =	vunpack.c.0.s8.s32 v0  }
0x9: {  	v1 =	vunpack.c.0.s8.s32 v1;
	v2 =	vsel vm7, $0x440, v2;
	v6 =	vsel vm7, $0x890, v6  }
0xa: {  	v7 =	vsel vm7, $0xCE0, v7;
	v8 =	vsel vm7, $0x1130, v8;
	v6 =	vsel vm8, $0x471, v6  }
0xb: {  	v7 =	vsel vm8, $0x8C1, v7;
	v8 =	vsel vm8, $0xD11, v8;
	v0 =	vand.u32 $0xFF, v0  }
0xc: {  	v1 =	vand.u32 $0xFF, v1;
	v6 =	vsel vm9, $0x492, v6;
	v7 =	vsel vm9, $0x8E2, v7  }
0xd: {  	v8 =	vsel vm9, $0xD32, v8;
	v0 =	vsel vm0, v0, v2;
	vm0 =	vcmask $0x3734  }
0xe: {  	v6 =	vsel vm10, $0x4B3, v6;
	v7 =	vsel vm10, $0x903, v7;
	v8 =	vsel vm10, $0xD53, v8  }
0xf: {  	v1 =	vsel vm13, v1, v0;
	v0 =	vimm.f32 $0.0e+00;
	v6 =	vsel vm11, $0x4D4, v6  }
0x10: {  	v7 =	vsel vm11, $0x924, v7;
	v8 =	vsel vm11, $0xD74, v8;
	v2 =	vsel vm6, $0x108, v1  }
0x11: {  	v1 =	vimm.f32 $1.000000000e+00;
	v6 =	vsel vm12, $0x4F5, v6;
	v7 =	vsel vm12, $0x945, v7  }
0x12: {  	v8 =	vsel vm12, $0xD95, v8;
	v3 =	vsel vm5, $0x129, v2;
	v2 =	vlaneseq.u32  }
0x13: {  	v6 =	vsel vm14, $0x516, v6;
	v7 =	vsel vm14, $0x966, v7;
	v8 =	vsel vm14, $0xDB6, v8  }
0x14: {  	v4 =	vsel vm4, $0x14A, v3;
	v3 =	vmul.u32 $0xFFFFFFFF, v2;
	v6 =	vsel vm15, $0x537, v6  }
0x15: {  	v7 =	vsel vm15, $0x987, v7;
	v8 =	vsel vm15, $0xDD7, v8;
	v5 =	vsel vm3, $0x16B, v4  }
0x16: {  	v4 =	vimm.s32 $0x0;
	v6 =	vsel vm6, $0x558, v6;
	v7 =	vsel vm6, $0x9A8, v7  }
0x17: {  	s3 =	rddreg [dreg:$0x0];
	v8 =	vsel vm6, $0xDF8, v8;
	v5 =	vsel vm2, $0x18C, v5;
	v6 =	vsel vm5, $0x579, v6  }
0x18: {  	s5 =	rddreg [dreg:$0x1];
	s1 =	srdreg.scid;
	v7 =	vsel vm5, $0x9C9, v7;
	v8 =	vsel vm5, $0xE19, v8;
	v6 =	vsel vm4, $0x59A, v6  }
0x19: {  	s0 =	stileid.u32;
	s2 =	simm.s32 $0x0;
	s11 =	simm.s32 $0xF580;
	v5 =	vsel vm0, $0x1AD, v5;
	v7 =	vsel vm4, $0x9EA, v7;
	v6 =	vsel vm3, $0x5BB, v6  }
0x1a: {  	s12 =	simm.s32 $0x10700;
	s13 =	simm.s32 $0x0;
	s4 =	sand.u32 $0x1, s1;
	v8 =	vsel vm4, $0xE3A, v8;
	v5 =	vsel vm1, $0x1CE, v5;
	v6 =	vsel vm2, $0x5DC, v6  }
0x1b: {  	s6 =	sshrl.u32 s0, $0x2;
	s30 =	sshll.u32 s0, $0x8;
	s1 =	rddreg [dreg:$0x2];
	v9 =	vsel vm0, $0x5FD, v6;
	v6 =	vsel vm3, $0xA0B, v7;
	v7 =	vsel vm3, $0xE5B, v8  }
0x1c: {  	[smem:$0x7FF] =	sst s2;
	s8 =	sand.u32 $0x300, s30;
	s9 =	smul.u32 $0x72000, s6;
	v8 =	vsel vm2, $0xA2C, v6;
	v10 =	vsel vm2, $0xE7C, v7;
	v6 =	vmul.u32 $0x21, v2  }
0x1d: {  	s7 =	sshll.u32 s4, $0x7;
	s31 =	smul.u32 $0x8C00, s6;
	_ =	strace $0x8000004A;
	v7 =	vsel vm1, $0x61E, v9;
	v8 =	vsel vm0, $0xA4D, v8;
	v9 =	vsel vm0, $0xE9D, v10  }
0x1e: {  	s4 =	ssub.s32 $0x2, s4;
	s6 =	sshll.u32 s6, $0xA;
	s7 =	sor.u32 s7, s8;
	v8 =	vsel vm1, $0xA6E, v8;
	v9 =	vsel vm1, $0xEBE, v9;
	v10 =	vadd.s32 $0x1, v6  }
0x1f: {  	s10 =	sshrl.u32 s4, $0x1;
	s8 =	sor.u32 s9, s7;
	s9 =	sor.u32 s31, s7;
	v11 =	vadd.s32 $0x2, v6;
	v12 =	vadd.s32 $0x3, v6;
	v13 =	vadd.s32 $0x4, v6  }
0x20: {  	s10 =	ssub.s32 s4, s10;
	s6 =	sor.u32 s6, s7;
	s7 =	simm.s32 $0x80;
	v14 =	vadd.s32 $0x5, v6;
	v15 =	vadd.s32 $0x6, v6;
	v16 =	vadd.s32 $0x7, v6  }
0x21: {  	s8 =	sshrl.u32 s8, $0x3;
	s9 =	sshrl.u32 s9, $0x3;
	s6 =	sshrl.u32 s6, $0x3;
	v17 =	vadd.s32 $0x8, v6;
	v18 =	vadd.s32 $0x9, v6;
	v19 =	vadd.s32 $0xA, v6  }
0x22: {  	s8 =	sadd.s32 s8, s3;
	s9 =	sadd.s32 s9, s3;
	s5 =	sadd.s32 s5, s6;
	v20 =	vadd.s32 $0xB, v6;
	v21 =	vadd.s32 $0xC, v6;
	v22 =	vadd.s32 $0xD, v6  }
0x23: {  	s6 =	smax.u32 s10, $0x1;
	s10 =	simm.s32 $0xE400;
	s3 =	sadd.s32 $0x2000, s8;
	v23 =	vadd.s32 $0xE, v6;
	v24 =	vadd.s32 $0xF, v6;
	v25 =	vadd.s32 $0x10, v6  }
0x24: {  	s4 =	sadd.s32 $0x3B000, s9;
	s8 =	simm.s32 $0x400;
	s9 =	simm.s32 $0x1;
	v26 =	vadd.s32 $0x11, v6;
	v27 =	vadd.s32 $0x12, v6;
	v28 =	vadd.s32 $0x13, v6  }
.LBB2_1:
0x25: {  	[tilespmem:s2], [sflag:$0x1] =	stream.strided.gather [hbm4b:s3+s7], $0xE400, s8, s7, $0x38;
	[tilespmem:$0x10780] =	vst v63  }
0x26: {  	_ =	swait.ge [sflag:s9], $0xE400  }
0x27: {  	[sflag:s9] =	ssyncset.done $0x0  }
0x28: {  	[sflag:s9] =	ssyncadd.s32 $0xFFFF1C00  }
0x29: {  	s15 =	simm.s32 $0x0;
	s14 =	simm.s32 $0x12F;
	s16 =	simm.s32 $0xE400;
	[tilespmem:s10+$0x0] =	vst v0  }
.LBB2_2:
0x2a: {  	s15 =	sadd.s32 $0x10, s15  }
0x2b: {  	s16 =	sadd.s32 $0x10, s16;
	p0 =	slt.u32 s15, $0x1130  }
.Ltmp0:
0x2c: {  	[tilespmem:s16+$0x0] =	vst v0;
	(pc) =	sbr.rel @p0 .LBB2_2-.Ltmp0, $1  }
0x2d: {  	_ =	sdelay $0x3  }
0x2e: {  	v29 =	vld [tilespmem:s14+$0xFFFFFF41]  }
0x2f: {  	v30 =	vld [tilespmem:s14+$0x71]  }
0x30: {  	v31 =	vld [tilespmem:s14+$0xFFFFFEE1]  }
0x31: {  	v32 =	vld [tilespmem:s14+$0xFFFFFEF1]  }
0x32: {  	v34 =	vld [tilespmem:s14+$0xFFFFFF11]  }
0x33: {  	v35 =	vld [tilespmem:s14+$0xFFFFFED1]  }
0x34: {  	v36 =	vld [tilespmem:s14+$0x1]  }
0x35: {  	v37 =	vld [tilespmem:s14+$0x11]  }
0x36: {  	v38 =	vld [tilespmem:s14+$0x21]  }
0x37: {  	v40 =	vld [tilespmem:s14+$0xFFFFFF31];
	v33 =	vmul.u32 $0x21, v29  }
0x38: {  	v29 =	vld [tilespmem:s14+$0xFFFFFF01]  }
0x39: {  	v41 =	vld [tilespmem:s14+$0x31];
	v35 =	vmul.u32 $0x21, v35;
	v30 =	vadd.s32 v30, v33  }
0x3a: {  	v39 =	vmul.u32 $0x21, v31;
	v31 =	vld [tilespmem:s14+$0xFFFFFF21]  }
0x3b: {  	v42 =	vld [tilespmem:s14+$0x41];
	v36 =	vadd.s32 v36, v35  }
0x3c: {  	v43 =	vld [tilespmem:s14+$0x51];
	v32 =	vmul.u32 $0x21, v32  }
0x3d: {  	v45 =	vld [tilespmem:s14+$0x61];
	v37 =	vadd.s32 v37, v39;
	v44 =	vmul.u32 $0x21, v29  }
0x3e: {  	v38 =	vadd.s32 v38, v32;
	[tilespmem:v30+s10+$0x0] =	vst.idx.add.f32.msk $0xffff, v1  }
0x3f: {  	v29 =	vmul.u32 $0x21, v31;
	v31 =	vadd.s32 v41, v44;
	v30 =	vld [tilespmem:s14+$0x72]  }
0x40: {  	[tilespmem:v36+s10+$0x0] =	vst.idx.add.f32.msk $0xffff, v1  }
0x41: {  	v63 =	vld [tilespmem:s14+$0x2]  }
0x42: {  	[tilespmem:v37+s10+$0x0] =	vst.idx.add.f32.msk $0xffff, v1;
	v62 =	vadd.s32 v43, v29  }
0x43: {  	[tilespmem:v38+s10+$0x0] =	vst.idx.add.f32.msk $0xffff, v1  }
0x44: {  	[tilespmem:v31+s10+$0x0] =	vst.idx.add.f32.msk $0xffff, v1;
	v31 =	vmul.u32 $0x21, v40;
	v30 =	vadd.s32 v30, v33  }
0x45: {  	v50 =	vld [tilespmem:s14+$0x22];
	v46 =	vadd.s32 $0x450, v30  }
0x46: {  	v49 =	vld [tilespmem:s14+$0x12];
	v37 =	vadd.s32 v63, v35;
	v48 =	vadd.s32 v45, v31  }
0x47: {  	[tilespmem:v62+s10+$0x0] =	vst.idx.add.f32.msk $0xffff, v1;
	v37 =	vadd.s32 $0x450, v37  }
0x48: {  	v51 =	vld [tilespmem:s14+$0x32]  }
0x49: {  	v53 =	vld [tilespmem:s14+$0x52]  }
0x4a: {  	v40 =	vadd.s32 v50, v32;
	v30 =	vmul.u32 $0x21, v34;
	[tilespmem:v46+s10+$0x0] =	vst.idx.add.f32.msk $0xffff, v1  }
0x4b: {  	v56 =	vadd.s32 $0x450, v40;
	[tilespmem:v48+s10+$0x0] =	vst.idx.add.f32.msk $0xffff, v1  }
0x4c: {  	v34 =	vadd.s32 v42, v30;
	[tilespmem:v37+s10+$0x0] =	vst.idx.add.f32.msk $0xffff, v1  }
0x4d: {  	v47 =	vld [tilespmem:s14+$0xFFFFFF42]  }
0x4e: {  	v57 =	vadd.s32 v51, v44;
	v55 =	vld [tilespmem:s14+$0x62]  }
0x4f: {  	v40 =	vadd.s32 $0x450, v57;
	v61 =	vld [tilespmem:s14+$0xFFFFFED2]  }
0x50: {  	v54 =	vadd.s32 v49, v39;
	[tilespmem:v56+s10+$0x0] =	vst.idx.add.f32.msk $0xffff, v1  }
0x51: {  	[tilespmem:v34+s10+$0x0] =	vst.idx.add.f32.msk $0xffff, v1;
	v34 =	vadd.s32 $0x450, v54  }
0x52: {  	v52 =	vld [tilespmem:s14+$0x42];
	v38 =	vadd.s32 v47, v33  }
0x53: {  	v45 =	vld [tilespmem:s14+$0xFFFFFEF2];
	v36 =	vadd.s32 v55, v31;
	v38 =	vadd.s32 $0x8A0, v38  }
0x54: {  	[tilespmem:v40+s10+$0x0] =	vst.idx.add.f32.msk $0xffff, v1;
	v46 =	vadd.s32 v61, v35;
	v62 =	vadd.s32 $0x450, v36  }
0x55: {  	v47 =	vld [tilespmem:s14+$0xFFFFFF02];
	v37 =	vadd.s32 $0x8A0, v46  }
0x56: {  	[tilespmem:v34+s10+$0x0] =	vst.idx.add.f32.msk $0xffff, v1  }
0x57: {  	v42 =	vadd.s32 v52, v30;
	v63 =	vld [tilespmem:s14+$0xFFFFFEE2]  }
0x58: {  	v60 =	vadd.s32 v53, v29;
	v59 =	vadd.s32 $0x450, v42;
	[tilespmem:v38+s10+$0x0] =	vst.idx.add.f32.msk $0xffff, v1  }
0x59: {  	v42 =	vadd.s32 $0x450, v60;
	[tilespmem:v62+s10+$0x0] =	vst.idx.add.f32.msk $0xffff, v1  }
0x5a: {  	[tilespmem:v37+s10+$0x0] =	vst.idx.add.f32.msk $0xffff, v1  }
0x5b: {  	v58 =	vld [tilespmem:s14+$0x70]  }
0x5c: {  	v34 =	vadd.s32 v45, v32;
	v50 =	vld [tilespmem:s14+$0xFFFFFF32]  }
0x5d: {  	v51 =	vadd.s32 $0x8A0, v34;
	[tilespmem:v59+s10+$0x0] =	vst.idx.add.f32.msk $0xffff, v1  }
0x5e: {  	v36 =	vadd.s32 v63, v39;
	[tilespmem:v42+s10+$0x0] =	vst.idx.add.f32.msk $0xffff, v1  }
0x5f: {  	v36 =	vadd.s32 $0x8A0, v36;
	v48 =	vld [tilespmem:s14+$0xFFFFFF12]  }
0x60: {  	v52 =	vadd.s32 v47, v44;
	v49 =	vld [tilespmem:s14+$0xFFFFFF22]  }
0x61: {  	v34 =	vadd.s32 $0x8A0, v52;
	v54 =	vld [tilespmem:s14+$0x0]  }
0x62: {  	[tilespmem:v51+s10+$0x0] =	vst.idx.add.f32.msk $0xffff, v1;
	v33 =	vadd.s32 v58, v33  }
0x63: {  	v61 =	vld [tilespmem:s14+$0x20];
	v57 =	vadd.s32 v50, v31;
	v33 =	vadd.s32 $0xCF0, v33  }
0x64: {  	[tilespmem:v36+s10+$0x0] =	vst.idx.add.f32.msk $0xffff, v1;
	v40 =	vadd.s32 $0x8A0, v57;
	v53 =	vadd.s32 v48, v30  }
0x65: {  	v55 =	vadd.s32 v49, v29;
	v58 =	vld [tilespmem:s14+$0x10];
	v37 =	vadd.s32 $0x8A0, v53  }
0x66: {  	[tilespmem:v34+s10+$0x0] =	vst.idx.add.f32.msk $0xffff, v1;
	v56 =	vadd.s32 $0x8A0, v55  }
0x67: {  	v63 =	vld [tilespmem:s14+$0x30]  }
0x68: {  	[tilespmem:v33+s10+$0x0] =	vst.idx.add.f32.msk $0xffff, v1  }
0x69: {  	v59 =	vadd.s32 v54, v35;
	[tilespmem:v40+s10+$0x0] =	vst.idx.add.f32.msk $0xffff, v1  }
0x6a: {  	v33 =	vadd.s32 $0xCF0, v59;
	v60 =	vadd.s32 v58, v39;
	[tilespmem:v37+s10+$0x0] =	vst.idx.add.f32.msk $0xffff, v1  }
0x6b: {  	[tilespmem:v56+s10+$0x0] =	vst.idx.add.f32.msk $0xffff, v1;
	v62 =	vadd.s32 $0xCF0, v60  }
0x6c: {  	v36 =	vld [tilespmem:s14+$0x40]  }
0x6d: {  	v35 =	vld [tilespmem:s14+$0x50]  }
0x6e: {  	v34 =	vld [tilespmem:s14+$0x60]  }
0x6f: {  	s16 =	simm.s32 $0x0;
	v32 =	vadd.s32 v61, v32;
	[tilespmem:v33+s10+$0x0] =	vst.idx.add.f32.msk $0xffff, v1  }
0x70: {  	s15 =	simm.s32 $0xE2B1;
	s17 =	simm.s32 $0x1AF;
	v38 =	vadd.s32 $0xCF0, v32;
	v32 =	vadd.s32 v63, v44;
	s14 =	simm.s32 $0xE170;
	[tilespmem:v62+s10+$0x0] =	vst.idx.add.f32.msk $0xffff, v1  }
.LBB2_4:
0x71: {  	v33 =	vld [tilespmem:s17+$0xFFFFFF41];
	s16 =	sadd.s32 $0x80, s16;
	v39 =	vadd.s32 $0xCF0, v32;
	v30 =	vadd.s32 v36, v30  }
0x72: {  	v32 =	vld [tilespmem:s17+$0xFFFFFEE1];
	p0 =	slt.u32 s16, $0xE100;
	v40 =	vadd.s32 $0xCF0, v30;
	v29 =	vadd.s32 v35, v29  }
0x73: {  	v30 =	vld [tilespmem:s17+$0x71];
	v35 =	vadd.s32 $0xCF0, v29;
	v29 =	vadd.s32 v34, v31  }
0x74: {  	v31 =	vld [tilespmem:s17+$0xFFFFFEF1];
	v36 =	vadd.s32 $0xCF0, v29  }
0x75: {  	v29 =	vld [tilespmem:s17+$0xFFFFFF01]  }
0x76: {  	v37 =	vld [tilespmem:s17+$0xFFFFFF11];
	v41 =	vmul.u32 $0x21, v33  }
0x77: {  	v34 =	vmul.u32 $0x21, v32;
	v42 =	vld [tilespmem:s17+$0xFFFFFF21]  }
0x78: {  	v43 =	vld [tilespmem:s17+$0xFFFFFF31];
	v44 =	vadd.s32 v30, v41  }
0x79: {  	v45 =	vld [tilespmem:s17+$0xFFFFFED1];
	v33 =	vmul.u32 $0x21, v31  }
0x7a: {  	v46 =	vld [tilespmem:s17+$0x1];
	v32 =	vmul.u32 $0x21, v29  }
0x7b: {  	v47 =	vld [tilespmem:s17+$0x11];
	v30 =	vmul.u32 $0x21, v37  }
0x7c: {  	v48 =	vld [tilespmem:s17+$0x21];
	v29 =	vmul.u32 $0x21, v42  }
0x7d: {  	v31 =	vmul.u32 $0x21, v43;
	[tilespmem:v44+s10+$0x0] =	vst.idx.add.f32.msk $0xffff, v1  }
0x7e: {  	v37 =	vmul.u32 $0x21, v45;
	v42 =	vld [tilespmem:s17+$0x72]  }
0x7f: {  	v43 =	vld [tilespmem:s17+$0x31]  }
0x80: {  	v44 =	vadd.s32 v46, v37;
	v45 =	vadd.s32 v47, v34;
	v46 =	vld [tilespmem:s17+$0x41]  }
0x81: {  	v47 =	vadd.s32 v48, v33;
	v48 =	vld [tilespmem:s17+$0x51]  }
0x82: {  	v49 =	vld [tilespmem:s17+$0x61]  }
0x83: {  	v42 =	vadd.s32 v42, v41;
	[tilespmem:v38+s10+$0x0] =	vst.idx.add.f32.msk $0xffff, v1  }
0x84: {  	v38 =	vadd.s32 v43, v32;
	v42 =	vadd.s32 $0x450, v42;
	[tilespmem:v39+s10+$0x0] =	vst.idx.add.f32.msk $0xffff, v1  }
0x85: {  	[tilespmem:v44+s10+$0x0] =	vst.idx.add.f32.msk $0xffff, v1;
	v39 =	vadd.s32 v46, v30  }
0x86: {  	[tilespmem:v45+s10+$0x0] =	vst.idx.add.f32.msk $0xffff, v1;
	v43 =	vadd.s32 v48, v29  }
0x87: {  	[tilespmem:v47+s10+$0x0] =	vst.idx.add.f32.msk $0xffff, v1;
	v44 =	vadd.s32 v49, v31  }
0x88: {  	v45 =	vld [tilespmem:s17+$0x2]  }
0x89: {  	[tilespmem:v42+s10+$0x0] =	vst.idx.add.f32.msk $0xffff, v1  }
0x8a: {  	v42 =	vld [tilespmem:s17+$0xFFFFFF42]  }
0x8b: {  	[tilespmem:v38+s10+$0x0] =	vst.idx.add.f32.msk $0xffff, v1  }
0x8c: {  	[tilespmem:v39+s10+$0x0] =	vst.idx.add.f32.msk $0xffff, v1  }
0x8d: {  	v38 =	vadd.s32 v45, v37;
	[tilespmem:v43+s10+$0x0] =	vst.idx.add.f32.msk $0xffff, v1  }
0x8e: {  	v38 =	vadd.s32 $0x450, v38;
	[tilespmem:v44+s10+$0x0] =	vst.idx.add.f32.msk $0xffff, v1  }
0x8f: {  	v39 =	vld [tilespmem:s17+$0x12];
	v42 =	vadd.s32 v42, v41  }
0x90: {  	v43 =	vld [tilespmem:s17+$0x22];
	v42 =	vadd.s32 $0x8A0, v42  }
0x91: {  	v44 =	vld [tilespmem:s17+$0x32]  }
0x92: {  	v45 =	vld [tilespmem:s17+$0x42]  }
0x93: {  	v46 =	vld [tilespmem:s17+$0x52]  }
0x94: {  	v39 =	vadd.s32 v39, v34;
	v47 =	vld [tilespmem:s17+$0x62]  }
0x95: {  	v39 =	vadd.s32 $0x450, v39;
	v43 =	vadd.s32 v43, v33;
	[tilespmem:v42+s10+$0x0] =	vst.idx.add.f32.msk $0xffff, v1  }
0x96: {  	v42 =	vadd.s32 $0x450, v43;
	v43 =	vadd.s32 v44, v32;
	v44 =	vld [tilespmem:s17+$0x70]  }
0x97: {  	[tilespmem:v38+s10+$0x0] =	vst.idx.add.f32.msk $0xffff, v1;
	v38 =	vadd.s32 $0x450, v43;
	v43 =	vadd.s32 v45, v30  }
0x98: {  	v45 =	vld [tilespmem:s17+$0xFFFFFED2];
	v43 =	vadd.s32 $0x450, v43;
	v46 =	vadd.s32 v46, v29  }
0x99: {  	v46 =	vadd.s32 $0x450, v46;
	v47 =	vadd.s32 v47, v31;
	[tilespmem:v40+s10+$0x0] =	vst.idx.add.f32.msk $0xffff, v1  }
0x9a: {  	[tilespmem:v39+s10+$0x0] =	vst.idx.add.f32.msk $0xffff, v1;
	v39 =	vadd.s32 $0x450, v47  }
0x9b: {  	[tilespmem:v42+s10+$0x0] =	vst.idx.add.f32.msk $0xffff, v1;
	v40 =	vadd.s32 v44, v41  }
0x9c: {  	[tilespmem:v38+s10+$0x0] =	vst.idx.add.f32.msk $0xffff, v1;
	v38 =	vadd.s32 $0xCF0, v40  }
0x9d: {  	v40 =	vadd.s32 v45, v37;
	[tilespmem:v43+s10+$0x0] =	vst.idx.add.f32.msk $0xffff, v1  }
0x9e: {  	v40 =	vadd.s32 $0x8A0, v40;
	[tilespmem:v46+s10+$0x0] =	vst.idx.add.f32.msk $0xffff, v1  }
0x9f: {  	[tilespmem:v39+s10+$0x0] =	vst.idx.add.f32.msk $0xffff, v1  }
0xa0: {  	v39 =	vld [tilespmem:s17+$0xFFFFFEE2]  }
0xa1: {  	[tilespmem:v38+s10+$0x0] =	vst.idx.add.f32.msk $0xffff, v1  }
0xa2: {  	v38 =	vld [tilespmem:s17+$0xFFFFFEF2]  }
0xa3: {  	v41 =	vld [tilespmem:s17+$0xFFFFFF02]  }
0xa4: {  	v42 =	vld [tilespmem:s17+$0xFFFFFF12]  }
0xa5: {  	v39 =	vadd.s32 v39, v34;
	v43 =	vld [tilespmem:s17+$0xFFFFFF22]  }
0xa6: {  	v39 =	vadd.s32 $0x8A0, v39;
	v44 =	vld [tilespmem:s17+$0xFFFFFF32]  }
0xa7: {  	[tilespmem:v40+s10+$0x0] =	vst.idx.add.f32.msk $0xffff, v1;
	v38 =	vadd.s32 v38, v33  }
0xa8: {  	v40 =	vld [tilespmem:s17+$0x0];
	v38 =	vadd.s32 $0x8A0, v38;
	v41 =	vadd.s32 v41, v32  }
0xa9: {  	v41 =	vadd.s32 $0x8A0, v41;
	v42 =	vadd.s32 v42, v30;
	[tilespmem:v35+s10+$0x0] =	vst.idx.add.f32.msk $0xffff, v1  }
0xaa: {  	v35 =	vadd.s32 $0x8A0, v42;
	v42 =	vadd.s32 v43, v29;
	[tilespmem:v36+s10+$0x0] =	vst.idx.add.f32.msk $0xffff, v1  }
0xab: {  	[tilespmem:v39+s10+$0x0] =	vst.idx.add.f32.msk $0xffff, v1;
	v36 =	vadd.s32 $0x8A0, v42;
	v39 =	vadd.s32 v44, v31  }
0xac: {  	v42 =	vld [tilespmem:s17+$0x10];
	v39 =	vadd.s32 $0x8A0, v39  }
0xad: {  	v37 =	vadd.s32 v40, v37;
	[tilespmem:v38+s10+$0x0] =	vst.idx.add.f32.msk $0xffff, v1  }
0xae: {  	v37 =	vadd.s32 $0xCF0, v37;
	[tilespmem:v41+s10+$0x0] =	vst.idx.add.f32.msk $0xffff, v1  }
0xaf: {  	[tilespmem:v35+s10+$0x0] =	vst.idx.add.f32.msk $0xffff, v1  }
0xb0: {  	[tilespmem:v36+s10+$0x0] =	vst.idx.add.f32.msk $0xffff, v1  }
0xb1: {  	v34 =	vadd.s32 v42, v34;
	[tilespmem:v39+s10+$0x0] =	vst.idx.add.f32.msk $0xffff, v1  }
0xb2: {  	v38 =	vadd.s32 $0xCF0, v34;
	v39 =	vld [tilespmem:s17+$0x20]  }
0xb3: {  	v40 =	vld [tilespmem:s17+$0x30]  }
.Ltmp1:
0xb4: {  	v36 =	vld [tilespmem:s17+$0x40];
	(pc) =	sbr.rel @p0 .LBB2_4-.Ltmp1, $4  }
0xb5: {  	v35 =	vld [tilespmem:s17+$0x50]  }
0xb6: {  	v34 =	vld [tilespmem:s17+$0x60]  }
0xb7: {  	[tilespmem:v37+s10+$0x0] =	vst.idx.add.f32.msk $0xffff, v1;
	v33 =	vadd.s32 v39, v33  }
0xb8: {  	s17 =	sadd.s32 $0x80, s17;
	[tilespmem:v38+s10+$0x0] =	vst.idx.add.f32.msk $0xffff, v1;
	v38 =	vadd.s32 $0xCF0, v33;
	v32 =	vadd.s32 v40, v32  }
0xb9: {  	v32 =	vadd.s32 $0xCF0, v32;
	v30 =	vadd.s32 v36, v30  }
0xba: {  	v30 =	vadd.s32 $0xCF0, v30;
	v29 =	vadd.s32 v35, v29  }
0xbb: {  	v29 =	vadd.s32 $0xCF0, v29;
	v31 =	vadd.s32 v34, v31  }
0xbc: {  	v31 =	vadd.s32 $0xCF0, v31  }
0xbd: {  	[tilespmem:v38+s10+$0x0] =	vst.idx.add.f32.msk $0xffff, v1  }
0xbe: {  	[tilespmem:v32+s10+$0x0] =	vst.idx.add.f32.msk $0xffff, v1  }
0xbf: {  	[tilespmem:v30+s10+$0x0] =	vst.idx.add.f32.msk $0xffff, v1  }
0xc0: {  	[tilespmem:v29+s10+$0x0] =	vst.idx.add.f32.msk $0xffff, v1  }
0xc1: {  	[tilespmem:v31+s10+$0x0] =	vst.idx.add.f32.msk $0xffff, v1  }
.LBB2_6:
0xc2: {  	v29 =	vld [tilespmem:s15+$0xFFFFFECF];
	_ =	sdelay $0x1  }
0xc3: {  	v30 =	vld [tilespmem:s15+$0xFFFFFFFF];
	_ =	sdelay $0x2  }
0xc4: {  	v29 =	vmul.u32 $0x21, v29;
	_ =	sdelay $0x1  }
0xc5: {  	v30 =	vadd.s32 v30, v29;
	_ =	sdelay $0x4  }
0xc6: {  	[tilespmem:v30+s10+$0x0] =	vst.idx.add.f32.msk $0xffff, v1  }
0xc7: {  	v30 =	vld [tilespmem:s15+$0x0];
	_ =	sdelay $0x4  }
0xc8: {  	v30 =	vadd.s32 v30, v29  }
0xc9: {  	v30 =	vadd.s32 $0x450, v30;
	_ =	sdelay $0x4  }
0xca: {  	[tilespmem:v30+s10+$0x0] =	vst.idx.add.f32.msk $0xffff, v1  }
0xcb: {  	v30 =	vld [tilespmem:s15+$0xFFFFFED0];
	_ =	sdelay $0x4  }
0xcc: {  	v30 =	vadd.s32 v30, v29  }
0xcd: {  	v30 =	vadd.s32 $0x8A0, v30;
	_ =	sdelay $0x4  }
0xce: {  	[tilespmem:v30+s10+$0x0] =	vst.idx.add.f32.msk $0xffff, v1  }
0xcf: {  	v30 =	vld [tilespmem:s15+$0xFFFFFFFE];
	_ =	sdelay $0x4  }
0xd0: {  	s14 =	sadd.s32 $0x10, s14;
	v29 =	vadd.s32 v30, v29  }
0xd1: {  	p0 =	slt.u32 s14, $0xE190;
	v29 =	vadd.s32 $0xCF0, v29  }
.Ltmp2:
0xd2: {  	_ = 	snop;
	(pc) =	sbr.rel @p0 .LBB2_6-.Ltmp2, $3  }
0xd3: {  	_ =	sdelay $0x1  }
0xd4: {  	s18 =	simm.s32 $0x0  }
0xd5: {  	s17 =	simm.s32 $0xE410;
	s16 =	simm.s32 $0xF590;
	s15 =	sadd.s32 $0x10, s15;
	[tilespmem:v29+s10+$0x0] =	vst.idx.add.f32.msk $0xffff, v1  }
0xd6: {  	v29 =	vor.u32 s18, v2  }
0xd7: {  	v30 =	vmulhi.u32 $0x3E0F83E1, v29;
	_ =	sdelay $0x1  }
0xd8: {  	v30 =	vshrl.u32 v30, $0x3  }
0xd9: {  	v32 =	vmov s18;
	v33 =	vmul.u32 $0xFFFFFFDF, v30  }
0xda: {  	s14 =	simm.s32 $0x10;
	v35 =	vsub.s32 v3, v32  }
0xdb: {  	v31 =	vor.u32 s14, v2;
	vm0 =	veq.s32 v32, v2;
	vm1 =	vne.s32 v33, v35  }
0xdc: {  	s29 =	simm.s32 $0x20;
	v34 =	vmulhi.u32 $0x3E0F83E1, v31;
	vm0 =	vmand vm0, vm1  }
0xdd: {  	s15 =	simm.s32 $0x30;
	v49 =	vor.u32 s29, v2;
	v48 =	vsel vm0, $0xFFFFFFFF, v4  }
0xde: {  	v36 =	vor.u32 s15, v2;
	v47 =	vshrl.u32 v34, $0x3;
	v30 =	vadd.s32 v48, v30  }
0xdf: {  	v51 =	vmulhi.u32 $0x3E0F83E1, v49;
	v34 =	vmul.u32 $0xFFFFFFDF, v47;
	v50 =	vmul.u32 $0xFFFFFFDF, v30  }
0xe0: {  	v52 =	vmov s29;
	v37 =	vmulhi.u32 $0x3E0F83E1, v36  }
0xe1: {  	v31 =	vadd.s32 v31, v34;
	v34 =	vshrl.u32 v51, $0x3;
	v29 =	vadd.s32 v29, v50  }
0xe2: {  	v31 =	vmul.u32 $0x21, v31;
	v53 =	vmul.u32 $0xFFFFFFDF, v34;
	v29 =	vmul.u32 $0x21, v29  }
0xe3: {  	v38 =	vsub.s32 v3, v52;
	vm10 =	veq.s32 v52, v2;
	v54 =	vshrl.u32 v37, $0x3  }
0xe4: {  	v31 =	vadd.s32 v47, v31;
	vm11 =	vne.s32 v53, v38;
	v29 =	vadd.s32 v30, v29  }
0xe5: {  	vm9 =	vlt.s32 v31, $0x440;
	vm0 =	vmand vm10, vm11;
	vm2 =	vlt.s32 v29, $0x440  }
0xe6: {  	v30 =	vnsel vm9, $0x440, v31;
	v31 =	vnsel vm2, $0x440, v29;
	v29 =	vsel vm0, $0xFFFFFFFF, v4  }
0xe7: {  	s30 =	simm.s32 $0x40;
	v55 =	vmul.u32 $0xFFFFFFDF, v54;
	v34 =	vadd.s32 v29, v34  }
0xe8: {  	s31 =	simm.s32 $0x50;
	v29 =	vor.u32 s30, v2;
	v56 =	vmul.u32 $0xFFFFFFDF, v34  }
0xe9: {  	v60 =	vld [tilespmem:s17+$0xFFFFFFF0];
	v58 =	vor.u32 s31, v2;
	v35 =	vadd.s32 v36, v55;
	v57 =	vmulhi.u32 $0x3E0F83E1, v29  }
0xea: {  	v41 =	vld [tilespmem:s17+$0x0];
	v61 =	vmov s30;
	v35 =	vmul.u32 $0x21, v35;
	v33 =	vadd.s32 v49, v56  }
0xeb: {  	v39 =	vmulhi.u32 $0x3E0F83E1, v58;
	v36 =	vshrl.u32 v57, $0x3;
	v59 =	vld.idx.msk [tilespmem:v31+s10+$0x0], $0xffff;
	v31 =	vmul.u32 $0x21, v33  }
0xec: {  	v42 =	vsub.s32 v3, v61;
	v32 =	vadd.s32 v54, v35;
	v30 =	vld.idx.msk [tilespmem:v30+s10+$0x0], $0xffff;
	v40 =	vmul.u32 $0xFFFFFFDF, v36  }
0xed: {  	vm13 =	veq.s32 v61, v2;
	vm12 =	vlt.s32 v32, $0x440;
	v43 =	vadd.s32 v34, v31  }
0xee: {  	v31 =	vnsel vm12, $0x440, v32;
	vm14 =	vne.s32 v40, v42;
	vm15 =	vlt.s32 v43, $0x440  }
0xef: {  	v34 =	vshrl.u32 v39, $0x3;
	vm0 =	vmand vm13, vm14;
	v32 =	vnsel vm15, $0x440, v43  }
0xf0: {  	v39 =	vmul.u32 $0xFFFFFFDF, v34;
	v62 =	vsel vm0, $0xFFFFFFFF, v4;
	v63 =	vadd.f32 v59, v60  }
0xf1: {  	s14 =	simm.s32 $0x60;
	v30 =	vadd.f32 v30, v41;
	v33 =	vadd.s32 v62, v36  }
0xf2: {  	s18 =	simm.s32 $0x70;
	s15 =	simm.s32 $0x80;
	v35 =	vor.u32 s14, v2;
	v37 =	vadd.s32 v58, v39;
	v36 =	vmul.u32 $0xFFFFFFDF, v33;
	[tilespmem:s16+$0xFFFFFFF0] =	vst v63  }
.LBB2_8:
0xf3: {  	p0 =	slt.u32 s15, $0x420;
	v38 =	vmulhi.u32 $0x3E0F83E1, v35;
	v39 =	vor.u32 s18, v2;
	v37 =	vmul.u32 $0x21, v37;
	v40 =	vld.idx.msk [tilespmem:v31+s10+$0x0], $0xffff;
	[tilespmem:s16+$0x0] =	vst v30  }
0xf4: {  	s17 =	sadd.s32 $0x20, s17;
	v30 =	vmulhi.u32 $0x3E0F83E1, v39;
	v31 =	vadd.s32 v29, v36;
	v36 =	vld.idx.msk [tilespmem:v32+s10+$0x0], $0xffff;
	v29 =	vmov v35  }
0xf5: {  	v35 =	vshrl.u32 v38, $0x3;
	v31 =	vmul.u32 $0x21, v31;
	v32 =	vadd.s32 v34, v37;
	v37 =	vld [tilespmem:s17+$0xFFFFFFF0]  }
0xf6: {  	v34 =	vmov s14;
	s14 =	smov.u32 s15;
	v38 =	vmul.u32 $0xFFFFFFDF, v35;
	vm0 =	vlt.s32 v32, $0x440;
	v41 =	vld [tilespmem:s17+$0x0]  }
0xf7: {  	v42 =	vsub.s32 v3, v34;
	v33 =	vadd.s32 v33, v31;
	v31 =	vnsel vm0, $0x440, v32  }
.Ltmp3:
0xf8: {  	vm0 =	veq.s32 v34, v2;
	vm1 =	vne.s32 v38, v42;
	vm2 =	vlt.s32 v33, $0x440;
	(pc) =	sbr.rel @p0 .LBB2_8-.Ltmp3, $4  }
0xf9: {  	v34 =	vshrl.u32 v30, $0x3;
	vm0 =	vmand vm0, vm1;
	v32 =	vnsel vm2, $0x440, v33  }
0xfa: {  	v38 =	vmul.u32 $0xFFFFFFDF, v34;
	v30 =	vsel vm0, $0xFFFFFFFF, v4;
	v42 =	vadd.f32 v36, v37  }
0xfb: {  	s16 =	sadd.s32 $0x20, s16;
	v33 =	vadd.s32 v30, v35;
	v30 =	vadd.f32 v40, v41  }
0xfc: {  	s15 =	sadd.s32 $0x20, s15;
	s18 =	sadd.s32 $0x10, s14;
	v37 =	vadd.s32 v39, v38;
	v35 =	vor.u32 s14, v2;
	v36 =	vmul.u32 $0xFFFFFFDF, v33;
	[tilespmem:s16+$0xFFFFFFF0] =	vst v42  }
0xfd: {  	v38 =	vmulhi.u32 $0x3E0F83E1, v35;
	_ =	sdelay $0x1  }
0xfe: {  	v38 =	vshrl.u32 v38, $0x3  }
0xff: {  	v39 =	vmov s14;
	v40 =	vmul.u32 $0xFFFFFFDF, v38  }
0x100: {  	v53 =	vor.u32 s18, v2;
	v41 =	vsub.s32 v3, v39  }
0x101: {  	vm0 =	veq.s32 v39, v2;
	v55 =	vmulhi.u32 $0x3E0F83E1, v53;
	vm1 =	vne.s32 v40, v41  }
0x102: {  	vm0 =	vmand vm0, vm1  }
0x103: {  	v29 =	vadd.s32 v29, v36;
	v58 =	vshrl.u32 v55, $0x3;
	v54 =	vsel vm0, $0xFFFFFFFF, v4  }
0x104: {  	v29 =	vmul.u32 $0x21, v29;
	v59 =	vmul.u32 $0xFFFFFFDF, v58;
	v56 =	vadd.s32 v54, v38  }
0x105: {  	v57 =	vmul.u32 $0xFFFFFFDF, v56  }
0x106: {  	v37 =	vmul.u32 $0x21, v37;
	v31 =	vld.idx.msk [tilespmem:v31+s10+$0x0], $0xffff;
	v29 =	vadd.s32 v33, v29;
	v33 =	vadd.s32 v53, v59  }
0x107: {  	v32 =	vld.idx.msk [tilespmem:v32+s10+$0x0], $0xffff;
	s23 =	sadd.s32 $0x20, s17;
	v33 =	vmul.u32 $0x21, v33;
	v60 =	vadd.s32 v35, v57  }
0x108: {  	v61 =	vld [tilespmem:s23+$0xFFFFFFF0];
	v34 =	vadd.s32 v34, v37;
	vm4 =	vlt.s32 v29, $0x440;
	v35 =	vmul.u32 $0x21, v60  }
0x109: {  	v62 =	vld [tilespmem:s23+$0x0];
	s14 =	sadd.s32 $0x20, s23;
	vm15 =	vlt.s32 v34, $0x440;
	v29 =	vnsel vm4, $0x440, v29;
	v33 =	vadd.s32 v58, v33  }
0x10a: {  	s15 =	simm.s32 $0x0;
	v63 =	vld [tilespmem:s14+$0xFFFFFFF0];
	v34 =	vnsel vm15, $0x440, v34;
	vm6 =	vlt.s32 v33, $0x440;
	v35 =	vadd.s32 v56, v35  }
0x10b: {  	v49 =	vor.u32 s15, v2;
	v48 =	vld [tilespmem:s14+$0x0];
	s14 =	sadd.s32 $0x20, s14;
	v33 =	vnsel vm6, $0x440, v33;
	vm5 =	vlt.s32 v35, $0x440  }
0x10c: {  	v50 =	vmulhi.u32 $0x3E0F83E1, v49;
	v42 =	vld [tilespmem:s14+$0xFFFFFFF0];
	v35 =	vnsel vm5, $0x440, v35  }
0x10d: {  	v52 =	vld [tilespmem:s14+$0x0]  }
0x10e: {  	v51 =	vshrl.u32 v50, $0x3;
	v29 =	vld.idx.msk [tilespmem:v29+s10+$0x0], $0xffff  }
0x10f: {  	v43 =	vmov s15;
	v44 =	vmul.u32 $0xFFFFFFDF, v51;
	v34 =	vld.idx.msk [tilespmem:v34+s10+$0x0], $0xffff  }
0x110: {  	s24 =	simm.s32 $0x10;
	v45 =	vsub.s32 v3, v43;
	vm7 =	veq.s32 v43, v2;
	v33 =	vld.idx.msk [tilespmem:v33+s10+$0x0], $0xffff  }
0x111: {  	v32 =	vadd.f32 v32, v61;
	v53 =	vor.u32 s24, v2;
	vm8 =	vne.s32 v44, v45;
	v35 =	vld.idx.msk [tilespmem:v35+s10+$0x0], $0xffff  }
0x112: {  	[tilespmem:s16+$0x0] =	vst v30;
	s25 =	sadd.s32 $0x20, s16;
	s28 =	simm.s32 $0x20;
	v31 =	vadd.f32 v31, v62;
	v54 =	vmulhi.u32 $0x3E0F83E1, v53;
	vm0 =	vmand vm7, vm8  }
0x113: {  	v45 =	vmov s28;
	[tilespmem:s25+$0xFFFFFFF0] =	vst v32;
	v58 =	vsel vm0, $0xFFFFFFFF, v4;
	v29 =	vadd.f32 v29, v63  }
0x114: {  	s14 =	sadd.s32 $0x20, s25;
	[tilespmem:s25+$0x0] =	vst v31;
	v36 =	vadd.s32 v58, v51;
	v30 =	vadd.f32 v34, v48;
	v56 =	vshrl.u32 v54, $0x3  }
0x115: {  	v60 =	vor.u32 s28, v2;
	v57 =	vmul.u32 $0xFFFFFFDF, v56;
	[tilespmem:s14+$0xFFFFFFF0] =	vst v29;
	v29 =	vadd.f32 v33, v52  }
0x116: {  	s26 =	simm.s32 $0x30;
	s29 =	simm.s32 $0x50;
	v61 =	vmul.u32 $0xFFFFFFDF, v36;
	v62 =	vmulhi.u32 $0x3E0F83E1, v60;
	[tilespmem:s14+$0x0] =	vst v30;
	s14 =	sadd.s32 $0x20, s14;
	v55 =	vadd.f32 v35, v42  }
0x117: {  	v31 =	vor.u32 s26, v2;
	v38 =	vor.u32 s29, v2;
	v30 =	vadd.s32 v53, v57;
	[tilespmem:s14+$0x0] =	vst v29  }
0x118: {  	v32 =	vshrl.u32 v62, $0x3;
	v30 =	vmul.u32 $0x21, v30;
	v29 =	vadd.s32 v49, v61;
	[tilespmem:s14+$0xFFFFFFF0] =	vst v55  }
0x119: {  	v47 =	vsub.s32 v3, v45;
	v46 =	vmul.u32 $0xFFFFFFDF, v32;
	v29 =	vmul.u32 $0x21, v29;
	v63 =	vld [tilespmem:$0xE840]  }
0x11a: {  	vm10 =	veq.s32 v45, v2;
	v59 =	vmulhi.u32 $0x3E0F83E1, v31;
	v30 =	vadd.s32 v56, v30;
	v44 =	vld.idx.msk [tilespmem:v5+s10+$0x0], $0xffff  }
0x11b: {  	vm11 =	vne.s32 v46, v47;
	vm9 =	vlt.s32 v30, $0x440;
	v29 =	vadd.s32 v36, v29  }
0x11c: {  	vm0 =	vmand vm10, vm11;
	v30 =	vnsel vm9, $0x440, v30;
	vm2 =	vlt.s32 v29, $0x440  }
0x11d: {  	v33 =	vshrl.u32 v59, $0x3;
	v48 =	vadd.s32 $0x450, v30;
	v29 =	vnsel vm2, $0x440, v29  }
0x11e: {  	v30 =	vmul.u32 $0xFFFFFFDF, v33;
	v49 =	vsel vm0, $0xFFFFFFFF, v4;
	v50 =	vadd.s32 $0x450, v29  }
0x11f: {  	s30 =	simm.s32 $0x40;
	v51 =	vmulhi.u32 $0x3E0F83E1, v38;
	v32 =	vadd.s32 v49, v32;
	v29 =	vadd.f32 v44, v63  }
0x120: {  	v52 =	vadd.s32 v31, v30;
	v31 =	vor.u32 s30, v2;
	v39 =	vmul.u32 $0xFFFFFFDF, v32  }
0x121: {  	v58 =	vmov s30;
	v53 =	vmulhi.u32 $0x3E0F83E1, v31;
	v54 =	vmul.u32 $0x21, v52;
	[tilespmem:$0xF9C0] =	vst v29  }
0x122: {  	vm13 =	veq.s32 v58, v2;
	v30 =	vshrl.u32 v51, $0x3;
	v35 =	vadd.s32 v60, v39;
	v56 =	vld.idx.msk [tilespmem:v48+s10+$0x0], $0xffff  }
0x123: {  	s15 =	simm.s32 $0xE860;
	v57 =	vshrl.u32 v53, $0x3;
	v35 =	vmul.u32 $0x21, v35;
	v33 =	vadd.s32 v33, v54;
	v40 =	vld.idx.msk [tilespmem:v50+s10+$0x0], $0xffff  }
0x124: {  	v55 =	vmul.u32 $0xFFFFFFDF, v30;
	v59 =	vmul.u32 $0xFFFFFFDF, v57;
	vm12 =	vlt.s32 v33, $0x440;
	v60 =	vld [tilespmem:s15+$0xFFFFFFF0]  }
0x125: {  	v61 =	vsub.s32 v3, v58;
	v32 =	vadd.s32 v32, v35;
	v33 =	vnsel vm12, $0x440, v33;
	v62 =	vld [tilespmem:s15+$0x0]  }
0x126: {  	v39 =	vadd.s32 v38, v55;
	vm14 =	vne.s32 v59, v61;
	vm15 =	vlt.s32 v32, $0x440  }
0x127: {  	s31 =	simm.s32 $0x70;
	v35 =	vadd.s32 $0x450, v33;
	vm0 =	vmand vm13, vm14;
	v32 =	vnsel vm15, $0x440, v32  }
0x128: {  	v34 =	vadd.s32 $0x450, v32;
	v63 =	vsel vm0, $0xFFFFFFFF, v4;
	v29 =	vor.u32 s31, v2  }
0x129: {  	s16 =	simm.s32 $0x60;
	v36 =	vadd.s32 v63, v57;
	v37 =	vmulhi.u32 $0x3E0F83E1, v29;
	v32 =	vadd.f32 v40, v60  }
0x12a: {  	s17 =	simm.s32 $0x80;
	s14 =	simm.s32 $0xF9E0;
	v38 =	vor.u32 s16, v2;
	v40 =	vmul.u32 $0xFFFFFFDF, v36;
	v33 =	vadd.f32 v56, v62  }
.LBB2_10:
0x12b: {  	s18 =	sadd.s32 $0x10, s17;
	p0 =	slt.u32 s17, $0x420;
	v41 =	vmulhi.u32 $0x3E0F83E1, v38;
	v37 =	vshrl.u32 v37, $0x3;
	v39 =	vmul.u32 $0x21, v39;
	[tilespmem:s14+$0xFFFFFFF0] =	vst v32  }
0x12c: {  	v42 =	vor.u32 s18, v2;
	v32 =	vmul.u32 $0xFFFFFFDF, v37;
	v40 =	vadd.s32 v31, v40;
	v43 =	vld.idx.msk [tilespmem:v35+s10+$0x0], $0xffff;
	[tilespmem:s14+$0x0] =	vst v33;
	v31 =	vmovc v38  }
0x12d: {  	s15 =	sadd.s32 $0x20, s15;
	v33 =	vshrl.u32 v41, $0x3;
	v35 =	vmul.u32 $0x21, v40;
	v38 =	vadd.s32 v30, v39;
	v40 =	vld.idx.msk [tilespmem:v34+s10+$0x0], $0xffff;
	v30 =	vmovc v37  }
0x12e: {  	v34 =	vmov s16;
	s16 =	smov.u32 s17;
	v37 =	vmul.u32 $0xFFFFFFDF, v33;
	vm0 =	vlt.s32 v38, $0x440;
	v41 =	vld [tilespmem:s15+$0xFFFFFFF0]  }
0x12f: {  	v39 =	vsub.s32 v3, v34;
	v35 =	vadd.s32 v36, v35;
	v36 =	vnsel vm0, $0x440, v38;
	v44 =	vld [tilespmem:s15+$0x0]  }
.Ltmp4:
0x130: {  	vm0 =	veq.s32 v34, v2;
	vm1 =	vne.s32 v37, v39;
	vm2 =	vlt.s32 v35, $0x440;
	(pc) =	sbr.rel @p0 .LBB2_10-.Ltmp4, $4  }
0x131: {  	vm0 =	vmand vm0, vm1;
	v34 =	vnsel vm2, $0x440, v35;
	v35 =	vadd.s32 $0x450, v36  }
0x132: {  	v37 =	vmulhi.u32 $0x3E0F83E1, v42;
	v36 =	vsel vm0, $0xFFFFFFFF, v4;
	v34 =	vadd.s32 $0x450, v34  }
0x133: {  	v39 =	vadd.s32 v29, v32;
	v29 =	vmovc v42;
	v36 =	vadd.s32 v36, v33;
	v32 =	vadd.f32 v40, v41  }
0x134: {  	s14 =	sadd.s32 $0x20, s14;
	s17 =	sadd.s32 $0x20, s17;
	v38 =	vor.u32 s16, v2;
	v40 =	vmul.u32 $0xFFFFFFDF, v36;
	v33 =	vadd.f32 v43, v44  }
0x135: {  	v41 =	vmulhi.u32 $0x3E0F83E1, v38;
	_ =	sdelay $0x1  }
0x136: {  	v41 =	vshrl.u32 v41, $0x3  }
0x137: {  	v42 =	vmov s16;
	v43 =	vmul.u32 $0xFFFFFFDF, v41  }
0x138: {  	v44 =	vsub.s32 v3, v42  }
0x139: {  	vm0 =	veq.s32 v42, v2;
	vm1 =	vne.s32 v43, v44  }
0x13a: {  	vm0 =	vmand vm0, vm1  }
0x13b: {  	v37 =	vshrl.u32 v37, $0x3;
	v55 =	vsel vm0, $0xFFFFFFFF, v4  }
0x13c: {  	v39 =	vmul.u32 $0x21, v39;
	v57 =	vmul.u32 $0xFFFFFFDF, v37;
	v56 =	vadd.s32 v55, v41  }
0x13d: {  	v31 =	vadd.s32 v31, v40;
	v41 =	vmul.u32 $0xFFFFFFDF, v56  }
0x13e: {  	v31 =	vmul.u32 $0x21, v31;
	v30 =	vadd.s32 v30, v39;
	v29 =	vadd.s32 v29, v57  }
0x13f: {  	v35 =	vld.idx.msk [tilespmem:v35+s10+$0x0], $0xffff;
	vm15 =	vlt.s32 v30, $0x440;
	v29 =	vmul.u32 $0x21, v29;
	v58 =	vadd.s32 v38, v41  }
0x140: {  	v34 =	vld.idx.msk [tilespmem:v34+s10+$0x0], $0xffff;
	s15 =	sadd.s32 $0x20, s15;
	v31 =	vadd.s32 v36, v31;
	v30 =	vnsel vm15, $0x440, v30;
	v36 =	vmul.u32 $0x21, v58  }
0x141: {  	v59 =	vld [tilespmem:s15+$0xFFFFFFF0];
	vm4 =	vlt.s32 v31, $0x440;
	v30 =	vadd.s32 $0x450, v30;
	v29 =	vadd.s32 v37, v29  }
0x142: {  	v60 =	vld [tilespmem:s15+$0x0];
	s15 =	sadd.s32 $0x20, s15;
	v31 =	vnsel vm4, $0x440, v31;
	vm6 =	vlt.s32 v29, $0x440;
	v36 =	vadd.s32 v56, v36  }
0x143: {  	v61 =	vld [tilespmem:s15+$0xFFFFFFF0];
	v31 =	vadd.s32 $0x450, v31;
	v29 =	vnsel vm6, $0x440, v29;
	vm5 =	vlt.s32 v36, $0x440  }
0x144: {  	s24 =	simm.s32 $0x0;
	v62 =	vld [tilespmem:s15+$0x0];
	s15 =	sadd.s32 $0x20, s15;
	v29 =	vadd.s32 $0x450, v29;
	v36 =	vnsel vm5, $0x440, v36  }
0x145: {  	v63 =	vor.u32 s24, v2;
	v49 =	vld [tilespmem:s15+$0xFFFFFFF0];
	v36 =	vadd.s32 $0x450, v36  }
0x146: {  	s17 =	simm.s32 $0x10;
	v48 =	vmulhi.u32 $0x3E0F83E1, v63;
	v51 =	vld [tilespmem:s15+$0x0]  }
0x147: {  	v52 =	vor.u32 s17, v2;
	v30 =	vld.idx.msk [tilespmem:v30+s10+$0x0], $0xffff  }
0x148: {  	s26 =	simm.s32 $0x30;
	v53 =	vmov s24;
	v54 =	vmulhi.u32 $0x3E0F83E1, v52;
	v50 =	vshrl.u32 v48, $0x3;
	v31 =	vld.idx.msk [tilespmem:v31+s10+$0x0], $0xffff  }
0x149: {  	vm7 =	veq.s32 v53, v2;
	v57 =	vor.u32 s26, v2;
	v45 =	vmul.u32 $0xFFFFFFDF, v50;
	v29 =	vld.idx.msk [tilespmem:v29+s10+$0x0], $0xffff  }
0x14a: {  	[tilespmem:s14+$0xFFFFFFF0] =	vst v32;
	s28 =	simm.s32 $0x20;
	v32 =	vshrl.u32 v54, $0x3;
	v34 =	vadd.f32 v34, v59;
	v55 =	vsub.s32 v3, v53;
	v36 =	vld.idx.msk [tilespmem:v36+s10+$0x0], $0xffff  }
0x14b: {  	s25 =	sadd.s32 $0x20, s14;
	[tilespmem:s14+$0x0] =	vst v33;
	v44 =	vmov s28;
	v35 =	vadd.f32 v35, v60;
	vm8 =	vne.s32 v45, v55  }
0x14c: {  	[tilespmem:s25+$0xFFFFFFF0] =	vst v34;
	vm0 =	vmand vm7, vm8;
	v58 =	vmul.u32 $0xFFFFFFDF, v32;
	v30 =	vadd.f32 v30, v62  }
0x14d: {  	s14 =	sadd.s32 $0x20, s25;
	v60 =	vor.u32 s28, v2;
	[tilespmem:s25+$0x0] =	vst v35;
	v59 =	vsel vm0, $0xFFFFFFFF, v4;
	v31 =	vadd.f32 v31, v61  }
0x14e: {  	[tilespmem:s14+$0x0] =	vst v30;
	v30 =	vadd.s32 v52, v58;
	v61 =	vmulhi.u32 $0x3E0F83E1, v60;
	v29 =	vadd.f32 v29, v51  }
0x14f: {  	v30 =	vmul.u32 $0x21, v30;
	[tilespmem:s14+$0xFFFFFFF0] =	vst v31;
	s14 =	sadd.s32 $0x20, s14;
	v56 =	vadd.f32 v36, v49;
	v36 =	vadd.s32 v59, v50  }
0x150: {  	v31 =	vmulhi.u32 $0x3E0F83E1, v57;
	v33 =	vshrl.u32 v61, $0x3;
	[tilespmem:s14+$0x0] =	vst v29;
	v37 =	vmul.u32 $0xFFFFFFDF, v36  }
0x151: {  	v46 =	vsub.s32 v3, v44;
	vm10 =	veq.s32 v44, v2;
	v45 =	vmul.u32 $0xFFFFFFDF, v33;
	[tilespmem:s14+$0xFFFFFFF0] =	vst v56  }
0x152: {  	v30 =	vadd.s32 v32, v30;
	v62 =	vshrl.u32 v31, $0x3;
	v29 =	vadd.s32 v63, v37;
	v31 =	vld [tilespmem:$0xEC90]  }
0x153: {  	vm9 =	vlt.s32 v30, $0x440;
	vm11 =	vne.s32 v45, v46;
	v63 =	vld.idx.msk [tilespmem:v7+s10+$0x0], $0xffff;
	v29 =	vmul.u32 $0x21, v29  }
0x154: {  	v30 =	vnsel vm9, $0x440, v30;
	vm0 =	vmand vm10, vm11  }
0x155: {  	s30 =	simm.s32 $0x40;
	v47 =	vadd.s32 $0x8A0, v30;
	v30 =	vmul.u32 $0xFFFFFFDF, v62;
	v29 =	vadd.s32 v36, v29  }
0x156: {  	v58 =	vmov s30;
	v48 =	vsel vm0, $0xFFFFFFFF, v4;
	vm2 =	vlt.s32 v29, $0x440  }
0x157: {  	v51 =	vadd.s32 v57, v30;
	v30 =	vor.u32 s30, v2;
	v29 =	vnsel vm2, $0x440, v29  }
0x158: {  	v50 =	vadd.s32 v48, v33;
	v49 =	vadd.s32 $0x8A0, v29;
	v29 =	vadd.f32 v63, v31  }
0x159: {  	s29 =	simm.s32 $0x50;
	v53 =	vmulhi.u32 $0x3E0F83E1, v30;
	v33 =	vmul.u32 $0x21, v51;
	v52 =	vmul.u32 $0xFFFFFFDF, v50  }
0x15a: {  	v39 =	vor.u32 s29, v2;
	vm13 =	veq.s32 v58, v2;
	[tilespmem:$0xFE10] =	vst v29  }
0x15b: {  	s14 =	simm.s32 $0xECB0;
	v56 =	vshrl.u32 v53, $0x3;
	v33 =	vadd.s32 v62, v33;
	v34 =	vadd.s32 v60, v52;
	v55 =	vld.idx.msk [tilespmem:v47+s10+$0x0], $0xffff  }
0x15c: {  	s16 =	simm.s32 $0x60;
	v59 =	vmul.u32 $0xFFFFFFDF, v56;
	vm12 =	vlt.s32 v33, $0x440;
	v34 =	vmul.u32 $0x21, v34;
	v60 =	vld [tilespmem:s14+$0xFFFFFFF0]  }
0x15d: {  	v61 =	vsub.s32 v3, v58;
	v37 =	vor.u32 s16, v2;
	v33 =	vnsel vm12, $0x440, v33;
	v57 =	vld.idx.msk [tilespmem:v49+s10+$0x0], $0xffff  }
0x15e: {  	vm14 =	vne.s32 v59, v61;
	v32 =	vadd.s32 v50, v34;
	v31 =	vmulhi.u32 $0x3E0F83E1, v39;
	v62 =	vld [tilespmem:s14+$0x0]  }
0x15f: {  	v35 =	vadd.s32 $0x8A0, v33;
	vm0 =	vmand vm13, vm14;
	vm15 =	vlt.s32 v32, $0x440  }
0x160: {  	s31 =	simm.s32 $0x70;
	v32 =	vnsel vm15, $0x440, v32;
	v63 =	vsel vm0, $0xFFFFFFFF, v4;
	v31 =	vshrl.u32 v31, $0x3  }
0x161: {  	v33 =	vadd.s32 $0x8A0, v32;
	v29 =	vor.u32 s31, v2;
	v54 =	vmul.u32 $0xFFFFFFDF, v31  }
0x162: {  	v36 =	vadd.s32 v63, v56;
	v38 =	vmulhi.u32 $0x3E0F83E1, v29;
	v32 =	vadd.f32 v57, v60  }
0x163: {  	s17 =	simm.s32 $0x80;
	s15 =	simm.s32 $0xFE30;
	v40 =	vmul.u32 $0xFFFFFFDF, v36;
	v39 =	vadd.s32 v39, v54;
	v34 =	vadd.f32 v55, v62  }
.LBB2_12:
0x164: {  	s18 =	sadd.s32 $0x10, s17;
	p0 =	slt.u32 s17, $0x420;
	v41 =	vmulhi.u32 $0x3E0F83E1, v37;
	v38 =	vshrl.u32 v38, $0x3;
	v39 =	vmul.u32 $0x21, v39;
	[tilespmem:s15+$0xFFFFFFF0] =	vst v32  }
0x165: {  	v42 =	vor.u32 s18, v2;
	v32 =	vmul.u32 $0xFFFFFFDF, v38;
	v40 =	vadd.s32 v30, v40;
	v43 =	vld.idx.msk [tilespmem:v35+s10+$0x0], $0xffff;
	[tilespmem:s15+$0x0] =	vst v34;
	v30 =	vmovc v37  }
0x166: {  	s14 =	sadd.s32 $0x20, s14;
	v34 =	vshrl.u32 v41, $0x3;
	v35 =	vmul.u32 $0x21, v40;
	v37 =	vadd.s32 v31, v39;
	v40 =	vld.idx.msk [tilespmem:v33+s10+$0x0], $0xffff;
	v31 =	vmovc v38  }
0x167: {  	v33 =	vmov s16;
	s16 =	smov.u32 s17;
	v38 =	vmul.u32 $0xFFFFFFDF, v34;
	vm0 =	vlt.s32 v37, $0x440;
	v41 =	vld [tilespmem:s14+$0xFFFFFFF0]  }
0x168: {  	v39 =	vsub.s32 v3, v33;
	v35 =	vadd.s32 v36, v35;
	v36 =	vnsel vm0, $0x440, v37;
	v44 =	vld [tilespmem:s14+$0x0]  }
.Ltmp5:
0x169: {  	vm0 =	veq.s32 v33, v2;
	vm1 =	vne.s32 v38, v39;
	vm2 =	vlt.s32 v35, $0x440;
	(pc) =	sbr.rel @p0 .LBB2_12-.Ltmp5, $4  }
0x16a: {  	vm0 =	vmand vm0, vm1;
	v33 =	vnsel vm2, $0x440, v35;
	v35 =	vadd.s32 $0x8A0, v36  }
0x16b: {  	v38 =	vmulhi.u32 $0x3E0F83E1, v42;
	v36 =	vsel vm0, $0xFFFFFFFF, v4;
	v33 =	vadd.s32 $0x8A0, v33  }
0x16c: {  	v39 =	vadd.s32 v29, v32;
	v29 =	vmovc v42;
	v36 =	vadd.s32 v36, v34;
	v32 =	vadd.f32 v40, v41  }
0x16d: {  	s15 =	sadd.s32 $0x20, s15;
	s17 =	sadd.s32 $0x20, s17;
	v37 =	vor.u32 s16, v2;
	v40 =	vmul.u32 $0xFFFFFFDF, v36;
	v34 =	vadd.f32 v43, v44  }
0x16e: {  	v41 =	vmulhi.u32 $0x3E0F83E1, v37;
	_ =	sdelay $0x1  }
0x16f: {  	v41 =	vshrl.u32 v41, $0x3  }
0x170: {  	v42 =	vmov s16;
	v43 =	vmul.u32 $0xFFFFFFDF, v41  }
0x171: {  	v44 =	vsub.s32 v3, v42  }
0x172: {  	vm0 =	veq.s32 v42, v2;
	vm1 =	vne.s32 v43, v44  }
0x173: {  	vm0 =	vmand vm0, vm1  }
0x174: {  	v38 =	vshrl.u32 v38, $0x3;
	v62 =	vsel vm0, $0xFFFFFFFF, v4  }
0x175: {  	v39 =	vmul.u32 $0x21, v39;
	v61 =	vmul.u32 $0xFFFFFFDF, v38;
	v63 =	vadd.s32 v62, v41  }
0x176: {  	v30 =	vadd.s32 v30, v40;
	v40 =	vmul.u32 $0xFFFFFFDF, v63  }
0x177: {  	v30 =	vmul.u32 $0x21, v30;
	v31 =	vadd.s32 v31, v39;
	v29 =	vadd.s32 v29, v61  }
0x178: {  	vm15 =	vlt.s32 v31, $0x440;
	v29 =	vmul.u32 $0x21, v29;
	v44 =	vadd.s32 v37, v40  }
0x179: {  	s14 =	sadd.s32 $0x20, s14;
	v30 =	vadd.s32 v36, v30;
	v31 =	vnsel vm15, $0x440, v31;
	v36 =	vmul.u32 $0x21, v44  }
0x17a: {  	v45 =	vld [tilespmem:s14+$0xFFFFFFF0];
	vm4 =	vlt.s32 v30, $0x440;
	v31 =	vadd.s32 $0x8A0, v31;
	v29 =	vadd.s32 v38, v29  }
0x17b: {  	v46 =	vld [tilespmem:s14+$0x0];
	s14 =	sadd.s32 $0x20, s14;
	v30 =	vnsel vm4, $0x440, v30;
	vm5 =	vlt.s32 v29, $0x440;
	v36 =	vadd.s32 v63, v36  }
0x17c: {  	v47 =	vld [tilespmem:s14+$0xFFFFFFF0];
	v30 =	vadd.s32 $0x8A0, v30;
	v29 =	vnsel vm5, $0x440, v29;
	vm6 =	vlt.s32 v36, $0x440  }
0x17d: {  	v48 =	vld [tilespmem:s14+$0x0];
	s14 =	sadd.s32 $0x20, s14;
	v29 =	vadd.s32 $0x8A0, v29;
	v36 =	vnsel vm6, $0x440, v36  }
0x17e: {  	v49 =	vld [tilespmem:s14+$0xFFFFFFF0];
	v36 =	vadd.s32 $0x8A0, v36  }
0x17f: {  	v51 =	vld [tilespmem:s14+$0x0]  }
0x180: {  	v31 =	vld.idx.msk [tilespmem:v31+s10+$0x0], $0xffff  }
0x181: {  	v30 =	vld.idx.msk [tilespmem:v30+s10+$0x0], $0xffff  }
0x182: {  	v29 =	vld.idx.msk [tilespmem:v29+s10+$0x0], $0xffff  }
0x183: {  	v36 =	vld.idx.msk [tilespmem:v36+s10+$0x0], $0xffff;
	_ =	sdelay $0x1  }
0x184: {  	s25 =	sadd.s32 $0x20, s15;
	v31 =	vadd.f32 v31, v48  }
0x185: {  	v33 =	vld.idx.msk [tilespmem:v33+s10+$0x0], $0xffff;
	s26 =	simm.s32 $0x0;
	s14 =	sadd.s32 $0x20, s25;
	v30 =	vadd.f32 v30, v47  }
0x186: {  	v53 =	vor.u32 s26, v2;
	[tilespmem:s14+$0x0] =	vst v31;
	v29 =	vadd.f32 v29, v51  }
0x187: {  	v35 =	vld.idx.msk [tilespmem:v35+s10+$0x0], $0xffff;
	s28 =	simm.s32 $0x10;
	v54 =	vmulhi.u32 $0x3E0F83E1, v53;
	[tilespmem:s14+$0xFFFFFFF0] =	vst v30;
	s14 =	sadd.s32 $0x20, s14;
	v30 =	vadd.f32 v36, v49  }
0x188: {  	s29 =	simm.s32 $0x30;
	[tilespmem:s14+$0x0] =	vst v29;
	v29 =	vor.u32 s28, v2  }
0x189: {  	v60 =	vor.u32 s29, v2;
	v57 =	vmulhi.u32 $0x3E0F83E1, v29;
	[tilespmem:s14+$0xFFFFFFF0] =	vst v30;
	v30 =	vshrl.u32 v54, $0x3  }
0x18a: {  	v50 =	vadd.f32 v33, v45;
	v31 =	vmov s26;
	v55 =	vmul.u32 $0xFFFFFFDF, v30  }
0x18b: {  	v58 =	vsub.s32 v3, v31;
	vm7 =	veq.s32 v31, v2;
	v31 =	vshrl.u32 v57, $0x3  }
0x18c: {  	[tilespmem:s15+$0xFFFFFFF0] =	vst v32;
	s18 =	simm.s32 $0x20;
	v52 =	vadd.f32 v35, v46;
	v35 =	vmul.u32 $0xFFFFFFDF, v31;
	vm8 =	vne.s32 v55, v58  }
0x18d: {  	[tilespmem:s15+$0x0] =	vst v34;
	v62 =	vmulhi.u32 $0x3E0F83E1, v60;
	v63 =	vor.u32 s18, v2;
	vm0 =	vmand vm7, vm8  }
0x18e: {  	[tilespmem:s25+$0xFFFFFFF0] =	vst v50;
	v46 =	vmulhi.u32 $0x3E0F83E1, v63;
	v29 =	vadd.s32 v29, v35;
	v61 =	vsel vm0, $0xFFFFFFFF, v4  }
0x18f: {  	[tilespmem:s25+$0x0] =	vst v52;
	v29 =	vmul.u32 $0x21, v29;
	v30 =	vadd.s32 v61, v30  }
0x190: {  	v47 =	vshrl.u32 v62, $0x3;
	v35 =	vshrl.u32 v46, $0x3;
	v56 =	vld [tilespmem:$0xF0E0];
	v45 =	vmul.u32 $0xFFFFFFDF, v30  }
0x191: {  	v49 =	vmul.u32 $0xFFFFFFDF, v35;
	v59 =	vld.idx.msk [tilespmem:v8+s10+$0x0], $0xffff;
	v29 =	vadd.s32 v31, v29;
	v31 =	vmov s18  }
0x192: {  	vm9 =	vlt.s32 v29, $0x440;
	v50 =	vsub.s32 v3, v31;
	v32 =	vadd.s32 v53, v45  }
0x193: {  	vm10 =	veq.s32 v31, v2;
	v31 =	vmul.u32 $0xFFFFFFDF, v47;
	v32 =	vmul.u32 $0x21, v32  }
0x194: {  	v29 =	vnsel vm9, $0x440, v29;
	vm11 =	vne.s32 v49, v50  }
0x195: {  	v51 =	vadd.s32 $0xCF0, v29;
	v33 =	vadd.s32 v60, v31;
	v30 =	vadd.s32 v30, v32  }
0x196: {  	vm0 =	vmand vm10, vm11;
	v34 =	vadd.f32 v59, v56;
	vm2 =	vlt.s32 v30, $0x440  }
0x197: {  	s14 =	simm.s32 $0x40;
	v33 =	vmul.u32 $0x21, v33;
	v29 =	vsel vm0, $0xFFFFFFFF, v4;
	v30 =	vnsel vm2, $0x440, v30  }
0x198: {  	s20 =	sand.u32 $0x7E0, s26;
	v35 =	vadd.s32 v29, v35;
	v29 =	vor.u32 s14, v2;
	[tilespmem:$0x10260] =	vst v34;
	v52 =	vadd.s32 $0xCF0, v30  }
0x199: {  	s30 =	simm.s32 $0x50;
	v54 =	vmulhi.u32 $0x3E0F83E1, v29;
	v53 =	vmul.u32 $0xFFFFFFDF, v35;
	v55 =	vld [tilespmem:s20+$0xF100]  }
0x19a: {  	v48 =	vor.u32 s30, v2;
	v59 =	vmov s14;
	v33 =	vadd.s32 v47, v33;
	v57 =	vld.idx.msk [tilespmem:v51+s10+$0x0], $0xffff  }
0x19b: {  	s16 =	simm.s32 $0xF0F0;
	vm12 =	vlt.s32 v33, $0x440;
	v39 =	vshrl.u32 v54, $0x3;
	v34 =	vadd.s32 v63, v53  }
0x19c: {  	v61 =	vld [tilespmem:s16+$0x0];
	v33 =	vnsel vm12, $0x440, v33;
	v60 =	vmul.u32 $0xFFFFFFDF, v39;
	v58 =	vmul.u32 $0x21, v34  }
0x19d: {  	v62 =	vsub.s32 v3, v59;
	vm13 =	veq.s32 v59, v2;
	v34 =	vadd.s32 $0xCF0, v33;
	v38 =	vld.idx.msk [tilespmem:v52+s10+$0x0], $0xffff  }
0x19e: {  	vm14 =	vne.s32 v60, v62;
	v32 =	vadd.s32 v35, v58;
	v30 =	vmulhi.u32 $0x3E0F83E1, v48  }
0x19f: {  	vm0 =	vmand vm13, vm14;
	v41 =	vadd.f32 v57, v55;
	vm15 =	vlt.s32 v32, $0x440  }
0x1a0: {  	s31 =	simm.s32 $0x70;
	v63 =	vsel vm0, $0xFFFFFFFF, v4;
	v32 =	vnsel vm15, $0x440, v32;
	v31 =	vshrl.u32 v30, $0x3  }
0x1a1: {  	v30 =	vor.u32 s31, v2;
	v32 =	vadd.s32 $0xCF0, v32;
	v56 =	vmul.u32 $0xFFFFFFDF, v31  }
0x1a2: {  	s17 =	simm.s32 $0x60;
	v35 =	vadd.s32 v63, v39;
	v37 =	vmulhi.u32 $0x3E0F83E1, v30;
	v33 =	vadd.f32 v38, v61  }
0x1a3: {  	s19 =	simm.s32 $0x80;
	s15 =	simm.s32 $0x10270;
	v36 =	vor.u32 s17, v2;
	s18 =	sand.u32 $0x7E0, s18;
	[tilespmem:s20+$0x10280] =	vst v41;
	v39 =	vadd.s32 v48, v56;
	v38 =	vmul.u32 $0xFFFFFFDF, v35  }
.LBB2_14:
0x1a4: {  	s20 =	sadd.s32 $0x10, s19;
	p0 =	slt.u32 s19, $0x420;
	v40 =	vmulhi.u32 $0x3E0F83E1, v36;
	v37 =	vshrl.u32 v37, $0x3;
	v39 =	vmul.u32 $0x21, v39;
	v41 =	vld [tilespmem:s18+$0xF100];
	[tilespmem:s15+$0x0] =	vst v33;
	s21 =	smov.u32 s14  }
0x1a5: {  	s14 =	smov.u32 s17;
	s17 =	smov.u32 s19;
	v42 =	vor.u32 s20, v2;
	v43 =	vmul.u32 $0xFFFFFFDF, v37;
	v33 =	vadd.s32 v29, v38;
	v38 =	vld.idx.msk [tilespmem:v34+s10+$0x0], $0xffff;
	v29 =	vmovc v36  }
0x1a6: {  	s16 =	sadd.s32 $0x20, s16;
	v36 =	vshrl.u32 v40, $0x3;
	v33 =	vmul.u32 $0x21, v33;
	v34 =	vadd.s32 v31, v39;
	v39 =	vld.idx.msk [tilespmem:v32+s10+$0x0], $0xffff;
	v31 =	vmovc v37  }
0x1a7: {  	v32 =	vmov s14;
	v37 =	vmul.u32 $0xFFFFFFDF, v36;
	vm0 =	vlt.s32 v34, $0x440;
	v40 =	vld [tilespmem:s16+$0x0]  }
0x1a8: {  	v44 =	vsub.s32 v3, v32;
	v33 =	vadd.s32 v35, v33;
	v34 =	vnsel vm0, $0x440, v34  }
.Ltmp6:
0x1a9: {  	vm0 =	veq.s32 v32, v2;
	vm1 =	vne.s32 v37, v44;
	vm2 =	vlt.s32 v33, $0x440;
	(pc) =	sbr.rel @p0 .LBB2_14-.Ltmp6, $4  }
0x1aa: {  	v34 =	vadd.s32 $0xCF0, v34;
	vm0 =	vmand vm0, vm1;
	v32 =	vnsel vm2, $0x440, v33  }
0x1ab: {  	v41 =	vadd.f32 v38, v41;
	v33 =	vsel vm0, $0xFFFFFFFF, v4;
	v32 =	vadd.s32 $0xCF0, v32  }
0x1ac: {  	v37 =	vmulhi.u32 $0x3E0F83E1, v42;
	v35 =	vadd.s32 v33, v36;
	v33 =	vadd.f32 v39, v40  }
0x1ad: {  	s19 =	sadd.s32 $0x20, s19;
	s15 =	sadd.s32 $0x20, s15;
	v36 =	vor.u32 s17, v2;
	v39 =	vadd.s32 v30, v43;
	v30 =	vmovc v42;
	v38 =	vmul.u32 $0xFFFFFFDF, v35;
	[tilespmem:s18+$0x10280] =	vst v41;
	s18 =	sand.u32 $0x7E0, s21  }
0x1ae: {  	v40 =	vmulhi.u32 $0x3E0F83E1, v36;
	_ =	sdelay $0x1  }
0x1af: {  	v40 =	vshrl.u32 v40, $0x3  }
0x1b0: {  	v41 =	vmov s17;
	v42 =	vmul.u32 $0xFFFFFFDF, v40  }
0x1b1: {  	v43 =	vsub.s32 v3, v41  }
0x1b2: {  	vm0 =	veq.s32 v41, v2;
	vm1 =	vne.s32 v42, v43  }
0x1b3: {  	vm0 =	vmand vm0, vm1  }
0x1b4: {  	v37 =	vshrl.u32 v37, $0x3;
	v39 =	vmul.u32 $0x21, v39;
	v56 =	vsel vm0, $0xFFFFFFFF, v4  }
0x1b5: {  	v55 =	vmul.u32 $0xFFFFFFDF, v37;
	v29 =	vadd.s32 v29, v38;
	v38 =	vadd.s32 v56, v40  }
0x1b6: {  	v57 =	vmul.u32 $0xFFFFFFDF, v38  }
0x1b7: {  	v29 =	vmul.u32 $0x21, v29;
	v31 =	vadd.s32 v31, v39;
	v30 =	vadd.s32 v30, v55  }
0x1b8: {  	v59 =	vld [tilespmem:s18+$0xF100];
	vm12 =	vlt.s32 v31, $0x440;
	v30 =	vmul.u32 $0x21, v30;
	v58 =	vadd.s32 v36, v57  }
0x1b9: {  	v34 =	vld.idx.msk [tilespmem:v34+s10+$0x0], $0xffff;
	v29 =	vadd.s32 v35, v29;
	v31 =	vnsel vm12, $0x440, v31;
	v35 =	vmul.u32 $0x21, v58  }
0x1ba: {  	v32 =	vld.idx.msk [tilespmem:v32+s10+$0x0], $0xffff;
	s16 =	sadd.s32 $0x20, s16;
	vm13 =	vlt.s32 v29, $0x440;
	v31 =	vadd.s32 $0xCF0, v31;
	v30 =	vadd.s32 v37, v30  }
0x1bb: {  	s14 =	sand.u32 $0x7E0, s14;
	v60 =	vld [tilespmem:s16+$0x0];
	v29 =	vnsel vm13, $0x440, v29;
	vm14 =	vlt.s32 v30, $0x440;
	v35 =	vadd.s32 v38, v35  }
0x1bc: {  	s29 =	sand.u32 $0x7E0, s17;
	v61 =	vld [tilespmem:s14+$0xF100];
	v29 =	vadd.s32 $0xCF0, v29;
	v30 =	vnsel vm14, $0x440, v30;
	vm15 =	vlt.s32 v35, $0x440  }
0x1bd: {  	s16 =	sadd.s32 $0x20, s16;
	v63 =	vld [tilespmem:s29+$0xF100];
	v30 =	vadd.s32 $0xCF0, v30;
	v35 =	vnsel vm15, $0x440, v35  }
0x1be: {  	v62 =	vld [tilespmem:s16+$0x0];
	s16 =	sadd.s32 $0x20, s16;
	v35 =	vadd.s32 $0xCF0, v35  }
0x1bf: {  	v44 =	vld [tilespmem:s16+$0x0]  }
0x1c0: {  	v31 =	vld.idx.msk [tilespmem:v31+s10+$0x0], $0xffff  }
0x1c1: {  	v29 =	vld.idx.msk [tilespmem:v29+s10+$0x0], $0xffff  }
0x1c2: {  	v30 =	vld.idx.msk [tilespmem:v30+s10+$0x0], $0xffff  }
0x1c3: {  	v34 =	vadd.f32 v34, v59;
	v35 =	vld.idx.msk [tilespmem:v35+s10+$0x0], $0xffff  }
0x1c4: {  	[tilespmem:s15+$0x0] =	vst v33;
	v32 =	vadd.f32 v32, v60  }
0x1c5: {  	s30 =	sadd.s32 $0x20, s15;
	[tilespmem:s18+$0x10280] =	vst v34;
	v31 =	vadd.f32 v31, v61  }
0x1c6: {  	[tilespmem:s30+$0x0] =	vst v32;
	v29 =	vadd.f32 v29, v62  }
0x1c7: {  	s31 =	sadd.s32 $0x20, s30;
	[tilespmem:s14+$0x10280] =	vst v31;
	v30 =	vadd.f32 v30, v63  }
0x1c8: {  	[tilespmem:s31+$0x0] =	vst v29;
	v29 =	vadd.f32 v35, v44  }
0x1c9: {  	s14 =	sadd.s32 $0x20, s31;
	[tilespmem:s29+$0x10280] =	vst v30  }
0x1ca: {  	[tilespmem:s14+$0x0] =	vst v29  }
0x1cb: {  	v29 =	vld [tilespmem:$0xF530]  }
0x1cc: {  	v30 =	vld.idx.msk [tilespmem:v9+s10+$0x0], $0xffff;
	_ =	sdelay $0x4  }
0x1cd: {  	v29 =	vadd.f32 v30, v29;
	_ =	sdelay $0x1  }
0x1ce: {  	[tilespmem:$0x106B0] =	vst v29  }
0x1cf: {  	v29 =	vld.idx.msk [tilespmem:v6+s10+$0x0], $0xffff;
	_ =	sdelay $0x1  }
0x1d0: {  	v30 =	vld.idx.msk [tilespmem:v10+s10+$0x0], $0xffff;
	_ =	sdelay $0x1  }
0x1d1: {  	v31 =	vld.idx.msk [tilespmem:v11+s10+$0x0], $0xffff  }
0x1d2: {  	v29 =	vadd.f32 $0.0e+00, v29  }
0x1d3: {  	v32 =	vld.idx.msk [tilespmem:v12+s10+$0x0], $0xffff  }
0x1d4: {  	v29 =	vadd.f32 v30, v29  }
0x1d5: {  	v30 =	vld.idx.msk [tilespmem:v13+s10+$0x0], $0xffff  }
0x1d6: {  	v29 =	vadd.f32 v31, v29  }
0x1d7: {  	v31 =	vld.idx.msk [tilespmem:v14+s10+$0x0], $0xffff  }
0x1d8: {  	v29 =	vadd.f32 v32, v29  }
0x1d9: {  	v45 =	vld.idx.msk [tilespmem:v15+s10+$0x0], $0xffff  }
0x1da: {  	v29 =	vadd.f32 v30, v29  }
0x1db: {  	v30 =	vld.idx.msk [tilespmem:v16+s10+$0x0], $0xffff  }
0x1dc: {  	v29 =	vadd.f32 v31, v29  }
0x1dd: {  	v31 =	vld.idx.msk [tilespmem:v17+s10+$0x0], $0xffff  }
0x1de: {  	v29 =	vadd.f32 v45, v29  }
0x1df: {  	v46 =	vld.idx.msk [tilespmem:v18+s10+$0x0], $0xffff  }
0x1e0: {  	v29 =	vadd.f32 v30, v29  }
0x1e1: {  	v30 =	vld.idx.msk [tilespmem:v19+s10+$0x0], $0xffff  }
0x1e2: {  	v29 =	vadd.f32 v31, v29  }
0x1e3: {  	v31 =	vld.idx.msk [tilespmem:v20+s10+$0x0], $0xffff  }
0x1e4: {  	v29 =	vadd.f32 v46, v29  }
0x1e5: {  	v47 =	vld.idx.msk [tilespmem:v21+s10+$0x0], $0xffff  }
0x1e6: {  	v29 =	vadd.f32 v30, v29  }
0x1e7: {  	v30 =	vld.idx.msk [tilespmem:v22+s10+$0x0], $0xffff  }
0x1e8: {  	v29 =	vadd.f32 v31, v29  }
0x1e9: {  	v31 =	vld.idx.msk [tilespmem:v23+s10+$0x0], $0xffff  }
0x1ea: {  	v29 =	vadd.f32 v47, v29  }
0x1eb: {  	v48 =	vld.idx.msk [tilespmem:v24+s10+$0x0], $0xffff  }
0x1ec: {  	v29 =	vadd.f32 v30, v29  }
0x1ed: {  	v30 =	vld.idx.msk [tilespmem:v25+s10+$0x0], $0xffff  }
0x1ee: {  	v29 =	vadd.f32 v31, v29  }
0x1ef: {  	v31 =	vld.idx.msk [tilespmem:v26+s10+$0x0], $0xffff  }
0x1f0: {  	v49 =	vadd.s32 $0x14, v6;
	v29 =	vadd.f32 v48, v29  }
0x1f1: {  	v33 =	vld.idx.msk [tilespmem:v27+s10+$0x0], $0xffff  }
0x1f2: {  	v29 =	vadd.f32 v30, v29;
	v30 =	vadd.s32 $0x15, v6  }
0x1f3: {  	v34 =	vld.idx.msk [tilespmem:v28+s10+$0x0], $0xffff  }
0x1f4: {  	v29 =	vadd.f32 v31, v29;
	v31 =	vadd.s32 $0x16, v6  }
0x1f5: {  	v32 =	vld.idx.msk [tilespmem:v49+s10+$0x0], $0xffff  }
0x1f6: {  	v50 =	vadd.s32 $0x17, v6;
	v29 =	vadd.f32 v33, v29  }
0x1f7: {  	v30 =	vld.idx.msk [tilespmem:v30+s10+$0x0], $0xffff  }
0x1f8: {  	v51 =	vadd.s32 $0x18, v6;
	v29 =	vadd.f32 v34, v29  }
0x1f9: {  	v31 =	vld.idx.msk [tilespmem:v31+s10+$0x0], $0xffff  }
0x1fa: {  	v52 =	vadd.s32 $0x19, v6;
	v29 =	vadd.f32 v32, v29  }
0x1fb: {  	v33 =	vld.idx.msk [tilespmem:v50+s10+$0x0], $0xffff  }
0x1fc: {  	v29 =	vadd.f32 v30, v29;
	v30 =	vadd.s32 $0x1A, v6  }
0x1fd: {  	v34 =	vld.idx.msk [tilespmem:v51+s10+$0x0], $0xffff  }
0x1fe: {  	v29 =	vadd.f32 v31, v29;
	v31 =	vadd.s32 $0x1B, v6  }
0x1ff: {  	v32 =	vld.idx.msk [tilespmem:v52+s10+$0x0], $0xffff  }
0x200: {  	v53 =	vadd.s32 $0x1C, v6;
	v29 =	vadd.f32 v33, v29  }
0x201: {  	v30 =	vld.idx.msk [tilespmem:v30+s10+$0x0], $0xffff  }
0x202: {  	v54 =	vadd.s32 $0x1D, v6;
	v29 =	vadd.f32 v34, v29  }
0x203: {  	v31 =	vld.idx.msk [tilespmem:v31+s10+$0x0], $0xffff  }
0x204: {  	v55 =	vadd.s32 $0x1E, v6;
	v29 =	vadd.f32 v32, v29  }
0x205: {  	v33 =	vld.idx.msk [tilespmem:v53+s10+$0x0], $0xffff  }
0x206: {  	v29 =	vadd.f32 v30, v29;
	v30 =	vadd.s32 $0x1F, v6  }
0x207: {  	v34 =	vld.idx.msk [tilespmem:v54+s10+$0x0], $0xffff  }
0x208: {  	v29 =	vadd.f32 v31, v29;
	v31 =	vadd.s32 $0x20, v6  }
0x209: {  	v32 =	vld.idx.msk [tilespmem:v55+s10+$0x0], $0xffff  }
0x20a: {  	v29 =	vadd.f32 v33, v29  }
0x20b: {  	v30 =	vld.idx.msk [tilespmem:v30+s10+$0x0], $0xffff  }
0x20c: {  	v29 =	vadd.f32 v34, v29  }
0x20d: {  	v31 =	vld.idx.msk [tilespmem:v31+s10+$0x0], $0xffff  }
0x20e: {  	v29 =	vadd.f32 v32, v29;
	_ =	sdelay $0x1  }
0x20f: {  	v29 =	vadd.f32 v30, v29;
	v30 =	vadd.s32 $0x210, v6;
	_ =	sdelay $0x1  }
0x210: {  	v29 =	vadd.f32 v31, v29;
	v31 =	vadd.s32 $0x211, v6;
	_ =	sdelay $0x1  }
0x211: {  	[tilespmem:$0x10700] =	vst v29;
	v29 =	vadd.s32 $0x212, v6  }
0x212: {  	v30 =	vld.idx.msk [tilespmem:v30+s10+$0x0], $0xffff  }
0x213: {  	v56 =	vadd.s32 $0x213, v6  }
0x214: {  	v31 =	vld.idx.msk [tilespmem:v31+s10+$0x0], $0xffff  }
0x215: {  	v57 =	vadd.s32 $0x214, v6  }
0x216: {  	v29 =	vld.idx.msk [tilespmem:v29+s10+$0x0], $0xffff  }
0x217: {  	v58 =	vadd.s32 $0x215, v6;
	v30 =	vadd.f32 $0.0e+00, v30  }
0x218: {  	v32 =	vld.idx.msk [tilespmem:v56+s10+$0x0], $0xffff  }
0x219: {  	v30 =	vadd.f32 v31, v30;
	v31 =	vadd.s32 $0x216, v6  }
0x21a: {  	v33 =	vld.idx.msk [tilespmem:v57+s10+$0x0], $0xffff  }
0x21b: {  	v29 =	vadd.f32 v29, v30;
	v30 =	vadd.s32 $0x217, v6  }
0x21c: {  	v34 =	vld.idx.msk [tilespmem:v58+s10+$0x0], $0xffff  }
0x21d: {  	v59 =	vadd.s32 $0x218, v6;
	v29 =	vadd.f32 v32, v29  }
0x21e: {  	v31 =	vld.idx.msk [tilespmem:v31+s10+$0x0], $0xffff  }
0x21f: {  	v60 =	vadd.s32 $0x219, v6;
	v29 =	vadd.f32 v33, v29  }
0x220: {  	v30 =	vld.idx.msk [tilespmem:v30+s10+$0x0], $0xffff  }
0x221: {  	v61 =	vadd.s32 $0x21A, v6;
	v29 =	vadd.f32 v34, v29  }
0x222: {  	v32 =	vld.idx.msk [tilespmem:v59+s10+$0x0], $0xffff  }
0x223: {  	v29 =	vadd.f32 v31, v29;
	v31 =	vadd.s32 $0x21B, v6  }
0x224: {  	v33 =	vld.idx.msk [tilespmem:v60+s10+$0x0], $0xffff  }
0x225: {  	v29 =	vadd.f32 v30, v29;
	v30 =	vadd.s32 $0x21C, v6  }
0x226: {  	v34 =	vld.idx.msk [tilespmem:v61+s10+$0x0], $0xffff  }
0x227: {  	v62 =	vadd.s32 $0x21D, v6;
	v29 =	vadd.f32 v32, v29  }
0x228: {  	v31 =	vld.idx.msk [tilespmem:v31+s10+$0x0], $0xffff  }
0x229: {  	v63 =	vadd.s32 $0x21E, v6;
	v29 =	vadd.f32 v33, v29  }
0x22a: {  	v30 =	vld.idx.msk [tilespmem:v30+s10+$0x0], $0xffff  }
0x22b: {  	v36 =	vadd.s32 $0x21F, v6;
	v29 =	vadd.f32 v34, v29  }
0x22c: {  	v32 =	vld.idx.msk [tilespmem:v62+s10+$0x0], $0xffff  }
0x22d: {  	v29 =	vadd.f32 v31, v29;
	v31 =	vadd.s32 $0x220, v6  }
0x22e: {  	v33 =	vld.idx.msk [tilespmem:v63+s10+$0x0], $0xffff  }
0x22f: {  	v29 =	vadd.f32 v30, v29;
	v30 =	vadd.s32 $0x221, v6  }
0x230: {  	v34 =	vld.idx.msk [tilespmem:v36+s10+$0x0], $0xffff  }
0x231: {  	v37 =	vadd.s32 $0x222, v6;
	v29 =	vadd.f32 v32, v29  }
0x232: {  	v31 =	vld.idx.msk [tilespmem:v31+s10+$0x0], $0xffff  }
0x233: {  	v38 =	vadd.s32 $0x223, v6;
	v29 =	vadd.f32 v33, v29  }
0x234: {  	v30 =	vld.idx.msk [tilespmem:v30+s10+$0x0], $0xffff  }
0x235: {  	v39 =	vadd.s32 $0x224, v6;
	v29 =	vadd.f32 v34, v29  }
0x236: {  	v32 =	vld.idx.msk [tilespmem:v37+s10+$0x0], $0xffff  }
0x237: {  	v29 =	vadd.f32 v31, v29;
	v31 =	vadd.s32 $0x225, v6  }
0x238: {  	v33 =	vld.idx.msk [tilespmem:v38+s10+$0x0], $0xffff  }
0x239: {  	v29 =	vadd.f32 v30, v29;
	v30 =	vadd.s32 $0x226, v6  }
0x23a: {  	v34 =	vld.idx.msk [tilespmem:v39+s10+$0x0], $0xffff  }
0x23b: {  	v40 =	vadd.s32 $0x227, v6;
	v29 =	vadd.f32 v32, v29  }
0x23c: {  	v31 =	vld.idx.msk [tilespmem:v31+s10+$0x0], $0xffff  }
0x23d: {  	v41 =	vadd.s32 $0x228, v6;
	v29 =	vadd.f32 v33, v29  }
0x23e: {  	v30 =	vld.idx.msk [tilespmem:v30+s10+$0x0], $0xffff  }
0x23f: {  	v42 =	vadd.s32 $0x229, v6;
	v29 =	vadd.f32 v34, v29  }
0x240: {  	v32 =	vld.idx.msk [tilespmem:v40+s10+$0x0], $0xffff  }
0x241: {  	v29 =	vadd.f32 v31, v29;
	v31 =	vadd.s32 $0x22A, v6  }
0x242: {  	v33 =	vld.idx.msk [tilespmem:v41+s10+$0x0], $0xffff  }
0x243: {  	v29 =	vadd.f32 v30, v29;
	v30 =	vadd.s32 $0x22B, v6  }
0x244: {  	v34 =	vld.idx.msk [tilespmem:v42+s10+$0x0], $0xffff  }
0x245: {  	v43 =	vadd.s32 $0x22C, v6;
	v29 =	vadd.f32 v32, v29  }
0x246: {  	v31 =	vld.idx.msk [tilespmem:v31+s10+$0x0], $0xffff  }
0x247: {  	v44 =	vadd.s32 $0x22D, v6;
	v29 =	vadd.f32 v33, v29  }
0x248: {  	v30 =	vld.idx.msk [tilespmem:v30+s10+$0x0], $0xffff  }
0x249: {  	v45 =	vadd.s32 $0x22E, v6;
	v29 =	vadd.f32 v34, v29  }
0x24a: {  	v32 =	vld.idx.msk [tilespmem:v43+s10+$0x0], $0xffff  }
0x24b: {  	v29 =	vadd.f32 v31, v29;
	v31 =	vadd.s32 $0x22F, v6  }
0x24c: {  	v33 =	vld.idx.msk [tilespmem:v44+s10+$0x0], $0xffff  }
0x24d: {  	v29 =	vadd.f32 v30, v29;
	v30 =	vadd.s32 $0x230, v6  }
0x24e: {  	v34 =	vld.idx.msk [tilespmem:v45+s10+$0x0], $0xffff  }
0x24f: {  	v29 =	vadd.f32 v32, v29  }
0x250: {  	v31 =	vld.idx.msk [tilespmem:v31+s10+$0x0], $0xffff  }
0x251: {  	v29 =	vadd.f32 v33, v29  }
0x252: {  	v30 =	vld.idx.msk [tilespmem:v30+s10+$0x0], $0xffff  }
0x253: {  	v29 =	vadd.f32 v34, v29;
	_ =	sdelay $0x1  }
0x254: {  	v29 =	vadd.f32 v31, v29;
	v31 =	vadd.s32 $0x420, v6;
	_ =	sdelay $0x1  }
0x255: {  	v29 =	vadd.f32 v30, v29;
	v30 =	vadd.s32 $0x421, v6;
	_ =	sdelay $0x1  }
0x256: {  	[tilespmem:$0x10710] =	vst v29;
	v29 =	vadd.s32 $0x422, v6  }
0x257: {  	v31 =	vld.idx.msk [tilespmem:v31+s10+$0x0], $0xffff  }
0x258: {  	v46 =	vadd.s32 $0x423, v6  }
0x259: {  	v30 =	vld.idx.msk [tilespmem:v30+s10+$0x0], $0xffff  }
0x25a: {  	v47 =	vadd.s32 $0x424, v6  }
0x25b: {  	v29 =	vld.idx.msk [tilespmem:v29+s10+$0x0], $0xffff  }
0x25c: {  	v48 =	vadd.s32 $0x425, v6;
	v31 =	vadd.f32 $0.0e+00, v31  }
0x25d: {  	v32 =	vld.idx.msk [tilespmem:v46+s10+$0x0], $0xffff  }
0x25e: {  	v30 =	vadd.f32 v30, v31;
	v31 =	vadd.s32 $0x426, v6  }
0x25f: {  	v33 =	vld.idx.msk [tilespmem:v47+s10+$0x0], $0xffff  }
0x260: {  	v29 =	vadd.f32 v29, v30;
	v30 =	vadd.s32 $0x427, v6  }
0x261: {  	v34 =	vld.idx.msk [tilespmem:v48+s10+$0x0], $0xffff  }
0x262: {  	v49 =	vadd.s32 $0x428, v6;
	v29 =	vadd.f32 v32, v29  }
0x263: {  	v31 =	vld.idx.msk [tilespmem:v31+s10+$0x0], $0xffff  }
0x264: {  	v50 =	vadd.s32 $0x429, v6;
	v29 =	vadd.f32 v33, v29  }
0x265: {  	v30 =	vld.idx.msk [tilespmem:v30+s10+$0x0], $0xffff  }
0x266: {  	v51 =	vadd.s32 $0x42A, v6;
	v29 =	vadd.f32 v34, v29  }
0x267: {  	v32 =	vld.idx.msk [tilespmem:v49+s10+$0x0], $0xffff  }
0x268: {  	v29 =	vadd.f32 v31, v29;
	v31 =	vadd.s32 $0x42B, v6  }
0x269: {  	v33 =	vld.idx.msk [tilespmem:v50+s10+$0x0], $0xffff  }
0x26a: {  	v29 =	vadd.f32 v30, v29;
	v30 =	vadd.s32 $0x42C, v6  }
0x26b: {  	v34 =	vld.idx.msk [tilespmem:v51+s10+$0x0], $0xffff  }
0x26c: {  	v52 =	vadd.s32 $0x42D, v6;
	v29 =	vadd.f32 v32, v29  }
0x26d: {  	v31 =	vld.idx.msk [tilespmem:v31+s10+$0x0], $0xffff  }
0x26e: {  	v53 =	vadd.s32 $0x42E, v6;
	v29 =	vadd.f32 v33, v29  }
0x26f: {  	v30 =	vld.idx.msk [tilespmem:v30+s10+$0x0], $0xffff  }
0x270: {  	v54 =	vadd.s32 $0x42F, v6;
	v29 =	vadd.f32 v34, v29  }
0x271: {  	v32 =	vld.idx.msk [tilespmem:v52+s10+$0x0], $0xffff  }
0x272: {  	v29 =	vadd.f32 v31, v29;
	v31 =	vadd.s32 $0x430, v6  }
0x273: {  	v33 =	vld.idx.msk [tilespmem:v53+s10+$0x0], $0xffff  }
0x274: {  	v29 =	vadd.f32 v30, v29;
	v30 =	vadd.s32 $0x431, v6  }
0x275: {  	v34 =	vld.idx.msk [tilespmem:v54+s10+$0x0], $0xffff  }
0x276: {  	v55 =	vadd.s32 $0x432, v6;
	v29 =	vadd.f32 v32, v29  }
0x277: {  	v31 =	vld.idx.msk [tilespmem:v31+s10+$0x0], $0xffff  }
0x278: {  	v56 =	vadd.s32 $0x433, v6;
	v29 =	vadd.f32 v33, v29  }
0x279: {  	v30 =	vld.idx.msk [tilespmem:v30+s10+$0x0], $0xffff  }
0x27a: {  	v57 =	vadd.s32 $0x434, v6;
	v29 =	vadd.f32 v34, v29  }
0x27b: {  	v32 =	vld.idx.msk [tilespmem:v55+s10+$0x0], $0xffff  }
0x27c: {  	v29 =	vadd.f32 v31, v29;
	v31 =	vadd.s32 $0x435, v6  }
0x27d: {  	v33 =	vld.idx.msk [tilespmem:v56+s10+$0x0], $0xffff  }
0x27e: {  	v29 =	vadd.f32 v30, v29;
	v30 =	vadd.s32 $0x436, v6  }
0x27f: {  	v34 =	vld.idx.msk [tilespmem:v57+s10+$0x0], $0xffff  }
0x280: {  	v58 =	vadd.s32 $0x437, v6;
	v29 =	vadd.f32 v32, v29  }
0x281: {  	v31 =	vld.idx.msk [tilespmem:v31+s10+$0x0], $0xffff  }
0x282: {  	v59 =	vadd.s32 $0x438, v6;
	v29 =	vadd.f32 v33, v29  }
0x283: {  	v30 =	vld.idx.msk [tilespmem:v30+s10+$0x0], $0xffff  }
0x284: {  	v60 =	vadd.s32 $0x439, v6;
	v29 =	vadd.f32 v34, v29  }
0x285: {  	v32 =	vld.idx.msk [tilespmem:v58+s10+$0x0], $0xffff  }
0x286: {  	v29 =	vadd.f32 v31, v29;
	v31 =	vadd.s32 $0x43A, v6  }
0x287: {  	v33 =	vld.idx.msk [tilespmem:v59+s10+$0x0], $0xffff  }
0x288: {  	v29 =	vadd.f32 v30, v29;
	v30 =	vadd.s32 $0x43B, v6  }
0x289: {  	v34 =	vld.idx.msk [tilespmem:v60+s10+$0x0], $0xffff  }
0x28a: {  	v61 =	vadd.s32 $0x43C, v6;
	v29 =	vadd.f32 v32, v29  }
0x28b: {  	v31 =	vld.idx.msk [tilespmem:v31+s10+$0x0], $0xffff  }
0x28c: {  	v62 =	vadd.s32 $0x43D, v6;
	v29 =	vadd.f32 v33, v29  }
0x28d: {  	v30 =	vld.idx.msk [tilespmem:v30+s10+$0x0], $0xffff  }
0x28e: {  	v63 =	vadd.s32 $0x43E, v6;
	v29 =	vadd.f32 v34, v29  }
0x28f: {  	v32 =	vld.idx.msk [tilespmem:v61+s10+$0x0], $0xffff  }
0x290: {  	v29 =	vadd.f32 v31, v29;
	v31 =	vadd.s32 $0x43F, v6  }
0x291: {  	v33 =	vld.idx.msk [tilespmem:v62+s10+$0x0], $0xffff  }
0x292: {  	v29 =	vadd.f32 v30, v29;
	v30 =	vadd.s32 $0x440, v6  }
0x293: {  	v34 =	vld.idx.msk [tilespmem:v63+s10+$0x0], $0xffff  }
0x294: {  	v29 =	vadd.f32 v32, v29  }
0x295: {  	v31 =	vld.idx.msk [tilespmem:v31+s10+$0x0], $0xffff  }
0x296: {  	v29 =	vadd.f32 v33, v29  }
0x297: {  	v30 =	vld.idx.msk [tilespmem:v30+s10+$0x0], $0xffff  }
0x298: {  	v29 =	vadd.f32 v34, v29;
	_ =	sdelay $0x1  }
0x299: {  	v29 =	vadd.f32 v31, v29;
	_ =	sdelay $0x1  }
0x29a: {  	v29 =	vadd.f32 v30, v29;
	_ =	sdelay $0x1  }
0x29b: {  	[tilespmem:$0x10720] =	vst v29  }
0x29c: {  	[hbm4b:s4+s7] =	stream.strided.scatter [tilespmem:s11], [sflag:$0x1], $0x1180, s8, s7, $0x38;
	[tilespmem:$0x10780] =	vst v63  }
0x29d: {  	s13 =	sadd.s32 $0x1, s13;
	_ =	swait.ge [sflag:s9], $0x1180  }
0x29e: {  	p0 =	sne.s32 s13, s6;
	[sflag:s9] =	ssyncset.done $0x0  }
.Ltmp7:
0x29f: {  	[sflag:s9] =	ssyncadd.s32 $0xFFFFEE80;
	(pc) =	sbr.rel @p0 .LBB2_1-.Ltmp7, $4  }
0x2a0: {  	[hbm4b:s5+s2] =	stream.linear.scatter [tilespmem:s12], [sflag:$0x1], $0x80, $0x38;
	[tilespmem:$0x10780] =	vst v63  }
0x2a1: {  	_ =	swait.ge [sflag:s9], $0x80  }
0x2a2: {  	[sflag:s9] =	ssyncset.done $0x0  }
0x2a3: {  	[sflag:s9] =	ssyncadd.s32 $0xFFFFFF80  }
0x2a4: {  	_ =	sfence.sel $0x180000  }
0x2a5: {  	[bflag:$0x0] =	sbarrier.arrive $0xFFFF  }
0x2a6: {  	p0 =	sne.s32 s0, $0x0;
	_ =	strace $0x9000004A  }
0x2a7: {  	s0 =	sadd.s32 @!p0 $0x100000, s1;
	[bflag:$0x2] =	sbarrier.arrive $0xFFFF  }
0x2a8: {  	[sflag:s0] =	ssyncadd.tile.s32 @!p0 $0x1;
	_ =	shalt  }
.Lfunc_end2:
_tile_overlayer_lowered:
.L_overlay_start_2:
0x2a9: {  	(tag) =	ssettag $0x2  }
0x2aa: {  	s0 =	rddreg [dreg:$0x0];
	s2 =	stileid.u32  }
0x2ab: {  	s1 =	rddreg [dreg:$0x1];
	p0 =	sne.s32 s2, $0x0  }
0x2ac: {  	s3 =	rddreg [dreg:$0x2];
	[bflag:$0x3] =	sbarrier.arrive $0xFFFF;
	s2 =	simm.s32 @!p0 $0x1C01  }
0x2ad: {  	[timem:s3], [sflag:s2] =	dma.local @!p0 [hbm:s0], s1  }
0x2ae: {  	s0 =	simm.s32 @!p0 $0x1  }
0x2af: {  	_ =	swait.ge @!p0 [sflag:s0], s1  }
0x2b0: {  	s1 =	ssub.s32 @!p0 $0x0, s1;
	[sflag:s0] =	ssyncset.done @!p0 $0x0  }
0x2b1: {  	[sflag:s0] =	ssyncadd.s32 @!p0 s1  }
0x2b2: {  	[bflag:$0x3] =	sbarrier.arrive $0xFFFF  }
0x2b3: {  	_ =	shalt  }

</sc_bundles>
